<compile_context>
chip_gen: v7x
topology: tpu7x:2x2x1
jax: 0.10.2.dev20260603
libtpu: 0.0.44.dev20260713+nightly
codegen_flags: <defaults>
</compile_context>

<pallas_src>
import dataclasses
import functools

import numpy as np
import jax
import jax.numpy as jnp
from jax import lax
from jax.experimental import pallas as pl
from jax.experimental.pallas import tpu as pltpu
from jax.experimental.pallas import tpu_sc as plsc

VOCAB = 1000000
EMB = 64
SEQ = 50
BATCH = 16384
HID = 256
NCLS = 3

NC = 2
NS = 16
NW = NC * NS

NROWS = 2 * BATCH
NPAIRS = NROWS // 2
PAIRS_PER_W = NPAIRS // NW
CP = 16
NCH = PAIRS_PER_W // CP

_INV_SEQ = 1.0 / SEQ

_PERM = np.concatenate(
    [np.concatenate([q * 32 + np.arange(0, 32, 2),
                     q * 32 + np.arange(1, 32, 2)]) for q in range(EMB // 32)]
)


def _sc_compiler_params():
    cp = pltpu.CompilerParams(use_tc_tiling_on_sc=True)
    if "needs_layout_passes" in pltpu.CompilerParams.__dataclass_fields__:
        cp = dataclasses.replace(cp, needs_layout_passes=False)
    return cp


def _pool_sc(table_pad, idx_pairs):
    mesh = plsc.VectorSubcoreMesh(core_axis_name="c", subcore_axis_name="s")

    @functools.partial(
        pl.kernel,
        mesh=mesh,
        out_type=jax.ShapeDtypeStruct((NROWS, EMB), jnp.float32),
        compiler_params=_sc_compiler_params(),
        scratch_types=[
            pltpu.VMEM((CP, 2 * SEQ), jnp.int32),
            pltpu.VMEM((2 * SEQ, 2 * EMB), jnp.float32),
            pltpu.VMEM((2 * SEQ, 2 * EMB), jnp.float32),
            pltpu.VMEM((2 * CP, EMB), jnp.float32),
            pltpu.SemaphoreType.DMA,
            pltpu.SemaphoreType.DMA,
        ],
    )
    def k(table_hbm, idx_hbm, out_hbm, idx_v, rows_v0, rows_v1, out_v,
          sem0, sem1):
        wid = lax.axis_index("s") * NC + lax.axis_index("c")
        base_pair = wid * PAIRS_PER_W
        sems = (sem0, sem1)
        rows = (rows_v0, rows_v1)

        def reduce_pair(buf, p):
            rv = rows[buf]
            for half in range(2):
                r0 = half * SEQ
                for q in range(EMB // 16):
                    sl = pl.ds(q * 16, 16)
                    a0 = rv[r0, sl]
                    a1 = rv[r0 + 1, sl]
                    for j in range(2, SEQ, 2):
                        a0 = a0 + rv[r0 + j, sl]
                        a1 = a1 + rv[r0 + j + 1, sl]
                    out_v[2 * p + half, sl] = (a0 + a1) * _INV_SEQ

        def gather(p, buf):
            pltpu.async_copy(table_hbm.at[idx_v.at[p]], rows[buf],
                             sems[buf])

        def wait(buf):
            pltpu.make_async_copy(table_hbm.at[idx_v.at[0]], rows[buf],
                                  sems[buf]).wait()

        @pl.loop(0, NCH)
        def _(ch):
            pair0 = base_pair + ch * CP
            pltpu.sync_copy(idx_hbm.at[pl.ds(pair0, CP), :], idx_v)
            gather(0, 0)

            @pl.loop(0, CP, step=2)
            def _(p):
                gather(p + 1, 1)
                wait(0)
                reduce_pair(0, p)

                @pl.when(p + 2 < CP)
                def _():
                    gather(p + 2, 0)

                wait(1)
                reduce_pair(1, p + 1)

            pltpu.sync_copy(out_v, out_hbm.at[pl.ds(2 * pair0, 2 * CP), :])

    return k(table_pad, idx_pairs)


_BB = 2048
_NB = BATCH // _BB


def _mlp_body(xp_ref, xh_ref, w1p_ref, w1h_ref, b1_ref, w2_ref, b2_ref,
              w3_ref, b3_ref, wp_ref, bp_ref, o_ref):
    dot = functools.partial(jnp.dot, preferred_element_type=jnp.float32,
                            precision=lax.Precision.HIGHEST)
    h = dot(xp_ref[...], w1p_ref[...])
    h = h + dot(xh_ref[...], w1h_ref[...]) + b1_ref[...]
    h = jnp.maximum(h, 0.0)
    h = jnp.maximum(dot(h, w2_ref[...]) + b2_ref[...], 0.0)
    h = jnp.maximum(dot(h, w3_ref[...]) + b3_ref[...], 0.0)
    o_ref[...] = dot(h, wp_ref[...]) + bp_ref[...]


def _mlp_tc(pooled, W1p, W1h, b1, W2, b2, W3, b3, Wp, bp):
    full = lambda shape: pl.BlockSpec(shape, lambda i: (0, 0))
    return pl.pallas_call(
        _mlp_body,
        grid=(_NB,),
        in_specs=[
            pl.BlockSpec((_BB, EMB), lambda i: (i, 0)),
            pl.BlockSpec((_BB, EMB), lambda i: (i + _NB, 0)),
            full((EMB, HID)),
            full((EMB, HID)),
            full((1, HID)),
            full((HID, HID)),
            full((1, HID)),
            full((HID, HID)),
            full((1, HID)),
            full((HID, NCLS)),
            full((1, NCLS)),
        ],
        out_specs=pl.BlockSpec((_BB, NCLS), lambda i: (i, 0)),
        out_shape=jax.ShapeDtypeStruct((BATCH, NCLS), jnp.float32),
    )(pooled, pooled, W1p, W1h, b1, W2, b2, W3, b3, Wp, bp)


def kernel(premise, hypothesis, table, W1, b1, W2, b2, W3, b3, Wp, bp):
    table_pad = jnp.pad(table, ((0, 0), (0, EMB)))
    idx_pairs = jnp.concatenate([premise, hypothesis], axis=0)
    idx_pairs = idx_pairs.reshape(NPAIRS, 2 * SEQ)
    pooled = _pool_sc(table_pad, idx_pairs)
    return _mlp_tc(pooled, W1[:EMB], W1[EMB:], b1.reshape(1, HID),
                   W2, b2.reshape(1, HID), W3, b3.reshape(1, HID),
                   Wp, bp.reshape(1, NCLS))

# --- scband reference (transcript-rebuilt; emitter-appended) ---
"""Pipeline reference for scband-word-avg-31868657336626 (READ-ONLY COPY).

The authoritative reference and input builder live on the scoring server;
editing this copy changes nothing except your own understanding.
"""

import jax, jax.numpy as jnp
import numpy as np

VOCAB = 1000000
EMB = 64
SEQ = 50
BATCH = 16384
HID = 256
NCLS = 3


def setup_inputs(seed: int = 0) -> dict:
    key = jax.random.key(seed)
    ks = jax.random.split(key, 12)
    premise = jax.random.randint(ks[0], (BATCH, SEQ), 0, VOCAB, dtype=jnp.int64 if jax.config.jax_enable_x64 else jnp.int32).astype(jnp.int32)
    hypothesis = jax.random.randint(ks[1], (BATCH, SEQ), 0, VOCAB, dtype=jnp.int64 if jax.config.jax_enable_x64 else jnp.int32).astype(jnp.int32)
    table = jax.random.normal(ks[2], (VOCAB, EMB), dtype=jnp.float32) * 0.02
    W1 = jax.random.normal(ks[3], (EMB * 2, HID), dtype=jnp.float32) * 0.05
    b1 = jnp.zeros((HID,), dtype=jnp.float32)
    W2 = jax.random.normal(ks[4], (HID, HID), dtype=jnp.float32) * 0.05
    b2 = jnp.zeros((HID,), dtype=jnp.float32)
    W3 = jax.random.normal(ks[5], (HID, HID), dtype=jnp.float32) * 0.05
    b3 = jnp.zeros((HID,), dtype=jnp.float32)
    Wp = jax.random.normal(ks[6], (HID, NCLS), dtype=jnp.float32) * 0.05
    bp = jnp.zeros((NCLS,), dtype=jnp.float32)
    return {
        "premise": premise,
        "hypothesis": hypothesis,
        "table": table,
        "W1": W1, "b1": b1,
        "W2": W2, "b2": b2,
        "W3": W3, "b3": b3,
        "Wp": Wp, "bp": bp,
    }


def reference(premise, hypothesis, table, W1, b1, W2, b2, W3, b3, Wp, bp):
    # embedding lookup + mean over sequence dim (dim=1)
    premise_emb = jnp.mean(jnp.take(table, premise, axis=0), axis=1)
    hypothesis_emb = jnp.mean(jnp.take(table, hypothesis, axis=0), axis=1)
    x = jnp.concatenate((premise_emb, hypothesis_emb), axis=-1)
    # 3-layer MLP with ReLU
    x = jax.nn.relu(x @ W1 + b1)
    x = jax.nn.relu(x @ W2 + b2)
    x = jax.nn.relu(x @ W3 + b3)
    # prediction head
    x = x @ Wp + bp
    return x

if __name__ == "__main__":
    import jax
    _d = setup_inputs()
    print(jax.jit(kernel)(*tuple(_d.values())))

</pallas_src>

<mosaic_0001>
#map = affine_map<(d0, d1) -> (0, 0)>
module attributes {stable_mosaic.version = 14 : i64} {
  func.func @k(%arg0: i32, %arg1: i32, %arg2: memref<1000000x128xf32, #tpu.memory_space<hbm>>, %arg3: memref<16384x100xi32, #tpu.memory_space<hbm>>, %arg4: memref<32768x64xf32, #tpu.memory_space<hbm>>, %arg5: memref<16x100xi32, #tpu.memory_space<vmem>>, %arg6: memref<100x128xf32, #tpu.memory_space<vmem>>, %arg7: memref<100x128xf32, #tpu.memory_space<vmem>>, %arg8: memref<32x64xf32, #tpu.memory_space<vmem>>, %arg9: memref<!tpu.dma_semaphore, #tpu.memory_space<semaphore_mem>>, %arg10: memref<!tpu.dma_semaphore, #tpu.memory_space<semaphore_mem>>) attributes {dimension_semantics = [#tpu.dimension_semantics<core_parallel>, #tpu.dimension_semantics<subcore_parallel>], iteration_bounds = array<i64: 2, 16>, scalar_prefetch = 0 : i64, scratch_operands = 6 : i64, tpu.core_type = #tpu.core_type<sc_vector_subcore>, window_params = [{transform_indices = #map}, {transform_indices = #map}, {transform_indices = #map}]} {
    %mul3A = arith.constant 2 : i32
    %mul3A_0 = arith.muli %arg1, %mul3A : i32
    %add3A = arith.addi %mul3A_0, %arg0 : i32
    %mul3A_1 = arith.constant 512 : i32
    %mul3A_2 = arith.muli %add3A, %mul3A_1 : i32
    %scan3A = arith.constant 0 : i32
    %scan3A_3 = arith.constant 32 : i32
    %scan3A_4 = arith.addi %scan3A, %scan3A_3 : i32
    %scan3A_5 = arith.constant 1 : i32
    scf.for %scan3A_7 = %scan3A to %scan3A_4 step %scan3A_5  : i32 {
      %mul3A_8 = arith.constant 1 : i32
      %mul3A_9 = arith.muli %scan3A_7, %mul3A_8 : i32
      %add3A_10 = arith.constant 0 : i32
      %add3A_11 = arith.addi %add3A_10, %mul3A_9 : i32
      %mul3A_12 = arith.constant 16 : i32
      %mul3A_13 = arith.muli %add3A_11, %mul3A_12 : i32
      %add3A_14 = arith.addi %mul3A_2, %mul3A_13 : i32
      "tpu.region"() ({
        %run_scoped3A = tpu.sem_alloc : memref<!tpu.dma_semaphore, #tpu.memory_space<semaphore_mem>>
        %dma_start3A_28 = arith.constant 0 : i32
        %dma_start3A_29 = tpu.memref_slice %arg3[%add3A_14, %dma_start3A_28] : memref<16384x100xi32, #tpu.memory_space<hbm>> -> memref<16x100xi32, #tpu.memory_space<hbm>>
        %dma_start3A_30 = arith.constant 0 : i32
        %dma_start3A_31 = tpu.memref_slice %arg3[%add3A_14, %dma_start3A_30] : memref<16384x100xi32, #tpu.memory_space<hbm>> -> memref<16x100xi32, #tpu.memory_space<hbm>>
        tpu.enqueue_dma source(%dma_start3A_31 : memref<16x100xi32, #tpu.memory_space<hbm>>) target(%arg5 : memref<16x100xi32, #tpu.memory_space<vmem>>) target_semaphore(%run_scoped3A : memref<!tpu.dma_semaphore, #tpu.memory_space<semaphore_mem>>)
        %dma_wait3A = arith.constant 0 : i32
        %dma_wait3A_32 = tpu.memref_slice %arg3[%add3A_14, %dma_wait3A] : memref<16384x100xi32, #tpu.memory_space<hbm>> -> memref<16x100xi32, #tpu.memory_space<hbm>>
        %dma_wait3A_33 = arith.constant 0 : i32
        %dma_wait3A_34 = tpu.memref_slice %arg3[%add3A_14, %dma_wait3A_33] : memref<16384x100xi32, #tpu.memory_space<hbm>> -> memref<16x100xi32, #tpu.memory_space<hbm>>
        tpu.wait_dma2 semaphore(%run_scoped3A : memref<!tpu.dma_semaphore, #tpu.memory_space<semaphore_mem>>) src(%dma_wait3A_34 : memref<16x100xi32, #tpu.memory_space<hbm>>) dst(%arg5 : memref<16x100xi32, #tpu.memory_space<vmem>>)
        tpu.yield
      }) : () -> ()
      %dma_start3A = arith.constant 0 : i32
      %dma_start3A_15 = arith.constant 0 : i32
      %dma_start3A_16 = tpu.memref_slice %arg5[%dma_start3A, %dma_start3A_15] : memref<16x100xi32, #tpu.memory_space<vmem>> -> memref<1x100xi32, #tpu.memory_space<vmem>>
      %dma_start3A_17 = tpu.memref_squeeze %dma_start3A_16 : memref<1x100xi32, #tpu.memory_space<vmem>> -> memref<100xi32, #tpu.memory_space<vmem>>
      %dma_start3A_18 = arith.constant 0 : i32
      %dma_start3A_19 = arith.constant 0 : i32
      %dma_start3A_20 = tpu.memref_slice %arg2[%dma_start3A_18, %dma_start3A_19] : memref<1000000x128xf32, #tpu.memory_space<hbm>> -> memref<1000000x128xf32, #tpu.memory_space<hbm>>
      tpu.enqueue_indirect_dma source(%dma_start3A_20 : memref<1000000x128xf32, #tpu.memory_space<hbm>>) target(%arg6 : memref<100x128xf32, #tpu.memory_space<vmem>>) offsets(%dma_start3A_17 : memref<100xi32, #tpu.memory_space<vmem>>) semaphore(%arg9 : memref<!tpu.dma_semaphore, #tpu.memory_space<semaphore_mem>>)
      %scan3A_21 = arith.constant 0 : i32
      %scan3A_22 = arith.constant 8 : i32
      %scan3A_23 = arith.addi %scan3A_21, %scan3A_22 : i32
      %scan3A_24 = arith.constant 1 : i32
      scf.for %scan3A_28 = %scan3A_21 to %scan3A_23 step %scan3A_24  : i32 {
        %mul3A_29 = arith.constant 2 : i32
        %mul3A_30 = arith.muli %scan3A_28, %mul3A_29 : i32
        %add3A_31 = arith.constant 0 : i32
        %add3A_32 = arith.addi %add3A_31, %mul3A_30 : i32
        %add3A_33 = arith.constant 1 : i32
        %add3A_34 = arith.addi %add3A_32, %add3A_33 : i32
        %dma_start3A_35 = arith.constant 0 : i32
        %dma_start3A_36 = tpu.memref_slice %arg5[%add3A_34, %dma_start3A_35] : memref<16x100xi32, #tpu.memory_space<vmem>> -> memref<1x100xi32, #tpu.memory_space<vmem>>
        %dma_start3A_37 = tpu.memref_squeeze %dma_start3A_36 : memref<1x100xi32, #tpu.memory_space<vmem>> -> memref<100xi32, #tpu.memory_space<vmem>>
        %dma_start3A_38 = arith.constant 0 : i32
        %dma_start3A_39 = arith.constant 0 : i32
        %dma_start3A_40 = tpu.memref_slice %arg2[%dma_start3A_38, %dma_start3A_39] : memref<1000000x128xf32, #tpu.memory_space<hbm>> -> memref<1000000x128xf32, #tpu.memory_space<hbm>>
        tpu.enqueue_indirect_dma source(%dma_start3A_40 : memref<1000000x128xf32, #tpu.memory_space<hbm>>) target(%arg7 : memref<100x128xf32, #tpu.memory_space<vmem>>) offsets(%dma_start3A_37 : memref<100xi32, #tpu.memory_space<vmem>>) semaphore(%arg10 : memref<!tpu.dma_semaphore, #tpu.memory_space<semaphore_mem>>)
        %dma_wait3A = arith.constant 0 : i32
        %dma_wait3A_41 = arith.constant 0 : i32
        %dma_wait3A_42 = tpu.memref_slice %arg5[%dma_wait3A, %dma_wait3A_41] : memref<16x100xi32, #tpu.memory_space<vmem>> -> memref<1x100xi32, #tpu.memory_space<vmem>>
        %dma_wait3A_43 = tpu.memref_squeeze %dma_wait3A_42 : memref<1x100xi32, #tpu.memory_space<vmem>> -> memref<100xi32, #tpu.memory_space<vmem>>
        %dma_wait3A_44 = arith.constant 0 : i32
        %dma_wait3A_45 = arith.constant 0 : i32
        %dma_wait3A_46 = tpu.memref_slice %arg2[%dma_wait3A_44, %dma_wait3A_45] : memref<1000000x128xf32, #tpu.memory_space<hbm>> -> memref<1000000x128xf32, #tpu.memory_space<hbm>>
        tpu.wait_indirect_dma semaphore(%arg9 : memref<!tpu.dma_semaphore, #tpu.memory_space<semaphore_mem>>) src(%dma_wait3A_46 : memref<1000000x128xf32, #tpu.memory_space<hbm>>) dst(%arg6 : memref<100x128xf32, #tpu.memory_space<vmem>>)
        %get3A = arith.constant 0 : i32
        %get3A_47 = arith.index_cast %get3A : i32 to index
        %get3A_48 = arith.constant 0 : index
        %get3A_49 = tpu.vector_load %arg6[%get3A_47, %get3A_48] {strides = array<i32>} : memref<100x128xf32, #tpu.memory_space<vmem>>, vector<16xf32>,
        %get3A_50 = arith.constant 1 : i32
        %get3A_51 = arith.index_cast %get3A_50 : i32 to index
        %get3A_52 = arith.constant 0 : index
        %get3A_53 = tpu.vector_load %arg6[%get3A_51, %get3A_52] {strides = array<i32>} : memref<100x128xf32, #tpu.memory_space<vmem>>, vector<16xf32>,
        %get3A_54 = arith.constant 2 : i32
        %get3A_55 = arith.index_cast %get3A_54 : i32 to index
        %get3A_56 = arith.constant 0 : index
        %get3A_57 = tpu.vector_load %arg6[%get3A_55, %get3A_56] {strides = array<i32>} : memref<100x128xf32, #tpu.memory_space<vmem>>, vector<16xf32>,
        %add3A_58 = arith.addf %get3A_49, %get3A_57 : vector<16xf32>
        %get3A_59 = arith.constant 3 : i32
        %get3A_60 = arith.index_cast %get3A_59 : i32 to index
        %get3A_61 = arith.constant 0 : index
        %get3A_62 = tpu.vector_load %arg6[%get3A_60, %get3A_61] {strides = array<i32>} : memref<100x128xf32, #tpu.memory_space<vmem>>, vector<16xf32>,
        %add3A_63 = arith.addf %get3A_53, %get3A_62 : vector<16xf32>
        %get3A_64 = arith.constant 4 : i32
        %get3A_65 = arith.index_cast %get3A_64 : i32 to index
        %get3A_66 = arith.constant 0 : index
        %get3A_67 = tpu.vector_load %arg6[%get3A_65, %get3A_66] {strides = array<i32>} : memref<100x128xf32, #tpu.memory_space<vmem>>, vector<16xf32>,
        %add3A_68 = arith.addf %add3A_58, %get3A_67 : vector<16xf32>
        %get3A_69 = arith.constant 5 : i32
        %get3A_70 = arith.index_cast %get3A_69 : i32 to index
        %get3A_71 = arith.constant 0 : index
        %get3A_72 = tpu.vector_load %arg6[%get3A_70, %get3A_71] {strides = array<i32>} : memref<100x128xf32, #tpu.memory_space<vmem>>, vector<16xf32>,
        %add3A_73 = arith.addf %add3A_63, %get3A_72 : vector<16xf32>
        %get3A_74 = arith.constant 6 : i32
        %get3A_75 = arith.index_cast %get3A_74 : i32 to index
        %get3A_76 = arith.constant 0 : index
        %get3A_77 = tpu.vector_load %arg6[%get3A_75, %get3A_76] {strides = array<i32>} : memref<100x128xf32, #tpu.memory_space<vmem>>, vector<16xf32>,
        %add3A_78 = arith.addf %add3A_68, %get3A_77 : vector<16xf32>
        %get3A_79 = arith.constant 7 : i32
        %get3A_80 = arith.index_cast %get3A_79 : i32 to index
        %get3A_81 = arith.constant 0 : index
        %get3A_82 = tpu.vector_load %arg6[%get3A_80, %get3A_81] {strides = array<i32>} : memref<100x128xf32, #tpu.memory_space<vmem>>, vector<16xf32>,
        %add3A_83 = arith.addf %add3A_73, %get3A_82 : vector<16xf32>
        %get3A_84 = arith.constant 8 : i32
        %get3A_85 = arith.index_cast %get3A_84 : i32 to index
        %get3A_86 = arith.constant 0 : index
        %get3A_87 = tpu.vector_load %arg6[%get3A_85, %get3A_86] {strides = array<i32>} : memref<100x128xf32, #tpu.memory_space<vmem>>, vector<16xf32>,
        %add3A_88 = arith.addf %add3A_78, %get3A_87 : vector<16xf32>
        %get3A_89 = arith.constant 9 : i32
        %get3A_90 = arith.index_cast %get3A_89 : i32 to index
        %get3A_91 = arith.constant 0 : index
        %get3A_92 = tpu.vector_load %arg6[%get3A_90, %get3A_91] {strides = array<i32>} : memref<100x128xf32, #tpu.memory_space<vmem>>, vector<16xf32>,
        %add3A_93 = arith.addf %add3A_83, %get3A_92 : vector<16xf32>
        %get3A_94 = arith.constant 10 : i32
        %get3A_95 = arith.index_cast %get3A_94 : i32 to index
        %get3A_96 = arith.constant 0 : index
        %get3A_97 = tpu.vector_load %arg6[%get3A_95, %get3A_96] {strides = array<i32>} : memref<100x128xf32, #tpu.memory_space<vmem>>, vector<16xf32>,
        %add3A_98 = arith.addf %add3A_88, %get3A_97 : vector<16xf32>
        %get3A_99 = arith.constant 11 : i32
        %get3A_100 = arith.index_cast %get3A_99 : i32 to index
        %get3A_101 = arith.constant 0 : index
        %get3A_102 = tpu.vector_load %arg6[%get3A_100, %get3A_101] {strides = array<i32>} : memref<100x128xf32, #tpu.memory_space<vmem>>, vector<16xf32>,
        %add3A_103 = arith.addf %add3A_93, %get3A_102 : vector<16xf32>
        %get3A_104 = arith.constant 12 : i32
        %get3A_105 = arith.index_cast %get3A_104 : i32 to index
        %get3A_106 = arith.constant 0 : index
        %get3A_107 = tpu.vector_load %arg6[%get3A_105, %get3A_106] {strides = array<i32>} : memref<100x128xf32, #tpu.memory_space<vmem>>, vector<16xf32>,
        %add3A_108 = arith.addf %add3A_98, %get3A_107 : vector<16xf32>
        %get3A_109 = arith.constant 13 : i32
        %get3A_110 = arith.index_cast %get3A_109 : i32 to index
        %get3A_111 = arith.constant 0 : index
        %get3A_112 = tpu.vector_load %arg6[%get3A_110, %get3A_111] {strides = array<i32>} : memref<100x128xf32, #tpu.memory_space<vmem>>, vector<16xf32>,
        %add3A_113 = arith.addf %add3A_103, %get3A_112 : vector<16xf32>
        %get3A_114 = arith.constant 14 : i32
        %get3A_115 = arith.index_cast %get3A_114 : i32 to index
        %get3A_116 = arith.constant 0 : index
        %get3A_117 = tpu.vector_load %arg6[%get3A_115, %get3A_116] {strides = array<i32>} : memref<100x128xf32, #tpu.memory_space<vmem>>, vector<16xf32>,
        %add3A_118 = arith.addf %add3A_108, %get3A_117 : vector<16xf32>
        %get3A_119 = arith.constant 15 : i32
        %get3A_120 = arith.index_cast %get3A_119 : i32 to index
        %get3A_121 = arith.constant 0 : index
        %get3A_122 = tpu.vector_load %arg6[%get3A_120, %get3A_121] {strides = array<i32>} : memref<100x128xf32, #tpu.memory_space<vmem>>, vector<16xf32>,
        %add3A_123 = arith.addf %add3A_113, %get3A_122 : vector<16xf32>
        %get3A_124 = arith.constant 16 : i32
        %get3A_125 = arith.index_cast %get3A_124 : i32 to index
        %get3A_126 = arith.constant 0 : index
        %get3A_127 = tpu.vector_load %arg6[%get3A_125, %get3A_126] {strides = array<i32>} : memref<100x128xf32, #tpu.memory_space<vmem>>, vector<16xf32>,
        %add3A_128 = arith.addf %add3A_118, %get3A_127 : vector<16xf32>
        %get3A_129 = arith.constant 17 : i32
        %get3A_130 = arith.index_cast %get3A_129 : i32 to index
        %get3A_131 = arith.constant 0 : index
        %get3A_132 = tpu.vector_load %arg6[%get3A_130, %get3A_131] {strides = array<i32>} : memref<100x128xf32, #tpu.memory_space<vmem>>, vector<16xf32>,
        %add3A_133 = arith.addf %add3A_123, %get3A_132 : vector<16xf32>
        %get3A_134 = arith.constant 18 : i32
        %get3A_135 = arith.index_cast %get3A_134 : i32 to index
        %get3A_136 = arith.constant 0 : index
        %get3A_137 = tpu.vector_load %arg6[%get3A_135, %get3A_136] {strides = array<i32>} : memref<100x128xf32, #tpu.memory_space<vmem>>, vector<16xf32>,
        %add3A_138 = arith.addf %add3A_128, %get3A_137 : vector<16xf32>
        %get3A_139 = arith.constant 19 : i32
        %get3A_140 = arith.index_cast %get3A_139 : i32 to index
        %get3A_141 = arith.constant 0 : index
        %get3A_142 = tpu.vector_load %arg6[%get3A_140, %get3A_141] {strides = array<i32>} : memref<100x128xf32, #tpu.memory_space<vmem>>, vector<16xf32>,
        %add3A_143 = arith.addf %add3A_133, %get3A_142 : vector<16xf32>
        %get3A_144 = arith.constant 20 : i32
        %get3A_145 = arith.index_cast %get3A_144 : i32 to index
        %get3A_146 = arith.constant 0 : index
        %get3A_147 = tpu.vector_load %arg6[%get3A_145, %get3A_146] {strides = array<i32>} : memref<100x128xf32, #tpu.memory_space<vmem>>, vector<16xf32>,
        %add3A_148 = arith.addf %add3A_138, %get3A_147 : vector<16xf32>
        %get3A_149 = arith.constant 21 : i32
        %get3A_150 = arith.index_cast %get3A_149 : i32 to index
        %get3A_151 = arith.constant 0 : index
        %get3A_152 = tpu.vector_load %arg6[%get3A_150, %get3A_151] {strides = array<i32>} : memref<100x128xf32, #tpu.memory_space<vmem>>, vector<16xf32>,
        %add3A_153 = arith.addf %add3A_143, %get3A_152 : vector<16xf32>
        %get3A_154 = arith.constant 22 : i32
        %get3A_155 = arith.index_cast %get3A_154 : i32 to index
        %get3A_156 = arith.constant 0 : index
        %get3A_157 = tpu.vector_load %arg6[%get3A_155, %get3A_156] {strides = array<i32>} : memref<100x128xf32, #tpu.memory_space<vmem>>, vector<16xf32>,
        %add3A_158 = arith.addf %add3A_148, %get3A_157 : vector<16xf32>
        %get3A_159 = arith.constant 23 : i32
        %get3A_160 = arith.index_cast %get3A_159 : i32 to index
        %get3A_161 = arith.constant 0 : index
        %get3A_162 = tpu.vector_load %arg6[%get3A_160, %get3A_161] {strides = array<i32>} : memref<100x128xf32, #tpu.memory_space<vmem>>, vector<16xf32>,
        %add3A_163 = arith.addf %add3A_153, %get3A_162 : vector<16xf32>
        %get3A_164 = arith.constant 24 : i32
        %get3A_165 = arith.index_cast %get3A_164 : i32 to index
        %get3A_166 = arith.constant 0 : index
        %get3A_167 = tpu.vector_load %arg6[%get3A_165, %get3A_166] {strides = array<i32>} : memref<100x128xf32, #tpu.memory_space<vmem>>, vector<16xf32>,
        %add3A_168 = arith.addf %add3A_158, %get3A_167 : vector<16xf32>
        %get3A_169 = arith.constant 25 : i32
        %get3A_170 = arith.index_cast %get3A_169 : i32 to index
        %get3A_171 = arith.constant 0 : index
        %get3A_172 = tpu.vector_load %arg6[%get3A_170, %get3A_171] {strides = array<i32>} : memref<100x128xf32, #tpu.memory_space<vmem>>, vector<16xf32>,
        %add3A_173 = arith.addf %add3A_163, %get3A_172 : vector<16xf32>
        %get3A_174 = arith.constant 26 : i32
        %get3A_175 = arith.index_cast %get3A_174 : i32 to index
        %get3A_176 = arith.constant 0 : index
        %get3A_177 = tpu.vector_load %arg6[%get3A_175, %get3A_176] {strides = array<i32>} : memref<100x128xf32, #tpu.memory_space<vmem>>, vector<16xf32>,
        %add3A_178 = arith.addf %add3A_168, %get3A_177 : vector<16xf32>
        %get3A_179 = arith.constant 27 : i32
        %get3A_180 = arith.index_cast %get3A_179 : i32 to index
        %get3A_181 = arith.constant 0 : index
        %get3A_182 = tpu.vector_load %arg6[%get3A_180, %get3A_181] {strides = array<i32>} : memref<100x128xf32, #tpu.memory_space<vmem>>, vector<16xf32>,
        %add3A_183 = arith.addf %add3A_173, %get3A_182 : vector<16xf32>
        %get3A_184 = arith.constant 28 : i32
        %get3A_185 = arith.index_cast %get3A_184 : i32 to index
        %get3A_186 = arith.constant 0 : index
        %get3A_187 = tpu.vector_load %arg6[%get3A_185, %get3A_186] {strides = array<i32>} : memref<100x128xf32, #tpu.memory_space<vmem>>, vector<16xf32>,
        %add3A_188 = arith.addf %add3A_178, %get3A_187 : vector<16xf32>
        %get3A_189 = arith.constant 29 : i32
        %get3A_190 = arith.index_cast %get3A_189 : i32 to index
        %get3A_191 = arith.constant 0 : index
        %get3A_192 = tpu.vector_load %arg6[%get3A_190, %get3A_191] {strides = array<i32>} : memref<100x128xf32, #tpu.memory_space<vmem>>, vector<16xf32>,
        %add3A_193 = arith.addf %add3A_183, %get3A_192 : vector<16xf32>
        %get3A_194 = arith.constant 30 : i32
        %get3A_195 = arith.index_cast %get3A_194 : i32 to index
        %get3A_196 = arith.constant 0 : index
        %get3A_197 = tpu.vector_load %arg6[%get3A_195, %get3A_196] {strides = array<i32>} : memref<100x128xf32, #tpu.memory_space<vmem>>, vector<16xf32>,
        %add3A_198 = arith.addf %add3A_188, %get3A_197 : vector<16xf32>
        %get3A_199 = arith.constant 31 : i32
        %get3A_200 = arith.index_cast %get3A_199 : i32 to index
        %get3A_201 = arith.constant 0 : index
        %get3A_202 = tpu.vector_load %arg6[%get3A_200, %get3A_201] {strides = array<i32>} : memref<100x128xf32, #tpu.memory_space<vmem>>, vector<16xf32>,
        %add3A_203 = arith.addf %add3A_193, %get3A_202 : vector<16xf32>
        %get3A_204 = arith.constant 32 : i32
        %get3A_205 = arith.index_cast %get3A_204 : i32 to index
        %get3A_206 = arith.constant 0 : index
        %get3A_207 = tpu.vector_load %arg6[%get3A_205, %get3A_206] {strides = array<i32>} : memref<100x128xf32, #tpu.memory_space<vmem>>, vector<16xf32>,
        %add3A_208 = arith.addf %add3A_198, %get3A_207 : vector<16xf32>
        %get3A_209 = arith.constant 33 : i32
        %get3A_210 = arith.index_cast %get3A_209 : i32 to index
        %get3A_211 = arith.constant 0 : index
        %get3A_212 = tpu.vector_load %arg6[%get3A_210, %get3A_211] {strides = array<i32>} : memref<100x128xf32, #tpu.memory_space<vmem>>, vector<16xf32>,
        %add3A_213 = arith.addf %add3A_203, %get3A_212 : vector<16xf32>
        %get3A_214 = arith.constant 34 : i32
        %get3A_215 = arith.index_cast %get3A_214 : i32 to index
        %get3A_216 = arith.constant 0 : index
        %get3A_217 = tpu.vector_load %arg6[%get3A_215, %get3A_216] {strides = array<i32>} : memref<100x128xf32, #tpu.memory_space<vmem>>, vector<16xf32>,
        %add3A_218 = arith.addf %add3A_208, %get3A_217 : vector<16xf32>
        %get3A_219 = arith.constant 35 : i32
        %get3A_220 = arith.index_cast %get3A_219 : i32 to index
        %get3A_221 = arith.constant 0 : index
        %get3A_222 = tpu.vector_load %arg6[%get3A_220, %get3A_221] {strides = array<i32>} : memref<100x128xf32, #tpu.memory_space<vmem>>, vector<16xf32>,
        %add3A_223 = arith.addf %add3A_213, %get3A_222 : vector<16xf32>
        %get3A_224 = arith.constant 36 : i32
        %get3A_225 = arith.index_cast %get3A_224 : i32 to index
        %get3A_226 = arith.constant 0 : index
        %get3A_227 = tpu.vector_load %arg6[%get3A_225, %get3A_226] {strides = array<i32>} : memref<100x128xf32, #tpu.memory_space<vmem>>, vector<16xf32>,
        %add3A_228 = arith.addf %add3A_218, %get3A_227 : vector<16xf32>
        %get3A_229 = arith.constant 37 : i32
        %get3A_230 = arith.index_cast %get3A_229 : i32 to index
        %get3A_231 = arith.constant 0 : index
        %get3A_232 = tpu.vector_load %arg6[%get3A_230, %get3A_231] {strides = array<i32>} : memref<100x128xf32, #tpu.memory_space<vmem>>, vector<16xf32>,
        %add3A_233 = arith.addf %add3A_223, %get3A_232 : vector<16xf32>
        %get3A_234 = arith.constant 38 : i32
        %get3A_235 = arith.index_cast %get3A_234 : i32 to index
        %get3A_236 = arith.constant 0 : index
        %get3A_237 = tpu.vector_load %arg6[%get3A_235, %get3A_236] {strides = array<i32>} : memref<100x128xf32, #tpu.memory_space<vmem>>, vector<16xf32>,
        %add3A_238 = arith.addf %add3A_228, %get3A_237 : vector<16xf32>
        %get3A_239 = arith.constant 39 : i32
        %get3A_240 = arith.index_cast %get3A_239 : i32 to index
        %get3A_241 = arith.constant 0 : index
        %get3A_242 = tpu.vector_load %arg6[%get3A_240, %get3A_241] {strides = array<i32>} : memref<100x128xf32, #tpu.memory_space<vmem>>, vector<16xf32>,
        %add3A_243 = arith.addf %add3A_233, %get3A_242 : vector<16xf32>
        %get3A_244 = arith.constant 40 : i32
        %get3A_245 = arith.index_cast %get3A_244 : i32 to index
        %get3A_246 = arith.constant 0 : index
        %get3A_247 = tpu.vector_load %arg6[%get3A_245, %get3A_246] {strides = array<i32>} : memref<100x128xf32, #tpu.memory_space<vmem>>, vector<16xf32>,
        %add3A_248 = arith.addf %add3A_238, %get3A_247 : vector<16xf32>
        %get3A_249 = arith.constant 41 : i32
        %get3A_250 = arith.index_cast %get3A_249 : i32 to index
        %get3A_251 = arith.constant 0 : index
        %get3A_252 = tpu.vector_load %arg6[%get3A_250, %get3A_251] {strides = array<i32>} : memref<100x128xf32, #tpu.memory_space<vmem>>, vector<16xf32>,
        %add3A_253 = arith.addf %add3A_243, %get3A_252 : vector<16xf32>
        %get3A_254 = arith.constant 42 : i32
        %get3A_255 = arith.index_cast %get3A_254 : i32 to index
        %get3A_256 = arith.constant 0 : index
        %get3A_257 = tpu.vector_load %arg6[%get3A_255, %get3A_256] {strides = array<i32>} : memref<100x128xf32, #tpu.memory_space<vmem>>, vector<16xf32>,
        %add3A_258 = arith.addf %add3A_248, %get3A_257 : vector<16xf32>
        %get3A_259 = arith.constant 43 : i32
        %get3A_260 = arith.index_cast %get3A_259 : i32 to index
        %get3A_261 = arith.constant 0 : index
        %get3A_262 = tpu.vector_load %arg6[%get3A_260, %get3A_261] {strides = array<i32>} : memref<100x128xf32, #tpu.memory_space<vmem>>, vector<16xf32>,
        %add3A_263 = arith.addf %add3A_253, %get3A_262 : vector<16xf32>
        %get3A_264 = arith.constant 44 : i32
        %get3A_265 = arith.index_cast %get3A_264 : i32 to index
        %get3A_266 = arith.constant 0 : index
        %get3A_267 = tpu.vector_load %arg6[%get3A_265, %get3A_266] {strides = array<i32>} : memref<100x128xf32, #tpu.memory_space<vmem>>, vector<16xf32>,
        %add3A_268 = arith.addf %add3A_258, %get3A_267 : vector<16xf32>
        %get3A_269 = arith.constant 45 : i32
        %get3A_270 = arith.index_cast %get3A_269 : i32 to index
        %get3A_271 = arith.constant 0 : index
        %get3A_272 = tpu.vector_load %arg6[%get3A_270, %get3A_271] {strides = array<i32>} : memref<100x128xf32, #tpu.memory_space<vmem>>, vector<16xf32>,
        %add3A_273 = arith.addf %add3A_263, %get3A_272 : vector<16xf32>
        %get3A_274 = arith.constant 46 : i32
        %get3A_275 = arith.index_cast %get3A_274 : i32 to index
        %get3A_276 = arith.constant 0 : index
        %get3A_277 = tpu.vector_load %arg6[%get3A_275, %get3A_276] {strides = array<i32>} : memref<100x128xf32, #tpu.memory_space<vmem>>, vector<16xf32>,
        %add3A_278 = arith.addf %add3A_268, %get3A_277 : vector<16xf32>
        %get3A_279 = arith.constant 47 : i32
        %get3A_280 = arith.index_cast %get3A_279 : i32 to index
        %get3A_281 = arith.constant 0 : index
        %get3A_282 = tpu.vector_load %arg6[%get3A_280, %get3A_281] {strides = array<i32>} : memref<100x128xf32, #tpu.memory_space<vmem>>, vector<16xf32>,
        %add3A_283 = arith.addf %add3A_273, %get3A_282 : vector<16xf32>
        %get3A_284 = arith.constant 48 : i32
        %get3A_285 = arith.index_cast %get3A_284 : i32 to index
        %get3A_286 = arith.constant 0 : index
        %get3A_287 = tpu.vector_load %arg6[%get3A_285, %get3A_286] {strides = array<i32>} : memref<100x128xf32, #tpu.memory_space<vmem>>, vector<16xf32>,
        %add3A_288 = arith.addf %add3A_278, %get3A_287 : vector<16xf32>
        %get3A_289 = arith.constant 49 : i32
        %get3A_290 = arith.index_cast %get3A_289 : i32 to index
        %get3A_291 = arith.constant 0 : index
        %get3A_292 = tpu.vector_load %arg6[%get3A_290, %get3A_291] {strides = array<i32>} : memref<100x128xf32, #tpu.memory_space<vmem>>, vector<16xf32>,
        %add3A_293 = arith.addf %add3A_283, %get3A_292 : vector<16xf32>
        %add3A_294 = arith.addf %add3A_288, %add3A_293 : vector<16xf32>
        %mul3A_295 = arith.constant 2.000000e-02 : f32
        %mul3A_296 = vector.broadcast %mul3A_295 : f32 to vector<16xf32>
        %mul3A_297 = arith.mulf %add3A_294, %mul3A_296 : vector<16xf32>
        %mul3A_298 = arith.constant 2 : i32
        %mul3A_299 = arith.muli %mul3A_298, %add3A_32 : i32
        %add3A_300 = arith.constant 0 : i32
        %add3A_301 = arith.addi %mul3A_299, %add3A_300 : i32
        %swap3A = arith.index_cast %add3A_301 : i32 to index
        %swap3A_302 = arith.constant 0 : index
        %swap3A_303 = tpu.vector_load %arg8[%swap3A, %swap3A_302] {strides = array<i32>} : memref<32x64xf32, #tpu.memory_space<vmem>>, vector<16xf32>,
        tpu.vector_store %arg8[%swap3A, %swap3A_302], %mul3A_297 {strides = array<i32>} : memref<32x64xf32, #tpu.memory_space<vmem>>, vector<16xf32>,
        %get3A_304 = arith.constant 0 : i32
        %get3A_305 = arith.index_cast %get3A_304 : i32 to index
        %get3A_306 = arith.constant 16 : index
        %get3A_307 = tpu.vector_load %arg6[%get3A_305, %get3A_306] {strides = array<i32>} : memref<100x128xf32, #tpu.memory_space<vmem>>, vector<16xf32>,
        %get3A_308 = arith.constant 1 : i32
        %get3A_309 = arith.index_cast %get3A_308 : i32 to index
        %get3A_310 = arith.constant 16 : index
        %get3A_311 = tpu.vector_load %arg6[%get3A_309, %get3A_310] {strides = array<i32>} : memref<100x128xf32, #tpu.memory_space<vmem>>, vector<16xf32>,
        %get3A_312 = arith.constant 2 : i32
        %get3A_313 = arith.index_cast %get3A_312 : i32 to index
        %get3A_314 = arith.constant 16 : index
        %get3A_315 = tpu.vector_load %arg6[%get3A_313, %get3A_314] {strides = array<i32>} : memref<100x128xf32, #tpu.memory_space<vmem>>, vector<16xf32>,
        %add3A_316 = arith.addf %get3A_307, %get3A_315 : vector<16xf32>
        %get3A_317 = arith.constant 3 : i32
        %get3A_318 = arith.index_cast %get3A_317 : i32 to index
        %get3A_319 = arith.constant 16 : index
        %get3A_320 = tpu.vector_load %arg6[%get3A_318, %get3A_319] {strides = array<i32>} : memref<100x128xf32, #tpu.memory_space<vmem>>, vector<16xf32>,
        %add3A_321 = arith.addf %get3A_311, %get3A_320 : vector<16xf32>
        %get3A_322 = arith.constant 4 : i32
        %get3A_323 = arith.index_cast %get3A_322 : i32 to index
        %get3A_324 = arith.constant 16 : index
        %get3A_325 = tpu.vector_load %arg6[%get3A_323, %get3A_324] {strides = array<i32>} : memref<100x128xf32, #tpu.memory_space<vmem>>, vector<16xf32>,
        %add3A_326 = arith.addf %add3A_316, %get3A_325 : vector<16xf32>
        %get3A_327 = arith.constant 5 : i32
        %get3A_328 = arith.index_cast %get3A_327 : i32 to index
        %get3A_329 = arith.constant 16 : index
        %get3A_330 = tpu.vector_load %arg6[%get3A_328, %get3A_329] {strides = array<i32>} : memref<100x128xf32, #tpu.memory_space<vmem>>, vector<16xf32>,
        %add3A_331 = arith.addf %add3A_321, %get3A_330 : vector<16xf32>
        %get3A_332 = arith.constant 6 : i32
        %get3A_333 = arith.index_cast %get3A_332 : i32 to index
        %get3A_334 = arith.constant 16 : index
        %get3A_335 = tpu.vector_load %arg6[%get3A_333, %get3A_334] {strides = array<i32>} : memref<100x128xf32, #tpu.memory_space<vmem>>, vector<16xf32>,
        %add3A_336 = arith.addf %add3A_326, %get3A_335 : vector<16xf32>
        %get3A_337 = arith.constant 7 : i32
        %get3A_338 = arith.index_cast %get3A_337 : i32 to index
        %get3A_339 = arith.constant 16 : index
        %get3A_340 = tpu.vector_load %arg6[%get3A_338, %get3A_339] {strides = array<i32>} : memref<100x128xf32, #tpu.memory_space<vmem>>, vector<16xf32>,
        %add3A_341 = arith.addf %add3A_331, %get3A_340 : vector<16xf32>
        %get3A_342 = arith.constant 8 : i32
        %get3A_343 = arith.index_cast %get3A_342 : i32 to index
        %get3A_344 = arith.constant 16 : index
        %get3A_345 = tpu.vector_load %arg6[%get3A_343, %get3A_344] {strides = array<i32>} : memref<100x128xf32, #tpu.memory_space<vmem>>, vector<16xf32>,
        %add3A_346 = arith.addf %add3A_336, %get3A_345 : vector<16xf32>
        %get3A_347 = arith.constant 9 : i32
        %get3A_348 = arith.index_cast %get3A_347 : i32 to index
        %get3A_349 = arith.constant 16 : index
        %get3A_350 = tpu.vector_load %arg6[%get3A_348, %get3A_349] {strides = array<i32>} : memref<100x128xf32, #tpu.memory_space<vmem>>, vector<16xf32>,
        %add3A_351 = arith.addf %add3A_341, %get3A_350 : vector<16xf32>
        %get3A_352 = arith.constant 10 : i32
        %get3A_353 = arith.index_cast %get3A_352 : i32 to index
        %get3A_354 = arith.constant 16 : index
        %get3A_355 = tpu.vector_load %arg6[%get3A_353, %get3A_354] {strides = array<i32>} : memref<100x128xf32, #tpu.memory_space<vmem>>, vector<16xf32>,
        %add3A_356 = arith.addf %add3A_346, %get3A_355 : vector<16xf32>
        %get3A_357 = arith.constant 11 : i32
        %get3A_358 = arith.index_cast %get3A_357 : i32 to index
        %get3A_359 = arith.constant 16 : index
        %get3A_360 = tpu.vector_load %arg6[%get3A_358, %get3A_359] {strides = array<i32>} : memref<100x128xf32, #tpu.memory_space<vmem>>, vector<16xf32>,
        %add3A_361 = arith.addf %add3A_351, %get3A_360 : vector<16xf32>
        %get3A_362 = arith.constant 12 : i32
        %get3A_363 = arith.index_cast %get3A_362 : i32 to index
        %get3A_364 = arith.constant 16 : index
        %get3A_365 = tpu.vector_load %arg6[%get3A_363, %get3A_364] {strides = array<i32>} : memref<100x128xf32, #tpu.memory_space<vmem>>, vector<16xf32>,
        %add3A_366 = arith.addf %add3A_356, %get3A_365 : vector<16xf32>
        %get3A_367 = arith.constant 13 : i32
        %get3A_368 = arith.index_cast %get3A_367 : i32 to index
        %get3A_369 = arith.constant 16 : index
        %get3A_370 = tpu.vector_load %arg6[%get3A_368, %get3A_369] {strides = array<i32>} : memref<100x128xf32, #tpu.memory_space<vmem>>, vector<16xf32>,
        %add3A_371 = arith.addf %add3A_361, %get3A_370 : vector<16xf32>
        %get3A_372 = arith.constant 14 : i32
        %get3A_373 = arith.index_cast %get3A_372 : i32 to index
        %get3A_374 = arith.constant 16 : index
        %get3A_375 = tpu.vector_load %arg6[%get3A_373, %get3A_374] {strides = array<i32>} : memref<100x128xf32, #tpu.memory_space<vmem>>, vector<16xf32>,
        %add3A_376 = arith.addf %add3A_366, %get3A_375 : vector<16xf32>
        %get3A_377 = arith.constant 15 : i32
        %get3A_378 = arith.index_cast %get3A_377 : i32 to index
        %get3A_379 = arith.constant 16 : index
        %get3A_380 = tpu.vector_load %arg6[%get3A_378, %get3A_379] {strides = array<i32>} : memref<100x128xf32, #tpu.memory_space<vmem>>, vector<16xf32>,
        %add3A_381 = arith.addf %add3A_371, %get3A_380 : vector<16xf32>
        %get3A_382 = arith.constant 16 : i32
        %get3A_383 = arith.index_cast %get3A_382 : i32 to index
        %get3A_384 = arith.constant 16 : index
        %get3A_385 = tpu.vector_load %arg6[%get3A_383, %get3A_384] {strides = array<i32>} : memref<100x128xf32, #tpu.memory_space<vmem>>, vector<16xf32>,
        %add3A_386 = arith.addf %add3A_376, %get3A_385 : vector<16xf32>
        %get3A_387 = arith.constant 17 : i32
        %get3A_388 = arith.index_cast %get3A_387 : i32 to index
        %get3A_389 = arith.constant 16 : index
        %get3A_390 = tpu.vector_load %arg6[%get3A_388, %get3A_389] {strides = array<i32>} : memref<100x128xf32, #tpu.memory_space<vmem>>, vector<16xf32>,
        %add3A_391 = arith.addf %add3A_381, %get3A_390 : vector<16xf32>
        %get3A_392 = arith.constant 18 : i32
        %get3A_393 = arith.index_cast %get3A_392 : i32 to index
        %get3A_394 = arith.constant 16 : index
        %get3A_395 = tpu.vector_load %arg6[%get3A_393, %get3A_394] {strides = array<i32>} : memref<100x128xf32, #tpu.memory_space<vmem>>, vector<16xf32>,
        %add3A_396 = arith.addf %add3A_386, %get3A_395 : vector<16xf32>
        %get3A_397 = arith.constant 19 : i32
        %get3A_398 = arith.index_cast %get3A_397 : i32 to index
        %get3A_399 = arith.constant 16 : index
        %get3A_400 = tpu.vector_load %arg6[%get3A_398, %get3A_399] {strides = array<i32>} : memref<100x128xf32, #tpu.memory_space<vmem>>, vector<16xf32>,
        %add3A_401 = arith.addf %add3A_391, %get3A_400 : vector<16xf32>
        %get3A_402 = arith.constant 20 : i32
        %get3A_403 = arith.index_cast %get3A_402 : i32 to index
        %get3A_404 = arith.constant 16 : index
        %get3A_405 = tpu.vector_load %arg6[%get3A_403, %get3A_404] {strides = array<i32>} : memref<100x128xf32, #tpu.memory_space<vmem>>, vector<16xf32>,
        %add3A_406 = arith.addf %add3A_396, %get3A_405 : vector<16xf32>
        %get3A_407 = arith.constant 21 : i32
        %get3A_408 = arith.index_cast %get3A_407 : i32 to index
        %get3A_409 = arith.constant 16 : index
        %get3A_410 = tpu.vector_load %arg6[%get3A_408, %get3A_409] {strides = array<i32>} : memref<100x128xf32, #tpu.memory_space<vmem>>, vector<16xf32>,
        %add3A_411 = arith.addf %add3A_401, %get3A_410 : vector<16xf32>
        %get3A_412 = arith.constant 22 : i32
        %get3A_413 = arith.index_cast %get3A_412 : i32 to index
        %get3A_414 = arith.constant 16 : index
        %get3A_415 = tpu.vector_load %arg6[%get3A_413, %get3A_414] {strides = array<i32>} : memref<100x128xf32, #tpu.memory_space<vmem>>, vector<16xf32>,
        %add3A_416 = arith.addf %add3A_406, %get3A_415 : vector<16xf32>
        %get3A_417 = arith.constant 23 : i32
        %get3A_418 = arith.index_cast %get3A_417 : i32 to index
        %get3A_419 = arith.constant 16 : index
        %get3A_420 = tpu.vector_load %arg6[%get3A_418, %get3A_419] {strides = array<i32>} : memref<100x128xf32, #tpu.memory_space<vmem>>, vector<16xf32>,
        %add3A_421 = arith.addf %add3A_411, %get3A_420 : vector<16xf32>
        %get3A_422 = arith.constant 24 : i32
        %get3A_423 = arith.index_cast %get3A_422 : i32 to index
        %get3A_424 = arith.constant 16 : index
        %get3A_425 = tpu.vector_load %arg6[%get3A_423, %get3A_424] {strides = array<i32>} : memref<100x128xf32, #tpu.memory_space<vmem>>, vector<16xf32>,
        %add3A_426 = arith.addf %add3A_416, %get3A_425 : vector<16xf32>
        %get3A_427 = arith.constant 25 : i32
        %get3A_428 = arith.index_cast %get3A_427 : i32 to index
        %get3A_429 = arith.constant 16 : index
        %get3A_430 = tpu.vector_load %arg6[%get3A_428, %get3A_429] {strides = array<i32>} : memref<100x128xf32, #tpu.memory_space<vmem>>, vector<16xf32>,
        %add3A_431 = arith.addf %add3A_421, %get3A_430 : vector<16xf32>
        %get3A_432 = arith.constant 26 : i32
        %get3A_433 = arith.index_cast %get3A_432 : i32 to index
        %get3A_434 = arith.constant 16 : index
        %get3A_435 = tpu.vector_load %arg6[%get3A_433, %get3A_434] {strides = array<i32>} : memref<100x128xf32, #tpu.memory_space<vmem>>, vector<16xf32>,
        %add3A_436 = arith.addf %add3A_426, %get3A_435 : vector<16xf32>
        %get3A_437 = arith.constant 27 : i32
        %get3A_438 = arith.index_cast %get3A_437 : i32 to index
        %get3A_439 = arith.constant 16 : index
        %get3A_440 = tpu.vector_load %arg6[%get3A_438, %get3A_439] {strides = array<i32>} : memref<100x128xf32, #tpu.memory_space<vmem>>, vector<16xf32>,
        %add3A_441 = arith.addf %add3A_431, %get3A_440 : vector<16xf32>
        %get3A_442 = arith.constant 28 : i32
        %get3A_443 = arith.index_cast %get3A_442 : i32 to index
        %get3A_444 = arith.constant 16 : index
        %get3A_445 = tpu.vector_load %arg6[%get3A_443, %get3A_444] {strides = array<i32>} : memref<100x128xf32, #tpu.memory_space<vmem>>, vector<16xf32>,
        %add3A_446 = arith.addf %add3A_436, %get3A_445 : vector<16xf32>
        %get3A_447 = arith.constant 29 : i32
        %get3A_448 = arith.index_cast %get3A_447 : i32 to index
        %get3A_449 = arith.constant 16 : index
        %get3A_450 = tpu.vector_load %arg6[%get3A_448, %get3A_449] {strides = array<i32>} : memref<100x128xf32, #tpu.memory_space<vmem>>, vector<16xf32>,
        %add3A_451 = arith.addf %add3A_441, %get3A_450 : vector<16xf32>
        %get3A_452 = arith.constant 30 : i32
        %get3A_453 = arith.index_cast %get3A_452 : i32 to index
        %get3A_454 = arith.constant 16 : index
        %get3A_455 = tpu.vector_load %arg6[%get3A_453, %get3A_454] {strides = array<i32>} : memref<100x128xf32, #tpu.memory_space<vmem>>, vector<16xf32>,
        %add3A_456 = arith.addf %add3A_446, %get3A_455 : vector<16xf32>
        %get3A_457 = arith.constant 31 : i32
        %get3A_458 = arith.index_cast %get3A_457 : i32 to index
        %get3A_459 = arith.constant 16 : index
        %get3A_460 = tpu.vector_load %arg6[%get3A_458, %get3A_459] {strides = array<i32>} : memref<100x128xf32, #tpu.memory_space<vmem>>, vector<16xf32>,
        %add3A_461 = arith.addf %add3A_451, %get3A_460 : vector<16xf32>
        %get3A_462 = arith.constant 32 : i32
        %get3A_463 = arith.index_cast %get3A_462 : i32 to index
        %get3A_464 = arith.constant 16 : index
        %get3A_465 = tpu.vector_load %arg6[%get3A_463, %get3A_464] {strides = array<i32>} : memref<100x128xf32, #tpu.memory_space<vmem>>, vector<16xf32>,
        %add3A_466 = arith.addf %add3A_456, %get3A_465 : vector<16xf32>
        %get3A_467 = arith.constant 33 : i32
        %get3A_468 = arith.index_cast %get3A_467 : i32 to index
        %get3A_469 = arith.constant 16 : index
        %get3A_470 = tpu.vector_load %arg6[%get3A_468, %get3A_469] {strides = array<i32>} : memref<100x128xf32, #tpu.memory_space<vmem>>, vector<16xf32>,
        %add3A_471 = arith.addf %add3A_461, %get3A_470 : vector<16xf32>
        %get3A_472 = arith.constant 34 : i32
        %get3A_473 = arith.index_cast %get3A_472 : i32 to index
        %get3A_474 = arith.constant 16 : index
        %get3A_475 = tpu.vector_load %arg6[%get3A_473, %get3A_474] {strides = array<i32>} : memref<100x128xf32, #tpu.memory_space<vmem>>, vector<16xf32>,
        %add3A_476 = arith.addf %add3A_466, %get3A_475 : vector<16xf32>
        %get3A_477 = arith.constant 35 : i32
        %get3A_478 = arith.index_cast %get3A_477 : i32 to index
        %get3A_479 = arith.constant 16 : index
        %get3A_480 = tpu.vector_load %arg6[%get3A_478, %get3A_479] {strides = array<i32>} : memref<100x128xf32, #tpu.memory_space<vmem>>, vector<16xf32>,
        %add3A_481 = arith.addf %add3A_471, %get3A_480 : vector<16xf32>
        %get3A_482 = arith.constant 36 : i32
        %get3A_483 = arith.index_cast %get3A_482 : i32 to index
        %get3A_484 = arith.constant 16 : index
        %get3A_485 = tpu.vector_load %arg6[%get3A_483, %get3A_484] {strides = array<i32>} : memref<100x128xf32, #tpu.memory_space<vmem>>, vector<16xf32>,
        %add3A_486 = arith.addf %add3A_476, %get3A_485 : vector<16xf32>
        %get3A_487 = arith.constant 37 : i32
        %get3A_488 = arith.index_cast %get3A_487 : i32 to index
        %get3A_489 = arith.constant 16 : index
        %get3A_490 = tpu.vector_load %arg6[%get3A_488, %get3A_489] {strides = array<i32>} : memref<100x128xf32, #tpu.memory_space<vmem>>, vector<16xf32>,
        %add3A_491 = arith.addf %add3A_481, %get3A_490 : vector<16xf32>
        %get3A_492 = arith.constant 38 : i32
        %get3A_493 = arith.index_cast %get3A_492 : i32 to index
        %get3A_494 = arith.constant 16 : index
        %get3A_495 = tpu.vector_load %arg6[%get3A_493, %get3A_494] {strides = array<i32>} : memref<100x128xf32, #tpu.memory_space<vmem>>, vector<16xf32>,
        %add3A_496 = arith.addf %add3A_486, %get3A_495 : vector<16xf32>
        %get3A_497 = arith.constant 39 : i32
        %get3A_498 = arith.index_cast %get3A_497 : i32 to index
        %get3A_499 = arith.constant 16 : index
        %get3A_500 = tpu.vector_load %arg6[%get3A_498, %get3A_499] {strides = array<i32>} : memref<100x128xf32, #tpu.memory_space<vmem>>, vector<16xf32>,
        %add3A_501 = arith.addf %add3A_491, %get3A_500 : vector<16xf32>
        %get3A_502 = arith.constant 40 : i32
        %get3A_503 = arith.index_cast %get3A_502 : i32 to index
        %get3A_504 = arith.constant 16 : index
        %get3A_505 = tpu.vector_load %arg6[%get3A_503, %get3A_504] {strides = array<i32>} : memref<100x128xf32, #tpu.memory_space<vmem>>, vector<16xf32>,
        %add3A_506 = arith.addf %add3A_496, %get3A_505 : vector<16xf32>
        %get3A_507 = arith.constant 41 : i32
        %get3A_508 = arith.index_cast %get3A_507 : i32 to index
        %get3A_509 = arith.constant 16 : index
        %get3A_510 = tpu.vector_load %arg6[%get3A_508, %get3A_509] {strides = array<i32>} : memref<100x128xf32, #tpu.memory_space<vmem>>, vector<16xf32>,
        %add3A_511 = arith.addf %add3A_501, %get3A_510 : vector<16xf32>
        %get3A_512 = arith.constant 42 : i32
        %get3A_513 = arith.index_cast %get3A_512 : i32 to index
        %get3A_514 = arith.constant 16 : index
        %get3A_515 = tpu.vector_load %arg6[%get3A_513, %get3A_514] {strides = array<i32>} : memref<100x128xf32, #tpu.memory_space<vmem>>, vector<16xf32>,
        %add3A_516 = arith.addf %add3A_506, %get3A_515 : vector<16xf32>
        %get3A_517 = arith.constant 43 : i32
        %get3A_518 = arith.index_cast %get3A_517 : i32 to index
        %get3A_519 = arith.constant 16 : index
        %get3A_520 = tpu.vector_load %arg6[%get3A_518, %get3A_519] {strides = array<i32>} : memref<100x128xf32, #tpu.memory_space<vmem>>, vector<16xf32>,
        %add3A_521 = arith.addf %add3A_511, %get3A_520 : vector<16xf32>
        %get3A_522 = arith.constant 44 : i32
        %get3A_523 = arith.index_cast %get3A_522 : i32 to index
        %get3A_524 = arith.constant 16 : index
        %get3A_525 = tpu.vector_load %arg6[%get3A_523, %get3A_524] {strides = array<i32>} : memref<100x128xf32, #tpu.memory_space<vmem>>, vector<16xf32>,
        %add3A_526 = arith.addf %add3A_516, %get3A_525 : vector<16xf32>
        %get3A_527 = arith.constant 45 : i32
        %get3A_528 = arith.index_cast %get3A_527 : i32 to index
        %get3A_529 = arith.constant 16 : index
        %get3A_530 = tpu.vector_load %arg6[%get3A_528, %get3A_529] {strides = array<i32>} : memref<100x128xf32, #tpu.memory_space<vmem>>, vector<16xf32>,
        %add3A_531 = arith.addf %add3A_521, %get3A_530 : vector<16xf32>
        %get3A_532 = arith.constant 46 : i32
        %get3A_533 = arith.index_cast %get3A_532 : i32 to index
        %get3A_534 = arith.constant 16 : index
        %get3A_535 = tpu.vector_load %arg6[%get3A_533, %get3A_534] {strides = array<i32>} : memref<100x128xf32, #tpu.memory_space<vmem>>, vector<16xf32>,
        %add3A_536 = arith.addf %add3A_526, %get3A_535 : vector<16xf32>
        %get3A_537 = arith.constant 47 : i32
        %get3A_538 = arith.index_cast %get3A_537 : i32 to index
        %get3A_539 = arith.constant 16 : index
        %get3A_540 = tpu.vector_load %arg6[%get3A_538, %get3A_539] {strides = array<i32>} : memref<100x128xf32, #tpu.memory_space<vmem>>, vector<16xf32>,
        %add3A_541 = arith.addf %add3A_531, %get3A_540 : vector<16xf32>
        %get3A_542 = arith.constant 48 : i32
        %get3A_543 = arith.index_cast %get3A_542 : i32 to index
        %get3A_544 = arith.constant 16 : index
        %get3A_545 = tpu.vector_load %arg6[%get3A_543, %get3A_544] {strides = array<i32>} : memref<100x128xf32, #tpu.memory_space<vmem>>, vector<16xf32>,
        %add3A_546 = arith.addf %add3A_536, %get3A_545 : vector<16xf32>
        %get3A_547 = arith.constant 49 : i32
        %get3A_548 = arith.index_cast %get3A_547 : i32 to index
        %get3A_549 = arith.constant 16 : index
        %get3A_550 = tpu.vector_load %arg6[%get3A_548, %get3A_549] {strides = array<i32>} : memref<100x128xf32, #tpu.memory_space<vmem>>, vector<16xf32>,
        %add3A_551 = arith.addf %add3A_541, %get3A_550 : vector<16xf32>
        %add3A_552 = arith.addf %add3A_546, %add3A_551 : vector<16xf32>
        %mul3A_553 = arith.constant 2.000000e-02 : f32
        %mul3A_554 = vector.broadcast %mul3A_553 : f32 to vector<16xf32>
        %mul3A_555 = arith.mulf %add3A_552, %mul3A_554 : vector<16xf32>
        %mul3A_556 = arith.constant 2 : i32
        %mul3A_557 = arith.muli %mul3A_556, %add3A_32 : i32
        %add3A_558 = arith.constant 0 : i32
        %add3A_559 = arith.addi %mul3A_557, %add3A_558 : i32
        %swap3A_560 = arith.index_cast %add3A_559 : i32 to index
        %swap3A_561 = arith.constant 16 : index
        %swap3A_562 = tpu.vector_load %arg8[%swap3A_560, %swap3A_561] {strides = array<i32>} : memref<32x64xf32, #tpu.memory_space<vmem>>, vector<16xf32>,
        tpu.vector_store %arg8[%swap3A_560, %swap3A_561], %mul3A_555 {strides = array<i32>} : memref<32x64xf32, #tpu.memory_space<vmem>>, vector<16xf32>,
        %get3A_563 = arith.constant 0 : i32
        %get3A_564 = arith.index_cast %get3A_563 : i32 to index
        %get3A_565 = arith.constant 32 : index
        %get3A_566 = tpu.vector_load %arg6[%get3A_564, %get3A_565] {strides = array<i32>} : memref<100x128xf32, #tpu.memory_space<vmem>>, vector<16xf32>,
        %get3A_567 = arith.constant 1 : i32
        %get3A_568 = arith.index_cast %get3A_567 : i32 to index
        %get3A_569 = arith.constant 32 : index
        %get3A_570 = tpu.vector_load %arg6[%get3A_568, %get3A_569] {strides = array<i32>} : memref<100x128xf32, #tpu.memory_space<vmem>>, vector<16xf32>,
        %get3A_571 = arith.constant 2 : i32
        %get3A_572 = arith.index_cast %get3A_571 : i32 to index
        %get3A_573 = arith.constant 32 : index
        %get3A_574 = tpu.vector_load %arg6[%get3A_572, %get3A_573] {strides = array<i32>} : memref<100x128xf32, #tpu.memory_space<vmem>>, vector<16xf32>,
        %add3A_575 = arith.addf %get3A_566, %get3A_574 : vector<16xf32>
        %get3A_576 = arith.constant 3 : i32
        %get3A_577 = arith.index_cast %get3A_576 : i32 to index
        %get3A_578 = arith.constant 32 : index
        %get3A_579 = tpu.vector_load %arg6[%get3A_577, %get3A_578] {strides = array<i32>} : memref<100x128xf32, #tpu.memory_space<vmem>>, vector<16xf32>,
        %add3A_580 = arith.addf %get3A_570, %get3A_579 : vector<16xf32>
        %get3A_581 = arith.constant 4 : i32
        %get3A_582 = arith.index_cast %get3A_581 : i32 to index
        %get3A_583 = arith.constant 32 : index
        %get3A_584 = tpu.vector_load %arg6[%get3A_582, %get3A_583] {strides = array<i32>} : memref<100x128xf32, #tpu.memory_space<vmem>>, vector<16xf32>,
        %add3A_585 = arith.addf %add3A_575, %get3A_584 : vector<16xf32>
        %get3A_586 = arith.constant 5 : i32
        %get3A_587 = arith.index_cast %get3A_586 : i32 to index
        %get3A_588 = arith.constant 32 : index
        %get3A_589 = tpu.vector_load %arg6[%get3A_587, %get3A_588] {strides = array<i32>} : memref<100x128xf32, #tpu.memory_space<vmem>>, vector<16xf32>,
        %add3A_590 = arith.addf %add3A_580, %get3A_589 : vector<16xf32>
        %get3A_591 = arith.constant 6 : i32
        %get3A_592 = arith.index_cast %get3A_591 : i32 to index
        %get3A_593 = arith.constant 32 : index
        %get3A_594 = tpu.vector_load %arg6[%get3A_592, %get3A_593] {strides = array<i32>} : memref<100x128xf32, #tpu.memory_space<vmem>>, vector<16xf32>,
        %add3A_595 = arith.addf %add3A_585, %get3A_594 : vector<16xf32>
        %get3A_596 = arith.constant 7 : i32
        %get3A_597 = arith.index_cast %get3A_596 : i32 to index
        %get3A_598 = arith.constant 32 : index
        %get3A_599 = tpu.vector_load %arg6[%get3A_597, %get3A_598] {strides = array<i32>} : memref<100x128xf32, #tpu.memory_space<vmem>>, vector<16xf32>,
        %add3A_600 = arith.addf %add3A_590, %get3A_599 : vector<16xf32>
        %get3A_601 = arith.constant 8 : i32
        %get3A_602 = arith.index_cast %get3A_601 : i32 to index
        %get3A_603 = arith.constant 32 : index
        %get3A_604 = tpu.vector_load %arg6[%get3A_602, %get3A_603] {strides = array<i32>} : memref<100x128xf32, #tpu.memory_space<vmem>>, vector<16xf32>,
        %add3A_605 = arith.addf %add3A_595, %get3A_604 : vector<16xf32>
        %get3A_606 = arith.constant 9 : i32
        %get3A_607 = arith.index_cast %get3A_606 : i32 to index
        %get3A_608 = arith.constant 32 : index
        %get3A_609 = tpu.vector_load %arg6[%get3A_607, %get3A_608] {strides = array<i32>} : memref<100x128xf32, #tpu.memory_space<vmem>>, vector<16xf32>,
        %add3A_610 = arith.addf %add3A_600, %get3A_609 : vector<16xf32>
        %get3A_611 = arith.constant 10 : i32
        %get3A_612 = arith.index_cast %get3A_611 : i32 to index
        %get3A_613 = arith.constant 32 : index
        %get3A_614 = tpu.vector_load %arg6[%get3A_612, %get3A_613] {strides = array<i32>} : memref<100x128xf32, #tpu.memory_space<vmem>>, vector<16xf32>,
        %add3A_615 = arith.addf %add3A_605, %get3A_614 : vector<16xf32>
        %get3A_616 = arith.constant 11 : i32
        %get3A_617 = arith.index_cast %get3A_616 : i32 to index
        %get3A_618 = arith.constant 32 : index
        %get3A_619 = tpu.vector_load %arg6[%get3A_617, %get3A_618] {strides = array<i32>} : memref<100x128xf32, #tpu.memory_space<vmem>>, vector<16xf32>,
        %add3A_620 = arith.addf %add3A_610, %get3A_619 : vector<16xf32>
        %get3A_621 = arith.constant 12 : i32
        %get3A_622 = arith.index_cast %get3A_621 : i32 to index
        %get3A_623 = arith.constant 32 : index
        %get3A_624 = tpu.vector_load %arg6[%get3A_622, %get3A_623] {strides = array<i32>} : memref<100x128xf32, #tpu.memory_space<vmem>>, vector<16xf32>,
        %add3A_625 = arith.addf %add3A_615, %get3A_624 : vector<16xf32>
        %get3A_626 = arith.constant 13 : i32
        %get3A_627 = arith.index_cast %get3A_626 : i32 to index
        %get3A_628 = arith.constant 32 : index
        %get3A_629 = tpu.vector_load %arg6[%get3A_627, %get3A_628] {strides = array<i32>} : memref<100x128xf32, #tpu.memory_space<vmem>>, vector<16xf32>,
        %add3A_630 = arith.addf %add3A_620, %get3A_629 : vector<16xf32>
        %get3A_631 = arith.constant 14 : i32
        %get3A_632 = arith.index_cast %get3A_631 : i32 to index
        %get3A_633 = arith.constant 32 : index
        %get3A_634 = tpu.vector_load %arg6[%get3A_632, %get3A_633] {strides = array<i32>} : memref<100x128xf32, #tpu.memory_space<vmem>>, vector<16xf32>,
        %add3A_635 = arith.addf %add3A_625, %get3A_634 : vector<16xf32>
        %get3A_636 = arith.constant 15 : i32
        %get3A_637 = arith.index_cast %get3A_636 : i32 to index
        %get3A_638 = arith.constant 32 : index
        %get3A_639 = tpu.vector_load %arg6[%get3A_637, %get3A_638] {strides = array<i32>} : memref<100x128xf32, #tpu.memory_space<vmem>>, vector<16xf32>,
        %add3A_640 = arith.addf %add3A_630, %get3A_639 : vector<16xf32>
        %get3A_641 = arith.constant 16 : i32
        %get3A_642 = arith.index_cast %get3A_641 : i32 to index
        %get3A_643 = arith.constant 32 : index
        %get3A_644 = tpu.vector_load %arg6[%get3A_642, %get3A_643] {strides = array<i32>} : memref<100x128xf32, #tpu.memory_space<vmem>>, vector<16xf32>,
        %add3A_645 = arith.addf %add3A_635, %get3A_644 : vector<16xf32>
        %get3A_646 = arith.constant 17 : i32
        %get3A_647 = arith.index_cast %get3A_646 : i32 to index
        %get3A_648 = arith.constant 32 : index
        %get3A_649 = tpu.vector_load %arg6[%get3A_647, %get3A_648] {strides = array<i32>} : memref<100x128xf32, #tpu.memory_space<vmem>>, vector<16xf32>,
        %add3A_650 = arith.addf %add3A_640, %get3A_649 : vector<16xf32>
        %get3A_651 = arith.constant 18 : i32
        %get3A_652 = arith.index_cast %get3A_651 : i32 to index
        %get3A_653 = arith.constant 32 : index
        %get3A_654 = tpu.vector_load %arg6[%get3A_652, %get3A_653] {strides = array<i32>} : memref<100x128xf32, #tpu.memory_space<vmem>>, vector<16xf32>,
        %add3A_655 = arith.addf %add3A_645, %get3A_654 : vector<16xf32>
        %get3A_656 = arith.constant 19 : i32
        %get3A_657 = arith.index_cast %get3A_656 : i32 to index
        %get3A_658 = arith.constant 32 : index
        %get3A_659 = tpu.vector_load %arg6[%get3A_657, %get3A_658] {strides = array<i32>} : memref<100x128xf32, #tpu.memory_space<vmem>>, vector<16xf32>,
        %add3A_660 = arith.addf %add3A_650, %get3A_659 : vector<16xf32>
        %get3A_661 = arith.constant 20 : i32
        %get3A_662 = arith.index_cast %get3A_661 : i32 to index
        %get3A_663 = arith.constant 32 : index
        %get3A_664 = tpu.vector_load %arg6[%get3A_662, %get3A_663] {strides = array<i32>} : memref<100x128xf32, #tpu.memory_space<vmem>>, vector<16xf32>,
        %add3A_665 = arith.addf %add3A_655, %get3A_664 : vector<16xf32>
        %get3A_666 = arith.constant 21 : i32
        %get3A_667 = arith.index_cast %get3A_666 : i32 to index
        %get3A_668 = arith.constant 32 : index
        %get3A_669 = tpu.vector_load %arg6[%get3A_667, %get3A_668] {strides = array<i32>} : memref<100x128xf32, #tpu.memory_space<vmem>>, vector<16xf32>,
        %add3A_670 = arith.addf %add3A_660, %get3A_669 : vector<16xf32>
        %get3A_671 = arith.constant 22 : i32
        %get3A_672 = arith.index_cast %get3A_671 : i32 to index
        %get3A_673 = arith.constant 32 : index
        %get3A_674 = tpu.vector_load %arg6[%get3A_672, %get3A_673] {strides = array<i32>} : memref<100x128xf32, #tpu.memory_space<vmem>>, vector<16xf32>,
        %add3A_675 = arith.addf %add3A_665, %get3A_674 : vector<16xf32>
        %get3A_676 = arith.constant 23 : i32
        %get3A_677 = arith.index_cast %get3A_676 : i32 to index
        %get3A_678 = arith.constant 32 : index
        %get3A_679 = tpu.vector_load %arg6[%get3A_677, %get3A_678] {strides = array<i32>} : memref<100x128xf32, #tpu.memory_space<vmem>>, vector<16xf32>,
        %add3A_680 = arith.addf %add3A_670, %get3A_679 : vector<16xf32>
        %get3A_681 = arith.constant 24 : i32
        %get3A_682 = arith.index_cast %get3A_681 : i32 to index
        %get3A_683 = arith.constant 32 : index
        %get3A_684 = tpu.vector_load %arg6[%get3A_682, %get3A_683] {strides = array<i32>} : memref<100x128xf32, #tpu.memory_space<vmem>>, vector<16xf32>,
        %add3A_685 = arith.addf %add3A_675, %get3A_684 : vector<16xf32>
        %get3A_686 = arith.constant 25 : i32
        %get3A_687 = arith.index_cast %get3A_686 : i32 to index
        %get3A_688 = arith.constant 32 : index
        %get3A_689 = tpu.vector_load %arg6[%get3A_687, %get3A_688] {strides = array<i32>} : memref<100x128xf32, #tpu.memory_space<vmem>>, vector<16xf32>,
        %add3A_690 = arith.addf %add3A_680, %get3A_689 : vector<16xf32>
        %get3A_691 = arith.constant 26 : i32
        %get3A_692 = arith.index_cast %get3A_691 : i32 to index
        %get3A_693 = arith.constant 32 : index
        %get3A_694 = tpu.vector_load %arg6[%get3A_692, %get3A_693] {strides = array<i32>} : memref<100x128xf32, #tpu.memory_space<vmem>>, vector<16xf32>,
        %add3A_695 = arith.addf %add3A_685, %get3A_694 : vector<16xf32>
        %get3A_696 = arith.constant 27 : i32
        %get3A_697 = arith.index_cast %get3A_696 : i32 to index
        %get3A_698 = arith.constant 32 : index
        %get3A_699 = tpu.vector_load %arg6[%get3A_697, %get3A_698] {strides = array<i32>} : memref<100x128xf32, #tpu.memory_space<vmem>>, vector<16xf32>,
        %add3A_700 = arith.addf %add3A_690, %get3A_699 : vector<16xf32>
        %get3A_701 = arith.constant 28 : i32
        %get3A_702 = arith.index_cast %get3A_701 : i32 to index
        %get3A_703 = arith.constant 32 : index
        %get3A_704 = tpu.vector_load %arg6[%get3A_702, %get3A_703] {strides = array<i32>} : memref<100x128xf32, #tpu.memory_space<vmem>>, vector<16xf32>,
        %add3A_705 = arith.addf %add3A_695, %get3A_704 : vector<16xf32>
        %get3A_706 = arith.constant 29 : i32
        %get3A_707 = arith.index_cast %get3A_706 : i32 to index
        %get3A_708 = arith.constant 32 : index
        %get3A_709 = tpu.vector_load %arg6[%get3A_707, %get3A_708] {strides = array<i32>} : memref<100x128xf32, #tpu.memory_space<vmem>>, vector<16xf32>,
        %add3A_710 = arith.addf %add3A_700, %get3A_709 : vector<16xf32>
        %get3A_711 = arith.constant 30 : i32
        %get3A_712 = arith.index_cast %get3A_711 : i32 to index
        %get3A_713 = arith.constant 32 : index
        %get3A_714 = tpu.vector_load %arg6[%get3A_712, %get3A_713] {strides = array<i32>} : memref<100x128xf32, #tpu.memory_space<vmem>>, vector<16xf32>,
        %add3A_715 = arith.addf %add3A_705, %get3A_714 : vector<16xf32>
        %get3A_716 = arith.constant 31 : i32
        %get3A_717 = arith.index_cast %get3A_716 : i32 to index
        %get3A_718 = arith.constant 32 : index
        %get3A_719 = tpu.vector_load %arg6[%get3A_717, %get3A_718] {strides = array<i32>} : memref<100x128xf32, #tpu.memory_space<vmem>>, vector<16xf32>,
        %add3A_720 = arith.addf %add3A_710, %get3A_719 : vector<16xf32>
        %get3A_721 = arith.constant 32 : i32
        %get3A_722 = arith.index_cast %get3A_721 : i32 to index
        %get3A_723 = arith.constant 32 : index
        %get3A_724 = tpu.vector_load %arg6[%get3A_722, %get3A_723] {strides = array<i32>} : memref<100x128xf32, #tpu.memory_space<vmem>>, vector<16xf32>,
        %add3A_725 = arith.addf %add3A_715, %get3A_724 : vector<16xf32>
        %get3A_726 = arith.constant 33 : i32
        %get3A_727 = arith.index_cast %get3A_726 : i32 to index
        %get3A_728 = arith.constant 32 : index
        %get3A_729 = tpu.vector_load %arg6[%get3A_727, %get3A_728] {strides = array<i32>} : memref<100x128xf32, #tpu.memory_space<vmem>>, vector<16xf32>,
        %add3A_730 = arith.addf %add3A_720, %get3A_729 : vector<16xf32>
        %get3A_731 = arith.constant 34 : i32
        %get3A_732 = arith.index_cast %get3A_731 : i32 to index
        %get3A_733 = arith.constant 32 : index
        %get3A_734 = tpu.vector_load %arg6[%get3A_732, %get3A_733] {strides = array<i32>} : memref<100x128xf32, #tpu.memory_space<vmem>>, vector<16xf32>,
        %add3A_735 = arith.addf %add3A_725, %get3A_734 : vector<16xf32>
        %get3A_736 = arith.constant 35 : i32
        %get3A_737 = arith.index_cast %get3A_736 : i32 to index
        %get3A_738 = arith.constant 32 : index
        %get3A_739 = tpu.vector_load %arg6[%get3A_737, %get3A_738] {strides = array<i32>} : memref<100x128xf32, #tpu.memory_space<vmem>>, vector<16xf32>,
        %add3A_740 = arith.addf %add3A_730, %get3A_739 : vector<16xf32>
        %get3A_741 = arith.constant 36 : i32
        %get3A_742 = arith.index_cast %get3A_741 : i32 to index
        %get3A_743 = arith.constant 32 : index
        %get3A_744 = tpu.vector_load %arg6[%get3A_742, %get3A_743] {strides = array<i32>} : memref<100x128xf32, #tpu.memory_space<vmem>>, vector<16xf32>,
        %add3A_745 = arith.addf %add3A_735, %get3A_744 : vector<16xf32>
        %get3A_746 = arith.constant 37 : i32
        %get3A_747 = arith.index_cast %get3A_746 : i32 to index
        %get3A_748 = arith.constant 32 : index
        %get3A_749 = tpu.vector_load %arg6[%get3A_747, %get3A_748] {strides = array<i32>} : memref<100x128xf32, #tpu.memory_space<vmem>>, vector<16xf32>,
        %add3A_750 = arith.addf %add3A_740, %get3A_749 : vector<16xf32>
        %get3A_751 = arith.constant 38 : i32
        %get3A_752 = arith.index_cast %get3A_751 : i32 to index
        %get3A_753 = arith.constant 32 : index
        %get3A_754 = tpu.vector_load %arg6[%get3A_752, %get3A_753] {strides = array<i32>} : memref<100x128xf32, #tpu.memory_space<vmem>>, vector<16xf32>,
        %add3A_755 = arith.addf %add3A_745, %get3A_754 : vector<16xf32>
        %get3A_756 = arith.constant 39 : i32
        %get3A_757 = arith.index_cast %get3A_756 : i32 to index
        %get3A_758 = arith.constant 32 : index
        %get3A_759 = tpu.vector_load %arg6[%get3A_757, %get3A_758] {strides = array<i32>} : memref<100x128xf32, #tpu.memory_space<vmem>>, vector<16xf32>,
        %add3A_760 = arith.addf %add3A_750, %get3A_759 : vector<16xf32>
        %get3A_761 = arith.constant 40 : i32
        %get3A_762 = arith.index_cast %get3A_761 : i32 to index
        %get3A_763 = arith.constant 32 : index
        %get3A_764 = tpu.vector_load %arg6[%get3A_762, %get3A_763] {strides = array<i32>} : memref<100x128xf32, #tpu.memory_space<vmem>>, vector<16xf32>,
        %add3A_765 = arith.addf %add3A_755, %get3A_764 : vector<16xf32>
        %get3A_766 = arith.constant 41 : i32
        %get3A_767 = arith.index_cast %get3A_766 : i32 to index
        %get3A_768 = arith.constant 32 : index
        %get3A_769 = tpu.vector_load %arg6[%get3A_767, %get3A_768] {strides = array<i32>} : memref<100x128xf32, #tpu.memory_space<vmem>>, vector<16xf32>,
        %add3A_770 = arith.addf %add3A_760, %get3A_769 : vector<16xf32>
        %get3A_771 = arith.constant 42 : i32
        %get3A_772 = arith.index_cast %get3A_771 : i32 to index
        %get3A_773 = arith.constant 32 : index
        %get3A_774 = tpu.vector_load %arg6[%get3A_772, %get3A_773] {strides = array<i32>} : memref<100x128xf32, #tpu.memory_space<vmem>>, vector<16xf32>,
        %add3A_775 = arith.addf %add3A_765, %get3A_774 : vector<16xf32>
        %get3A_776 = arith.constant 43 : i32
        %get3A_777 = arith.index_cast %get3A_776 : i32 to index
        %get3A_778 = arith.constant 32 : index
        %get3A_779 = tpu.vector_load %arg6[%get3A_777, %get3A_778] {strides = array<i32>} : memref<100x128xf32, #tpu.memory_space<vmem>>, vector<16xf32>,
        %add3A_780 = arith.addf %add3A_770, %get3A_779 : vector<16xf32>
        %get3A_781 = arith.constant 44 : i32
        %get3A_782 = arith.index_cast %get3A_781 : i32 to index
        %get3A_783 = arith.constant 32 : index
        %get3A_784 = tpu.vector_load %arg6[%get3A_782, %get3A_783] {strides = array<i32>} : memref<100x128xf32, #tpu.memory_space<vmem>>, vector<16xf32>,
        %add3A_785 = arith.addf %add3A_775, %get3A_784 : vector<16xf32>
        %get3A_786 = arith.constant 45 : i32
        %get3A_787 = arith.index_cast %get3A_786 : i32 to index
        %get3A_788 = arith.constant 32 : index
        %get3A_789 = tpu.vector_load %arg6[%get3A_787, %get3A_788] {strides = array<i32>} : memref<100x128xf32, #tpu.memory_space<vmem>>, vector<16xf32>,
        %add3A_790 = arith.addf %add3A_780, %get3A_789 : vector<16xf32>
        %get3A_791 = arith.constant 46 : i32
        %get3A_792 = arith.index_cast %get3A_791 : i32 to index
        %get3A_793 = arith.constant 32 : index
        %get3A_794 = tpu.vector_load %arg6[%get3A_792, %get3A_793] {strides = array<i32>} : memref<100x128xf32, #tpu.memory_space<vmem>>, vector<16xf32>,
        %add3A_795 = arith.addf %add3A_785, %get3A_794 : vector<16xf32>
        %get3A_796 = arith.constant 47 : i32
        %get3A_797 = arith.index_cast %get3A_796 : i32 to index
        %get3A_798 = arith.constant 32 : index
        %get3A_799 = tpu.vector_load %arg6[%get3A_797, %get3A_798] {strides = array<i32>} : memref<100x128xf32, #tpu.memory_space<vmem>>, vector<16xf32>,
        %add3A_800 = arith.addf %add3A_790, %get3A_799 : vector<16xf32>
        %get3A_801 = arith.constant 48 : i32
        %get3A_802 = arith.index_cast %get3A_801 : i32 to index
        %get3A_803 = arith.constant 32 : index
        %get3A_804 = tpu.vector_load %arg6[%get3A_802, %get3A_803] {strides = array<i32>} : memref<100x128xf32, #tpu.memory_space<vmem>>, vector<16xf32>,
        %add3A_805 = arith.addf %add3A_795, %get3A_804 : vector<16xf32>
        %get3A_806 = arith.constant 49 : i32
        %get3A_807 = arith.index_cast %get3A_806 : i32 to index
        %get3A_808 = arith.constant 32 : index
        %get3A_809 = tpu.vector_load %arg6[%get3A_807, %get3A_808] {strides = array<i32>} : memref<100x128xf32, #tpu.memory_space<vmem>>, vector<16xf32>,
        %add3A_810 = arith.addf %add3A_800, %get3A_809 : vector<16xf32>
        %add3A_811 = arith.addf %add3A_805, %add3A_810 : vector<16xf32>
        %mul3A_812 = arith.constant 2.000000e-02 : f32
        %mul3A_813 = vector.broadcast %mul3A_812 : f32 to vector<16xf32>
        %mul3A_814 = arith.mulf %add3A_811, %mul3A_813 : vector<16xf32>
        %mul3A_815 = arith.constant 2 : i32
        %mul3A_816 = arith.muli %mul3A_815, %add3A_32 : i32
        %add3A_817 = arith.constant 0 : i32
        %add3A_818 = arith.addi %mul3A_816, %add3A_817 : i32
        %swap3A_819 = arith.index_cast %add3A_818 : i32 to index
        %swap3A_820 = arith.constant 32 : index
        %swap3A_821 = tpu.vector_load %arg8[%swap3A_819, %swap3A_820] {strides = array<i32>} : memref<32x64xf32, #tpu.memory_space<vmem>>, vector<16xf32>,
        tpu.vector_store %arg8[%swap3A_819, %swap3A_820], %mul3A_814 {strides = array<i32>} : memref<32x64xf32, #tpu.memory_space<vmem>>, vector<16xf32>,
        %get3A_822 = arith.constant 0 : i32
        %get3A_823 = arith.index_cast %get3A_822 : i32 to index
        %get3A_824 = arith.constant 48 : index
        %get3A_825 = tpu.vector_load %arg6[%get3A_823, %get3A_824] {strides = array<i32>} : memref<100x128xf32, #tpu.memory_space<vmem>>, vector<16xf32>,
        %get3A_826 = arith.constant 1 : i32
        %get3A_827 = arith.index_cast %get3A_826 : i32 to index
        %get3A_828 = arith.constant 48 : index
        %get3A_829 = tpu.vector_load %arg6[%get3A_827, %get3A_828] {strides = array<i32>} : memref<100x128xf32, #tpu.memory_space<vmem>>, vector<16xf32>,
        %get3A_830 = arith.constant 2 : i32
        %get3A_831 = arith.index_cast %get3A_830 : i32 to index
        %get3A_832 = arith.constant 48 : index
        %get3A_833 = tpu.vector_load %arg6[%get3A_831, %get3A_832] {strides = array<i32>} : memref<100x128xf32, #tpu.memory_space<vmem>>, vector<16xf32>,
        %add3A_834 = arith.addf %get3A_825, %get3A_833 : vector<16xf32>
        %get3A_835 = arith.constant 3 : i32
        %get3A_836 = arith.index_cast %get3A_835 : i32 to index
        %get3A_837 = arith.constant 48 : index
        %get3A_838 = tpu.vector_load %arg6[%get3A_836, %get3A_837] {strides = array<i32>} : memref<100x128xf32, #tpu.memory_space<vmem>>, vector<16xf32>,
        %add3A_839 = arith.addf %get3A_829, %get3A_838 : vector<16xf32>
        %get3A_840 = arith.constant 4 : i32
        %get3A_841 = arith.index_cast %get3A_840 : i32 to index
        %get3A_842 = arith.constant 48 : index
        %get3A_843 = tpu.vector_load %arg6[%get3A_841, %get3A_842] {strides = array<i32>} : memref<100x128xf32, #tpu.memory_space<vmem>>, vector<16xf32>,
        %add3A_844 = arith.addf %add3A_834, %get3A_843 : vector<16xf32>
        %get3A_845 = arith.constant 5 : i32
        %get3A_846 = arith.index_cast %get3A_845 : i32 to index
        %get3A_847 = arith.constant 48 : index
        %get3A_848 = tpu.vector_load %arg6[%get3A_846, %get3A_847] {strides = array<i32>} : memref<100x128xf32, #tpu.memory_space<vmem>>, vector<16xf32>,
        %add3A_849 = arith.addf %add3A_839, %get3A_848 : vector<16xf32>
        %get3A_850 = arith.constant 6 : i32
        %get3A_851 = arith.index_cast %get3A_850 : i32 to index
        %get3A_852 = arith.constant 48 : index
        %get3A_853 = tpu.vector_load %arg6[%get3A_851, %get3A_852] {strides = array<i32>} : memref<100x128xf32, #tpu.memory_space<vmem>>, vector<16xf32>,
        %add3A_854 = arith.addf %add3A_844, %get3A_853 : vector<16xf32>
        %get3A_855 = arith.constant 7 : i32
        %get3A_856 = arith.index_cast %get3A_855 : i32 to index
        %get3A_857 = arith.constant 48 : index
        %get3A_858 = tpu.vector_load %arg6[%get3A_856, %get3A_857] {strides = array<i32>} : memref<100x128xf32, #tpu.memory_space<vmem>>, vector<16xf32>,
        %add3A_859 = arith.addf %add3A_849, %get3A_858 : vector<16xf32>
        %get3A_860 = arith.constant 8 : i32
        %get3A_861 = arith.index_cast %get3A_860 : i32 to index
        %get3A_862 = arith.constant 48 : index
        %get3A_863 = tpu.vector_load %arg6[%get3A_861, %get3A_862] {strides = array<i32>} : memref<100x128xf32, #tpu.memory_space<vmem>>, vector<16xf32>,
        %add3A_864 = arith.addf %add3A_854, %get3A_863 : vector<16xf32>
        %get3A_865 = arith.constant 9 : i32
        %get3A_866 = arith.index_cast %get3A_865 : i32 to index
        %get3A_867 = arith.constant 48 : index
        %get3A_868 = tpu.vector_load %arg6[%get3A_866, %get3A_867] {strides = array<i32>} : memref<100x128xf32, #tpu.memory_space<vmem>>, vector<16xf32>,
        %add3A_869 = arith.addf %add3A_859, %get3A_868 : vector<16xf32>
        %get3A_870 = arith.constant 10 : i32
        %get3A_871 = arith.index_cast %get3A_870 : i32 to index
        %get3A_872 = arith.constant 48 : index
        %get3A_873 = tpu.vector_load %arg6[%get3A_871, %get3A_872] {strides = array<i32>} : memref<100x128xf32, #tpu.memory_space<vmem>>, vector<16xf32>,
        %add3A_874 = arith.addf %add3A_864, %get3A_873 : vector<16xf32>
        %get3A_875 = arith.constant 11 : i32
        %get3A_876 = arith.index_cast %get3A_875 : i32 to index
        %get3A_877 = arith.constant 48 : index
        %get3A_878 = tpu.vector_load %arg6[%get3A_876, %get3A_877] {strides = array<i32>} : memref<100x128xf32, #tpu.memory_space<vmem>>, vector<16xf32>,
        %add3A_879 = arith.addf %add3A_869, %get3A_878 : vector<16xf32>
        %get3A_880 = arith.constant 12 : i32
        %get3A_881 = arith.index_cast %get3A_880 : i32 to index
        %get3A_882 = arith.constant 48 : index
        %get3A_883 = tpu.vector_load %arg6[%get3A_881, %get3A_882] {strides = array<i32>} : memref<100x128xf32, #tpu.memory_space<vmem>>, vector<16xf32>,
        %add3A_884 = arith.addf %add3A_874, %get3A_883 : vector<16xf32>
        %get3A_885 = arith.constant 13 : i32
        %get3A_886 = arith.index_cast %get3A_885 : i32 to index
        %get3A_887 = arith.constant 48 : index
        %get3A_888 = tpu.vector_load %arg6[%get3A_886, %get3A_887] {strides = array<i32>} : memref<100x128xf32, #tpu.memory_space<vmem>>, vector<16xf32>,
        %add3A_889 = arith.addf %add3A_879, %get3A_888 : vector<16xf32>
        %get3A_890 = arith.constant 14 : i32
        %get3A_891 = arith.index_cast %get3A_890 : i32 to index
        %get3A_892 = arith.constant 48 : index
        %get3A_893 = tpu.vector_load %arg6[%get3A_891, %get3A_892] {strides = array<i32>} : memref<100x128xf32, #tpu.memory_space<vmem>>, vector<16xf32>,
        %add3A_894 = arith.addf %add3A_884, %get3A_893 : vector<16xf32>
        %get3A_895 = arith.constant 15 : i32
        %get3A_896 = arith.index_cast %get3A_895 : i32 to index
        %get3A_897 = arith.constant 48 : index
        %get3A_898 = tpu.vector_load %arg6[%get3A_896, %get3A_897] {strides = array<i32>} : memref<100x128xf32, #tpu.memory_space<vmem>>, vector<16xf32>,
        %add3A_899 = arith.addf %add3A_889, %get3A_898 : vector<16xf32>
        %get3A_900 = arith.constant 16 : i32
        %get3A_901 = arith.index_cast %get3A_900 : i32 to index
        %get3A_902 = arith.constant 48 : index
        %get3A_903 = tpu.vector_load %arg6[%get3A_901, %get3A_902] {strides = array<i32>} : memref<100x128xf32, #tpu.memory_space<vmem>>, vector<16xf32>,
        %add3A_904 = arith.addf %add3A_894, %get3A_903 : vector<16xf32>
        %get3A_905 = arith.constant 17 : i32
        %get3A_906 = arith.index_cast %get3A_905 : i32 to index
        %get3A_907 = arith.constant 48 : index
        %get3A_908 = tpu.vector_load %arg6[%get3A_906, %get3A_907] {strides = array<i32>} : memref<100x128xf32, #tpu.memory_space<vmem>>, vector<16xf32>,
        %add3A_909 = arith.addf %add3A_899, %get3A_908 : vector<16xf32>
        %get3A_910 = arith.constant 18 : i32
        %get3A_911 = arith.index_cast %get3A_910 : i32 to index
        %get3A_912 = arith.constant 48 : index
        %get3A_913 = tpu.vector_load %arg6[%get3A_911, %get3A_912] {strides = array<i32>} : memref<100x128xf32, #tpu.memory_space<vmem>>, vector<16xf32>,
        %add3A_914 = arith.addf %add3A_904, %get3A_913 : vector<16xf32>
        %get3A_915 = arith.constant 19 : i32
        %get3A_916 = arith.index_cast %get3A_915 : i32 to index
        %get3A_917 = arith.constant 48 : index
        %get3A_918 = tpu.vector_load %arg6[%get3A_916, %get3A_917] {strides = array<i32>} : memref<100x128xf32, #tpu.memory_space<vmem>>, vector<16xf32>,
        %add3A_919 = arith.addf %add3A_909, %get3A_918 : vector<16xf32>
        %get3A_920 = arith.constant 20 : i32
        %get3A_921 = arith.index_cast %get3A_920 : i32 to index
        %get3A_922 = arith.constant 48 : index
        %get3A_923 = tpu.vector_load %arg6[%get3A_921, %get3A_922] {strides = array<i32>} : memref<100x128xf32, #tpu.memory_space<vmem>>, vector<16xf32>,
        %add3A_924 = arith.addf %add3A_914, %get3A_923 : vector<16xf32>
        %get3A_925 = arith.constant 21 : i32
        %get3A_926 = arith.index_cast %get3A_925 : i32 to index
        %get3A_927 = arith.constant 48 : index
        %get3A_928 = tpu.vector_load %arg6[%get3A_926, %get3A_927] {strides = array<i32>} : memref<100x128xf32, #tpu.memory_space<vmem>>, vector<16xf32>,
        %add3A_929 = arith.addf %add3A_919, %get3A_928 : vector<16xf32>
        %get3A_930 = arith.constant 22 : i32
        %get3A_931 = arith.index_cast %get3A_930 : i32 to index
        %get3A_932 = arith.constant 48 : index
        %get3A_933 = tpu.vector_load %arg6[%get3A_931, %get3A_932] {strides = array<i32>} : memref<100x128xf32, #tpu.memory_space<vmem>>, vector<16xf32>,
        %add3A_934 = arith.addf %add3A_924, %get3A_933 : vector<16xf32>
        %get3A_935 = arith.constant 23 : i32
        %get3A_936 = arith.index_cast %get3A_935 : i32 to index
        %get3A_937 = arith.constant 48 : index
        %get3A_938 = tpu.vector_load %arg6[%get3A_936, %get3A_937] {strides = array<i32>} : memref<100x128xf32, #tpu.memory_space<vmem>>, vector<16xf32>,
        %add3A_939 = arith.addf %add3A_929, %get3A_938 : vector<16xf32>
        %get3A_940 = arith.constant 24 : i32
        %get3A_941 = arith.index_cast %get3A_940 : i32 to index
        %get3A_942 = arith.constant 48 : index
        %get3A_943 = tpu.vector_load %arg6[%get3A_941, %get3A_942] {strides = array<i32>} : memref<100x128xf32, #tpu.memory_space<vmem>>, vector<16xf32>,
        %add3A_944 = arith.addf %add3A_934, %get3A_943 : vector<16xf32>
        %get3A_945 = arith.constant 25 : i32
        %get3A_946 = arith.index_cast %get3A_945 : i32 to index
        %get3A_947 = arith.constant 48 : index
        %get3A_948 = tpu.vector_load %arg6[%get3A_946, %get3A_947] {strides = array<i32>} : memref<100x128xf32, #tpu.memory_space<vmem>>, vector<16xf32>,
        %add3A_949 = arith.addf %add3A_939, %get3A_948 : vector<16xf32>
        %get3A_950 = arith.constant 26 : i32
        %get3A_951 = arith.index_cast %get3A_950 : i32 to index
        %get3A_952 = arith.constant 48 : index
        %get3A_953 = tpu.vector_load %arg6[%get3A_951, %get3A_952] {strides = array<i32>} : memref<100x128xf32, #tpu.memory_space<vmem>>, vector<16xf32>,
        %add3A_954 = arith.addf %add3A_944, %get3A_953 : vector<16xf32>
        %get3A_955 = arith.constant 27 : i32
        %get3A_956 = arith.index_cast %get3A_955 : i32 to index
        %get3A_957 = arith.constant 48 : index
        %get3A_958 = tpu.vector_load %arg6[%get3A_956, %get3A_957] {strides = array<i32>} : memref<100x128xf32, #tpu.memory_space<vmem>>, vector<16xf32>,
        %add3A_959 = arith.addf %add3A_949, %get3A_958 : vector<16xf32>
        %get3A_960 = arith.constant 28 : i32
        %get3A_961 = arith.index_cast %get3A_960 : i32 to index
        %get3A_962 = arith.constant 48 : index
        %get3A_963 = tpu.vector_load %arg6[%get3A_961, %get3A_962] {strides = array<i32>} : memref<100x128xf32, #tpu.memory_space<vmem>>, vector<16xf32>,
        %add3A_964 = arith.addf %add3A_954, %get3A_963 : vector<16xf32>
        %get3A_965 = arith.constant 29 : i32
        %get3A_966 = arith.index_cast %get3A_965 : i32 to index
        %get3A_967 = arith.constant 48 : index
        %get3A_968 = tpu.vector_load %arg6[%get3A_966, %get3A_967] {strides = array<i32>} : memref<100x128xf32, #tpu.memory_space<vmem>>, vector<16xf32>,
        %add3A_969 = arith.addf %add3A_959, %get3A_968 : vector<16xf32>
        %get3A_970 = arith.constant 30 : i32
        %get3A_971 = arith.index_cast %get3A_970 : i32 to index
        %get3A_972 = arith.constant 48 : index
        %get3A_973 = tpu.vector_load %arg6[%get3A_971, %get3A_972] {strides = array<i32>} : memref<100x128xf32, #tpu.memory_space<vmem>>, vector<16xf32>,
        %add3A_974 = arith.addf %add3A_964, %get3A_973 : vector<16xf32>
        %get3A_975 = arith.constant 31 : i32
        %get3A_976 = arith.index_cast %get3A_975 : i32 to index
        %get3A_977 = arith.constant 48 : index
        %get3A_978 = tpu.vector_load %arg6[%get3A_976, %get3A_977] {strides = array<i32>} : memref<100x128xf32, #tpu.memory_space<vmem>>, vector<16xf32>,
        %add3A_979 = arith.addf %add3A_969, %get3A_978 : vector<16xf32>
        %get3A_980 = arith.constant 32 : i32
        %get3A_981 = arith.index_cast %get3A_980 : i32 to index
        %get3A_982 = arith.constant 48 : index
        %get3A_983 = tpu.vector_load %arg6[%get3A_981, %get3A_982] {strides = array<i32>} : memref<100x128xf32, #tpu.memory_space<vmem>>, vector<16xf32>,
        %add3A_984 = arith.addf %add3A_974, %get3A_983 : vector<16xf32>
        %get3A_985 = arith.constant 33 : i32
        %get3A_986 = arith.index_cast %get3A_985 : i32 to index
        %get3A_987 = arith.constant 48 : index
        %get3A_988 = tpu.vector_load %arg6[%get3A_986, %get3A_987] {strides = array<i32>} : memref<100x128xf32, #tpu.memory_space<vmem>>, vector<16xf32>,
        %add3A_989 = arith.addf %add3A_979, %get3A_988 : vector<16xf32>
        %get3A_990 = arith.constant 34 : i32
        %get3A_991 = arith.index_cast %get3A_990 : i32 to index
        %get3A_992 = arith.constant 48 : index
        %get3A_993 = tpu.vector_load %arg6[%get3A_991, %get3A_992] {strides = array<i32>} : memref<100x128xf32, #tpu.memory_space<vmem>>, vector<16xf32>,
        %add3A_994 = arith.addf %add3A_984, %get3A_993 : vector<16xf32>
        %get3A_995 = arith.constant 35 : i32
        %get3A_996 = arith.index_cast %get3A_995 : i32 to index
        %get3A_997 = arith.constant 48 : index
        %get3A_998 = tpu.vector_load %arg6[%get3A_996, %get3A_997] {strides = array<i32>} : memref<100x128xf32, #tpu.memory_space<vmem>>, vector<16xf32>,
        %add3A_999 = arith.addf %add3A_989, %get3A_998 : vector<16xf32>
        %get3A_1000 = arith.constant 36 : i32
        %get3A_1001 = arith.index_cast %get3A_1000 : i32 to index
        %get3A_1002 = arith.constant 48 : index
        %get3A_1003 = tpu.vector_load %arg6[%get3A_1001, %get3A_1002] {strides = array<i32>} : memref<100x128xf32, #tpu.memory_space<vmem>>, vector<16xf32>,
        %add3A_1004 = arith.addf %add3A_994, %get3A_1003 : vector<16xf32>
        %get3A_1005 = arith.constant 37 : i32
        %get3A_1006 = arith.index_cast %get3A_1005 : i32 to index
        %get3A_1007 = arith.constant 48 : index
        %get3A_1008 = tpu.vector_load %arg6[%get3A_1006, %get3A_1007] {strides = array<i32>} : memref<100x128xf32, #tpu.memory_space<vmem>>, vector<16xf32>,
        %add3A_1009 = arith.addf %add3A_999, %get3A_1008 : vector<16xf32>
        %get3A_1010 = arith.constant 38 : i32
        %get3A_1011 = arith.index_cast %get3A_1010 : i32 to index
        %get3A_1012 = arith.constant 48 : index
        %get3A_1013 = tpu.vector_load %arg6[%get3A_1011, %get3A_1012] {strides = array<i32>} : memref<100x128xf32, #tpu.memory_space<vmem>>, vector<16xf32>,
        %add3A_1014 = arith.addf %add3A_1004, %get3A_1013 : vector<16xf32>
        %get3A_1015 = arith.constant 39 : i32
        %get3A_1016 = arith.index_cast %get3A_1015 : i32 to index
        %get3A_1017 = arith.constant 48 : index
        %get3A_1018 = tpu.vector_load %arg6[%get3A_1016, %get3A_1017] {strides = array<i32>} : memref<100x128xf32, #tpu.memory_space<vmem>>, vector<16xf32>,
        %add3A_1019 = arith.addf %add3A_1009, %get3A_1018 : vector<16xf32>
        %get3A_1020 = arith.constant 40 : i32
        %get3A_1021 = arith.index_cast %get3A_1020 : i32 to index
        %get3A_1022 = arith.constant 48 : index
        %get3A_1023 = tpu.vector_load %arg6[%get3A_1021, %get3A_1022] {strides = array<i32>} : memref<100x128xf32, #tpu.memory_space<vmem>>, vector<16xf32>,
        %add3A_1024 = arith.addf %add3A_1014, %get3A_1023 : vector<16xf32>
        %get3A_1025 = arith.constant 41 : i32
        %get3A_1026 = arith.index_cast %get3A_1025 : i32 to index
        %get3A_1027 = arith.constant 48 : index
        %get3A_1028 = tpu.vector_load %arg6[%get3A_1026, %get3A_1027] {strides = array<i32>} : memref<100x128xf32, #tpu.memory_space<vmem>>, vector<16xf32>,
        %add3A_1029 = arith.addf %add3A_1019, %get3A_1028 : vector<16xf32>
        %get3A_1030 = arith.constant 42 : i32
        %get3A_1031 = arith.index_cast %get3A_1030 : i32 to index
        %get3A_1032 = arith.constant 48 : index
        %get3A_1033 = tpu.vector_load %arg6[%get3A_1031, %get3A_1032] {strides = array<i32>} : memref<100x128xf32, #tpu.memory_space<vmem>>, vector<16xf32>,
        %add3A_1034 = arith.addf %add3A_1024, %get3A_1033 : vector<16xf32>
        %get3A_1035 = arith.constant 43 : i32
        %get3A_1036 = arith.index_cast %get3A_1035 : i32 to index
        %get3A_1037 = arith.constant 48 : index
        %get3A_1038 = tpu.vector_load %arg6[%get3A_1036, %get3A_1037] {strides = array<i32>} : memref<100x128xf32, #tpu.memory_space<vmem>>, vector<16xf32>,
        %add3A_1039 = arith.addf %add3A_1029, %get3A_1038 : vector<16xf32>
        %get3A_1040 = arith.constant 44 : i32
        %get3A_1041 = arith.index_cast %get3A_1040 : i32 to index
        %get3A_1042 = arith.constant 48 : index
        %get3A_1043 = tpu.vector_load %arg6[%get3A_1041, %get3A_1042] {strides = array<i32>} : memref<100x128xf32, #tpu.memory_space<vmem>>, vector<16xf32>,
        %add3A_1044 = arith.addf %add3A_1034, %get3A_1043 : vector<16xf32>
        %get3A_1045 = arith.constant 45 : i32
        %get3A_1046 = arith.index_cast %get3A_1045 : i32 to index
        %get3A_1047 = arith.constant 48 : index
        %get3A_1048 = tpu.vector_load %arg6[%get3A_1046, %get3A_1047] {strides = array<i32>} : memref<100x128xf32, #tpu.memory_space<vmem>>, vector<16xf32>,
        %add3A_1049 = arith.addf %add3A_1039, %get3A_1048 : vector<16xf32>
        %get3A_1050 = arith.constant 46 : i32
        %get3A_1051 = arith.index_cast %get3A_1050 : i32 to index
        %get3A_1052 = arith.constant 48 : index
        %get3A_1053 = tpu.vector_load %arg6[%get3A_1051, %get3A_1052] {strides = array<i32>} : memref<100x128xf32, #tpu.memory_space<vmem>>, vector<16xf32>,
        %add3A_1054 = arith.addf %add3A_1044, %get3A_1053 : vector<16xf32>
        %get3A_1055 = arith.constant 47 : i32
        %get3A_1056 = arith.index_cast %get3A_1055 : i32 to index
        %get3A_1057 = arith.constant 48 : index
        %get3A_1058 = tpu.vector_load %arg6[%get3A_1056, %get3A_1057] {strides = array<i32>} : memref<100x128xf32, #tpu.memory_space<vmem>>, vector<16xf32>,
        %add3A_1059 = arith.addf %add3A_1049, %get3A_1058 : vector<16xf32>
        %get3A_1060 = arith.constant 48 : i32
        %get3A_1061 = arith.index_cast %get3A_1060 : i32 to index
        %get3A_1062 = arith.constant 48 : index
        %get3A_1063 = tpu.vector_load %arg6[%get3A_1061, %get3A_1062] {strides = array<i32>} : memref<100x128xf32, #tpu.memory_space<vmem>>, vector<16xf32>,
        %add3A_1064 = arith.addf %add3A_1054, %get3A_1063 : vector<16xf32>
        %get3A_1065 = arith.constant 49 : i32
        %get3A_1066 = arith.index_cast %get3A_1065 : i32 to index
        %get3A_1067 = arith.constant 48 : index
        %get3A_1068 = tpu.vector_load %arg6[%get3A_1066, %get3A_1067] {strides = array<i32>} : memref<100x128xf32, #tpu.memory_space<vmem>>, vector<16xf32>,
        %add3A_1069 = arith.addf %add3A_1059, %get3A_1068 : vector<16xf32>
        %add3A_1070 = arith.addf %add3A_1064, %add3A_1069 : vector<16xf32>
        %mul3A_1071 = arith.constant 2.000000e-02 : f32
        %mul3A_1072 = vector.broadcast %mul3A_1071 : f32 to vector<16xf32>
        %mul3A_1073 = arith.mulf %add3A_1070, %mul3A_1072 : vector<16xf32>
        %mul3A_1074 = arith.constant 2 : i32
        %mul3A_1075 = arith.muli %mul3A_1074, %add3A_32 : i32
        %add3A_1076 = arith.constant 0 : i32
        %add3A_1077 = arith.addi %mul3A_1075, %add3A_1076 : i32
        %swap3A_1078 = arith.index_cast %add3A_1077 : i32 to index
        %swap3A_1079 = arith.constant 48 : index
        %swap3A_1080 = tpu.vector_load %arg8[%swap3A_1078, %swap3A_1079] {strides = array<i32>} : memref<32x64xf32, #tpu.memory_space<vmem>>, vector<16xf32>,
        tpu.vector_store %arg8[%swap3A_1078, %swap3A_1079], %mul3A_1073 {strides = array<i32>} : memref<32x64xf32, #tpu.memory_space<vmem>>, vector<16xf32>,
        %get3A_1081 = arith.constant 50 : i32
        %get3A_1082 = arith.index_cast %get3A_1081 : i32 to index
        %get3A_1083 = arith.constant 0 : index
        %get3A_1084 = tpu.vector_load %arg6[%get3A_1082, %get3A_1083] {strides = array<i32>} : memref<100x128xf32, #tpu.memory_space<vmem>>, vector<16xf32>,
        %get3A_1085 = arith.constant 51 : i32
        %get3A_1086 = arith.index_cast %get3A_1085 : i32 to index
        %get3A_1087 = arith.constant 0 : index
        %get3A_1088 = tpu.vector_load %arg6[%get3A_1086, %get3A_1087] {strides = array<i32>} : memref<100x128xf32, #tpu.memory_space<vmem>>, vector<16xf32>,
        %get3A_1089 = arith.constant 52 : i32
        %get3A_1090 = arith.index_cast %get3A_1089 : i32 to index
        %get3A_1091 = arith.constant 0 : index
        %get3A_1092 = tpu.vector_load %arg6[%get3A_1090, %get3A_1091] {strides = array<i32>} : memref<100x128xf32, #tpu.memory_space<vmem>>, vector<16xf32>,
        %add3A_1093 = arith.addf %get3A_1084, %get3A_1092 : vector<16xf32>
        %get3A_1094 = arith.constant 53 : i32
        %get3A_1095 = arith.index_cast %get3A_1094 : i32 to index
        %get3A_1096 = arith.constant 0 : index
        %get3A_1097 = tpu.vector_load %arg6[%get3A_1095, %get3A_1096] {strides = array<i32>} : memref<100x128xf32, #tpu.memory_space<vmem>>, vector<16xf32>,
        %add3A_1098 = arith.addf %get3A_1088, %get3A_1097 : vector<16xf32>
        %get3A_1099 = arith.constant 54 : i32
        %get3A_1100 = arith.index_cast %get3A_1099 : i32 to index
        %get3A_1101 = arith.constant 0 : index
        %get3A_1102 = tpu.vector_load %arg6[%get3A_1100, %get3A_1101] {strides = array<i32>} : memref<100x128xf32, #tpu.memory_space<vmem>>, vector<16xf32>,
        %add3A_1103 = arith.addf %add3A_1093, %get3A_1102 : vector<16xf32>
        %get3A_1104 = arith.constant 55 : i32
        %get3A_1105 = arith.index_cast %get3A_1104 : i32 to index
        %get3A_1106 = arith.constant 0 : index
        %get3A_1107 = tpu.vector_load %arg6[%get3A_1105, %get3A_1106] {strides = array<i32>} : memref<100x128xf32, #tpu.memory_space<vmem>>, vector<16xf32>,
        %add3A_1108 = arith.addf %add3A_1098, %get3A_1107 : vector<16xf32>
        %get3A_1109 = arith.constant 56 : i32
        %get3A_1110 = arith.index_cast %get3A_1109 : i32 to index
        %get3A_1111 = arith.constant 0 : index
        %get3A_1112 = tpu.vector_load %arg6[%get3A_1110, %get3A_1111] {strides = array<i32>} : memref<100x128xf32, #tpu.memory_space<vmem>>, vector<16xf32>,
        %add3A_1113 = arith.addf %add3A_1103, %get3A_1112 : vector<16xf32>
        %get3A_1114 = arith.constant 57 : i32
        %get3A_1115 = arith.index_cast %get3A_1114 : i32 to index
        %get3A_1116 = arith.constant 0 : index
        %get3A_1117 = tpu.vector_load %arg6[%get3A_1115, %get3A_1116] {strides = array<i32>} : memref<100x128xf32, #tpu.memory_space<vmem>>, vector<16xf32>,
        %add3A_1118 = arith.addf %add3A_1108, %get3A_1117 : vector<16xf32>
        %get3A_1119 = arith.constant 58 : i32
        %get3A_1120 = arith.index_cast %get3A_1119 : i32 to index
        %get3A_1121 = arith.constant 0 : index
        %get3A_1122 = tpu.vector_load %arg6[%get3A_1120, %get3A_1121] {strides = array<i32>} : memref<100x128xf32, #tpu.memory_space<vmem>>, vector<16xf32>,
        %add3A_1123 = arith.addf %add3A_1113, %get3A_1122 : vector<16xf32>
        %get3A_1124 = arith.constant 59 : i32
        %get3A_1125 = arith.index_cast %get3A_1124 : i32 to index
        %get3A_1126 = arith.constant 0 : index
        %get3A_1127 = tpu.vector_load %arg6[%get3A_1125, %get3A_1126] {strides = array<i32>} : memref<100x128xf32, #tpu.memory_space<vmem>>, vector<16xf32>,
        %add3A_1128 = arith.addf %add3A_1118, %get3A_1127 : vector<16xf32>
        %get3A_1129 = arith.constant 60 : i32
        %get3A_1130 = arith.index_cast %get3A_1129 : i32 to index
        %get3A_1131 = arith.constant 0 : index
        %get3A_1132 = tpu.vector_load %arg6[%get3A_1130, %get3A_1131] {strides = array<i32>} : memref<100x128xf32, #tpu.memory_space<vmem>>, vector<16xf32>,
        %add3A_1133 = arith.addf %add3A_1123, %get3A_1132 : vector<16xf32>
        %get3A_1134 = arith.constant 61 : i32
        %get3A_1135 = arith.index_cast %get3A_1134 : i32 to index
        %get3A_1136 = arith.constant 0 : index
        %get3A_1137 = tpu.vector_load %arg6[%get3A_1135, %get3A_1136] {strides = array<i32>} : memref<100x128xf32, #tpu.memory_space<vmem>>, vector<16xf32>,
        %add3A_1138 = arith.addf %add3A_1128, %get3A_1137 : vector<16xf32>
        %get3A_1139 = arith.constant 62 : i32
        %get3A_1140 = arith.index_cast %get3A_1139 : i32 to index
        %get3A_1141 = arith.constant 0 : index
        %get3A_1142 = tpu.vector_load %arg6[%get3A_1140, %get3A_1141] {strides = array<i32>} : memref<100x128xf32, #tpu.memory_space<vmem>>, vector<16xf32>,
        %add3A_1143 = arith.addf %add3A_1133, %get3A_1142 : vector<16xf32>
        %get3A_1144 = arith.constant 63 : i32
        %get3A_1145 = arith.index_cast %get3A_1144 : i32 to index
        %get3A_1146 = arith.constant 0 : index
        %get3A_1147 = tpu.vector_load %arg6[%get3A_1145, %get3A_1146] {strides = array<i32>} : memref<100x128xf32, #tpu.memory_space<vmem>>, vector<16xf32>,
        %add3A_1148 = arith.addf %add3A_1138, %get3A_1147 : vector<16xf32>
        %get3A_1149 = arith.constant 64 : i32
        %get3A_1150 = arith.index_cast %get3A_1149 : i32 to index
        %get3A_1151 = arith.constant 0 : index
        %get3A_1152 = tpu.vector_load %arg6[%get3A_1150, %get3A_1151] {strides = array<i32>} : memref<100x128xf32, #tpu.memory_space<vmem>>, vector<16xf32>,
        %add3A_1153 = arith.addf %add3A_1143, %get3A_1152 : vector<16xf32>
        %get3A_1154 = arith.constant 65 : i32
        %get3A_1155 = arith.index_cast %get3A_1154 : i32 to index
        %get3A_1156 = arith.constant 0 : index
        %get3A_1157 = tpu.vector_load %arg6[%get3A_1155, %get3A_1156] {strides = array<i32>} : memref<100x128xf32, #tpu.memory_space<vmem>>, vector<16xf32>,
        %add3A_1158 = arith.addf %add3A_1148, %get3A_1157 : vector<16xf32>
        %get3A_1159 = arith.constant 66 : i32
        %get3A_1160 = arith.index_cast %get3A_1159 : i32 to index
        %get3A_1161 = arith.constant 0 : index
        %get3A_1162 = tpu.vector_load %arg6[%get3A_1160, %get3A_1161] {strides = array<i32>} : memref<100x128xf32, #tpu.memory_space<vmem>>, vector<16xf32>,
        %add3A_1163 = arith.addf %add3A_1153, %get3A_1162 : vector<16xf32>
        %get3A_1164 = arith.constant 67 : i32
        %get3A_1165 = arith.index_cast %get3A_1164 : i32 to index
        %get3A_1166 = arith.constant 0 : index
        %get3A_1167 = tpu.vector_load %arg6[%get3A_1165, %get3A_1166] {strides = array<i32>} : memref<100x128xf32, #tpu.memory_space<vmem>>, vector<16xf32>,
        %add3A_1168 = arith.addf %add3A_1158, %get3A_1167 : vector<16xf32>
        %get3A_1169 = arith.constant 68 : i32
        %get3A_1170 = arith.index_cast %get3A_1169 : i32 to index
        %get3A_1171 = arith.constant 0 : index
        %get3A_1172 = tpu.vector_load %arg6[%get3A_1170, %get3A_1171] {strides = array<i32>} : memref<100x128xf32, #tpu.memory_space<vmem>>, vector<16xf32>,
        %add3A_1173 = arith.addf %add3A_1163, %get3A_1172 : vector<16xf32>
        %get3A_1174 = arith.constant 69 : i32
        %get3A_1175 = arith.index_cast %get3A_1174 : i32 to index
        %get3A_1176 = arith.constant 0 : index
        %get3A_1177 = tpu.vector_load %arg6[%get3A_1175, %get3A_1176] {strides = array<i32>} : memref<100x128xf32, #tpu.memory_space<vmem>>, vector<16xf32>,
        %add3A_1178 = arith.addf %add3A_1168, %get3A_1177 : vector<16xf32>
        %get3A_1179 = arith.constant 70 : i32
        %get3A_1180 = arith.index_cast %get3A_1179 : i32 to index
        %get3A_1181 = arith.constant 0 : index
        %get3A_1182 = tpu.vector_load %arg6[%get3A_1180, %get3A_1181] {strides = array<i32>} : memref<100x128xf32, #tpu.memory_space<vmem>>, vector<16xf32>,
        %add3A_1183 = arith.addf %add3A_1173, %get3A_1182 : vector<16xf32>
        %get3A_1184 = arith.constant 71 : i32
        %get3A_1185 = arith.index_cast %get3A_1184 : i32 to index
        %get3A_1186 = arith.constant 0 : index
        %get3A_1187 = tpu.vector_load %arg6[%get3A_1185, %get3A_1186] {strides = array<i32>} : memref<100x128xf32, #tpu.memory_space<vmem>>, vector<16xf32>,
        %add3A_1188 = arith.addf %add3A_1178, %get3A_1187 : vector<16xf32>
        %get3A_1189 = arith.constant 72 : i32
        %get3A_1190 = arith.index_cast %get3A_1189 : i32 to index
        %get3A_1191 = arith.constant 0 : index
        %get3A_1192 = tpu.vector_load %arg6[%get3A_1190, %get3A_1191] {strides = array<i32>} : memref<100x128xf32, #tpu.memory_space<vmem>>, vector<16xf32>,
        %add3A_1193 = arith.addf %add3A_1183, %get3A_1192 : vector<16xf32>
        %get3A_1194 = arith.constant 73 : i32
        %get3A_1195 = arith.index_cast %get3A_1194 : i32 to index
        %get3A_1196 = arith.constant 0 : index
        %get3A_1197 = tpu.vector_load %arg6[%get3A_1195, %get3A_1196] {strides = array<i32>} : memref<100x128xf32, #tpu.memory_space<vmem>>, vector<16xf32>,
        %add3A_1198 = arith.addf %add3A_1188, %get3A_1197 : vector<16xf32>
        %get3A_1199 = arith.constant 74 : i32
        %get3A_1200 = arith.index_cast %get3A_1199 : i32 to index
        %get3A_1201 = arith.constant 0 : index
        %get3A_1202 = tpu.vector_load %arg6[%get3A_1200, %get3A_1201] {strides = array<i32>} : memref<100x128xf32, #tpu.memory_space<vmem>>, vector<16xf32>,
        %add3A_1203 = arith.addf %add3A_1193, %get3A_1202 : vector<16xf32>
        %get3A_1204 = arith.constant 75 : i32
        %get3A_1205 = arith.index_cast %get3A_1204 : i32 to index
        %get3A_1206 = arith.constant 0 : index
        %get3A_1207 = tpu.vector_load %arg6[%get3A_1205, %get3A_1206] {strides = array<i32>} : memref<100x128xf32, #tpu.memory_space<vmem>>, vector<16xf32>,
        %add3A_1208 = arith.addf %add3A_1198, %get3A_1207 : vector<16xf32>
        %get3A_1209 = arith.constant 76 : i32
        %get3A_1210 = arith.index_cast %get3A_1209 : i32 to index
        %get3A_1211 = arith.constant 0 : index
        %get3A_1212 = tpu.vector_load %arg6[%get3A_1210, %get3A_1211] {strides = array<i32>} : memref<100x128xf32, #tpu.memory_space<vmem>>, vector<16xf32>,
        %add3A_1213 = arith.addf %add3A_1203, %get3A_1212 : vector<16xf32>
        %get3A_1214 = arith.constant 77 : i32
        %get3A_1215 = arith.index_cast %get3A_1214 : i32 to index
        %get3A_1216 = arith.constant 0 : index
        %get3A_1217 = tpu.vector_load %arg6[%get3A_1215, %get3A_1216] {strides = array<i32>} : memref<100x128xf32, #tpu.memory_space<vmem>>, vector<16xf32>,
        %add3A_1218 = arith.addf %add3A_1208, %get3A_1217 : vector<16xf32>
        %get3A_1219 = arith.constant 78 : i32
        %get3A_1220 = arith.index_cast %get3A_1219 : i32 to index
        %get3A_1221 = arith.constant 0 : index
        %get3A_1222 = tpu.vector_load %arg6[%get3A_1220, %get3A_1221] {strides = array<i32>} : memref<100x128xf32, #tpu.memory_space<vmem>>, vector<16xf32>,
        %add3A_1223 = arith.addf %add3A_1213, %get3A_1222 : vector<16xf32>
        %get3A_1224 = arith.constant 79 : i32
        %get3A_1225 = arith.index_cast %get3A_1224 : i32 to index
        %get3A_1226 = arith.constant 0 : index
        %get3A_1227 = tpu.vector_load %arg6[%get3A_1225, %get3A_1226] {strides = array<i32>} : memref<100x128xf32, #tpu.memory_space<vmem>>, vector<16xf32>,
        %add3A_1228 = arith.addf %add3A_1218, %get3A_1227 : vector<16xf32>
        %get3A_1229 = arith.constant 80 : i32
        %get3A_1230 = arith.index_cast %get3A_1229 : i32 to index
        %get3A_1231 = arith.constant 0 : index
        %get3A_1232 = tpu.vector_load %arg6[%get3A_1230, %get3A_1231] {strides = array<i32>} : memref<100x128xf32, #tpu.memory_space<vmem>>, vector<16xf32>,
        %add3A_1233 = arith.addf %add3A_1223, %get3A_1232 : vector<16xf32>
        %get3A_1234 = arith.constant 81 : i32
        %get3A_1235 = arith.index_cast %get3A_1234 : i32 to index
        %get3A_1236 = arith.constant 0 : index
        %get3A_1237 = tpu.vector_load %arg6[%get3A_1235, %get3A_1236] {strides = array<i32>} : memref<100x128xf32, #tpu.memory_space<vmem>>, vector<16xf32>,
        %add3A_1238 = arith.addf %add3A_1228, %get3A_1237 : vector<16xf32>
        %get3A_1239 = arith.constant 82 : i32
        %get3A_1240 = arith.index_cast %get3A_1239 : i32 to index
        %get3A_1241 = arith.constant 0 : index
        %get3A_1242 = tpu.vector_load %arg6[%get3A_1240, %get3A_1241] {strides = array<i32>} : memref<100x128xf32, #tpu.memory_space<vmem>>, vector<16xf32>,
        %add3A_1243 = arith.addf %add3A_1233, %get3A_1242 : vector<16xf32>
        %get3A_1244 = arith.constant 83 : i32
        %get3A_1245 = arith.index_cast %get3A_1244 : i32 to index
        %get3A_1246 = arith.constant 0 : index
        %get3A_1247 = tpu.vector_load %arg6[%get3A_1245, %get3A_1246] {strides = array<i32>} : memref<100x128xf32, #tpu.memory_space<vmem>>, vector<16xf32>,
        %add3A_1248 = arith.addf %add3A_1238, %get3A_1247 : vector<16xf32>
        %get3A_1249 = arith.constant 84 : i32
        %get3A_1250 = arith.index_cast %get3A_1249 : i32 to index
        %get3A_1251 = arith.constant 0 : index
        %get3A_1252 = tpu.vector_load %arg6[%get3A_1250, %get3A_1251] {strides = array<i32>} : memref<100x128xf32, #tpu.memory_space<vmem>>, vector<16xf32>,
        %add3A_1253 = arith.addf %add3A_1243, %get3A_1252 : vector<16xf32>
        %get3A_1254 = arith.constant 85 : i32
        %get3A_1255 = arith.index_cast %get3A_1254 : i32 to index
        %get3A_1256 = arith.constant 0 : index
        %get3A_1257 = tpu.vector_load %arg6[%get3A_1255, %get3A_1256] {strides = array<i32>} : memref<100x128xf32, #tpu.memory_space<vmem>>, vector<16xf32>,
        %add3A_1258 = arith.addf %add3A_1248, %get3A_1257 : vector<16xf32>
        %get3A_1259 = arith.constant 86 : i32
        %get3A_1260 = arith.index_cast %get3A_1259 : i32 to index
        %get3A_1261 = arith.constant 0 : index
        %get3A_1262 = tpu.vector_load %arg6[%get3A_1260, %get3A_1261] {strides = array<i32>} : memref<100x128xf32, #tpu.memory_space<vmem>>, vector<16xf32>,
        %add3A_1263 = arith.addf %add3A_1253, %get3A_1262 : vector<16xf32>
        %get3A_1264 = arith.constant 87 : i32
        %get3A_1265 = arith.index_cast %get3A_1264 : i32 to index
        %get3A_1266 = arith.constant 0 : index
        %get3A_1267 = tpu.vector_load %arg6[%get3A_1265, %get3A_1266] {strides = array<i32>} : memref<100x128xf32, #tpu.memory_space<vmem>>, vector<16xf32>,
        %add3A_1268 = arith.addf %add3A_1258, %get3A_1267 : vector<16xf32>
        %get3A_1269 = arith.constant 88 : i32
        %get3A_1270 = arith.index_cast %get3A_1269 : i32 to index
        %get3A_1271 = arith.constant 0 : index
        %get3A_1272 = tpu.vector_load %arg6[%get3A_1270, %get3A_1271] {strides = array<i32>} : memref<100x128xf32, #tpu.memory_space<vmem>>, vector<16xf32>,
        %add3A_1273 = arith.addf %add3A_1263, %get3A_1272 : vector<16xf32>
        %get3A_1274 = arith.constant 89 : i32
        %get3A_1275 = arith.index_cast %get3A_1274 : i32 to index
        %get3A_1276 = arith.constant 0 : index
        %get3A_1277 = tpu.vector_load %arg6[%get3A_1275, %get3A_1276] {strides = array<i32>} : memref<100x128xf32, #tpu.memory_space<vmem>>, vector<16xf32>,
        %add3A_1278 = arith.addf %add3A_1268, %get3A_1277 : vector<16xf32>
        %get3A_1279 = arith.constant 90 : i32
        %get3A_1280 = arith.index_cast %get3A_1279 : i32 to index
        %get3A_1281 = arith.constant 0 : index
        %get3A_1282 = tpu.vector_load %arg6[%get3A_1280, %get3A_1281] {strides = array<i32>} : memref<100x128xf32, #tpu.memory_space<vmem>>, vector<16xf32>,
        %add3A_1283 = arith.addf %add3A_1273, %get3A_1282 : vector<16xf32>
        %get3A_1284 = arith.constant 91 : i32
        %get3A_1285 = arith.index_cast %get3A_1284 : i32 to index
        %get3A_1286 = arith.constant 0 : index
        %get3A_1287 = tpu.vector_load %arg6[%get3A_1285, %get3A_1286] {strides = array<i32>} : memref<100x128xf32, #tpu.memory_space<vmem>>, vector<16xf32>,
        %add3A_1288 = arith.addf %add3A_1278, %get3A_1287 : vector<16xf32>
        %get3A_1289 = arith.constant 92 : i32
        %get3A_1290 = arith.index_cast %get3A_1289 : i32 to index
        %get3A_1291 = arith.constant 0 : index
        %get3A_1292 = tpu.vector_load %arg6[%get3A_1290, %get3A_1291] {strides = array<i32>} : memref<100x128xf32, #tpu.memory_space<vmem>>, vector<16xf32>,
        %add3A_1293 = arith.addf %add3A_1283, %get3A_1292 : vector<16xf32>
        %get3A_1294 = arith.constant 93 : i32
        %get3A_1295 = arith.index_cast %get3A_1294 : i32 to index
        %get3A_1296 = arith.constant 0 : index
        %get3A_1297 = tpu.vector_load %arg6[%get3A_1295, %get3A_1296] {strides = array<i32>} : memref<100x128xf32, #tpu.memory_space<vmem>>, vector<16xf32>,
        %add3A_1298 = arith.addf %add3A_1288, %get3A_1297 : vector<16xf32>
        %get3A_1299 = arith.constant 94 : i32
        %get3A_1300 = arith.index_cast %get3A_1299 : i32 to index
        %get3A_1301 = arith.constant 0 : index
        %get3A_1302 = tpu.vector_load %arg6[%get3A_1300, %get3A_1301] {strides = array<i32>} : memref<100x128xf32, #tpu.memory_space<vmem>>, vector<16xf32>,
        %add3A_1303 = arith.addf %add3A_1293, %get3A_1302 : vector<16xf32>
        %get3A_1304 = arith.constant 95 : i32
        %get3A_1305 = arith.index_cast %get3A_1304 : i32 to index
        %get3A_1306 = arith.constant 0 : index
        %get3A_1307 = tpu.vector_load %arg6[%get3A_1305, %get3A_1306] {strides = array<i32>} : memref<100x128xf32, #tpu.memory_space<vmem>>, vector<16xf32>,
        %add3A_1308 = arith.addf %add3A_1298, %get3A_1307 : vector<16xf32>
        %get3A_1309 = arith.constant 96 : i32
        %get3A_1310 = arith.index_cast %get3A_1309 : i32 to index
        %get3A_1311 = arith.constant 0 : index
        %get3A_1312 = tpu.vector_load %arg6[%get3A_1310, %get3A_1311] {strides = array<i32>} : memref<100x128xf32, #tpu.memory_space<vmem>>, vector<16xf32>,
        %add3A_1313 = arith.addf %add3A_1303, %get3A_1312 : vector<16xf32>
        %get3A_1314 = arith.constant 97 : i32
        %get3A_1315 = arith.index_cast %get3A_1314 : i32 to index
        %get3A_1316 = arith.constant 0 : index
        %get3A_1317 = tpu.vector_load %arg6[%get3A_1315, %get3A_1316] {strides = array<i32>} : memref<100x128xf32, #tpu.memory_space<vmem>>, vector<16xf32>,
        %add3A_1318 = arith.addf %add3A_1308, %get3A_1317 : vector<16xf32>
        %get3A_1319 = arith.constant 98 : i32
        %get3A_1320 = arith.index_cast %get3A_1319 : i32 to index
        %get3A_1321 = arith.constant 0 : index
        %get3A_1322 = tpu.vector_load %arg6[%get3A_1320, %get3A_1321] {strides = array<i32>} : memref<100x128xf32, #tpu.memory_space<vmem>>, vector<16xf32>,
        %add3A_1323 = arith.addf %add3A_1313, %get3A_1322 : vector<16xf32>
        %get3A_1324 = arith.constant 99 : i32
        %get3A_1325 = arith.index_cast %get3A_1324 : i32 to index
        %get3A_1326 = arith.constant 0 : index
        %get3A_1327 = tpu.vector_load %arg6[%get3A_1325, %get3A_1326] {strides = array<i32>} : memref<100x128xf32, #tpu.memory_space<vmem>>, vector<16xf32>,
        %add3A_1328 = arith.addf %add3A_1318, %get3A_1327 : vector<16xf32>
        %add3A_1329 = arith.addf %add3A_1323, %add3A_1328 : vector<16xf32>
        %mul3A_1330 = arith.constant 2.000000e-02 : f32
        %mul3A_1331 = vector.broadcast %mul3A_1330 : f32 to vector<16xf32>
        %mul3A_1332 = arith.mulf %add3A_1329, %mul3A_1331 : vector<16xf32>
        %mul3A_1333 = arith.constant 2 : i32
        %mul3A_1334 = arith.muli %mul3A_1333, %add3A_32 : i32
        %add3A_1335 = arith.constant 1 : i32
        %add3A_1336 = arith.addi %mul3A_1334, %add3A_1335 : i32
        %swap3A_1337 = arith.index_cast %add3A_1336 : i32 to index
        %swap3A_1338 = arith.constant 0 : index
        %swap3A_1339 = tpu.vector_load %arg8[%swap3A_1337, %swap3A_1338] {strides = array<i32>} : memref<32x64xf32, #tpu.memory_space<vmem>>, vector<16xf32>,
        tpu.vector_store %arg8[%swap3A_1337, %swap3A_1338], %mul3A_1332 {strides = array<i32>} : memref<32x64xf32, #tpu.memory_space<vmem>>, vector<16xf32>,
        %get3A_1340 = arith.constant 50 : i32
        %get3A_1341 = arith.index_cast %get3A_1340 : i32 to index
        %get3A_1342 = arith.constant 16 : index
        %get3A_1343 = tpu.vector_load %arg6[%get3A_1341, %get3A_1342] {strides = array<i32>} : memref<100x128xf32, #tpu.memory_space<vmem>>, vector<16xf32>,
        %get3A_1344 = arith.constant 51 : i32
        %get3A_1345 = arith.index_cast %get3A_1344 : i32 to index
        %get3A_1346 = arith.constant 16 : index
        %get3A_1347 = tpu.vector_load %arg6[%get3A_1345, %get3A_1346] {strides = array<i32>} : memref<100x128xf32, #tpu.memory_space<vmem>>, vector<16xf32>,
        %get3A_1348 = arith.constant 52 : i32
        %get3A_1349 = arith.index_cast %get3A_1348 : i32 to index
        %get3A_1350 = arith.constant 16 : index
        %get3A_1351 = tpu.vector_load %arg6[%get3A_1349, %get3A_1350] {strides = array<i32>} : memref<100x128xf32, #tpu.memory_space<vmem>>, vector<16xf32>,
        %add3A_1352 = arith.addf %get3A_1343, %get3A_1351 : vector<16xf32>
        %get3A_1353 = arith.constant 53 : i32
        %get3A_1354 = arith.index_cast %get3A_1353 : i32 to index
        %get3A_1355 = arith.constant 16 : index
        %get3A_1356 = tpu.vector_load %arg6[%get3A_1354, %get3A_1355] {strides = array<i32>} : memref<100x128xf32, #tpu.memory_space<vmem>>, vector<16xf32>,
        %add3A_1357 = arith.addf %get3A_1347, %get3A_1356 : vector<16xf32>
        %get3A_1358 = arith.constant 54 : i32
        %get3A_1359 = arith.index_cast %get3A_1358 : i32 to index
        %get3A_1360 = arith.constant 16 : index
        %get3A_1361 = tpu.vector_load %arg6[%get3A_1359, %get3A_1360] {strides = array<i32>} : memref<100x128xf32, #tpu.memory_space<vmem>>, vector<16xf32>,
        %add3A_1362 = arith.addf %add3A_1352, %get3A_1361 : vector<16xf32>
        %get3A_1363 = arith.constant 55 : i32
        %get3A_1364 = arith.index_cast %get3A_1363 : i32 to index
        %get3A_1365 = arith.constant 16 : index
        %get3A_1366 = tpu.vector_load %arg6[%get3A_1364, %get3A_1365] {strides = array<i32>} : memref<100x128xf32, #tpu.memory_space<vmem>>, vector<16xf32>,
        %add3A_1367 = arith.addf %add3A_1357, %get3A_1366 : vector<16xf32>
        %get3A_1368 = arith.constant 56 : i32
        %get3A_1369 = arith.index_cast %get3A_1368 : i32 to index
        %get3A_1370 = arith.constant 16 : index
        %get3A_1371 = tpu.vector_load %arg6[%get3A_1369, %get3A_1370] {strides = array<i32>} : memref<100x128xf32, #tpu.memory_space<vmem>>, vector<16xf32>,
        %add3A_1372 = arith.addf %add3A_1362, %get3A_1371 : vector<16xf32>
        %get3A_1373 = arith.constant 57 : i32
        %get3A_1374 = arith.index_cast %get3A_1373 : i32 to index
        %get3A_1375 = arith.constant 16 : index
        %get3A_1376 = tpu.vector_load %arg6[%get3A_1374, %get3A_1375] {strides = array<i32>} : memref<100x128xf32, #tpu.memory_space<vmem>>, vector<16xf32>,
        %add3A_1377 = arith.addf %add3A_1367, %get3A_1376 : vector<16xf32>
        %get3A_1378 = arith.constant 58 : i32
        %get3A_1379 = arith.index_cast %get3A_1378 : i32 to index
        %get3A_1380 = arith.constant 16 : index
        %get3A_1381 = tpu.vector_load %arg6[%get3A_1379, %get3A_1380] {strides = array<i32>} : memref<100x128xf32, #tpu.memory_space<vmem>>, vector<16xf32>,
        %add3A_1382 = arith.addf %add3A_1372, %get3A_1381 : vector<16xf32>
        %get3A_1383 = arith.constant 59 : i32
        %get3A_1384 = arith.index_cast %get3A_1383 : i32 to index
        %get3A_1385 = arith.constant 16 : index
        %get3A_1386 = tpu.vector_load %arg6[%get3A_1384, %get3A_1385] {strides = array<i32>} : memref<100x128xf32, #tpu.memory_space<vmem>>, vector<16xf32>,
        %add3A_1387 = arith.addf %add3A_1377, %get3A_1386 : vector<16xf32>
        %get3A_1388 = arith.constant 60 : i32
        %get3A_1389 = arith.index_cast %get3A_1388 : i32 to index
        %get3A_1390 = arith.constant 16 : index
        %get3A_1391 = tpu.vector_load %arg6[%get3A_1389, %get3A_1390] {strides = array<i32>} : memref<100x128xf32, #tpu.memory_space<vmem>>, vector<16xf32>,
        %add3A_1392 = arith.addf %add3A_1382, %get3A_1391 : vector<16xf32>
        %get3A_1393 = arith.constant 61 : i32
        %get3A_1394 = arith.index_cast %get3A_1393 : i32 to index
        %get3A_1395 = arith.constant 16 : index
        %get3A_1396 = tpu.vector_load %arg6[%get3A_1394, %get3A_1395] {strides = array<i32>} : memref<100x128xf32, #tpu.memory_space<vmem>>, vector<16xf32>,
        %add3A_1397 = arith.addf %add3A_1387, %get3A_1396 : vector<16xf32>
        %get3A_1398 = arith.constant 62 : i32
        %get3A_1399 = arith.index_cast %get3A_1398 : i32 to index
        %get3A_1400 = arith.constant 16 : index
        %get3A_1401 = tpu.vector_load %arg6[%get3A_1399, %get3A_1400] {strides = array<i32>} : memref<100x128xf32, #tpu.memory_space<vmem>>, vector<16xf32>,
        %add3A_1402 = arith.addf %add3A_1392, %get3A_1401 : vector<16xf32>
        %get3A_1403 = arith.constant 63 : i32
        %get3A_1404 = arith.index_cast %get3A_1403 : i32 to index
        %get3A_1405 = arith.constant 16 : index
        %get3A_1406 = tpu.vector_load %arg6[%get3A_1404, %get3A_1405] {strides = array<i32>} : memref<100x128xf32, #tpu.memory_space<vmem>>, vector<16xf32>,
        %add3A_1407 = arith.addf %add3A_1397, %get3A_1406 : vector<16xf32>
        %get3A_1408 = arith.constant 64 : i32
        %get3A_1409 = arith.index_cast %get3A_1408 : i32 to index
        %get3A_1410 = arith.constant 16 : index
        %get3A_1411 = tpu.vector_load %arg6[%get3A_1409, %get3A_1410] {strides = array<i32>} : memref<100x128xf32, #tpu.memory_space<vmem>>, vector<16xf32>,
        %add3A_1412 = arith.addf %add3A_1402, %get3A_1411 : vector<16xf32>
        %get3A_1413 = arith.constant 65 : i32
        %get3A_1414 = arith.index_cast %get3A_1413 : i32 to index
        %get3A_1415 = arith.constant 16 : index
        %get3A_1416 = tpu.vector_load %arg6[%get3A_1414, %get3A_1415] {strides = array<i32>} : memref<100x128xf32, #tpu.memory_space<vmem>>, vector<16xf32>,
        %add3A_1417 = arith.addf %add3A_1407, %get3A_1416 : vector<16xf32>
        %get3A_1418 = arith.constant 66 : i32
        %get3A_1419 = arith.index_cast %get3A_1418 : i32 to index
        %get3A_1420 = arith.constant 16 : index
        %get3A_1421 = tpu.vector_load %arg6[%get3A_1419, %get3A_1420] {strides = array<i32>} : memref<100x128xf32, #tpu.memory_space<vmem>>, vector<16xf32>,
        %add3A_1422 = arith.addf %add3A_1412, %get3A_1421 : vector<16xf32>
        %get3A_1423 = arith.constant 67 : i32
        %get3A_1424 = arith.index_cast %get3A_1423 : i32 to index
        %get3A_1425 = arith.constant 16 : index
        %get3A_1426 = tpu.vector_load %arg6[%get3A_1424, %get3A_1425] {strides = array<i32>} : memref<100x128xf32, #tpu.memory_space<vmem>>, vector<16xf32>,
        %add3A_1427 = arith.addf %add3A_1417, %get3A_1426 : vector<16xf32>
        %get3A_1428 = arith.constant 68 : i32
        %get3A_1429 = arith.index_cast %get3A_1428 : i32 to index
        %get3A_1430 = arith.constant 16 : index
        %get3A_1431 = tpu.vector_load %arg6[%get3A_1429, %get3A_1430] {strides = array<i32>} : memref<100x128xf32, #tpu.memory_space<vmem>>, vector<16xf32>,
        %add3A_1432 = arith.addf %add3A_1422, %get3A_1431 : vector<16xf32>
        %get3A_1433 = arith.constant 69 : i32
        %get3A_1434 = arith.index_cast %get3A_1433 : i32 to index
        %get3A_1435 = arith.constant 16 : index
        %get3A_1436 = tpu.vector_load %arg6[%get3A_1434, %get3A_1435] {strides = array<i32>} : memref<100x128xf32, #tpu.memory_space<vmem>>, vector<16xf32>,
        %add3A_1437 = arith.addf %add3A_1427, %get3A_1436 : vector<16xf32>
        %get3A_1438 = arith.constant 70 : i32
        %get3A_1439 = arith.index_cast %get3A_1438 : i32 to index
        %get3A_1440 = arith.constant 16 : index
        %get3A_1441 = tpu.vector_load %arg6[%get3A_1439, %get3A_1440] {strides = array<i32>} : memref<100x128xf32, #tpu.memory_space<vmem>>, vector<16xf32>,
        %add3A_1442 = arith.addf %add3A_1432, %get3A_1441 : vector<16xf32>
        %get3A_1443 = arith.constant 71 : i32
        %get3A_1444 = arith.index_cast %get3A_1443 : i32 to index
        %get3A_1445 = arith.constant 16 : index
        %get3A_1446 = tpu.vector_load %arg6[%get3A_1444, %get3A_1445] {strides = array<i32>} : memref<100x128xf32, #tpu.memory_space<vmem>>, vector<16xf32>,
        %add3A_1447 = arith.addf %add3A_1437, %get3A_1446 : vector<16xf32>
        %get3A_1448 = arith.constant 72 : i32
        %get3A_1449 = arith.index_cast %get3A_1448 : i32 to index
        %get3A_1450 = arith.constant 16 : index
        %get3A_1451 = tpu.vector_load %arg6[%get3A_1449, %get3A_1450] {strides = array<i32>} : memref<100x128xf32, #tpu.memory_space<vmem>>, vector<16xf32>,
        %add3A_1452 = arith.addf %add3A_1442, %get3A_1451 : vector<16xf32>
        %get3A_1453 = arith.constant 73 : i32
        %get3A_1454 = arith.index_cast %get3A_1453 : i32 to index
        %get3A_1455 = arith.constant 16 : index
        %get3A_1456 = tpu.vector_load %arg6[%get3A_1454, %get3A_1455] {strides = array<i32>} : memref<100x128xf32, #tpu.memory_space<vmem>>, vector<16xf32>,
        %add3A_1457 = arith.addf %add3A_1447, %get3A_1456 : vector<16xf32>
        %get3A_1458 = arith.constant 74 : i32
        %get3A_1459 = arith.index_cast %get3A_1458 : i32 to index
        %get3A_1460 = arith.constant 16 : index
        %get3A_1461 = tpu.vector_load %arg6[%get3A_1459, %get3A_1460] {strides = array<i32>} : memref<100x128xf32, #tpu.memory_space<vmem>>, vector<16xf32>,
        %add3A_1462 = arith.addf %add3A_1452, %get3A_1461 : vector<16xf32>
        %get3A_1463 = arith.constant 75 : i32
        %get3A_1464 = arith.index_cast %get3A_1463 : i32 to index
        %get3A_1465 = arith.constant 16 : index
        %get3A_1466 = tpu.vector_load %arg6[%get3A_1464, %get3A_1465] {strides = array<i32>} : memref<100x128xf32, #tpu.memory_space<vmem>>, vector<16xf32>,
        %add3A_1467 = arith.addf %add3A_1457, %get3A_1466 : vector<16xf32>
        %get3A_1468 = arith.constant 76 : i32
        %get3A_1469 = arith.index_cast %get3A_1468 : i32 to index
        %get3A_1470 = arith.constant 16 : index
        %get3A_1471 = tpu.vector_load %arg6[%get3A_1469, %get3A_1470] {strides = array<i32>} : memref<100x128xf32, #tpu.memory_space<vmem>>, vector<16xf32>,
        %add3A_1472 = arith.addf %add3A_1462, %get3A_1471 : vector<16xf32>
        %get3A_1473 = arith.constant 77 : i32
        %get3A_1474 = arith.index_cast %get3A_1473 : i32 to index
        %get3A_1475 = arith.constant 16 : index
        %get3A_1476 = tpu.vector_load %arg6[%get3A_1474, %get3A_1475] {strides = array<i32>} : memref<100x128xf32, #tpu.memory_space<vmem>>, vector<16xf32>,
        %add3A_1477 = arith.addf %add3A_1467, %get3A_1476 : vector<16xf32>
        %get3A_1478 = arith.constant 78 : i32
        %get3A_1479 = arith.index_cast %get3A_1478 : i32 to index
        %get3A_1480 = arith.constant 16 : index
        %get3A_1481 = tpu.vector_load %arg6[%get3A_1479, %get3A_1480] {strides = array<i32>} : memref<100x128xf32, #tpu.memory_space<vmem>>, vector<16xf32>,
        %add3A_1482 = arith.addf %add3A_1472, %get3A_1481 : vector<16xf32>
        %get3A_1483 = arith.constant 79 : i32
        %get3A_1484 = arith.index_cast %get3A_1483 : i32 to index
        %get3A_1485 = arith.constant 16 : index
        %get3A_1486 = tpu.vector_load %arg6[%get3A_1484, %get3A_1485] {strides = array<i32>} : memref<100x128xf32, #tpu.memory_space<vmem>>, vector<16xf32>,
        %add3A_1487 = arith.addf %add3A_1477, %get3A_1486 : vector<16xf32>
        %get3A_1488 = arith.constant 80 : i32
        %get3A_1489 = arith.index_cast %get3A_1488 : i32 to index
        %get3A_1490 = arith.constant 16 : index
        %get3A_1491 = tpu.vector_load %arg6[%get3A_1489, %get3A_1490] {strides = array<i32>} : memref<100x128xf32, #tpu.memory_space<vmem>>, vector<16xf32>,
        %add3A_1492 = arith.addf %add3A_1482, %get3A_1491 : vector<16xf32>
        %get3A_1493 = arith.constant 81 : i32
        %get3A_1494 = arith.index_cast %get3A_1493 : i32 to index
        %get3A_1495 = arith.constant 16 : index
        %get3A_1496 = tpu.vector_load %arg6[%get3A_1494, %get3A_1495] {strides = array<i32>} : memref<100x128xf32, #tpu.memory_space<vmem>>, vector<16xf32>,
        %add3A_1497 = arith.addf %add3A_1487, %get3A_1496 : vector<16xf32>
        %get3A_1498 = arith.constant 82 : i32
        %get3A_1499 = arith.index_cast %get3A_1498 : i32 to index
        %get3A_1500 = arith.constant 16 : index
        %get3A_1501 = tpu.vector_load %arg6[%get3A_1499, %get3A_1500] {strides = array<i32>} : memref<100x128xf32, #tpu.memory_space<vmem>>, vector<16xf32>,
        %add3A_1502 = arith.addf %add3A_1492, %get3A_1501 : vector<16xf32>
        %get3A_1503 = arith.constant 83 : i32
        %get3A_1504 = arith.index_cast %get3A_1503 : i32 to index
        %get3A_1505 = arith.constant 16 : index
        %get3A_1506 = tpu.vector_load %arg6[%get3A_1504, %get3A_1505] {strides = array<i32>} : memref<100x128xf32, #tpu.memory_space<vmem>>, vector<16xf32>,
        %add3A_1507 = arith.addf %add3A_1497, %get3A_1506 : vector<16xf32>
        %get3A_1508 = arith.constant 84 : i32
        %get3A_1509 = arith.index_cast %get3A_1508 : i32 to index
        %get3A_1510 = arith.constant 16 : index
        %get3A_1511 = tpu.vector_load %arg6[%get3A_1509, %get3A_1510] {strides = array<i32>} : memref<100x128xf32, #tpu.memory_space<vmem>>, vector<16xf32>,
        %add3A_1512 = arith.addf %add3A_1502, %get3A_1511 : vector<16xf32>
        %get3A_1513 = arith.constant 85 : i32
        %get3A_1514 = arith.index_cast %get3A_1513 : i32 to index
        %get3A_1515 = arith.constant 16 : index
        %get3A_1516 = tpu.vector_load %arg6[%get3A_1514, %get3A_1515] {strides = array<i32>} : memref<100x128xf32, #tpu.memory_space<vmem>>, vector<16xf32>,
        %add3A_1517 = arith.addf %add3A_1507, %get3A_1516 : vector<16xf32>
        %get3A_1518 = arith.constant 86 : i32
        %get3A_1519 = arith.index_cast %get3A_1518 : i32 to index
        %get3A_1520 = arith.constant 16 : index
        %get3A_1521 = tpu.vector_load %arg6[%get3A_1519, %get3A_1520] {strides = array<i32>} : memref<100x128xf32, #tpu.memory_space<vmem>>, vector<16xf32>,
        %add3A_1522 = arith.addf %add3A_1512, %get3A_1521 : vector<16xf32>
        %get3A_1523 = arith.constant 87 : i32
        %get3A_1524 = arith.index_cast %get3A_1523 : i32 to index
        %get3A_1525 = arith.constant 16 : index
        %get3A_1526 = tpu.vector_load %arg6[%get3A_1524, %get3A_1525] {strides = array<i32>} : memref<100x128xf32, #tpu.memory_space<vmem>>, vector<16xf32>,
        %add3A_1527 = arith.addf %add3A_1517, %get3A_1526 : vector<16xf32>
        %get3A_1528 = arith.constant 88 : i32
        %get3A_1529 = arith.index_cast %get3A_1528 : i32 to index
        %get3A_1530 = arith.constant 16 : index
        %get3A_1531 = tpu.vector_load %arg6[%get3A_1529, %get3A_1530] {strides = array<i32>} : memref<100x128xf32, #tpu.memory_space<vmem>>, vector<16xf32>,
        %add3A_1532 = arith.addf %add3A_1522, %get3A_1531 : vector<16xf32>
        %get3A_1533 = arith.constant 89 : i32
        %get3A_1534 = arith.index_cast %get3A_1533 : i32 to index
        %get3A_1535 = arith.constant 16 : index
        %get3A_1536 = tpu.vector_load %arg6[%get3A_1534, %get3A_1535] {strides = array<i32>} : memref<100x128xf32, #tpu.memory_space<vmem>>, vector<16xf32>,
        %add3A_1537 = arith.addf %add3A_1527, %get3A_1536 : vector<16xf32>
        %get3A_1538 = arith.constant 90 : i32
        %get3A_1539 = arith.index_cast %get3A_1538 : i32 to index
        %get3A_1540 = arith.constant 16 : index
        %get3A_1541 = tpu.vector_load %arg6[%get3A_1539, %get3A_1540] {strides = array<i32>} : memref<100x128xf32, #tpu.memory_space<vmem>>, vector<16xf32>,
        %add3A_1542 = arith.addf %add3A_1532, %get3A_1541 : vector<16xf32>
        %get3A_1543 = arith.constant 91 : i32
        %get3A_1544 = arith.index_cast %get3A_1543 : i32 to index
        %get3A_1545 = arith.constant 16 : index
        %get3A_1546 = tpu.vector_load %arg6[%get3A_1544, %get3A_1545] {strides = array<i32>} : memref<100x128xf32, #tpu.memory_space<vmem>>, vector<16xf32>,
        %add3A_1547 = arith.addf %add3A_1537, %get3A_1546 : vector<16xf32>
        %get3A_1548 = arith.constant 92 : i32
        %get3A_1549 = arith.index_cast %get3A_1548 : i32 to index
        %get3A_1550 = arith.constant 16 : index
        %get3A_1551 = tpu.vector_load %arg6[%get3A_1549, %get3A_1550] {strides = array<i32>} : memref<100x128xf32, #tpu.memory_space<vmem>>, vector<16xf32>,
        %add3A_1552 = arith.addf %add3A_1542, %get3A_1551 : vector<16xf32>
        %get3A_1553 = arith.constant 93 : i32
        %get3A_1554 = arith.index_cast %get3A_1553 : i32 to index
        %get3A_1555 = arith.constant 16 : index
        %get3A_1556 = tpu.vector_load %arg6[%get3A_1554, %get3A_1555] {strides = array<i32>} : memref<100x128xf32, #tpu.memory_space<vmem>>, vector<16xf32>,
        %add3A_1557 = arith.addf %add3A_1547, %get3A_1556 : vector<16xf32>
        %get3A_1558 = arith.constant 94 : i32
        %get3A_1559 = arith.index_cast %get3A_1558 : i32 to index
        %get3A_1560 = arith.constant 16 : index
        %get3A_1561 = tpu.vector_load %arg6[%get3A_1559, %get3A_1560] {strides = array<i32>} : memref<100x128xf32, #tpu.memory_space<vmem>>, vector<16xf32>,
        %add3A_1562 = arith.addf %add3A_1552, %get3A_1561 : vector<16xf32>
        %get3A_1563 = arith.constant 95 : i32
        %get3A_1564 = arith.index_cast %get3A_1563 : i32 to index
        %get3A_1565 = arith.constant 16 : index
        %get3A_1566 = tpu.vector_load %arg6[%get3A_1564, %get3A_1565] {strides = array<i32>} : memref<100x128xf32, #tpu.memory_space<vmem>>, vector<16xf32>,
        %add3A_1567 = arith.addf %add3A_1557, %get3A_1566 : vector<16xf32>
        %get3A_1568 = arith.constant 96 : i32
        %get3A_1569 = arith.index_cast %get3A_1568 : i32 to index
        %get3A_1570 = arith.constant 16 : index
        %get3A_1571 = tpu.vector_load %arg6[%get3A_1569, %get3A_1570] {strides = array<i32>} : memref<100x128xf32, #tpu.memory_space<vmem>>, vector<16xf32>,
        %add3A_1572 = arith.addf %add3A_1562, %get3A_1571 : vector<16xf32>
        %get3A_1573 = arith.constant 97 : i32
        %get3A_1574 = arith.index_cast %get3A_1573 : i32 to index
        %get3A_1575 = arith.constant 16 : index
        %get3A_1576 = tpu.vector_load %arg6[%get3A_1574, %get3A_1575] {strides = array<i32>} : memref<100x128xf32, #tpu.memory_space<vmem>>, vector<16xf32>,
        %add3A_1577 = arith.addf %add3A_1567, %get3A_1576 : vector<16xf32>
        %get3A_1578 = arith.constant 98 : i32
        %get3A_1579 = arith.index_cast %get3A_1578 : i32 to index
        %get3A_1580 = arith.constant 16 : index
        %get3A_1581 = tpu.vector_load %arg6[%get3A_1579, %get3A_1580] {strides = array<i32>} : memref<100x128xf32, #tpu.memory_space<vmem>>, vector<16xf32>,
        %add3A_1582 = arith.addf %add3A_1572, %get3A_1581 : vector<16xf32>
        %get3A_1583 = arith.constant 99 : i32
        %get3A_1584 = arith.index_cast %get3A_1583 : i32 to index
        %get3A_1585 = arith.constant 16 : index
        %get3A_1586 = tpu.vector_load %arg6[%get3A_1584, %get3A_1585] {strides = array<i32>} : memref<100x128xf32, #tpu.memory_space<vmem>>, vector<16xf32>,
        %add3A_1587 = arith.addf %add3A_1577, %get3A_1586 : vector<16xf32>
        %add3A_1588 = arith.addf %add3A_1582, %add3A_1587 : vector<16xf32>
        %mul3A_1589 = arith.constant 2.000000e-02 : f32
        %mul3A_1590 = vector.broadcast %mul3A_1589 : f32 to vector<16xf32>
        %mul3A_1591 = arith.mulf %add3A_1588, %mul3A_1590 : vector<16xf32>
        %mul3A_1592 = arith.constant 2 : i32
        %mul3A_1593 = arith.muli %mul3A_1592, %add3A_32 : i32
        %add3A_1594 = arith.constant 1 : i32
        %add3A_1595 = arith.addi %mul3A_1593, %add3A_1594 : i32
        %swap3A_1596 = arith.index_cast %add3A_1595 : i32 to index
        %swap3A_1597 = arith.constant 16 : index
        %swap3A_1598 = tpu.vector_load %arg8[%swap3A_1596, %swap3A_1597] {strides = array<i32>} : memref<32x64xf32, #tpu.memory_space<vmem>>, vector<16xf32>,
        tpu.vector_store %arg8[%swap3A_1596, %swap3A_1597], %mul3A_1591 {strides = array<i32>} : memref<32x64xf32, #tpu.memory_space<vmem>>, vector<16xf32>,
        %get3A_1599 = arith.constant 50 : i32
        %get3A_1600 = arith.index_cast %get3A_1599 : i32 to index
        %get3A_1601 = arith.constant 32 : index
        %get3A_1602 = tpu.vector_load %arg6[%get3A_1600, %get3A_1601] {strides = array<i32>} : memref<100x128xf32, #tpu.memory_space<vmem>>, vector<16xf32>,
        %get3A_1603 = arith.constant 51 : i32
        %get3A_1604 = arith.index_cast %get3A_1603 : i32 to index
        %get3A_1605 = arith.constant 32 : index
        %get3A_1606 = tpu.vector_load %arg6[%get3A_1604, %get3A_1605] {strides = array<i32>} : memref<100x128xf32, #tpu.memory_space<vmem>>, vector<16xf32>,
        %get3A_1607 = arith.constant 52 : i32
        %get3A_1608 = arith.index_cast %get3A_1607 : i32 to index
        %get3A_1609 = arith.constant 32 : index
        %get3A_1610 = tpu.vector_load %arg6[%get3A_1608, %get3A_1609] {strides = array<i32>} : memref<100x128xf32, #tpu.memory_space<vmem>>, vector<16xf32>,
        %add3A_1611 = arith.addf %get3A_1602, %get3A_1610 : vector<16xf32>
        %get3A_1612 = arith.constant 53 : i32
        %get3A_1613 = arith.index_cast %get3A_1612 : i32 to index
        %get3A_1614 = arith.constant 32 : index
        %get3A_1615 = tpu.vector_load %arg6[%get3A_1613, %get3A_1614] {strides = array<i32>} : memref<100x128xf32, #tpu.memory_space<vmem>>, vector<16xf32>,
        %add3A_1616 = arith.addf %get3A_1606, %get3A_1615 : vector<16xf32>
        %get3A_1617 = arith.constant 54 : i32
        %get3A_1618 = arith.index_cast %get3A_1617 : i32 to index
        %get3A_1619 = arith.constant 32 : index
        %get3A_1620 = tpu.vector_load %arg6[%get3A_1618, %get3A_1619] {strides = array<i32>} : memref<100x128xf32, #tpu.memory_space<vmem>>, vector<16xf32>,
        %add3A_1621 = arith.addf %add3A_1611, %get3A_1620 : vector<16xf32>
        %get3A_1622 = arith.constant 55 : i32
        %get3A_1623 = arith.index_cast %get3A_1622 : i32 to index
        %get3A_1624 = arith.constant 32 : index
        %get3A_1625 = tpu.vector_load %arg6[%get3A_1623, %get3A_1624] {strides = array<i32>} : memref<100x128xf32, #tpu.memory_space<vmem>>, vector<16xf32>,
        %add3A_1626 = arith.addf %add3A_1616, %get3A_1625 : vector<16xf32>
        %get3A_1627 = arith.constant 56 : i32
        %get3A_1628 = arith.index_cast %get3A_1627 : i32 to index
        %get3A_1629 = arith.constant 32 : index
        %get3A_1630 = tpu.vector_load %arg6[%get3A_1628, %get3A_1629] {strides = array<i32>} : memref<100x128xf32, #tpu.memory_space<vmem>>, vector<16xf32>,
        %add3A_1631 = arith.addf %add3A_1621, %get3A_1630 : vector<16xf32>
        %get3A_1632 = arith.constant 57 : i32
        %get3A_1633 = arith.index_cast %get3A_1632 : i32 to index
        %get3A_1634 = arith.constant 32 : index
        %get3A_1635 = tpu.vector_load %arg6[%get3A_1633, %get3A_1634] {strides = array<i32>} : memref<100x128xf32, #tpu.memory_space<vmem>>, vector<16xf32>,
        %add3A_1636 = arith.addf %add3A_1626, %get3A_1635 : vector<16xf32>
        %get3A_1637 = arith.constant 58 : i32
        %get3A_1638 = arith.index_cast %get3A_1637 : i32 to index
        %get3A_1639 = arith.constant 32 : index
        %get3A_1640 = tpu.vector_load %arg6[%get3A_1638, %get3A_1639] {strides = array<i32>} : memref<100x128xf32, #tpu.memory_space<vmem>>, vector<16xf32>,
        %add3A_1641 = arith.addf %add3A_1631, %get3A_1640 : vector<16xf32>
        %get3A_1642 = arith.constant 59 : i32
        %get3A_1643 = arith.index_cast %get3A_1642 : i32 to index
        %get3A_1644 = arith.constant 32 : index
        %get3A_1645 = tpu.vector_load %arg6[%get3A_1643, %get3A_1644] {strides = array<i32>} : memref<100x128xf32, #tpu.memory_space<vmem>>, vector<16xf32>,
        %add3A_1646 = arith.addf %add3A_1636, %get3A_1645 : vector<16xf32>
        %get3A_1647 = arith.constant 60 : i32
        %get3A_1648 = arith.index_cast %get3A_1647 : i32 to index
        %get3A_1649 = arith.constant 32 : index
        %get3A_1650 = tpu.vector_load %arg6[%get3A_1648, %get3A_1649] {strides = array<i32>} : memref<100x128xf32, #tpu.memory_space<vmem>>, vector<16xf32>,
        %add3A_1651 = arith.addf %add3A_1641, %get3A_1650 : vector<16xf32>
        %get3A_1652 = arith.constant 61 : i32
        %get3A_1653 = arith.index_cast %get3A_1652 : i32 to index
        %get3A_1654 = arith.constant 32 : index
        %get3A_1655 = tpu.vector_load %arg6[%get3A_1653, %get3A_1654] {strides = array<i32>} : memref<100x128xf32, #tpu.memory_space<vmem>>, vector<16xf32>,
        %add3A_1656 = arith.addf %add3A_1646, %get3A_1655 : vector<16xf32>
        %get3A_1657 = arith.constant 62 : i32
        %get3A_1658 = arith.index_cast %get3A_1657 : i32 to index
        %get3A_1659 = arith.constant 32 : index
        %get3A_1660 = tpu.vector_load %arg6[%get3A_1658, %get3A_1659] {strides = array<i32>} : memref<100x128xf32, #tpu.memory_space<vmem>>, vector<16xf32>,
        %add3A_1661 = arith.addf %add3A_1651, %get3A_1660 : vector<16xf32>
        %get3A_1662 = arith.constant 63 : i32
        %get3A_1663 = arith.index_cast %get3A_1662 : i32 to index
        %get3A_1664 = arith.constant 32 : index
        %get3A_1665 = tpu.vector_load %arg6[%get3A_1663, %get3A_1664] {strides = array<i32>} : memref<100x128xf32, #tpu.memory_space<vmem>>, vector<16xf32>,
        %add3A_1666 = arith.addf %add3A_1656, %get3A_1665 : vector<16xf32>
        %get3A_1667 = arith.constant 64 : i32
        %get3A_1668 = arith.index_cast %get3A_1667 : i32 to index
        %get3A_1669 = arith.constant 32 : index
        %get3A_1670 = tpu.vector_load %arg6[%get3A_1668, %get3A_1669] {strides = array<i32>} : memref<100x128xf32, #tpu.memory_space<vmem>>, vector<16xf32>,
        %add3A_1671 = arith.addf %add3A_1661, %get3A_1670 : vector<16xf32>
        %get3A_1672 = arith.constant 65 : i32
        %get3A_1673 = arith.index_cast %get3A_1672 : i32 to index
        %get3A_1674 = arith.constant 32 : index
        %get3A_1675 = tpu.vector_load %arg6[%get3A_1673, %get3A_1674] {strides = array<i32>} : memref<100x128xf32, #tpu.memory_space<vmem>>, vector<16xf32>,
        %add3A_1676 = arith.addf %add3A_1666, %get3A_1675 : vector<16xf32>
        %get3A_1677 = arith.constant 66 : i32
        %get3A_1678 = arith.index_cast %get3A_1677 : i32 to index
        %get3A_1679 = arith.constant 32 : index
        %get3A_1680 = tpu.vector_load %arg6[%get3A_1678, %get3A_1679] {strides = array<i32>} : memref<100x128xf32, #tpu.memory_space<vmem>>, vector<16xf32>,
        %add3A_1681 = arith.addf %add3A_1671, %get3A_1680 : vector<16xf32>
        %get3A_1682 = arith.constant 67 : i32
        %get3A_1683 = arith.index_cast %get3A_1682 : i32 to index
        %get3A_1684 = arith.constant 32 : index
        %get3A_1685 = tpu.vector_load %arg6[%get3A_1683, %get3A_1684] {strides = array<i32>} : memref<100x128xf32, #tpu.memory_space<vmem>>, vector<16xf32>,
        %add3A_1686 = arith.addf %add3A_1676, %get3A_1685 : vector<16xf32>
        %get3A_1687 = arith.constant 68 : i32
        %get3A_1688 = arith.index_cast %get3A_1687 : i32 to index
        %get3A_1689 = arith.constant 32 : index
        %get3A_1690 = tpu.vector_load %arg6[%get3A_1688, %get3A_1689] {strides = array<i32>} : memref<100x128xf32, #tpu.memory_space<vmem>>, vector<16xf32>,
        %add3A_1691 = arith.addf %add3A_1681, %get3A_1690 : vector<16xf32>
        %get3A_1692 = arith.constant 69 : i32
        %get3A_1693 = arith.index_cast %get3A_1692 : i32 to index
        %get3A_1694 = arith.constant 32 : index
        %get3A_1695 = tpu.vector_load %arg6[%get3A_1693, %get3A_1694] {strides = array<i32>} : memref<100x128xf32, #tpu.memory_space<vmem>>, vector<16xf32>,
        %add3A_1696 = arith.addf %add3A_1686, %get3A_1695 : vector<16xf32>
        %get3A_1697 = arith.constant 70 : i32
        %get3A_1698 = arith.index_cast %get3A_1697 : i32 to index
        %get3A_1699 = arith.constant 32 : index
        %get3A_1700 = tpu.vector_load %arg6[%get3A_1698, %get3A_1699] {strides = array<i32>} : memref<100x128xf32, #tpu.memory_space<vmem>>, vector<16xf32>,
        %add3A_1701 = arith.addf %add3A_1691, %get3A_1700 : vector<16xf32>
        %get3A_1702 = arith.constant 71 : i32
        %get3A_1703 = arith.index_cast %get3A_1702 : i32 to index
        %get3A_1704 = arith.constant 32 : index
        %get3A_1705 = tpu.vector_load %arg6[%get3A_1703, %get3A_1704] {strides = array<i32>} : memref<100x128xf32, #tpu.memory_space<vmem>>, vector<16xf32>,
        %add3A_1706 = arith.addf %add3A_1696, %get3A_1705 : vector<16xf32>
        %get3A_1707 = arith.constant 72 : i32
        %get3A_1708 = arith.index_cast %get3A_1707 : i32 to index
        %get3A_1709 = arith.constant 32 : index
        %get3A_1710 = tpu.vector_load %arg6[%get3A_1708, %get3A_1709] {strides = array<i32>} : memref<100x128xf32, #tpu.memory_space<vmem>>, vector<16xf32>,
        %add3A_1711 = arith.addf %add3A_1701, %get3A_1710 : vector<16xf32>
        %get3A_1712 = arith.constant 73 : i32
        %get3A_1713 = arith.index_cast %get3A_1712 : i32 to index
        %get3A_1714 = arith.constant 32 : index
        %get3A_1715 = tpu.vector_load %arg6[%get3A_1713, %get3A_1714] {strides = array<i32>} : memref<100x128xf32, #tpu.memory_space<vmem>>, vector<16xf32>,
        %add3A_1716 = arith.addf %add3A_1706, %get3A_1715 : vector<16xf32>
        %get3A_1717 = arith.constant 74 : i32
        %get3A_1718 = arith.index_cast %get3A_1717 : i32 to index
        %get3A_1719 = arith.constant 32 : index
        %get3A_1720 = tpu.vector_load %arg6[%get3A_1718, %get3A_1719] {strides = array<i32>} : memref<100x128xf32, #tpu.memory_space<vmem>>, vector<16xf32>,
        %add3A_1721 = arith.addf %add3A_1711, %get3A_1720 : vector<16xf32>
        %get3A_1722 = arith.constant 75 : i32
        %get3A_1723 = arith.index_cast %get3A_1722 : i32 to index
        %get3A_1724 = arith.constant 32 : index
        %get3A_1725 = tpu.vector_load %arg6[%get3A_1723, %get3A_1724] {strides = array<i32>} : memref<100x128xf32, #tpu.memory_space<vmem>>, vector<16xf32>,
        %add3A_1726 = arith.addf %add3A_1716, %get3A_1725 : vector<16xf32>
        %get3A_1727 = arith.constant 76 : i32
        %get3A_1728 = arith.index_cast %get3A_1727 : i32 to index
        %get3A_1729 = arith.constant 32 : index
        %get3A_1730 = tpu.vector_load %arg6[%get3A_1728, %get3A_1729] {strides = array<i32>} : memref<100x128xf32, #tpu.memory_space<vmem>>, vector<16xf32>,
        %add3A_1731 = arith.addf %add3A_1721, %get3A_1730 : vector<16xf32>
        %get3A_1732 = arith.constant 77 : i32
        %get3A_1733 = arith.index_cast %get3A_1732 : i32 to index
        %get3A_1734 = arith.constant 32 : index
        %get3A_1735 = tpu.vector_load %arg6[%get3A_1733, %get3A_1734] {strides = array<i32>} : memref<100x128xf32, #tpu.memory_space<vmem>>, vector<16xf32>,
        %add3A_1736 = arith.addf %add3A_1726, %get3A_1735 : vector<16xf32>
        %get3A_1737 = arith.constant 78 : i32
        %get3A_1738 = arith.index_cast %get3A_1737 : i32 to index
        %get3A_1739 = arith.constant 32 : index
        %get3A_1740 = tpu.vector_load %arg6[%get3A_1738, %get3A_1739] {strides = array<i32>} : memref<100x128xf32, #tpu.memory_space<vmem>>, vector<16xf32>,
        %add3A_1741 = arith.addf %add3A_1731, %get3A_1740 : vector<16xf32>
        %get3A_1742 = arith.constant 79 : i32
        %get3A_1743 = arith.index_cast %get3A_1742 : i32 to index
        %get3A_1744 = arith.constant 32 : index
        %get3A_1745 = tpu.vector_load %arg6[%get3A_1743, %get3A_1744] {strides = array<i32>} : memref<100x128xf32, #tpu.memory_space<vmem>>, vector<16xf32>,
        %add3A_1746 = arith.addf %add3A_1736, %get3A_1745 : vector<16xf32>
        %get3A_1747 = arith.constant 80 : i32
        %get3A_1748 = arith.index_cast %get3A_1747 : i32 to index
        %get3A_1749 = arith.constant 32 : index
        %get3A_1750 = tpu.vector_load %arg6[%get3A_1748, %get3A_1749] {strides = array<i32>} : memref<100x128xf32, #tpu.memory_space<vmem>>, vector<16xf32>,
        %add3A_1751 = arith.addf %add3A_1741, %get3A_1750 : vector<16xf32>
        %get3A_1752 = arith.constant 81 : i32
        %get3A_1753 = arith.index_cast %get3A_1752 : i32 to index
        %get3A_1754 = arith.constant 32 : index
        %get3A_1755 = tpu.vector_load %arg6[%get3A_1753, %get3A_1754] {strides = array<i32>} : memref<100x128xf32, #tpu.memory_space<vmem>>, vector<16xf32>,
        %add3A_1756 = arith.addf %add3A_1746, %get3A_1755 : vector<16xf32>
        %get3A_1757 = arith.constant 82 : i32
        %get3A_1758 = arith.index_cast %get3A_1757 : i32 to index
        %get3A_1759 = arith.constant 32 : index
        %get3A_1760 = tpu.vector_load %arg6[%get3A_1758, %get3A_1759] {strides = array<i32>} : memref<100x128xf32, #tpu.memory_space<vmem>>, vector<16xf32>,
        %add3A_1761 = arith.addf %add3A_1751, %get3A_1760 : vector<16xf32>
        %get3A_1762 = arith.constant 83 : i32
        %get3A_1763 = arith.index_cast %get3A_1762 : i32 to index
        %get3A_1764 = arith.constant 32 : index
        %get3A_1765 = tpu.vector_load %arg6[%get3A_1763, %get3A_1764] {strides = array<i32>} : memref<100x128xf32, #tpu.memory_space<vmem>>, vector<16xf32>,
        %add3A_1766 = arith.addf %add3A_1756, %get3A_1765 : vector<16xf32>
        %get3A_1767 = arith.constant 84 : i32
        %get3A_1768 = arith.index_cast %get3A_1767 : i32 to index
        %get3A_1769 = arith.constant 32 : index
        %get3A_1770 = tpu.vector_load %arg6[%get3A_1768, %get3A_1769] {strides = array<i32>} : memref<100x128xf32, #tpu.memory_space<vmem>>, vector<16xf32>,
        %add3A_1771 = arith.addf %add3A_1761, %get3A_1770 : vector<16xf32>
        %get3A_1772 = arith.constant 85 : i32
        %get3A_1773 = arith.index_cast %get3A_1772 : i32 to index
        %get3A_1774 = arith.constant 32 : index
        %get3A_1775 = tpu.vector_load %arg6[%get3A_1773, %get3A_1774] {strides = array<i32>} : memref<100x128xf32, #tpu.memory_space<vmem>>, vector<16xf32>,
        %add3A_1776 = arith.addf %add3A_1766, %get3A_1775 : vector<16xf32>
        %get3A_1777 = arith.constant 86 : i32
        %get3A_1778 = arith.index_cast %get3A_1777 : i32 to index
        %get3A_1779 = arith.constant 32 : index
        %get3A_1780 = tpu.vector_load %arg6[%get3A_1778, %get3A_1779] {strides = array<i32>} : memref<100x128xf32, #tpu.memory_space<vmem>>, vector<16xf32>,
        %add3A_1781 = arith.addf %add3A_1771, %get3A_1780 : vector<16xf32>
        %get3A_1782 = arith.constant 87 : i32
        %get3A_1783 = arith.index_cast %get3A_1782 : i32 to index
        %get3A_1784 = arith.constant 32 : index
        %get3A_1785 = tpu.vector_load %arg6[%get3A_1783, %get3A_1784] {strides = array<i32>} : memref<100x128xf32, #tpu.memory_space<vmem>>, vector<16xf32>,
        %add3A_1786 = arith.addf %add3A_1776, %get3A_1785 : vector<16xf32>
        %get3A_1787 = arith.constant 88 : i32
        %get3A_1788 = arith.index_cast %get3A_1787 : i32 to index
        %get3A_1789 = arith.constant 32 : index
        %get3A_1790 = tpu.vector_load %arg6[%get3A_1788, %get3A_1789] {strides = array<i32>} : memref<100x128xf32, #tpu.memory_space<vmem>>, vector<16xf32>,
        %add3A_1791 = arith.addf %add3A_1781, %get3A_1790 : vector<16xf32>
        %get3A_1792 = arith.constant 89 : i32
        %get3A_1793 = arith.index_cast %get3A_1792 : i32 to index
        %get3A_1794 = arith.constant 32 : index
        %get3A_1795 = tpu.vector_load %arg6[%get3A_1793, %get3A_1794] {strides = array<i32>} : memref<100x128xf32, #tpu.memory_space<vmem>>, vector<16xf32>,
        %add3A_1796 = arith.addf %add3A_1786, %get3A_1795 : vector<16xf32>
        %get3A_1797 = arith.constant 90 : i32
        %get3A_1798 = arith.index_cast %get3A_1797 : i32 to index
        %get3A_1799 = arith.constant 32 : index
        %get3A_1800 = tpu.vector_load %arg6[%get3A_1798, %get3A_1799] {strides = array<i32>} : memref<100x128xf32, #tpu.memory_space<vmem>>, vector<16xf32>,
        %add3A_1801 = arith.addf %add3A_1791, %get3A_1800 : vector<16xf32>
        %get3A_1802 = arith.constant 91 : i32
        %get3A_1803 = arith.index_cast %get3A_1802 : i32 to index
        %get3A_1804 = arith.constant 32 : index
        %get3A_1805 = tpu.vector_load %arg6[%get3A_1803, %get3A_1804] {strides = array<i32>} : memref<100x128xf32, #tpu.memory_space<vmem>>, vector<16xf32>,
        %add3A_1806 = arith.addf %add3A_1796, %get3A_1805 : vector<16xf32>
        %get3A_1807 = arith.constant 92 : i32
        %get3A_1808 = arith.index_cast %get3A_1807 : i32 to index
        %get3A_1809 = arith.constant 32 : index
        %get3A_1810 = tpu.vector_load %arg6[%get3A_1808, %get3A_1809] {strides = array<i32>} : memref<100x128xf32, #tpu.memory_space<vmem>>, vector<16xf32>,
        %add3A_1811 = arith.addf %add3A_1801, %get3A_1810 : vector<16xf32>
        %get3A_1812 = arith.constant 93 : i32
        %get3A_1813 = arith.index_cast %get3A_1812 : i32 to index
        %get3A_1814 = arith.constant 32 : index
        %get3A_1815 = tpu.vector_load %arg6[%get3A_1813, %get3A_1814] {strides = array<i32>} : memref<100x128xf32, #tpu.memory_space<vmem>>, vector<16xf32>,
        %add3A_1816 = arith.addf %add3A_1806, %get3A_1815 : vector<16xf32>
        %get3A_1817 = arith.constant 94 : i32
        %get3A_1818 = arith.index_cast %get3A_1817 : i32 to index
        %get3A_1819 = arith.constant 32 : index
        %get3A_1820 = tpu.vector_load %arg6[%get3A_1818, %get3A_1819] {strides = array<i32>} : memref<100x128xf32, #tpu.memory_space<vmem>>, vector<16xf32>,
        %add3A_1821 = arith.addf %add3A_1811, %get3A_1820 : vector<16xf32>
        %get3A_1822 = arith.constant 95 : i32
        %get3A_1823 = arith.index_cast %get3A_1822 : i32 to index
        %get3A_1824 = arith.constant 32 : index
        %get3A_1825 = tpu.vector_load %arg6[%get3A_1823, %get3A_1824] {strides = array<i32>} : memref<100x128xf32, #tpu.memory_space<vmem>>, vector<16xf32>,
        %add3A_1826 = arith.addf %add3A_1816, %get3A_1825 : vector<16xf32>
        %get3A_1827 = arith.constant 96 : i32
        %get3A_1828 = arith.index_cast %get3A_1827 : i32 to index
        %get3A_1829 = arith.constant 32 : index
        %get3A_1830 = tpu.vector_load %arg6[%get3A_1828, %get3A_1829] {strides = array<i32>} : memref<100x128xf32, #tpu.memory_space<vmem>>, vector<16xf32>,
        %add3A_1831 = arith.addf %add3A_1821, %get3A_1830 : vector<16xf32>
        %get3A_1832 = arith.constant 97 : i32
        %get3A_1833 = arith.index_cast %get3A_1832 : i32 to index
        %get3A_1834 = arith.constant 32 : index
        %get3A_1835 = tpu.vector_load %arg6[%get3A_1833, %get3A_1834] {strides = array<i32>} : memref<100x128xf32, #tpu.memory_space<vmem>>, vector<16xf32>,
        %add3A_1836 = arith.addf %add3A_1826, %get3A_1835 : vector<16xf32>
        %get3A_1837 = arith.constant 98 : i32
        %get3A_1838 = arith.index_cast %get3A_1837 : i32 to index
        %get3A_1839 = arith.constant 32 : index
        %get3A_1840 = tpu.vector_load %arg6[%get3A_1838, %get3A_1839] {strides = array<i32>} : memref<100x128xf32, #tpu.memory_space<vmem>>, vector<16xf32>,
        %add3A_1841 = arith.addf %add3A_1831, %get3A_1840 : vector<16xf32>
        %get3A_1842 = arith.constant 99 : i32
        %get3A_1843 = arith.index_cast %get3A_1842 : i32 to index
        %get3A_1844 = arith.constant 32 : index
        %get3A_1845 = tpu.vector_load %arg6[%get3A_1843, %get3A_1844] {strides = array<i32>} : memref<100x128xf32, #tpu.memory_space<vmem>>, vector<16xf32>,
        %add3A_1846 = arith.addf %add3A_1836, %get3A_1845 : vector<16xf32>
        %add3A_1847 = arith.addf %add3A_1841, %add3A_1846 : vector<16xf32>
        %mul3A_1848 = arith.constant 2.000000e-02 : f32
        %mul3A_1849 = vector.broadcast %mul3A_1848 : f32 to vector<16xf32>
        %mul3A_1850 = arith.mulf %add3A_1847, %mul3A_1849 : vector<16xf32>
        %mul3A_1851 = arith.constant 2 : i32
        %mul3A_1852 = arith.muli %mul3A_1851, %add3A_32 : i32
        %add3A_1853 = arith.constant 1 : i32
        %add3A_1854 = arith.addi %mul3A_1852, %add3A_1853 : i32
        %swap3A_1855 = arith.index_cast %add3A_1854 : i32 to index
        %swap3A_1856 = arith.constant 32 : index
        %swap3A_1857 = tpu.vector_load %arg8[%swap3A_1855, %swap3A_1856] {strides = array<i32>} : memref<32x64xf32, #tpu.memory_space<vmem>>, vector<16xf32>,
        tpu.vector_store %arg8[%swap3A_1855, %swap3A_1856], %mul3A_1850 {strides = array<i32>} : memref<32x64xf32, #tpu.memory_space<vmem>>, vector<16xf32>,
        %get3A_1858 = arith.constant 50 : i32
        %get3A_1859 = arith.index_cast %get3A_1858 : i32 to index
        %get3A_1860 = arith.constant 48 : index
        %get3A_1861 = tpu.vector_load %arg6[%get3A_1859, %get3A_1860] {strides = array<i32>} : memref<100x128xf32, #tpu.memory_space<vmem>>, vector<16xf32>,
        %get3A_1862 = arith.constant 51 : i32
        %get3A_1863 = arith.index_cast %get3A_1862 : i32 to index
        %get3A_1864 = arith.constant 48 : index
        %get3A_1865 = tpu.vector_load %arg6[%get3A_1863, %get3A_1864] {strides = array<i32>} : memref<100x128xf32, #tpu.memory_space<vmem>>, vector<16xf32>,
        %get3A_1866 = arith.constant 52 : i32
        %get3A_1867 = arith.index_cast %get3A_1866 : i32 to index
        %get3A_1868 = arith.constant 48 : index
        %get3A_1869 = tpu.vector_load %arg6[%get3A_1867, %get3A_1868] {strides = array<i32>} : memref<100x128xf32, #tpu.memory_space<vmem>>, vector<16xf32>,
        %add3A_1870 = arith.addf %get3A_1861, %get3A_1869 : vector<16xf32>
        %get3A_1871 = arith.constant 53 : i32
        %get3A_1872 = arith.index_cast %get3A_1871 : i32 to index
        %get3A_1873 = arith.constant 48 : index
        %get3A_1874 = tpu.vector_load %arg6[%get3A_1872, %get3A_1873] {strides = array<i32>} : memref<100x128xf32, #tpu.memory_space<vmem>>, vector<16xf32>,
        %add3A_1875 = arith.addf %get3A_1865, %get3A_1874 : vector<16xf32>
        %get3A_1876 = arith.constant 54 : i32
        %get3A_1877 = arith.index_cast %get3A_1876 : i32 to index
        %get3A_1878 = arith.constant 48 : index
        %get3A_1879 = tpu.vector_load %arg6[%get3A_1877, %get3A_1878] {strides = array<i32>} : memref<100x128xf32, #tpu.memory_space<vmem>>, vector<16xf32>,
        %add3A_1880 = arith.addf %add3A_1870, %get3A_1879 : vector<16xf32>
        %get3A_1881 = arith.constant 55 : i32
        %get3A_1882 = arith.index_cast %get3A_1881 : i32 to index
        %get3A_1883 = arith.constant 48 : index
        %get3A_1884 = tpu.vector_load %arg6[%get3A_1882, %get3A_1883] {strides = array<i32>} : memref<100x128xf32, #tpu.memory_space<vmem>>, vector<16xf32>,
        %add3A_1885 = arith.addf %add3A_1875, %get3A_1884 : vector<16xf32>
        %get3A_1886 = arith.constant 56 : i32
        %get3A_1887 = arith.index_cast %get3A_1886 : i32 to index
        %get3A_1888 = arith.constant 48 : index
        %get3A_1889 = tpu.vector_load %arg6[%get3A_1887, %get3A_1888] {strides = array<i32>} : memref<100x128xf32, #tpu.memory_space<vmem>>, vector<16xf32>,
        %add3A_1890 = arith.addf %add3A_1880, %get3A_1889 : vector<16xf32>
        %get3A_1891 = arith.constant 57 : i32
        %get3A_1892 = arith.index_cast %get3A_1891 : i32 to index
        %get3A_1893 = arith.constant 48 : index
        %get3A_1894 = tpu.vector_load %arg6[%get3A_1892, %get3A_1893] {strides = array<i32>} : memref<100x128xf32, #tpu.memory_space<vmem>>, vector<16xf32>,
        %add3A_1895 = arith.addf %add3A_1885, %get3A_1894 : vector<16xf32>
        %get3A_1896 = arith.constant 58 : i32
        %get3A_1897 = arith.index_cast %get3A_1896 : i32 to index
        %get3A_1898 = arith.constant 48 : index
        %get3A_1899 = tpu.vector_load %arg6[%get3A_1897, %get3A_1898] {strides = array<i32>} : memref<100x128xf32, #tpu.memory_space<vmem>>, vector<16xf32>,
        %add3A_1900 = arith.addf %add3A_1890, %get3A_1899 : vector<16xf32>
        %get3A_1901 = arith.constant 59 : i32
        %get3A_1902 = arith.index_cast %get3A_1901 : i32 to index
        %get3A_1903 = arith.constant 48 : index
        %get3A_1904 = tpu.vector_load %arg6[%get3A_1902, %get3A_1903] {strides = array<i32>} : memref<100x128xf32, #tpu.memory_space<vmem>>, vector<16xf32>,
        %add3A_1905 = arith.addf %add3A_1895, %get3A_1904 : vector<16xf32>
        %get3A_1906 = arith.constant 60 : i32
        %get3A_1907 = arith.index_cast %get3A_1906 : i32 to index
        %get3A_1908 = arith.constant 48 : index
        %get3A_1909 = tpu.vector_load %arg6[%get3A_1907, %get3A_1908] {strides = array<i32>} : memref<100x128xf32, #tpu.memory_space<vmem>>, vector<16xf32>,
        %add3A_1910 = arith.addf %add3A_1900, %get3A_1909 : vector<16xf32>
        %get3A_1911 = arith.constant 61 : i32
        %get3A_1912 = arith.index_cast %get3A_1911 : i32 to index
        %get3A_1913 = arith.constant 48 : index
        %get3A_1914 = tpu.vector_load %arg6[%get3A_1912, %get3A_1913] {strides = array<i32>} : memref<100x128xf32, #tpu.memory_space<vmem>>, vector<16xf32>,
        %add3A_1915 = arith.addf %add3A_1905, %get3A_1914 : vector<16xf32>
        %get3A_1916 = arith.constant 62 : i32
        %get3A_1917 = arith.index_cast %get3A_1916 : i32 to index
        %get3A_1918 = arith.constant 48 : index
        %get3A_1919 = tpu.vector_load %arg6[%get3A_1917, %get3A_1918] {strides = array<i32>} : memref<100x128xf32, #tpu.memory_space<vmem>>, vector<16xf32>,
        %add3A_1920 = arith.addf %add3A_1910, %get3A_1919 : vector<16xf32>
        %get3A_1921 = arith.constant 63 : i32
        %get3A_1922 = arith.index_cast %get3A_1921 : i32 to index
        %get3A_1923 = arith.constant 48 : index
        %get3A_1924 = tpu.vector_load %arg6[%get3A_1922, %get3A_1923] {strides = array<i32>} : memref<100x128xf32, #tpu.memory_space<vmem>>, vector<16xf32>,
        %add3A_1925 = arith.addf %add3A_1915, %get3A_1924 : vector<16xf32>
        %get3A_1926 = arith.constant 64 : i32
        %get3A_1927 = arith.index_cast %get3A_1926 : i32 to index
        %get3A_1928 = arith.constant 48 : index
        %get3A_1929 = tpu.vector_load %arg6[%get3A_1927, %get3A_1928] {strides = array<i32>} : memref<100x128xf32, #tpu.memory_space<vmem>>, vector<16xf32>,
        %add3A_1930 = arith.addf %add3A_1920, %get3A_1929 : vector<16xf32>
        %get3A_1931 = arith.constant 65 : i32
        %get3A_1932 = arith.index_cast %get3A_1931 : i32 to index
        %get3A_1933 = arith.constant 48 : index
        %get3A_1934 = tpu.vector_load %arg6[%get3A_1932, %get3A_1933] {strides = array<i32>} : memref<100x128xf32, #tpu.memory_space<vmem>>, vector<16xf32>,
        %add3A_1935 = arith.addf %add3A_1925, %get3A_1934 : vector<16xf32>
        %get3A_1936 = arith.constant 66 : i32
        %get3A_1937 = arith.index_cast %get3A_1936 : i32 to index
        %get3A_1938 = arith.constant 48 : index
        %get3A_1939 = tpu.vector_load %arg6[%get3A_1937, %get3A_1938] {strides = array<i32>} : memref<100x128xf32, #tpu.memory_space<vmem>>, vector<16xf32>,
        %add3A_1940 = arith.addf %add3A_1930, %get3A_1939 : vector<16xf32>
        %get3A_1941 = arith.constant 67 : i32
        %get3A_1942 = arith.index_cast %get3A_1941 : i32 to index
        %get3A_1943 = arith.constant 48 : index
        %get3A_1944 = tpu.vector_load %arg6[%get3A_1942, %get3A_1943] {strides = array<i32>} : memref<100x128xf32, #tpu.memory_space<vmem>>, vector<16xf32>,
        %add3A_1945 = arith.addf %add3A_1935, %get3A_1944 : vector<16xf32>
        %get3A_1946 = arith.constant 68 : i32
        %get3A_1947 = arith.index_cast %get3A_1946 : i32 to index
        %get3A_1948 = arith.constant 48 : index
        %get3A_1949 = tpu.vector_load %arg6[%get3A_1947, %get3A_1948] {strides = array<i32>} : memref<100x128xf32, #tpu.memory_space<vmem>>, vector<16xf32>,
        %add3A_1950 = arith.addf %add3A_1940, %get3A_1949 : vector<16xf32>
        %get3A_1951 = arith.constant 69 : i32
        %get3A_1952 = arith.index_cast %get3A_1951 : i32 to index
        %get3A_1953 = arith.constant 48 : index
        %get3A_1954 = tpu.vector_load %arg6[%get3A_1952, %get3A_1953] {strides = array<i32>} : memref<100x128xf32, #tpu.memory_space<vmem>>, vector<16xf32>,
        %add3A_1955 = arith.addf %add3A_1945, %get3A_1954 : vector<16xf32>
        %get3A_1956 = arith.constant 70 : i32
        %get3A_1957 = arith.index_cast %get3A_1956 : i32 to index
        %get3A_1958 = arith.constant 48 : index
        %get3A_1959 = tpu.vector_load %arg6[%get3A_1957, %get3A_1958] {strides = array<i32>} : memref<100x128xf32, #tpu.memory_space<vmem>>, vector<16xf32>,
        %add3A_1960 = arith.addf %add3A_1950, %get3A_1959 : vector<16xf32>
        %get3A_1961 = arith.constant 71 : i32
        %get3A_1962 = arith.index_cast %get3A_1961 : i32 to index
        %get3A_1963 = arith.constant 48 : index
        %get3A_1964 = tpu.vector_load %arg6[%get3A_1962, %get3A_1963] {strides = array<i32>} : memref<100x128xf32, #tpu.memory_space<vmem>>, vector<16xf32>,
        %add3A_1965 = arith.addf %add3A_1955, %get3A_1964 : vector<16xf32>
        %get3A_1966 = arith.constant 72 : i32
        %get3A_1967 = arith.index_cast %get3A_1966 : i32 to index
        %get3A_1968 = arith.constant 48 : index
        %get3A_1969 = tpu.vector_load %arg6[%get3A_1967, %get3A_1968] {strides = array<i32>} : memref<100x128xf32, #tpu.memory_space<vmem>>, vector<16xf32>,
        %add3A_1970 = arith.addf %add3A_1960, %get3A_1969 : vector<16xf32>
        %get3A_1971 = arith.constant 73 : i32
        %get3A_1972 = arith.index_cast %get3A_1971 : i32 to index
        %get3A_1973 = arith.constant 48 : index
        %get3A_1974 = tpu.vector_load %arg6[%get3A_1972, %get3A_1973] {strides = array<i32>} : memref<100x128xf32, #tpu.memory_space<vmem>>, vector<16xf32>,
        %add3A_1975 = arith.addf %add3A_1965, %get3A_1974 : vector<16xf32>
        %get3A_1976 = arith.constant 74 : i32
        %get3A_1977 = arith.index_cast %get3A_1976 : i32 to index
        %get3A_1978 = arith.constant 48 : index
        %get3A_1979 = tpu.vector_load %arg6[%get3A_1977, %get3A_1978] {strides = array<i32>} : memref<100x128xf32, #tpu.memory_space<vmem>>, vector<16xf32>,
        %add3A_1980 = arith.addf %add3A_1970, %get3A_1979 : vector<16xf32>
        %get3A_1981 = arith.constant 75 : i32
        %get3A_1982 = arith.index_cast %get3A_1981 : i32 to index
        %get3A_1983 = arith.constant 48 : index
        %get3A_1984 = tpu.vector_load %arg6[%get3A_1982, %get3A_1983] {strides = array<i32>} : memref<100x128xf32, #tpu.memory_space<vmem>>, vector<16xf32>,
        %add3A_1985 = arith.addf %add3A_1975, %get3A_1984 : vector<16xf32>
        %get3A_1986 = arith.constant 76 : i32
        %get3A_1987 = arith.index_cast %get3A_1986 : i32 to index
        %get3A_1988 = arith.constant 48 : index
        %get3A_1989 = tpu.vector_load %arg6[%get3A_1987, %get3A_1988] {strides = array<i32>} : memref<100x128xf32, #tpu.memory_space<vmem>>, vector<16xf32>,
        %add3A_1990 = arith.addf %add3A_1980, %get3A_1989 : vector<16xf32>
        %get3A_1991 = arith.constant 77 : i32
        %get3A_1992 = arith.index_cast %get3A_1991 : i32 to index
        %get3A_1993 = arith.constant 48 : index
        %get3A_1994 = tpu.vector_load %arg6[%get3A_1992, %get3A_1993] {strides = array<i32>} : memref<100x128xf32, #tpu.memory_space<vmem>>, vector<16xf32>,
        %add3A_1995 = arith.addf %add3A_1985, %get3A_1994 : vector<16xf32>
        %get3A_1996 = arith.constant 78 : i32
        %get3A_1997 = arith.index_cast %get3A_1996 : i32 to index
        %get3A_1998 = arith.constant 48 : index
        %get3A_1999 = tpu.vector_load %arg6[%get3A_1997, %get3A_1998] {strides = array<i32>} : memref<100x128xf32, #tpu.memory_space<vmem>>, vector<16xf32>,
        %add3A_2000 = arith.addf %add3A_1990, %get3A_1999 : vector<16xf32>
        %get3A_2001 = arith.constant 79 : i32
        %get3A_2002 = arith.index_cast %get3A_2001 : i32 to index
        %get3A_2003 = arith.constant 48 : index
        %get3A_2004 = tpu.vector_load %arg6[%get3A_2002, %get3A_2003] {strides = array<i32>} : memref<100x128xf32, #tpu.memory_space<vmem>>, vector<16xf32>,
        %add3A_2005 = arith.addf %add3A_1995, %get3A_2004 : vector<16xf32>
        %get3A_2006 = arith.constant 80 : i32
        %get3A_2007 = arith.index_cast %get3A_2006 : i32 to index
        %get3A_2008 = arith.constant 48 : index
        %get3A_2009 = tpu.vector_load %arg6[%get3A_2007, %get3A_2008] {strides = array<i32>} : memref<100x128xf32, #tpu.memory_space<vmem>>, vector<16xf32>,
        %add3A_2010 = arith.addf %add3A_2000, %get3A_2009 : vector<16xf32>
        %get3A_2011 = arith.constant 81 : i32
        %get3A_2012 = arith.index_cast %get3A_2011 : i32 to index
        %get3A_2013 = arith.constant 48 : index
        %get3A_2014 = tpu.vector_load %arg6[%get3A_2012, %get3A_2013] {strides = array<i32>} : memref<100x128xf32, #tpu.memory_space<vmem>>, vector<16xf32>,
        %add3A_2015 = arith.addf %add3A_2005, %get3A_2014 : vector<16xf32>
        %get3A_2016 = arith.constant 82 : i32
        %get3A_2017 = arith.index_cast %get3A_2016 : i32 to index
        %get3A_2018 = arith.constant 48 : index
        %get3A_2019 = tpu.vector_load %arg6[%get3A_2017, %get3A_2018] {strides = array<i32>} : memref<100x128xf32, #tpu.memory_space<vmem>>, vector<16xf32>,
        %add3A_2020 = arith.addf %add3A_2010, %get3A_2019 : vector<16xf32>
        %get3A_2021 = arith.constant 83 : i32
        %get3A_2022 = arith.index_cast %get3A_2021 : i32 to index
        %get3A_2023 = arith.constant 48 : index
        %get3A_2024 = tpu.vector_load %arg6[%get3A_2022, %get3A_2023] {strides = array<i32>} : memref<100x128xf32, #tpu.memory_space<vmem>>, vector<16xf32>,
        %add3A_2025 = arith.addf %add3A_2015, %get3A_2024 : vector<16xf32>
        %get3A_2026 = arith.constant 84 : i32
        %get3A_2027 = arith.index_cast %get3A_2026 : i32 to index
        %get3A_2028 = arith.constant 48 : index
        %get3A_2029 = tpu.vector_load %arg6[%get3A_2027, %get3A_2028] {strides = array<i32>} : memref<100x128xf32, #tpu.memory_space<vmem>>, vector<16xf32>,
        %add3A_2030 = arith.addf %add3A_2020, %get3A_2029 : vector<16xf32>
        %get3A_2031 = arith.constant 85 : i32
        %get3A_2032 = arith.index_cast %get3A_2031 : i32 to index
        %get3A_2033 = arith.constant 48 : index
        %get3A_2034 = tpu.vector_load %arg6[%get3A_2032, %get3A_2033] {strides = array<i32>} : memref<100x128xf32, #tpu.memory_space<vmem>>, vector<16xf32>,
        %add3A_2035 = arith.addf %add3A_2025, %get3A_2034 : vector<16xf32>
        %get3A_2036 = arith.constant 86 : i32
        %get3A_2037 = arith.index_cast %get3A_2036 : i32 to index
        %get3A_2038 = arith.constant 48 : index
        %get3A_2039 = tpu.vector_load %arg6[%get3A_2037, %get3A_2038] {strides = array<i32>} : memref<100x128xf32, #tpu.memory_space<vmem>>, vector<16xf32>,
        %add3A_2040 = arith.addf %add3A_2030, %get3A_2039 : vector<16xf32>
        %get3A_2041 = arith.constant 87 : i32
        %get3A_2042 = arith.index_cast %get3A_2041 : i32 to index
        %get3A_2043 = arith.constant 48 : index
        %get3A_2044 = tpu.vector_load %arg6[%get3A_2042, %get3A_2043] {strides = array<i32>} : memref<100x128xf32, #tpu.memory_space<vmem>>, vector<16xf32>,
        %add3A_2045 = arith.addf %add3A_2035, %get3A_2044 : vector<16xf32>
        %get3A_2046 = arith.constant 88 : i32
        %get3A_2047 = arith.index_cast %get3A_2046 : i32 to index
        %get3A_2048 = arith.constant 48 : index
        %get3A_2049 = tpu.vector_load %arg6[%get3A_2047, %get3A_2048] {strides = array<i32>} : memref<100x128xf32, #tpu.memory_space<vmem>>, vector<16xf32>,
        %add3A_2050 = arith.addf %add3A_2040, %get3A_2049 : vector<16xf32>
        %get3A_2051 = arith.constant 89 : i32
        %get3A_2052 = arith.index_cast %get3A_2051 : i32 to index
        %get3A_2053 = arith.constant 48 : index
        %get3A_2054 = tpu.vector_load %arg6[%get3A_2052, %get3A_2053] {strides = array<i32>} : memref<100x128xf32, #tpu.memory_space<vmem>>, vector<16xf32>,
        %add3A_2055 = arith.addf %add3A_2045, %get3A_2054 : vector<16xf32>
        %get3A_2056 = arith.constant 90 : i32
        %get3A_2057 = arith.index_cast %get3A_2056 : i32 to index
        %get3A_2058 = arith.constant 48 : index
        %get3A_2059 = tpu.vector_load %arg6[%get3A_2057, %get3A_2058] {strides = array<i32>} : memref<100x128xf32, #tpu.memory_space<vmem>>, vector<16xf32>,
        %add3A_2060 = arith.addf %add3A_2050, %get3A_2059 : vector<16xf32>
        %get3A_2061 = arith.constant 91 : i32
        %get3A_2062 = arith.index_cast %get3A_2061 : i32 to index
        %get3A_2063 = arith.constant 48 : index
        %get3A_2064 = tpu.vector_load %arg6[%get3A_2062, %get3A_2063] {strides = array<i32>} : memref<100x128xf32, #tpu.memory_space<vmem>>, vector<16xf32>,
        %add3A_2065 = arith.addf %add3A_2055, %get3A_2064 : vector<16xf32>
        %get3A_2066 = arith.constant 92 : i32
        %get3A_2067 = arith.index_cast %get3A_2066 : i32 to index
        %get3A_2068 = arith.constant 48 : index
        %get3A_2069 = tpu.vector_load %arg6[%get3A_2067, %get3A_2068] {strides = array<i32>} : memref<100x128xf32, #tpu.memory_space<vmem>>, vector<16xf32>,
        %add3A_2070 = arith.addf %add3A_2060, %get3A_2069 : vector<16xf32>
        %get3A_2071 = arith.constant 93 : i32
        %get3A_2072 = arith.index_cast %get3A_2071 : i32 to index
        %get3A_2073 = arith.constant 48 : index
        %get3A_2074 = tpu.vector_load %arg6[%get3A_2072, %get3A_2073] {strides = array<i32>} : memref<100x128xf32, #tpu.memory_space<vmem>>, vector<16xf32>,
        %add3A_2075 = arith.addf %add3A_2065, %get3A_2074 : vector<16xf32>
        %get3A_2076 = arith.constant 94 : i32
        %get3A_2077 = arith.index_cast %get3A_2076 : i32 to index
        %get3A_2078 = arith.constant 48 : index
        %get3A_2079 = tpu.vector_load %arg6[%get3A_2077, %get3A_2078] {strides = array<i32>} : memref<100x128xf32, #tpu.memory_space<vmem>>, vector<16xf32>,
        %add3A_2080 = arith.addf %add3A_2070, %get3A_2079 : vector<16xf32>
        %get3A_2081 = arith.constant 95 : i32
        %get3A_2082 = arith.index_cast %get3A_2081 : i32 to index
        %get3A_2083 = arith.constant 48 : index
        %get3A_2084 = tpu.vector_load %arg6[%get3A_2082, %get3A_2083] {strides = array<i32>} : memref<100x128xf32, #tpu.memory_space<vmem>>, vector<16xf32>,
        %add3A_2085 = arith.addf %add3A_2075, %get3A_2084 : vector<16xf32>
        %get3A_2086 = arith.constant 96 : i32
        %get3A_2087 = arith.index_cast %get3A_2086 : i32 to index
        %get3A_2088 = arith.constant 48 : index
        %get3A_2089 = tpu.vector_load %arg6[%get3A_2087, %get3A_2088] {strides = array<i32>} : memref<100x128xf32, #tpu.memory_space<vmem>>, vector<16xf32>,
        %add3A_2090 = arith.addf %add3A_2080, %get3A_2089 : vector<16xf32>
        %get3A_2091 = arith.constant 97 : i32
        %get3A_2092 = arith.index_cast %get3A_2091 : i32 to index
        %get3A_2093 = arith.constant 48 : index
        %get3A_2094 = tpu.vector_load %arg6[%get3A_2092, %get3A_2093] {strides = array<i32>} : memref<100x128xf32, #tpu.memory_space<vmem>>, vector<16xf32>,
        %add3A_2095 = arith.addf %add3A_2085, %get3A_2094 : vector<16xf32>
        %get3A_2096 = arith.constant 98 : i32
        %get3A_2097 = arith.index_cast %get3A_2096 : i32 to index
        %get3A_2098 = arith.constant 48 : index
        %get3A_2099 = tpu.vector_load %arg6[%get3A_2097, %get3A_2098] {strides = array<i32>} : memref<100x128xf32, #tpu.memory_space<vmem>>, vector<16xf32>,
        %add3A_2100 = arith.addf %add3A_2090, %get3A_2099 : vector<16xf32>
        %get3A_2101 = arith.constant 99 : i32
        %get3A_2102 = arith.index_cast %get3A_2101 : i32 to index
        %get3A_2103 = arith.constant 48 : index
        %get3A_2104 = tpu.vector_load %arg6[%get3A_2102, %get3A_2103] {strides = array<i32>} : memref<100x128xf32, #tpu.memory_space<vmem>>, vector<16xf32>,
        %add3A_2105 = arith.addf %add3A_2095, %get3A_2104 : vector<16xf32>
        %add3A_2106 = arith.addf %add3A_2100, %add3A_2105 : vector<16xf32>
        %mul3A_2107 = arith.constant 2.000000e-02 : f32
        %mul3A_2108 = vector.broadcast %mul3A_2107 : f32 to vector<16xf32>
        %mul3A_2109 = arith.mulf %add3A_2106, %mul3A_2108 : vector<16xf32>
        %mul3A_2110 = arith.constant 2 : i32
        %mul3A_2111 = arith.muli %mul3A_2110, %add3A_32 : i32
        %add3A_2112 = arith.constant 1 : i32
        %add3A_2113 = arith.addi %mul3A_2111, %add3A_2112 : i32
        %swap3A_2114 = arith.index_cast %add3A_2113 : i32 to index
        %swap3A_2115 = arith.constant 48 : index
        %swap3A_2116 = tpu.vector_load %arg8[%swap3A_2114, %swap3A_2115] {strides = array<i32>} : memref<32x64xf32, #tpu.memory_space<vmem>>, vector<16xf32>,
        tpu.vector_store %arg8[%swap3A_2114, %swap3A_2115], %mul3A_2109 {strides = array<i32>} : memref<32x64xf32, #tpu.memory_space<vmem>>, vector<16xf32>,
        %add3A_2117 = arith.constant 2 : i32
        %add3A_2118 = arith.addi %add3A_32, %add3A_2117 : i32
        %lt3A = arith.constant 16 : i32
        %lt3A_2119 = arith.cmpi slt, %add3A_2118, %lt3A : i32
        %convert_element_type3A = arith.extui %lt3A_2119 : i1 to i32
        %cond3A = arith.constant 0 : i32
        %cond3A_2120 = arith.cmpi ne, %convert_element_type3A, %cond3A : i32
        scf.if %cond3A_2120 {
          %add3A_4202 = arith.constant 2 : i32
          %add3A_4203 = arith.addi %add3A_32, %add3A_4202 : i32
          %dma_start3A_4204 = arith.constant 0 : i32
          %dma_start3A_4205 = tpu.memref_slice %arg5[%add3A_4203, %dma_start3A_4204] : memref<16x100xi32, #tpu.memory_space<vmem>> -> memref<1x100xi32, #tpu.memory_space<vmem>>
          %dma_start3A_4206 = tpu.memref_squeeze %dma_start3A_4205 : memref<1x100xi32, #tpu.memory_space<vmem>> -> memref<100xi32, #tpu.memory_space<vmem>>
          %dma_start3A_4207 = arith.constant 0 : i32
          %dma_start3A_4208 = arith.constant 0 : i32
          %dma_start3A_4209 = tpu.memref_slice %arg2[%dma_start3A_4207, %dma_start3A_4208] : memref<1000000x128xf32, #tpu.memory_space<hbm>> -> memref<1000000x128xf32, #tpu.memory_space<hbm>>
          tpu.enqueue_indirect_dma source(%dma_start3A_4209 : memref<1000000x128xf32, #tpu.memory_space<hbm>>) target(%arg6 : memref<100x128xf32, #tpu.memory_space<vmem>>) offsets(%dma_start3A_4206 : memref<100xi32, #tpu.memory_space<vmem>>) semaphore(%arg9 : memref<!tpu.dma_semaphore, #tpu.memory_space<semaphore_mem>>)
        } else {
        }
        %dma_wait3A_2121 = arith.constant 0 : i32
        %dma_wait3A_2122 = arith.constant 0 : i32
        %dma_wait3A_2123 = tpu.memref_slice %arg5[%dma_wait3A_2121, %dma_wait3A_2122] : memref<16x100xi32, #tpu.memory_space<vmem>> -> memref<1x100xi32, #tpu.memory_space<vmem>>
        %dma_wait3A_2124 = tpu.memref_squeeze %dma_wait3A_2123 : memref<1x100xi32, #tpu.memory_space<vmem>> -> memref<100xi32, #tpu.memory_space<vmem>>
        %dma_wait3A_2125 = arith.constant 0 : i32
        %dma_wait3A_2126 = arith.constant 0 : i32
        %dma_wait3A_2127 = tpu.memref_slice %arg2[%dma_wait3A_2125, %dma_wait3A_2126] : memref<1000000x128xf32, #tpu.memory_space<hbm>> -> memref<1000000x128xf32, #tpu.memory_space<hbm>>
        tpu.wait_indirect_dma semaphore(%arg10 : memref<!tpu.dma_semaphore, #tpu.memory_space<semaphore_mem>>) src(%dma_wait3A_2127 : memref<1000000x128xf32, #tpu.memory_space<hbm>>) dst(%arg7 : memref<100x128xf32, #tpu.memory_space<vmem>>)
        %add3A_2128 = arith.constant 1 : i32
        %add3A_2129 = arith.addi %add3A_32, %add3A_2128 : i32
        %get3A_2130 = arith.constant 0 : i32
        %get3A_2131 = arith.index_cast %get3A_2130 : i32 to index
        %get3A_2132 = arith.constant 0 : index
        %get3A_2133 = tpu.vector_load %arg7[%get3A_2131, %get3A_2132] {strides = array<i32>} : memref<100x128xf32, #tpu.memory_space<vmem>>, vector<16xf32>,
        %get3A_2134 = arith.constant 1 : i32
        %get3A_2135 = arith.index_cast %get3A_2134 : i32 to index
        %get3A_2136 = arith.constant 0 : index
        %get3A_2137 = tpu.vector_load %arg7[%get3A_2135, %get3A_2136] {strides = array<i32>} : memref<100x128xf32, #tpu.memory_space<vmem>>, vector<16xf32>,
        %get3A_2138 = arith.constant 2 : i32
        %get3A_2139 = arith.index_cast %get3A_2138 : i32 to index
        %get3A_2140 = arith.constant 0 : index
        %get3A_2141 = tpu.vector_load %arg7[%get3A_2139, %get3A_2140] {strides = array<i32>} : memref<100x128xf32, #tpu.memory_space<vmem>>, vector<16xf32>,
        %add3A_2142 = arith.addf %get3A_2133, %get3A_2141 : vector<16xf32>
        %get3A_2143 = arith.constant 3 : i32
        %get3A_2144 = arith.index_cast %get3A_2143 : i32 to index
        %get3A_2145 = arith.constant 0 : index
        %get3A_2146 = tpu.vector_load %arg7[%get3A_2144, %get3A_2145] {strides = array<i32>} : memref<100x128xf32, #tpu.memory_space<vmem>>, vector<16xf32>,
        %add3A_2147 = arith.addf %get3A_2137, %get3A_2146 : vector<16xf32>
        %get3A_2148 = arith.constant 4 : i32
        %get3A_2149 = arith.index_cast %get3A_2148 : i32 to index
        %get3A_2150 = arith.constant 0 : index
        %get3A_2151 = tpu.vector_load %arg7[%get3A_2149, %get3A_2150] {strides = array<i32>} : memref<100x128xf32, #tpu.memory_space<vmem>>, vector<16xf32>,
        %add3A_2152 = arith.addf %add3A_2142, %get3A_2151 : vector<16xf32>
        %get3A_2153 = arith.constant 5 : i32
        %get3A_2154 = arith.index_cast %get3A_2153 : i32 to index
        %get3A_2155 = arith.constant 0 : index
        %get3A_2156 = tpu.vector_load %arg7[%get3A_2154, %get3A_2155] {strides = array<i32>} : memref<100x128xf32, #tpu.memory_space<vmem>>, vector<16xf32>,
        %add3A_2157 = arith.addf %add3A_2147, %get3A_2156 : vector<16xf32>
        %get3A_2158 = arith.constant 6 : i32
        %get3A_2159 = arith.index_cast %get3A_2158 : i32 to index
        %get3A_2160 = arith.constant 0 : index
        %get3A_2161 = tpu.vector_load %arg7[%get3A_2159, %get3A_2160] {strides = array<i32>} : memref<100x128xf32, #tpu.memory_space<vmem>>, vector<16xf32>,
        %add3A_2162 = arith.addf %add3A_2152, %get3A_2161 : vector<16xf32>
        %get3A_2163 = arith.constant 7 : i32
        %get3A_2164 = arith.index_cast %get3A_2163 : i32 to index
        %get3A_2165 = arith.constant 0 : index
        %get3A_2166 = tpu.vector_load %arg7[%get3A_2164, %get3A_2165] {strides = array<i32>} : memref<100x128xf32, #tpu.memory_space<vmem>>, vector<16xf32>,
        %add3A_2167 = arith.addf %add3A_2157, %get3A_2166 : vector<16xf32>
        %get3A_2168 = arith.constant 8 : i32
        %get3A_2169 = arith.index_cast %get3A_2168 : i32 to index
        %get3A_2170 = arith.constant 0 : index
        %get3A_2171 = tpu.vector_load %arg7[%get3A_2169, %get3A_2170] {strides = array<i32>} : memref<100x128xf32, #tpu.memory_space<vmem>>, vector<16xf32>,
        %add3A_2172 = arith.addf %add3A_2162, %get3A_2171 : vector<16xf32>
        %get3A_2173 = arith.constant 9 : i32
        %get3A_2174 = arith.index_cast %get3A_2173 : i32 to index
        %get3A_2175 = arith.constant 0 : index
        %get3A_2176 = tpu.vector_load %arg7[%get3A_2174, %get3A_2175] {strides = array<i32>} : memref<100x128xf32, #tpu.memory_space<vmem>>, vector<16xf32>,
        %add3A_2177 = arith.addf %add3A_2167, %get3A_2176 : vector<16xf32>
        %get3A_2178 = arith.constant 10 : i32
        %get3A_2179 = arith.index_cast %get3A_2178 : i32 to index
        %get3A_2180 = arith.constant 0 : index
        %get3A_2181 = tpu.vector_load %arg7[%get3A_2179, %get3A_2180] {strides = array<i32>} : memref<100x128xf32, #tpu.memory_space<vmem>>, vector<16xf32>,
        %add3A_2182 = arith.addf %add3A_2172, %get3A_2181 : vector<16xf32>
        %get3A_2183 = arith.constant 11 : i32
        %get3A_2184 = arith.index_cast %get3A_2183 : i32 to index
        %get3A_2185 = arith.constant 0 : index
        %get3A_2186 = tpu.vector_load %arg7[%get3A_2184, %get3A_2185] {strides = array<i32>} : memref<100x128xf32, #tpu.memory_space<vmem>>, vector<16xf32>,
        %add3A_2187 = arith.addf %add3A_2177, %get3A_2186 : vector<16xf32>
        %get3A_2188 = arith.constant 12 : i32
        %get3A_2189 = arith.index_cast %get3A_2188 : i32 to index
        %get3A_2190 = arith.constant 0 : index
        %get3A_2191 = tpu.vector_load %arg7[%get3A_2189, %get3A_2190] {strides = array<i32>} : memref<100x128xf32, #tpu.memory_space<vmem>>, vector<16xf32>,
        %add3A_2192 = arith.addf %add3A_2182, %get3A_2191 : vector<16xf32>
        %get3A_2193 = arith.constant 13 : i32
        %get3A_2194 = arith.index_cast %get3A_2193 : i32 to index
        %get3A_2195 = arith.constant 0 : index
        %get3A_2196 = tpu.vector_load %arg7[%get3A_2194, %get3A_2195] {strides = array<i32>} : memref<100x128xf32, #tpu.memory_space<vmem>>, vector<16xf32>,
        %add3A_2197 = arith.addf %add3A_2187, %get3A_2196 : vector<16xf32>
        %get3A_2198 = arith.constant 14 : i32
        %get3A_2199 = arith.index_cast %get3A_2198 : i32 to index
        %get3A_2200 = arith.constant 0 : index
        %get3A_2201 = tpu.vector_load %arg7[%get3A_2199, %get3A_2200] {strides = array<i32>} : memref<100x128xf32, #tpu.memory_space<vmem>>, vector<16xf32>,
        %add3A_2202 = arith.addf %add3A_2192, %get3A_2201 : vector<16xf32>
        %get3A_2203 = arith.constant 15 : i32
        %get3A_2204 = arith.index_cast %get3A_2203 : i32 to index
        %get3A_2205 = arith.constant 0 : index
        %get3A_2206 = tpu.vector_load %arg7[%get3A_2204, %get3A_2205] {strides = array<i32>} : memref<100x128xf32, #tpu.memory_space<vmem>>, vector<16xf32>,
        %add3A_2207 = arith.addf %add3A_2197, %get3A_2206 : vector<16xf32>
        %get3A_2208 = arith.constant 16 : i32
        %get3A_2209 = arith.index_cast %get3A_2208 : i32 to index
        %get3A_2210 = arith.constant 0 : index
        %get3A_2211 = tpu.vector_load %arg7[%get3A_2209, %get3A_2210] {strides = array<i32>} : memref<100x128xf32, #tpu.memory_space<vmem>>, vector<16xf32>,
        %add3A_2212 = arith.addf %add3A_2202, %get3A_2211 : vector<16xf32>
        %get3A_2213 = arith.constant 17 : i32
        %get3A_2214 = arith.index_cast %get3A_2213 : i32 to index
        %get3A_2215 = arith.constant 0 : index
        %get3A_2216 = tpu.vector_load %arg7[%get3A_2214, %get3A_2215] {strides = array<i32>} : memref<100x128xf32, #tpu.memory_space<vmem>>, vector<16xf32>,
        %add3A_2217 = arith.addf %add3A_2207, %get3A_2216 : vector<16xf32>
        %get3A_2218 = arith.constant 18 : i32
        %get3A_2219 = arith.index_cast %get3A_2218 : i32 to index
        %get3A_2220 = arith.constant 0 : index
        %get3A_2221 = tpu.vector_load %arg7[%get3A_2219, %get3A_2220] {strides = array<i32>} : memref<100x128xf32, #tpu.memory_space<vmem>>, vector<16xf32>,
        %add3A_2222 = arith.addf %add3A_2212, %get3A_2221 : vector<16xf32>
        %get3A_2223 = arith.constant 19 : i32
        %get3A_2224 = arith.index_cast %get3A_2223 : i32 to index
        %get3A_2225 = arith.constant 0 : index
        %get3A_2226 = tpu.vector_load %arg7[%get3A_2224, %get3A_2225] {strides = array<i32>} : memref<100x128xf32, #tpu.memory_space<vmem>>, vector<16xf32>,
        %add3A_2227 = arith.addf %add3A_2217, %get3A_2226 : vector<16xf32>
        %get3A_2228 = arith.constant 20 : i32
        %get3A_2229 = arith.index_cast %get3A_2228 : i32 to index
        %get3A_2230 = arith.constant 0 : index
        %get3A_2231 = tpu.vector_load %arg7[%get3A_2229, %get3A_2230] {strides = array<i32>} : memref<100x128xf32, #tpu.memory_space<vmem>>, vector<16xf32>,
        %add3A_2232 = arith.addf %add3A_2222, %get3A_2231 : vector<16xf32>
        %get3A_2233 = arith.constant 21 : i32
        %get3A_2234 = arith.index_cast %get3A_2233 : i32 to index
        %get3A_2235 = arith.constant 0 : index
        %get3A_2236 = tpu.vector_load %arg7[%get3A_2234, %get3A_2235] {strides = array<i32>} : memref<100x128xf32, #tpu.memory_space<vmem>>, vector<16xf32>,
        %add3A_2237 = arith.addf %add3A_2227, %get3A_2236 : vector<16xf32>
        %get3A_2238 = arith.constant 22 : i32
        %get3A_2239 = arith.index_cast %get3A_2238 : i32 to index
        %get3A_2240 = arith.constant 0 : index
        %get3A_2241 = tpu.vector_load %arg7[%get3A_2239, %get3A_2240] {strides = array<i32>} : memref<100x128xf32, #tpu.memory_space<vmem>>, vector<16xf32>,
        %add3A_2242 = arith.addf %add3A_2232, %get3A_2241 : vector<16xf32>
        %get3A_2243 = arith.constant 23 : i32
        %get3A_2244 = arith.index_cast %get3A_2243 : i32 to index
        %get3A_2245 = arith.constant 0 : index
        %get3A_2246 = tpu.vector_load %arg7[%get3A_2244, %get3A_2245] {strides = array<i32>} : memref<100x128xf32, #tpu.memory_space<vmem>>, vector<16xf32>,
        %add3A_2247 = arith.addf %add3A_2237, %get3A_2246 : vector<16xf32>
        %get3A_2248 = arith.constant 24 : i32
        %get3A_2249 = arith.index_cast %get3A_2248 : i32 to index
        %get3A_2250 = arith.constant 0 : index
        %get3A_2251 = tpu.vector_load %arg7[%get3A_2249, %get3A_2250] {strides = array<i32>} : memref<100x128xf32, #tpu.memory_space<vmem>>, vector<16xf32>,
        %add3A_2252 = arith.addf %add3A_2242, %get3A_2251 : vector<16xf32>
        %get3A_2253 = arith.constant 25 : i32
        %get3A_2254 = arith.index_cast %get3A_2253 : i32 to index
        %get3A_2255 = arith.constant 0 : index
        %get3A_2256 = tpu.vector_load %arg7[%get3A_2254, %get3A_2255] {strides = array<i32>} : memref<100x128xf32, #tpu.memory_space<vmem>>, vector<16xf32>,
        %add3A_2257 = arith.addf %add3A_2247, %get3A_2256 : vector<16xf32>
        %get3A_2258 = arith.constant 26 : i32
        %get3A_2259 = arith.index_cast %get3A_2258 : i32 to index
        %get3A_2260 = arith.constant 0 : index
        %get3A_2261 = tpu.vector_load %arg7[%get3A_2259, %get3A_2260] {strides = array<i32>} : memref<100x128xf32, #tpu.memory_space<vmem>>, vector<16xf32>,
        %add3A_2262 = arith.addf %add3A_2252, %get3A_2261 : vector<16xf32>
        %get3A_2263 = arith.constant 27 : i32
        %get3A_2264 = arith.index_cast %get3A_2263 : i32 to index
        %get3A_2265 = arith.constant 0 : index
        %get3A_2266 = tpu.vector_load %arg7[%get3A_2264, %get3A_2265] {strides = array<i32>} : memref<100x128xf32, #tpu.memory_space<vmem>>, vector<16xf32>,
        %add3A_2267 = arith.addf %add3A_2257, %get3A_2266 : vector<16xf32>
        %get3A_2268 = arith.constant 28 : i32
        %get3A_2269 = arith.index_cast %get3A_2268 : i32 to index
        %get3A_2270 = arith.constant 0 : index
        %get3A_2271 = tpu.vector_load %arg7[%get3A_2269, %get3A_2270] {strides = array<i32>} : memref<100x128xf32, #tpu.memory_space<vmem>>, vector<16xf32>,
        %add3A_2272 = arith.addf %add3A_2262, %get3A_2271 : vector<16xf32>
        %get3A_2273 = arith.constant 29 : i32
        %get3A_2274 = arith.index_cast %get3A_2273 : i32 to index
        %get3A_2275 = arith.constant 0 : index
        %get3A_2276 = tpu.vector_load %arg7[%get3A_2274, %get3A_2275] {strides = array<i32>} : memref<100x128xf32, #tpu.memory_space<vmem>>, vector<16xf32>,
        %add3A_2277 = arith.addf %add3A_2267, %get3A_2276 : vector<16xf32>
        %get3A_2278 = arith.constant 30 : i32
        %get3A_2279 = arith.index_cast %get3A_2278 : i32 to index
        %get3A_2280 = arith.constant 0 : index
        %get3A_2281 = tpu.vector_load %arg7[%get3A_2279, %get3A_2280] {strides = array<i32>} : memref<100x128xf32, #tpu.memory_space<vmem>>, vector<16xf32>,
        %add3A_2282 = arith.addf %add3A_2272, %get3A_2281 : vector<16xf32>
        %get3A_2283 = arith.constant 31 : i32
        %get3A_2284 = arith.index_cast %get3A_2283 : i32 to index
        %get3A_2285 = arith.constant 0 : index
        %get3A_2286 = tpu.vector_load %arg7[%get3A_2284, %get3A_2285] {strides = array<i32>} : memref<100x128xf32, #tpu.memory_space<vmem>>, vector<16xf32>,
        %add3A_2287 = arith.addf %add3A_2277, %get3A_2286 : vector<16xf32>
        %get3A_2288 = arith.constant 32 : i32
        %get3A_2289 = arith.index_cast %get3A_2288 : i32 to index
        %get3A_2290 = arith.constant 0 : index
        %get3A_2291 = tpu.vector_load %arg7[%get3A_2289, %get3A_2290] {strides = array<i32>} : memref<100x128xf32, #tpu.memory_space<vmem>>, vector<16xf32>,
        %add3A_2292 = arith.addf %add3A_2282, %get3A_2291 : vector<16xf32>
        %get3A_2293 = arith.constant 33 : i32
        %get3A_2294 = arith.index_cast %get3A_2293 : i32 to index
        %get3A_2295 = arith.constant 0 : index
        %get3A_2296 = tpu.vector_load %arg7[%get3A_2294, %get3A_2295] {strides = array<i32>} : memref<100x128xf32, #tpu.memory_space<vmem>>, vector<16xf32>,
        %add3A_2297 = arith.addf %add3A_2287, %get3A_2296 : vector<16xf32>
        %get3A_2298 = arith.constant 34 : i32
        %get3A_2299 = arith.index_cast %get3A_2298 : i32 to index
        %get3A_2300 = arith.constant 0 : index
        %get3A_2301 = tpu.vector_load %arg7[%get3A_2299, %get3A_2300] {strides = array<i32>} : memref<100x128xf32, #tpu.memory_space<vmem>>, vector<16xf32>,
        %add3A_2302 = arith.addf %add3A_2292, %get3A_2301 : vector<16xf32>
        %get3A_2303 = arith.constant 35 : i32
        %get3A_2304 = arith.index_cast %get3A_2303 : i32 to index
        %get3A_2305 = arith.constant 0 : index
        %get3A_2306 = tpu.vector_load %arg7[%get3A_2304, %get3A_2305] {strides = array<i32>} : memref<100x128xf32, #tpu.memory_space<vmem>>, vector<16xf32>,
        %add3A_2307 = arith.addf %add3A_2297, %get3A_2306 : vector<16xf32>
        %get3A_2308 = arith.constant 36 : i32
        %get3A_2309 = arith.index_cast %get3A_2308 : i32 to index
        %get3A_2310 = arith.constant 0 : index
        %get3A_2311 = tpu.vector_load %arg7[%get3A_2309, %get3A_2310] {strides = array<i32>} : memref<100x128xf32, #tpu.memory_space<vmem>>, vector<16xf32>,
        %add3A_2312 = arith.addf %add3A_2302, %get3A_2311 : vector<16xf32>
        %get3A_2313 = arith.constant 37 : i32
        %get3A_2314 = arith.index_cast %get3A_2313 : i32 to index
        %get3A_2315 = arith.constant 0 : index
        %get3A_2316 = tpu.vector_load %arg7[%get3A_2314, %get3A_2315] {strides = array<i32>} : memref<100x128xf32, #tpu.memory_space<vmem>>, vector<16xf32>,
        %add3A_2317 = arith.addf %add3A_2307, %get3A_2316 : vector<16xf32>
        %get3A_2318 = arith.constant 38 : i32
        %get3A_2319 = arith.index_cast %get3A_2318 : i32 to index
        %get3A_2320 = arith.constant 0 : index
        %get3A_2321 = tpu.vector_load %arg7[%get3A_2319, %get3A_2320] {strides = array<i32>} : memref<100x128xf32, #tpu.memory_space<vmem>>, vector<16xf32>,
        %add3A_2322 = arith.addf %add3A_2312, %get3A_2321 : vector<16xf32>
        %get3A_2323 = arith.constant 39 : i32
        %get3A_2324 = arith.index_cast %get3A_2323 : i32 to index
        %get3A_2325 = arith.constant 0 : index
        %get3A_2326 = tpu.vector_load %arg7[%get3A_2324, %get3A_2325] {strides = array<i32>} : memref<100x128xf32, #tpu.memory_space<vmem>>, vector<16xf32>,
        %add3A_2327 = arith.addf %add3A_2317, %get3A_2326 : vector<16xf32>
        %get3A_2328 = arith.constant 40 : i32
        %get3A_2329 = arith.index_cast %get3A_2328 : i32 to index
        %get3A_2330 = arith.constant 0 : index
        %get3A_2331 = tpu.vector_load %arg7[%get3A_2329, %get3A_2330] {strides = array<i32>} : memref<100x128xf32, #tpu.memory_space<vmem>>, vector<16xf32>,
        %add3A_2332 = arith.addf %add3A_2322, %get3A_2331 : vector<16xf32>
        %get3A_2333 = arith.constant 41 : i32
        %get3A_2334 = arith.index_cast %get3A_2333 : i32 to index
        %get3A_2335 = arith.constant 0 : index
        %get3A_2336 = tpu.vector_load %arg7[%get3A_2334, %get3A_2335] {strides = array<i32>} : memref<100x128xf32, #tpu.memory_space<vmem>>, vector<16xf32>,
        %add3A_2337 = arith.addf %add3A_2327, %get3A_2336 : vector<16xf32>
        %get3A_2338 = arith.constant 42 : i32
        %get3A_2339 = arith.index_cast %get3A_2338 : i32 to index
        %get3A_2340 = arith.constant 0 : index
        %get3A_2341 = tpu.vector_load %arg7[%get3A_2339, %get3A_2340] {strides = array<i32>} : memref<100x128xf32, #tpu.memory_space<vmem>>, vector<16xf32>,
        %add3A_2342 = arith.addf %add3A_2332, %get3A_2341 : vector<16xf32>
        %get3A_2343 = arith.constant 43 : i32
        %get3A_2344 = arith.index_cast %get3A_2343 : i32 to index
        %get3A_2345 = arith.constant 0 : index
        %get3A_2346 = tpu.vector_load %arg7[%get3A_2344, %get3A_2345] {strides = array<i32>} : memref<100x128xf32, #tpu.memory_space<vmem>>, vector<16xf32>,
        %add3A_2347 = arith.addf %add3A_2337, %get3A_2346 : vector<16xf32>
        %get3A_2348 = arith.constant 44 : i32
        %get3A_2349 = arith.index_cast %get3A_2348 : i32 to index
        %get3A_2350 = arith.constant 0 : index
        %get3A_2351 = tpu.vector_load %arg7[%get3A_2349, %get3A_2350] {strides = array<i32>} : memref<100x128xf32, #tpu.memory_space<vmem>>, vector<16xf32>,
        %add3A_2352 = arith.addf %add3A_2342, %get3A_2351 : vector<16xf32>
        %get3A_2353 = arith.constant 45 : i32
        %get3A_2354 = arith.index_cast %get3A_2353 : i32 to index
        %get3A_2355 = arith.constant 0 : index
        %get3A_2356 = tpu.vector_load %arg7[%get3A_2354, %get3A_2355] {strides = array<i32>} : memref<100x128xf32, #tpu.memory_space<vmem>>, vector<16xf32>,
        %add3A_2357 = arith.addf %add3A_2347, %get3A_2356 : vector<16xf32>
        %get3A_2358 = arith.constant 46 : i32
        %get3A_2359 = arith.index_cast %get3A_2358 : i32 to index
        %get3A_2360 = arith.constant 0 : index
        %get3A_2361 = tpu.vector_load %arg7[%get3A_2359, %get3A_2360] {strides = array<i32>} : memref<100x128xf32, #tpu.memory_space<vmem>>, vector<16xf32>,
        %add3A_2362 = arith.addf %add3A_2352, %get3A_2361 : vector<16xf32>
        %get3A_2363 = arith.constant 47 : i32
        %get3A_2364 = arith.index_cast %get3A_2363 : i32 to index
        %get3A_2365 = arith.constant 0 : index
        %get3A_2366 = tpu.vector_load %arg7[%get3A_2364, %get3A_2365] {strides = array<i32>} : memref<100x128xf32, #tpu.memory_space<vmem>>, vector<16xf32>,
        %add3A_2367 = arith.addf %add3A_2357, %get3A_2366 : vector<16xf32>
        %get3A_2368 = arith.constant 48 : i32
        %get3A_2369 = arith.index_cast %get3A_2368 : i32 to index
        %get3A_2370 = arith.constant 0 : index
        %get3A_2371 = tpu.vector_load %arg7[%get3A_2369, %get3A_2370] {strides = array<i32>} : memref<100x128xf32, #tpu.memory_space<vmem>>, vector<16xf32>,
        %add3A_2372 = arith.addf %add3A_2362, %get3A_2371 : vector<16xf32>
        %get3A_2373 = arith.constant 49 : i32
        %get3A_2374 = arith.index_cast %get3A_2373 : i32 to index
        %get3A_2375 = arith.constant 0 : index
        %get3A_2376 = tpu.vector_load %arg7[%get3A_2374, %get3A_2375] {strides = array<i32>} : memref<100x128xf32, #tpu.memory_space<vmem>>, vector<16xf32>,
        %add3A_2377 = arith.addf %add3A_2367, %get3A_2376 : vector<16xf32>
        %add3A_2378 = arith.addf %add3A_2372, %add3A_2377 : vector<16xf32>
        %mul3A_2379 = arith.constant 2.000000e-02 : f32
        %mul3A_2380 = vector.broadcast %mul3A_2379 : f32 to vector<16xf32>
        %mul3A_2381 = arith.mulf %add3A_2378, %mul3A_2380 : vector<16xf32>
        %mul3A_2382 = arith.constant 2 : i32
        %mul3A_2383 = arith.muli %mul3A_2382, %add3A_2129 : i32
        %add3A_2384 = arith.constant 0 : i32
        %add3A_2385 = arith.addi %mul3A_2383, %add3A_2384 : i32
        %swap3A_2386 = arith.index_cast %add3A_2385 : i32 to index
        %swap3A_2387 = arith.constant 0 : index
        %swap3A_2388 = tpu.vector_load %arg8[%swap3A_2386, %swap3A_2387] {strides = array<i32>} : memref<32x64xf32, #tpu.memory_space<vmem>>, vector<16xf32>,
        tpu.vector_store %arg8[%swap3A_2386, %swap3A_2387], %mul3A_2381 {strides = array<i32>} : memref<32x64xf32, #tpu.memory_space<vmem>>, vector<16xf32>,
        %get3A_2389 = arith.constant 0 : i32
        %get3A_2390 = arith.index_cast %get3A_2389 : i32 to index
        %get3A_2391 = arith.constant 16 : index
        %get3A_2392 = tpu.vector_load %arg7[%get3A_2390, %get3A_2391] {strides = array<i32>} : memref<100x128xf32, #tpu.memory_space<vmem>>, vector<16xf32>,
        %get3A_2393 = arith.constant 1 : i32
        %get3A_2394 = arith.index_cast %get3A_2393 : i32 to index
        %get3A_2395 = arith.constant 16 : index
        %get3A_2396 = tpu.vector_load %arg7[%get3A_2394, %get3A_2395] {strides = array<i32>} : memref<100x128xf32, #tpu.memory_space<vmem>>, vector<16xf32>,
        %get3A_2397 = arith.constant 2 : i32
        %get3A_2398 = arith.index_cast %get3A_2397 : i32 to index
        %get3A_2399 = arith.constant 16 : index
        %get3A_2400 = tpu.vector_load %arg7[%get3A_2398, %get3A_2399] {strides = array<i32>} : memref<100x128xf32, #tpu.memory_space<vmem>>, vector<16xf32>,
        %add3A_2401 = arith.addf %get3A_2392, %get3A_2400 : vector<16xf32>
        %get3A_2402 = arith.constant 3 : i32
        %get3A_2403 = arith.index_cast %get3A_2402 : i32 to index
        %get3A_2404 = arith.constant 16 : index
        %get3A_2405 = tpu.vector_load %arg7[%get3A_2403, %get3A_2404] {strides = array<i32>} : memref<100x128xf32, #tpu.memory_space<vmem>>, vector<16xf32>,
        %add3A_2406 = arith.addf %get3A_2396, %get3A_2405 : vector<16xf32>
        %get3A_2407 = arith.constant 4 : i32
        %get3A_2408 = arith.index_cast %get3A_2407 : i32 to index
        %get3A_2409 = arith.constant 16 : index
        %get3A_2410 = tpu.vector_load %arg7[%get3A_2408, %get3A_2409] {strides = array<i32>} : memref<100x128xf32, #tpu.memory_space<vmem>>, vector<16xf32>,
        %add3A_2411 = arith.addf %add3A_2401, %get3A_2410 : vector<16xf32>
        %get3A_2412 = arith.constant 5 : i32
        %get3A_2413 = arith.index_cast %get3A_2412 : i32 to index
        %get3A_2414 = arith.constant 16 : index
        %get3A_2415 = tpu.vector_load %arg7[%get3A_2413, %get3A_2414] {strides = array<i32>} : memref<100x128xf32, #tpu.memory_space<vmem>>, vector<16xf32>,
        %add3A_2416 = arith.addf %add3A_2406, %get3A_2415 : vector<16xf32>
        %get3A_2417 = arith.constant 6 : i32
        %get3A_2418 = arith.index_cast %get3A_2417 : i32 to index
        %get3A_2419 = arith.constant 16 : index
        %get3A_2420 = tpu.vector_load %arg7[%get3A_2418, %get3A_2419] {strides = array<i32>} : memref<100x128xf32, #tpu.memory_space<vmem>>, vector<16xf32>,
        %add3A_2421 = arith.addf %add3A_2411, %get3A_2420 : vector<16xf32>
        %get3A_2422 = arith.constant 7 : i32
        %get3A_2423 = arith.index_cast %get3A_2422 : i32 to index
        %get3A_2424 = arith.constant 16 : index
        %get3A_2425 = tpu.vector_load %arg7[%get3A_2423, %get3A_2424] {strides = array<i32>} : memref<100x128xf32, #tpu.memory_space<vmem>>, vector<16xf32>,
        %add3A_2426 = arith.addf %add3A_2416, %get3A_2425 : vector<16xf32>
        %get3A_2427 = arith.constant 8 : i32
        %get3A_2428 = arith.index_cast %get3A_2427 : i32 to index
        %get3A_2429 = arith.constant 16 : index
        %get3A_2430 = tpu.vector_load %arg7[%get3A_2428, %get3A_2429] {strides = array<i32>} : memref<100x128xf32, #tpu.memory_space<vmem>>, vector<16xf32>,
        %add3A_2431 = arith.addf %add3A_2421, %get3A_2430 : vector<16xf32>
        %get3A_2432 = arith.constant 9 : i32
        %get3A_2433 = arith.index_cast %get3A_2432 : i32 to index
        %get3A_2434 = arith.constant 16 : index
        %get3A_2435 = tpu.vector_load %arg7[%get3A_2433, %get3A_2434] {strides = array<i32>} : memref<100x128xf32, #tpu.memory_space<vmem>>, vector<16xf32>,
        %add3A_2436 = arith.addf %add3A_2426, %get3A_2435 : vector<16xf32>
        %get3A_2437 = arith.constant 10 : i32
        %get3A_2438 = arith.index_cast %get3A_2437 : i32 to index
        %get3A_2439 = arith.constant 16 : index
        %get3A_2440 = tpu.vector_load %arg7[%get3A_2438, %get3A_2439] {strides = array<i32>} : memref<100x128xf32, #tpu.memory_space<vmem>>, vector<16xf32>,
        %add3A_2441 = arith.addf %add3A_2431, %get3A_2440 : vector<16xf32>
        %get3A_2442 = arith.constant 11 : i32
        %get3A_2443 = arith.index_cast %get3A_2442 : i32 to index
        %get3A_2444 = arith.constant 16 : index
        %get3A_2445 = tpu.vector_load %arg7[%get3A_2443, %get3A_2444] {strides = array<i32>} : memref<100x128xf32, #tpu.memory_space<vmem>>, vector<16xf32>,
        %add3A_2446 = arith.addf %add3A_2436, %get3A_2445 : vector<16xf32>
        %get3A_2447 = arith.constant 12 : i32
        %get3A_2448 = arith.index_cast %get3A_2447 : i32 to index
        %get3A_2449 = arith.constant 16 : index
        %get3A_2450 = tpu.vector_load %arg7[%get3A_2448, %get3A_2449] {strides = array<i32>} : memref<100x128xf32, #tpu.memory_space<vmem>>, vector<16xf32>,
        %add3A_2451 = arith.addf %add3A_2441, %get3A_2450 : vector<16xf32>
        %get3A_2452 = arith.constant 13 : i32
        %get3A_2453 = arith.index_cast %get3A_2452 : i32 to index
        %get3A_2454 = arith.constant 16 : index
        %get3A_2455 = tpu.vector_load %arg7[%get3A_2453, %get3A_2454] {strides = array<i32>} : memref<100x128xf32, #tpu.memory_space<vmem>>, vector<16xf32>,
        %add3A_2456 = arith.addf %add3A_2446, %get3A_2455 : vector<16xf32>
        %get3A_2457 = arith.constant 14 : i32
        %get3A_2458 = arith.index_cast %get3A_2457 : i32 to index
        %get3A_2459 = arith.constant 16 : index
        %get3A_2460 = tpu.vector_load %arg7[%get3A_2458, %get3A_2459] {strides = array<i32>} : memref<100x128xf32, #tpu.memory_space<vmem>>, vector<16xf32>,
        %add3A_2461 = arith.addf %add3A_2451, %get3A_2460 : vector<16xf32>
        %get3A_2462 = arith.constant 15 : i32
        %get3A_2463 = arith.index_cast %get3A_2462 : i32 to index
        %get3A_2464 = arith.constant 16 : index
        %get3A_2465 = tpu.vector_load %arg7[%get3A_2463, %get3A_2464] {strides = array<i32>} : memref<100x128xf32, #tpu.memory_space<vmem>>, vector<16xf32>,
        %add3A_2466 = arith.addf %add3A_2456, %get3A_2465 : vector<16xf32>
        %get3A_2467 = arith.constant 16 : i32
        %get3A_2468 = arith.index_cast %get3A_2467 : i32 to index
        %get3A_2469 = arith.constant 16 : index
        %get3A_2470 = tpu.vector_load %arg7[%get3A_2468, %get3A_2469] {strides = array<i32>} : memref<100x128xf32, #tpu.memory_space<vmem>>, vector<16xf32>,
        %add3A_2471 = arith.addf %add3A_2461, %get3A_2470 : vector<16xf32>
        %get3A_2472 = arith.constant 17 : i32
        %get3A_2473 = arith.index_cast %get3A_2472 : i32 to index
        %get3A_2474 = arith.constant 16 : index
        %get3A_2475 = tpu.vector_load %arg7[%get3A_2473, %get3A_2474] {strides = array<i32>} : memref<100x128xf32, #tpu.memory_space<vmem>>, vector<16xf32>,
        %add3A_2476 = arith.addf %add3A_2466, %get3A_2475 : vector<16xf32>
        %get3A_2477 = arith.constant 18 : i32
        %get3A_2478 = arith.index_cast %get3A_2477 : i32 to index
        %get3A_2479 = arith.constant 16 : index
        %get3A_2480 = tpu.vector_load %arg7[%get3A_2478, %get3A_2479] {strides = array<i32>} : memref<100x128xf32, #tpu.memory_space<vmem>>, vector<16xf32>,
        %add3A_2481 = arith.addf %add3A_2471, %get3A_2480 : vector<16xf32>
        %get3A_2482 = arith.constant 19 : i32
        %get3A_2483 = arith.index_cast %get3A_2482 : i32 to index
        %get3A_2484 = arith.constant 16 : index
        %get3A_2485 = tpu.vector_load %arg7[%get3A_2483, %get3A_2484] {strides = array<i32>} : memref<100x128xf32, #tpu.memory_space<vmem>>, vector<16xf32>,
        %add3A_2486 = arith.addf %add3A_2476, %get3A_2485 : vector<16xf32>
        %get3A_2487 = arith.constant 20 : i32
        %get3A_2488 = arith.index_cast %get3A_2487 : i32 to index
        %get3A_2489 = arith.constant 16 : index
        %get3A_2490 = tpu.vector_load %arg7[%get3A_2488, %get3A_2489] {strides = array<i32>} : memref<100x128xf32, #tpu.memory_space<vmem>>, vector<16xf32>,
        %add3A_2491 = arith.addf %add3A_2481, %get3A_2490 : vector<16xf32>
        %get3A_2492 = arith.constant 21 : i32
        %get3A_2493 = arith.index_cast %get3A_2492 : i32 to index
        %get3A_2494 = arith.constant 16 : index
        %get3A_2495 = tpu.vector_load %arg7[%get3A_2493, %get3A_2494] {strides = array<i32>} : memref<100x128xf32, #tpu.memory_space<vmem>>, vector<16xf32>,
        %add3A_2496 = arith.addf %add3A_2486, %get3A_2495 : vector<16xf32>
        %get3A_2497 = arith.constant 22 : i32
        %get3A_2498 = arith.index_cast %get3A_2497 : i32 to index
        %get3A_2499 = arith.constant 16 : index
        %get3A_2500 = tpu.vector_load %arg7[%get3A_2498, %get3A_2499] {strides = array<i32>} : memref<100x128xf32, #tpu.memory_space<vmem>>, vector<16xf32>,
        %add3A_2501 = arith.addf %add3A_2491, %get3A_2500 : vector<16xf32>
        %get3A_2502 = arith.constant 23 : i32
        %get3A_2503 = arith.index_cast %get3A_2502 : i32 to index
        %get3A_2504 = arith.constant 16 : index
        %get3A_2505 = tpu.vector_load %arg7[%get3A_2503, %get3A_2504] {strides = array<i32>} : memref<100x128xf32, #tpu.memory_space<vmem>>, vector<16xf32>,
        %add3A_2506 = arith.addf %add3A_2496, %get3A_2505 : vector<16xf32>
        %get3A_2507 = arith.constant 24 : i32
        %get3A_2508 = arith.index_cast %get3A_2507 : i32 to index
        %get3A_2509 = arith.constant 16 : index
        %get3A_2510 = tpu.vector_load %arg7[%get3A_2508, %get3A_2509] {strides = array<i32>} : memref<100x128xf32, #tpu.memory_space<vmem>>, vector<16xf32>,
        %add3A_2511 = arith.addf %add3A_2501, %get3A_2510 : vector<16xf32>
        %get3A_2512 = arith.constant 25 : i32
        %get3A_2513 = arith.index_cast %get3A_2512 : i32 to index
        %get3A_2514 = arith.constant 16 : index
        %get3A_2515 = tpu.vector_load %arg7[%get3A_2513, %get3A_2514] {strides = array<i32>} : memref<100x128xf32, #tpu.memory_space<vmem>>, vector<16xf32>,
        %add3A_2516 = arith.addf %add3A_2506, %get3A_2515 : vector<16xf32>
        %get3A_2517 = arith.constant 26 : i32
        %get3A_2518 = arith.index_cast %get3A_2517 : i32 to index
        %get3A_2519 = arith.constant 16 : index
        %get3A_2520 = tpu.vector_load %arg7[%get3A_2518, %get3A_2519] {strides = array<i32>} : memref<100x128xf32, #tpu.memory_space<vmem>>, vector<16xf32>,
        %add3A_2521 = arith.addf %add3A_2511, %get3A_2520 : vector<16xf32>
        %get3A_2522 = arith.constant 27 : i32
        %get3A_2523 = arith.index_cast %get3A_2522 : i32 to index
        %get3A_2524 = arith.constant 16 : index
        %get3A_2525 = tpu.vector_load %arg7[%get3A_2523, %get3A_2524] {strides = array<i32>} : memref<100x128xf32, #tpu.memory_space<vmem>>, vector<16xf32>,
        %add3A_2526 = arith.addf %add3A_2516, %get3A_2525 : vector<16xf32>
        %get3A_2527 = arith.constant 28 : i32
        %get3A_2528 = arith.index_cast %get3A_2527 : i32 to index
        %get3A_2529 = arith.constant 16 : index
        %get3A_2530 = tpu.vector_load %arg7[%get3A_2528, %get3A_2529] {strides = array<i32>} : memref<100x128xf32, #tpu.memory_space<vmem>>, vector<16xf32>,
        %add3A_2531 = arith.addf %add3A_2521, %get3A_2530 : vector<16xf32>
        %get3A_2532 = arith.constant 29 : i32
        %get3A_2533 = arith.index_cast %get3A_2532 : i32 to index
        %get3A_2534 = arith.constant 16 : index
        %get3A_2535 = tpu.vector_load %arg7[%get3A_2533, %get3A_2534] {strides = array<i32>} : memref<100x128xf32, #tpu.memory_space<vmem>>, vector<16xf32>,
        %add3A_2536 = arith.addf %add3A_2526, %get3A_2535 : vector<16xf32>
        %get3A_2537 = arith.constant 30 : i32
        %get3A_2538 = arith.index_cast %get3A_2537 : i32 to index
        %get3A_2539 = arith.constant 16 : index
        %get3A_2540 = tpu.vector_load %arg7[%get3A_2538, %get3A_2539] {strides = array<i32>} : memref<100x128xf32, #tpu.memory_space<vmem>>, vector<16xf32>,
        %add3A_2541 = arith.addf %add3A_2531, %get3A_2540 : vector<16xf32>
        %get3A_2542 = arith.constant 31 : i32
        %get3A_2543 = arith.index_cast %get3A_2542 : i32 to index
        %get3A_2544 = arith.constant 16 : index
        %get3A_2545 = tpu.vector_load %arg7[%get3A_2543, %get3A_2544] {strides = array<i32>} : memref<100x128xf32, #tpu.memory_space<vmem>>, vector<16xf32>,
        %add3A_2546 = arith.addf %add3A_2536, %get3A_2545 : vector<16xf32>
        %get3A_2547 = arith.constant 32 : i32
        %get3A_2548 = arith.index_cast %get3A_2547 : i32 to index
        %get3A_2549 = arith.constant 16 : index
        %get3A_2550 = tpu.vector_load %arg7[%get3A_2548, %get3A_2549] {strides = array<i32>} : memref<100x128xf32, #tpu.memory_space<vmem>>, vector<16xf32>,
        %add3A_2551 = arith.addf %add3A_2541, %get3A_2550 : vector<16xf32>
        %get3A_2552 = arith.constant 33 : i32
        %get3A_2553 = arith.index_cast %get3A_2552 : i32 to index
        %get3A_2554 = arith.constant 16 : index
        %get3A_2555 = tpu.vector_load %arg7[%get3A_2553, %get3A_2554] {strides = array<i32>} : memref<100x128xf32, #tpu.memory_space<vmem>>, vector<16xf32>,
        %add3A_2556 = arith.addf %add3A_2546, %get3A_2555 : vector<16xf32>
        %get3A_2557 = arith.constant 34 : i32
        %get3A_2558 = arith.index_cast %get3A_2557 : i32 to index
        %get3A_2559 = arith.constant 16 : index
        %get3A_2560 = tpu.vector_load %arg7[%get3A_2558, %get3A_2559] {strides = array<i32>} : memref<100x128xf32, #tpu.memory_space<vmem>>, vector<16xf32>,
        %add3A_2561 = arith.addf %add3A_2551, %get3A_2560 : vector<16xf32>
        %get3A_2562 = arith.constant 35 : i32
        %get3A_2563 = arith.index_cast %get3A_2562 : i32 to index
        %get3A_2564 = arith.constant 16 : index
        %get3A_2565 = tpu.vector_load %arg7[%get3A_2563, %get3A_2564] {strides = array<i32>} : memref<100x128xf32, #tpu.memory_space<vmem>>, vector<16xf32>,
        %add3A_2566 = arith.addf %add3A_2556, %get3A_2565 : vector<16xf32>
        %get3A_2567 = arith.constant 36 : i32
        %get3A_2568 = arith.index_cast %get3A_2567 : i32 to index
        %get3A_2569 = arith.constant 16 : index
        %get3A_2570 = tpu.vector_load %arg7[%get3A_2568, %get3A_2569] {strides = array<i32>} : memref<100x128xf32, #tpu.memory_space<vmem>>, vector<16xf32>,
        %add3A_2571 = arith.addf %add3A_2561, %get3A_2570 : vector<16xf32>
        %get3A_2572 = arith.constant 37 : i32
        %get3A_2573 = arith.index_cast %get3A_2572 : i32 to index
        %get3A_2574 = arith.constant 16 : index
        %get3A_2575 = tpu.vector_load %arg7[%get3A_2573, %get3A_2574] {strides = array<i32>} : memref<100x128xf32, #tpu.memory_space<vmem>>, vector<16xf32>,
        %add3A_2576 = arith.addf %add3A_2566, %get3A_2575 : vector<16xf32>
        %get3A_2577 = arith.constant 38 : i32
        %get3A_2578 = arith.index_cast %get3A_2577 : i32 to index
        %get3A_2579 = arith.constant 16 : index
        %get3A_2580 = tpu.vector_load %arg7[%get3A_2578, %get3A_2579] {strides = array<i32>} : memref<100x128xf32, #tpu.memory_space<vmem>>, vector<16xf32>,
        %add3A_2581 = arith.addf %add3A_2571, %get3A_2580 : vector<16xf32>
        %get3A_2582 = arith.constant 39 : i32
        %get3A_2583 = arith.index_cast %get3A_2582 : i32 to index
        %get3A_2584 = arith.constant 16 : index
        %get3A_2585 = tpu.vector_load %arg7[%get3A_2583, %get3A_2584] {strides = array<i32>} : memref<100x128xf32, #tpu.memory_space<vmem>>, vector<16xf32>,
        %add3A_2586 = arith.addf %add3A_2576, %get3A_2585 : vector<16xf32>
        %get3A_2587 = arith.constant 40 : i32
        %get3A_2588 = arith.index_cast %get3A_2587 : i32 to index
        %get3A_2589 = arith.constant 16 : index
        %get3A_2590 = tpu.vector_load %arg7[%get3A_2588, %get3A_2589] {strides = array<i32>} : memref<100x128xf32, #tpu.memory_space<vmem>>, vector<16xf32>,
        %add3A_2591 = arith.addf %add3A_2581, %get3A_2590 : vector<16xf32>
        %get3A_2592 = arith.constant 41 : i32
        %get3A_2593 = arith.index_cast %get3A_2592 : i32 to index
        %get3A_2594 = arith.constant 16 : index
        %get3A_2595 = tpu.vector_load %arg7[%get3A_2593, %get3A_2594] {strides = array<i32>} : memref<100x128xf32, #tpu.memory_space<vmem>>, vector<16xf32>,
        %add3A_2596 = arith.addf %add3A_2586, %get3A_2595 : vector<16xf32>
        %get3A_2597 = arith.constant 42 : i32
        %get3A_2598 = arith.index_cast %get3A_2597 : i32 to index
        %get3A_2599 = arith.constant 16 : index
        %get3A_2600 = tpu.vector_load %arg7[%get3A_2598, %get3A_2599] {strides = array<i32>} : memref<100x128xf32, #tpu.memory_space<vmem>>, vector<16xf32>,
        %add3A_2601 = arith.addf %add3A_2591, %get3A_2600 : vector<16xf32>
        %get3A_2602 = arith.constant 43 : i32
        %get3A_2603 = arith.index_cast %get3A_2602 : i32 to index
        %get3A_2604 = arith.constant 16 : index
        %get3A_2605 = tpu.vector_load %arg7[%get3A_2603, %get3A_2604] {strides = array<i32>} : memref<100x128xf32, #tpu.memory_space<vmem>>, vector<16xf32>,
        %add3A_2606 = arith.addf %add3A_2596, %get3A_2605 : vector<16xf32>
        %get3A_2607 = arith.constant 44 : i32
        %get3A_2608 = arith.index_cast %get3A_2607 : i32 to index
        %get3A_2609 = arith.constant 16 : index
        %get3A_2610 = tpu.vector_load %arg7[%get3A_2608, %get3A_2609] {strides = array<i32>} : memref<100x128xf32, #tpu.memory_space<vmem>>, vector<16xf32>,
        %add3A_2611 = arith.addf %add3A_2601, %get3A_2610 : vector<16xf32>
        %get3A_2612 = arith.constant 45 : i32
        %get3A_2613 = arith.index_cast %get3A_2612 : i32 to index
        %get3A_2614 = arith.constant 16 : index
        %get3A_2615 = tpu.vector_load %arg7[%get3A_2613, %get3A_2614] {strides = array<i32>} : memref<100x128xf32, #tpu.memory_space<vmem>>, vector<16xf32>,
        %add3A_2616 = arith.addf %add3A_2606, %get3A_2615 : vector<16xf32>
        %get3A_2617 = arith.constant 46 : i32
        %get3A_2618 = arith.index_cast %get3A_2617 : i32 to index
        %get3A_2619 = arith.constant 16 : index
        %get3A_2620 = tpu.vector_load %arg7[%get3A_2618, %get3A_2619] {strides = array<i32>} : memref<100x128xf32, #tpu.memory_space<vmem>>, vector<16xf32>,
        %add3A_2621 = arith.addf %add3A_2611, %get3A_2620 : vector<16xf32>
        %get3A_2622 = arith.constant 47 : i32
        %get3A_2623 = arith.index_cast %get3A_2622 : i32 to index
        %get3A_2624 = arith.constant 16 : index
        %get3A_2625 = tpu.vector_load %arg7[%get3A_2623, %get3A_2624] {strides = array<i32>} : memref<100x128xf32, #tpu.memory_space<vmem>>, vector<16xf32>,
        %add3A_2626 = arith.addf %add3A_2616, %get3A_2625 : vector<16xf32>
        %get3A_2627 = arith.constant 48 : i32
        %get3A_2628 = arith.index_cast %get3A_2627 : i32 to index
        %get3A_2629 = arith.constant 16 : index
        %get3A_2630 = tpu.vector_load %arg7[%get3A_2628, %get3A_2629] {strides = array<i32>} : memref<100x128xf32, #tpu.memory_space<vmem>>, vector<16xf32>,
        %add3A_2631 = arith.addf %add3A_2621, %get3A_2630 : vector<16xf32>
        %get3A_2632 = arith.constant 49 : i32
        %get3A_2633 = arith.index_cast %get3A_2632 : i32 to index
        %get3A_2634 = arith.constant 16 : index
        %get3A_2635 = tpu.vector_load %arg7[%get3A_2633, %get3A_2634] {strides = array<i32>} : memref<100x128xf32, #tpu.memory_space<vmem>>, vector<16xf32>,
        %add3A_2636 = arith.addf %add3A_2626, %get3A_2635 : vector<16xf32>
        %add3A_2637 = arith.addf %add3A_2631, %add3A_2636 : vector<16xf32>
        %mul3A_2638 = arith.constant 2.000000e-02 : f32
        %mul3A_2639 = vector.broadcast %mul3A_2638 : f32 to vector<16xf32>
        %mul3A_2640 = arith.mulf %add3A_2637, %mul3A_2639 : vector<16xf32>
        %mul3A_2641 = arith.constant 2 : i32
        %mul3A_2642 = arith.muli %mul3A_2641, %add3A_2129 : i32
        %add3A_2643 = arith.constant 0 : i32
        %add3A_2644 = arith.addi %mul3A_2642, %add3A_2643 : i32
        %swap3A_2645 = arith.index_cast %add3A_2644 : i32 to index
        %swap3A_2646 = arith.constant 16 : index
        %swap3A_2647 = tpu.vector_load %arg8[%swap3A_2645, %swap3A_2646] {strides = array<i32>} : memref<32x64xf32, #tpu.memory_space<vmem>>, vector<16xf32>,
        tpu.vector_store %arg8[%swap3A_2645, %swap3A_2646], %mul3A_2640 {strides = array<i32>} : memref<32x64xf32, #tpu.memory_space<vmem>>, vector<16xf32>,
        %get3A_2648 = arith.constant 0 : i32
        %get3A_2649 = arith.index_cast %get3A_2648 : i32 to index
        %get3A_2650 = arith.constant 32 : index
        %get3A_2651 = tpu.vector_load %arg7[%get3A_2649, %get3A_2650] {strides = array<i32>} : memref<100x128xf32, #tpu.memory_space<vmem>>, vector<16xf32>,
        %get3A_2652 = arith.constant 1 : i32
        %get3A_2653 = arith.index_cast %get3A_2652 : i32 to index
        %get3A_2654 = arith.constant 32 : index
        %get3A_2655 = tpu.vector_load %arg7[%get3A_2653, %get3A_2654] {strides = array<i32>} : memref<100x128xf32, #tpu.memory_space<vmem>>, vector<16xf32>,
        %get3A_2656 = arith.constant 2 : i32
        %get3A_2657 = arith.index_cast %get3A_2656 : i32 to index
        %get3A_2658 = arith.constant 32 : index
        %get3A_2659 = tpu.vector_load %arg7[%get3A_2657, %get3A_2658] {strides = array<i32>} : memref<100x128xf32, #tpu.memory_space<vmem>>, vector<16xf32>,
        %add3A_2660 = arith.addf %get3A_2651, %get3A_2659 : vector<16xf32>
        %get3A_2661 = arith.constant 3 : i32
        %get3A_2662 = arith.index_cast %get3A_2661 : i32 to index
        %get3A_2663 = arith.constant 32 : index
        %get3A_2664 = tpu.vector_load %arg7[%get3A_2662, %get3A_2663] {strides = array<i32>} : memref<100x128xf32, #tpu.memory_space<vmem>>, vector<16xf32>,
        %add3A_2665 = arith.addf %get3A_2655, %get3A_2664 : vector<16xf32>
        %get3A_2666 = arith.constant 4 : i32
        %get3A_2667 = arith.index_cast %get3A_2666 : i32 to index
        %get3A_2668 = arith.constant 32 : index
        %get3A_2669 = tpu.vector_load %arg7[%get3A_2667, %get3A_2668] {strides = array<i32>} : memref<100x128xf32, #tpu.memory_space<vmem>>, vector<16xf32>,
        %add3A_2670 = arith.addf %add3A_2660, %get3A_2669 : vector<16xf32>
        %get3A_2671 = arith.constant 5 : i32
        %get3A_2672 = arith.index_cast %get3A_2671 : i32 to index
        %get3A_2673 = arith.constant 32 : index
        %get3A_2674 = tpu.vector_load %arg7[%get3A_2672, %get3A_2673] {strides = array<i32>} : memref<100x128xf32, #tpu.memory_space<vmem>>, vector<16xf32>,
        %add3A_2675 = arith.addf %add3A_2665, %get3A_2674 : vector<16xf32>
        %get3A_2676 = arith.constant 6 : i32
        %get3A_2677 = arith.index_cast %get3A_2676 : i32 to index
        %get3A_2678 = arith.constant 32 : index
        %get3A_2679 = tpu.vector_load %arg7[%get3A_2677, %get3A_2678] {strides = array<i32>} : memref<100x128xf32, #tpu.memory_space<vmem>>, vector<16xf32>,
        %add3A_2680 = arith.addf %add3A_2670, %get3A_2679 : vector<16xf32>
        %get3A_2681 = arith.constant 7 : i32
        %get3A_2682 = arith.index_cast %get3A_2681 : i32 to index
        %get3A_2683 = arith.constant 32 : index
        %get3A_2684 = tpu.vector_load %arg7[%get3A_2682, %get3A_2683] {strides = array<i32>} : memref<100x128xf32, #tpu.memory_space<vmem>>, vector<16xf32>,
        %add3A_2685 = arith.addf %add3A_2675, %get3A_2684 : vector<16xf32>
        %get3A_2686 = arith.constant 8 : i32
        %get3A_2687 = arith.index_cast %get3A_2686 : i32 to index
        %get3A_2688 = arith.constant 32 : index
        %get3A_2689 = tpu.vector_load %arg7[%get3A_2687, %get3A_2688] {strides = array<i32>} : memref<100x128xf32, #tpu.memory_space<vmem>>, vector<16xf32>,
        %add3A_2690 = arith.addf %add3A_2680, %get3A_2689 : vector<16xf32>
        %get3A_2691 = arith.constant 9 : i32
        %get3A_2692 = arith.index_cast %get3A_2691 : i32 to index
        %get3A_2693 = arith.constant 32 : index
        %get3A_2694 = tpu.vector_load %arg7[%get3A_2692, %get3A_2693] {strides = array<i32>} : memref<100x128xf32, #tpu.memory_space<vmem>>, vector<16xf32>,
        %add3A_2695 = arith.addf %add3A_2685, %get3A_2694 : vector<16xf32>
        %get3A_2696 = arith.constant 10 : i32
        %get3A_2697 = arith.index_cast %get3A_2696 : i32 to index
        %get3A_2698 = arith.constant 32 : index
        %get3A_2699 = tpu.vector_load %arg7[%get3A_2697, %get3A_2698] {strides = array<i32>} : memref<100x128xf32, #tpu.memory_space<vmem>>, vector<16xf32>,
        %add3A_2700 = arith.addf %add3A_2690, %get3A_2699 : vector<16xf32>
        %get3A_2701 = arith.constant 11 : i32
        %get3A_2702 = arith.index_cast %get3A_2701 : i32 to index
        %get3A_2703 = arith.constant 32 : index
        %get3A_2704 = tpu.vector_load %arg7[%get3A_2702, %get3A_2703] {strides = array<i32>} : memref<100x128xf32, #tpu.memory_space<vmem>>, vector<16xf32>,
        %add3A_2705 = arith.addf %add3A_2695, %get3A_2704 : vector<16xf32>
        %get3A_2706 = arith.constant 12 : i32
        %get3A_2707 = arith.index_cast %get3A_2706 : i32 to index
        %get3A_2708 = arith.constant 32 : index
        %get3A_2709 = tpu.vector_load %arg7[%get3A_2707, %get3A_2708] {strides = array<i32>} : memref<100x128xf32, #tpu.memory_space<vmem>>, vector<16xf32>,
        %add3A_2710 = arith.addf %add3A_2700, %get3A_2709 : vector<16xf32>
        %get3A_2711 = arith.constant 13 : i32
        %get3A_2712 = arith.index_cast %get3A_2711 : i32 to index
        %get3A_2713 = arith.constant 32 : index
        %get3A_2714 = tpu.vector_load %arg7[%get3A_2712, %get3A_2713] {strides = array<i32>} : memref<100x128xf32, #tpu.memory_space<vmem>>, vector<16xf32>,
        %add3A_2715 = arith.addf %add3A_2705, %get3A_2714 : vector<16xf32>
        %get3A_2716 = arith.constant 14 : i32
        %get3A_2717 = arith.index_cast %get3A_2716 : i32 to index
        %get3A_2718 = arith.constant 32 : index
        %get3A_2719 = tpu.vector_load %arg7[%get3A_2717, %get3A_2718] {strides = array<i32>} : memref<100x128xf32, #tpu.memory_space<vmem>>, vector<16xf32>,
        %add3A_2720 = arith.addf %add3A_2710, %get3A_2719 : vector<16xf32>
        %get3A_2721 = arith.constant 15 : i32
        %get3A_2722 = arith.index_cast %get3A_2721 : i32 to index
        %get3A_2723 = arith.constant 32 : index
        %get3A_2724 = tpu.vector_load %arg7[%get3A_2722, %get3A_2723] {strides = array<i32>} : memref<100x128xf32, #tpu.memory_space<vmem>>, vector<16xf32>,
        %add3A_2725 = arith.addf %add3A_2715, %get3A_2724 : vector<16xf32>
        %get3A_2726 = arith.constant 16 : i32
        %get3A_2727 = arith.index_cast %get3A_2726 : i32 to index
        %get3A_2728 = arith.constant 32 : index
        %get3A_2729 = tpu.vector_load %arg7[%get3A_2727, %get3A_2728] {strides = array<i32>} : memref<100x128xf32, #tpu.memory_space<vmem>>, vector<16xf32>,
        %add3A_2730 = arith.addf %add3A_2720, %get3A_2729 : vector<16xf32>
        %get3A_2731 = arith.constant 17 : i32
        %get3A_2732 = arith.index_cast %get3A_2731 : i32 to index
        %get3A_2733 = arith.constant 32 : index
        %get3A_2734 = tpu.vector_load %arg7[%get3A_2732, %get3A_2733] {strides = array<i32>} : memref<100x128xf32, #tpu.memory_space<vmem>>, vector<16xf32>,
        %add3A_2735 = arith.addf %add3A_2725, %get3A_2734 : vector<16xf32>
        %get3A_2736 = arith.constant 18 : i32
        %get3A_2737 = arith.index_cast %get3A_2736 : i32 to index
        %get3A_2738 = arith.constant 32 : index
        %get3A_2739 = tpu.vector_load %arg7[%get3A_2737, %get3A_2738] {strides = array<i32>} : memref<100x128xf32, #tpu.memory_space<vmem>>, vector<16xf32>,
        %add3A_2740 = arith.addf %add3A_2730, %get3A_2739 : vector<16xf32>
        %get3A_2741 = arith.constant 19 : i32
        %get3A_2742 = arith.index_cast %get3A_2741 : i32 to index
        %get3A_2743 = arith.constant 32 : index
        %get3A_2744 = tpu.vector_load %arg7[%get3A_2742, %get3A_2743] {strides = array<i32>} : memref<100x128xf32, #tpu.memory_space<vmem>>, vector<16xf32>,
        %add3A_2745 = arith.addf %add3A_2735, %get3A_2744 : vector<16xf32>
        %get3A_2746 = arith.constant 20 : i32
        %get3A_2747 = arith.index_cast %get3A_2746 : i32 to index
        %get3A_2748 = arith.constant 32 : index
        %get3A_2749 = tpu.vector_load %arg7[%get3A_2747, %get3A_2748] {strides = array<i32>} : memref<100x128xf32, #tpu.memory_space<vmem>>, vector<16xf32>,
        %add3A_2750 = arith.addf %add3A_2740, %get3A_2749 : vector<16xf32>
        %get3A_2751 = arith.constant 21 : i32
        %get3A_2752 = arith.index_cast %get3A_2751 : i32 to index
        %get3A_2753 = arith.constant 32 : index
        %get3A_2754 = tpu.vector_load %arg7[%get3A_2752, %get3A_2753] {strides = array<i32>} : memref<100x128xf32, #tpu.memory_space<vmem>>, vector<16xf32>,
        %add3A_2755 = arith.addf %add3A_2745, %get3A_2754 : vector<16xf32>
        %get3A_2756 = arith.constant 22 : i32
        %get3A_2757 = arith.index_cast %get3A_2756 : i32 to index
        %get3A_2758 = arith.constant 32 : index
        %get3A_2759 = tpu.vector_load %arg7[%get3A_2757, %get3A_2758] {strides = array<i32>} : memref<100x128xf32, #tpu.memory_space<vmem>>, vector<16xf32>,
        %add3A_2760 = arith.addf %add3A_2750, %get3A_2759 : vector<16xf32>
        %get3A_2761 = arith.constant 23 : i32
        %get3A_2762 = arith.index_cast %get3A_2761 : i32 to index
        %get3A_2763 = arith.constant 32 : index
        %get3A_2764 = tpu.vector_load %arg7[%get3A_2762, %get3A_2763] {strides = array<i32>} : memref<100x128xf32, #tpu.memory_space<vmem>>, vector<16xf32>,
        %add3A_2765 = arith.addf %add3A_2755, %get3A_2764 : vector<16xf32>
        %get3A_2766 = arith.constant 24 : i32
        %get3A_2767 = arith.index_cast %get3A_2766 : i32 to index
        %get3A_2768 = arith.constant 32 : index
        %get3A_2769 = tpu.vector_load %arg7[%get3A_2767, %get3A_2768] {strides = array<i32>} : memref<100x128xf32, #tpu.memory_space<vmem>>, vector<16xf32>,
        %add3A_2770 = arith.addf %add3A_2760, %get3A_2769 : vector<16xf32>
        %get3A_2771 = arith.constant 25 : i32
        %get3A_2772 = arith.index_cast %get3A_2771 : i32 to index
        %get3A_2773 = arith.constant 32 : index
        %get3A_2774 = tpu.vector_load %arg7[%get3A_2772, %get3A_2773] {strides = array<i32>} : memref<100x128xf32, #tpu.memory_space<vmem>>, vector<16xf32>,
        %add3A_2775 = arith.addf %add3A_2765, %get3A_2774 : vector<16xf32>
        %get3A_2776 = arith.constant 26 : i32
        %get3A_2777 = arith.index_cast %get3A_2776 : i32 to index
        %get3A_2778 = arith.constant 32 : index
        %get3A_2779 = tpu.vector_load %arg7[%get3A_2777, %get3A_2778] {strides = array<i32>} : memref<100x128xf32, #tpu.memory_space<vmem>>, vector<16xf32>,
        %add3A_2780 = arith.addf %add3A_2770, %get3A_2779 : vector<16xf32>
        %get3A_2781 = arith.constant 27 : i32
        %get3A_2782 = arith.index_cast %get3A_2781 : i32 to index
        %get3A_2783 = arith.constant 32 : index
        %get3A_2784 = tpu.vector_load %arg7[%get3A_2782, %get3A_2783] {strides = array<i32>} : memref<100x128xf32, #tpu.memory_space<vmem>>, vector<16xf32>,
        %add3A_2785 = arith.addf %add3A_2775, %get3A_2784 : vector<16xf32>
        %get3A_2786 = arith.constant 28 : i32
        %get3A_2787 = arith.index_cast %get3A_2786 : i32 to index
        %get3A_2788 = arith.constant 32 : index
        %get3A_2789 = tpu.vector_load %arg7[%get3A_2787, %get3A_2788] {strides = array<i32>} : memref<100x128xf32, #tpu.memory_space<vmem>>, vector<16xf32>,
        %add3A_2790 = arith.addf %add3A_2780, %get3A_2789 : vector<16xf32>
        %get3A_2791 = arith.constant 29 : i32
        %get3A_2792 = arith.index_cast %get3A_2791 : i32 to index
        %get3A_2793 = arith.constant 32 : index
        %get3A_2794 = tpu.vector_load %arg7[%get3A_2792, %get3A_2793] {strides = array<i32>} : memref<100x128xf32, #tpu.memory_space<vmem>>, vector<16xf32>,
        %add3A_2795 = arith.addf %add3A_2785, %get3A_2794 : vector<16xf32>
        %get3A_2796 = arith.constant 30 : i32
        %get3A_2797 = arith.index_cast %get3A_2796 : i32 to index
        %get3A_2798 = arith.constant 32 : index
        %get3A_2799 = tpu.vector_load %arg7[%get3A_2797, %get3A_2798] {strides = array<i32>} : memref<100x128xf32, #tpu.memory_space<vmem>>, vector<16xf32>,
        %add3A_2800 = arith.addf %add3A_2790, %get3A_2799 : vector<16xf32>
        %get3A_2801 = arith.constant 31 : i32
        %get3A_2802 = arith.index_cast %get3A_2801 : i32 to index
        %get3A_2803 = arith.constant 32 : index
        %get3A_2804 = tpu.vector_load %arg7[%get3A_2802, %get3A_2803] {strides = array<i32>} : memref<100x128xf32, #tpu.memory_space<vmem>>, vector<16xf32>,
        %add3A_2805 = arith.addf %add3A_2795, %get3A_2804 : vector<16xf32>
        %get3A_2806 = arith.constant 32 : i32
        %get3A_2807 = arith.index_cast %get3A_2806 : i32 to index
        %get3A_2808 = arith.constant 32 : index
        %get3A_2809 = tpu.vector_load %arg7[%get3A_2807, %get3A_2808] {strides = array<i32>} : memref<100x128xf32, #tpu.memory_space<vmem>>, vector<16xf32>,
        %add3A_2810 = arith.addf %add3A_2800, %get3A_2809 : vector<16xf32>
        %get3A_2811 = arith.constant 33 : i32
        %get3A_2812 = arith.index_cast %get3A_2811 : i32 to index
        %get3A_2813 = arith.constant 32 : index
        %get3A_2814 = tpu.vector_load %arg7[%get3A_2812, %get3A_2813] {strides = array<i32>} : memref<100x128xf32, #tpu.memory_space<vmem>>, vector<16xf32>,
        %add3A_2815 = arith.addf %add3A_2805, %get3A_2814 : vector<16xf32>
        %get3A_2816 = arith.constant 34 : i32
        %get3A_2817 = arith.index_cast %get3A_2816 : i32 to index
        %get3A_2818 = arith.constant 32 : index
        %get3A_2819 = tpu.vector_load %arg7[%get3A_2817, %get3A_2818] {strides = array<i32>} : memref<100x128xf32, #tpu.memory_space<vmem>>, vector<16xf32>,
        %add3A_2820 = arith.addf %add3A_2810, %get3A_2819 : vector<16xf32>
        %get3A_2821 = arith.constant 35 : i32
        %get3A_2822 = arith.index_cast %get3A_2821 : i32 to index
        %get3A_2823 = arith.constant 32 : index
        %get3A_2824 = tpu.vector_load %arg7[%get3A_2822, %get3A_2823] {strides = array<i32>} : memref<100x128xf32, #tpu.memory_space<vmem>>, vector<16xf32>,
        %add3A_2825 = arith.addf %add3A_2815, %get3A_2824 : vector<16xf32>
        %get3A_2826 = arith.constant 36 : i32
        %get3A_2827 = arith.index_cast %get3A_2826 : i32 to index
        %get3A_2828 = arith.constant 32 : index
        %get3A_2829 = tpu.vector_load %arg7[%get3A_2827, %get3A_2828] {strides = array<i32>} : memref<100x128xf32, #tpu.memory_space<vmem>>, vector<16xf32>,
        %add3A_2830 = arith.addf %add3A_2820, %get3A_2829 : vector<16xf32>
        %get3A_2831 = arith.constant 37 : i32
        %get3A_2832 = arith.index_cast %get3A_2831 : i32 to index
        %get3A_2833 = arith.constant 32 : index
        %get3A_2834 = tpu.vector_load %arg7[%get3A_2832, %get3A_2833] {strides = array<i32>} : memref<100x128xf32, #tpu.memory_space<vmem>>, vector<16xf32>,
        %add3A_2835 = arith.addf %add3A_2825, %get3A_2834 : vector<16xf32>
        %get3A_2836 = arith.constant 38 : i32
        %get3A_2837 = arith.index_cast %get3A_2836 : i32 to index
        %get3A_2838 = arith.constant 32 : index
        %get3A_2839 = tpu.vector_load %arg7[%get3A_2837, %get3A_2838] {strides = array<i32>} : memref<100x128xf32, #tpu.memory_space<vmem>>, vector<16xf32>,
        %add3A_2840 = arith.addf %add3A_2830, %get3A_2839 : vector<16xf32>
        %get3A_2841 = arith.constant 39 : i32
        %get3A_2842 = arith.index_cast %get3A_2841 : i32 to index
        %get3A_2843 = arith.constant 32 : index
        %get3A_2844 = tpu.vector_load %arg7[%get3A_2842, %get3A_2843] {strides = array<i32>} : memref<100x128xf32, #tpu.memory_space<vmem>>, vector<16xf32>,
        %add3A_2845 = arith.addf %add3A_2835, %get3A_2844 : vector<16xf32>
        %get3A_2846 = arith.constant 40 : i32
        %get3A_2847 = arith.index_cast %get3A_2846 : i32 to index
        %get3A_2848 = arith.constant 32 : index
        %get3A_2849 = tpu.vector_load %arg7[%get3A_2847, %get3A_2848] {strides = array<i32>} : memref<100x128xf32, #tpu.memory_space<vmem>>, vector<16xf32>,
        %add3A_2850 = arith.addf %add3A_2840, %get3A_2849 : vector<16xf32>
        %get3A_2851 = arith.constant 41 : i32
        %get3A_2852 = arith.index_cast %get3A_2851 : i32 to index
        %get3A_2853 = arith.constant 32 : index
        %get3A_2854 = tpu.vector_load %arg7[%get3A_2852, %get3A_2853] {strides = array<i32>} : memref<100x128xf32, #tpu.memory_space<vmem>>, vector<16xf32>,
        %add3A_2855 = arith.addf %add3A_2845, %get3A_2854 : vector<16xf32>
        %get3A_2856 = arith.constant 42 : i32
        %get3A_2857 = arith.index_cast %get3A_2856 : i32 to index
        %get3A_2858 = arith.constant 32 : index
        %get3A_2859 = tpu.vector_load %arg7[%get3A_2857, %get3A_2858] {strides = array<i32>} : memref<100x128xf32, #tpu.memory_space<vmem>>, vector<16xf32>,
        %add3A_2860 = arith.addf %add3A_2850, %get3A_2859 : vector<16xf32>
        %get3A_2861 = arith.constant 43 : i32
        %get3A_2862 = arith.index_cast %get3A_2861 : i32 to index
        %get3A_2863 = arith.constant 32 : index
        %get3A_2864 = tpu.vector_load %arg7[%get3A_2862, %get3A_2863] {strides = array<i32>} : memref<100x128xf32, #tpu.memory_space<vmem>>, vector<16xf32>,
        %add3A_2865 = arith.addf %add3A_2855, %get3A_2864 : vector<16xf32>
        %get3A_2866 = arith.constant 44 : i32
        %get3A_2867 = arith.index_cast %get3A_2866 : i32 to index
        %get3A_2868 = arith.constant 32 : index
        %get3A_2869 = tpu.vector_load %arg7[%get3A_2867, %get3A_2868] {strides = array<i32>} : memref<100x128xf32, #tpu.memory_space<vmem>>, vector<16xf32>,
        %add3A_2870 = arith.addf %add3A_2860, %get3A_2869 : vector<16xf32>
        %get3A_2871 = arith.constant 45 : i32
        %get3A_2872 = arith.index_cast %get3A_2871 : i32 to index
        %get3A_2873 = arith.constant 32 : index
        %get3A_2874 = tpu.vector_load %arg7[%get3A_2872, %get3A_2873] {strides = array<i32>} : memref<100x128xf32, #tpu.memory_space<vmem>>, vector<16xf32>,
        %add3A_2875 = arith.addf %add3A_2865, %get3A_2874 : vector<16xf32>
        %get3A_2876 = arith.constant 46 : i32
        %get3A_2877 = arith.index_cast %get3A_2876 : i32 to index
        %get3A_2878 = arith.constant 32 : index
        %get3A_2879 = tpu.vector_load %arg7[%get3A_2877, %get3A_2878] {strides = array<i32>} : memref<100x128xf32, #tpu.memory_space<vmem>>, vector<16xf32>,
        %add3A_2880 = arith.addf %add3A_2870, %get3A_2879 : vector<16xf32>
        %get3A_2881 = arith.constant 47 : i32
        %get3A_2882 = arith.index_cast %get3A_2881 : i32 to index
        %get3A_2883 = arith.constant 32 : index
        %get3A_2884 = tpu.vector_load %arg7[%get3A_2882, %get3A_2883] {strides = array<i32>} : memref<100x128xf32, #tpu.memory_space<vmem>>, vector<16xf32>,
        %add3A_2885 = arith.addf %add3A_2875, %get3A_2884 : vector<16xf32>
        %get3A_2886 = arith.constant 48 : i32
        %get3A_2887 = arith.index_cast %get3A_2886 : i32 to index
        %get3A_2888 = arith.constant 32 : index
        %get3A_2889 = tpu.vector_load %arg7[%get3A_2887, %get3A_2888] {strides = array<i32>} : memref<100x128xf32, #tpu.memory_space<vmem>>, vector<16xf32>,
        %add3A_2890 = arith.addf %add3A_2880, %get3A_2889 : vector<16xf32>
        %get3A_2891 = arith.constant 49 : i32
        %get3A_2892 = arith.index_cast %get3A_2891 : i32 to index
        %get3A_2893 = arith.constant 32 : index
        %get3A_2894 = tpu.vector_load %arg7[%get3A_2892, %get3A_2893] {strides = array<i32>} : memref<100x128xf32, #tpu.memory_space<vmem>>, vector<16xf32>,
        %add3A_2895 = arith.addf %add3A_2885, %get3A_2894 : vector<16xf32>
        %add3A_2896 = arith.addf %add3A_2890, %add3A_2895 : vector<16xf32>
        %mul3A_2897 = arith.constant 2.000000e-02 : f32
        %mul3A_2898 = vector.broadcast %mul3A_2897 : f32 to vector<16xf32>
        %mul3A_2899 = arith.mulf %add3A_2896, %mul3A_2898 : vector<16xf32>
        %mul3A_2900 = arith.constant 2 : i32
        %mul3A_2901 = arith.muli %mul3A_2900, %add3A_2129 : i32
        %add3A_2902 = arith.constant 0 : i32
        %add3A_2903 = arith.addi %mul3A_2901, %add3A_2902 : i32
        %swap3A_2904 = arith.index_cast %add3A_2903 : i32 to index
        %swap3A_2905 = arith.constant 32 : index
        %swap3A_2906 = tpu.vector_load %arg8[%swap3A_2904, %swap3A_2905] {strides = array<i32>} : memref<32x64xf32, #tpu.memory_space<vmem>>, vector<16xf32>,
        tpu.vector_store %arg8[%swap3A_2904, %swap3A_2905], %mul3A_2899 {strides = array<i32>} : memref<32x64xf32, #tpu.memory_space<vmem>>, vector<16xf32>,
        %get3A_2907 = arith.constant 0 : i32
        %get3A_2908 = arith.index_cast %get3A_2907 : i32 to index
        %get3A_2909 = arith.constant 48 : index
        %get3A_2910 = tpu.vector_load %arg7[%get3A_2908, %get3A_2909] {strides = array<i32>} : memref<100x128xf32, #tpu.memory_space<vmem>>, vector<16xf32>,
        %get3A_2911 = arith.constant 1 : i32
        %get3A_2912 = arith.index_cast %get3A_2911 : i32 to index
        %get3A_2913 = arith.constant 48 : index
        %get3A_2914 = tpu.vector_load %arg7[%get3A_2912, %get3A_2913] {strides = array<i32>} : memref<100x128xf32, #tpu.memory_space<vmem>>, vector<16xf32>,
        %get3A_2915 = arith.constant 2 : i32
        %get3A_2916 = arith.index_cast %get3A_2915 : i32 to index
        %get3A_2917 = arith.constant 48 : index
        %get3A_2918 = tpu.vector_load %arg7[%get3A_2916, %get3A_2917] {strides = array<i32>} : memref<100x128xf32, #tpu.memory_space<vmem>>, vector<16xf32>,
        %add3A_2919 = arith.addf %get3A_2910, %get3A_2918 : vector<16xf32>
        %get3A_2920 = arith.constant 3 : i32
        %get3A_2921 = arith.index_cast %get3A_2920 : i32 to index
        %get3A_2922 = arith.constant 48 : index
        %get3A_2923 = tpu.vector_load %arg7[%get3A_2921, %get3A_2922] {strides = array<i32>} : memref<100x128xf32, #tpu.memory_space<vmem>>, vector<16xf32>,
        %add3A_2924 = arith.addf %get3A_2914, %get3A_2923 : vector<16xf32>
        %get3A_2925 = arith.constant 4 : i32
        %get3A_2926 = arith.index_cast %get3A_2925 : i32 to index
        %get3A_2927 = arith.constant 48 : index
        %get3A_2928 = tpu.vector_load %arg7[%get3A_2926, %get3A_2927] {strides = array<i32>} : memref<100x128xf32, #tpu.memory_space<vmem>>, vector<16xf32>,
        %add3A_2929 = arith.addf %add3A_2919, %get3A_2928 : vector<16xf32>
        %get3A_2930 = arith.constant 5 : i32
        %get3A_2931 = arith.index_cast %get3A_2930 : i32 to index
        %get3A_2932 = arith.constant 48 : index
        %get3A_2933 = tpu.vector_load %arg7[%get3A_2931, %get3A_2932] {strides = array<i32>} : memref<100x128xf32, #tpu.memory_space<vmem>>, vector<16xf32>,
        %add3A_2934 = arith.addf %add3A_2924, %get3A_2933 : vector<16xf32>
        %get3A_2935 = arith.constant 6 : i32
        %get3A_2936 = arith.index_cast %get3A_2935 : i32 to index
        %get3A_2937 = arith.constant 48 : index
        %get3A_2938 = tpu.vector_load %arg7[%get3A_2936, %get3A_2937] {strides = array<i32>} : memref<100x128xf32, #tpu.memory_space<vmem>>, vector<16xf32>,
        %add3A_2939 = arith.addf %add3A_2929, %get3A_2938 : vector<16xf32>
        %get3A_2940 = arith.constant 7 : i32
        %get3A_2941 = arith.index_cast %get3A_2940 : i32 to index
        %get3A_2942 = arith.constant 48 : index
        %get3A_2943 = tpu.vector_load %arg7[%get3A_2941, %get3A_2942] {strides = array<i32>} : memref<100x128xf32, #tpu.memory_space<vmem>>, vector<16xf32>,
        %add3A_2944 = arith.addf %add3A_2934, %get3A_2943 : vector<16xf32>
        %get3A_2945 = arith.constant 8 : i32
        %get3A_2946 = arith.index_cast %get3A_2945 : i32 to index
        %get3A_2947 = arith.constant 48 : index
        %get3A_2948 = tpu.vector_load %arg7[%get3A_2946, %get3A_2947] {strides = array<i32>} : memref<100x128xf32, #tpu.memory_space<vmem>>, vector<16xf32>,
        %add3A_2949 = arith.addf %add3A_2939, %get3A_2948 : vector<16xf32>
        %get3A_2950 = arith.constant 9 : i32
        %get3A_2951 = arith.index_cast %get3A_2950 : i32 to index
        %get3A_2952 = arith.constant 48 : index
        %get3A_2953 = tpu.vector_load %arg7[%get3A_2951, %get3A_2952] {strides = array<i32>} : memref<100x128xf32, #tpu.memory_space<vmem>>, vector<16xf32>,
        %add3A_2954 = arith.addf %add3A_2944, %get3A_2953 : vector<16xf32>
        %get3A_2955 = arith.constant 10 : i32
        %get3A_2956 = arith.index_cast %get3A_2955 : i32 to index
        %get3A_2957 = arith.constant 48 : index
        %get3A_2958 = tpu.vector_load %arg7[%get3A_2956, %get3A_2957] {strides = array<i32>} : memref<100x128xf32, #tpu.memory_space<vmem>>, vector<16xf32>,
        %add3A_2959 = arith.addf %add3A_2949, %get3A_2958 : vector<16xf32>
        %get3A_2960 = arith.constant 11 : i32
        %get3A_2961 = arith.index_cast %get3A_2960 : i32 to index
        %get3A_2962 = arith.constant 48 : index
        %get3A_2963 = tpu.vector_load %arg7[%get3A_2961, %get3A_2962] {strides = array<i32>} : memref<100x128xf32, #tpu.memory_space<vmem>>, vector<16xf32>,
        %add3A_2964 = arith.addf %add3A_2954, %get3A_2963 : vector<16xf32>
        %get3A_2965 = arith.constant 12 : i32
        %get3A_2966 = arith.index_cast %get3A_2965 : i32 to index
        %get3A_2967 = arith.constant 48 : index
        %get3A_2968 = tpu.vector_load %arg7[%get3A_2966, %get3A_2967] {strides = array<i32>} : memref<100x128xf32, #tpu.memory_space<vmem>>, vector<16xf32>,
        %add3A_2969 = arith.addf %add3A_2959, %get3A_2968 : vector<16xf32>
        %get3A_2970 = arith.constant 13 : i32
        %get3A_2971 = arith.index_cast %get3A_2970 : i32 to index
        %get3A_2972 = arith.constant 48 : index
        %get3A_2973 = tpu.vector_load %arg7[%get3A_2971, %get3A_2972] {strides = array<i32>} : memref<100x128xf32, #tpu.memory_space<vmem>>, vector<16xf32>,
        %add3A_2974 = arith.addf %add3A_2964, %get3A_2973 : vector<16xf32>
        %get3A_2975 = arith.constant 14 : i32
        %get3A_2976 = arith.index_cast %get3A_2975 : i32 to index
        %get3A_2977 = arith.constant 48 : index
        %get3A_2978 = tpu.vector_load %arg7[%get3A_2976, %get3A_2977] {strides = array<i32>} : memref<100x128xf32, #tpu.memory_space<vmem>>, vector<16xf32>,
        %add3A_2979 = arith.addf %add3A_2969, %get3A_2978 : vector<16xf32>
        %get3A_2980 = arith.constant 15 : i32
        %get3A_2981 = arith.index_cast %get3A_2980 : i32 to index
        %get3A_2982 = arith.constant 48 : index
        %get3A_2983 = tpu.vector_load %arg7[%get3A_2981, %get3A_2982] {strides = array<i32>} : memref<100x128xf32, #tpu.memory_space<vmem>>, vector<16xf32>,
        %add3A_2984 = arith.addf %add3A_2974, %get3A_2983 : vector<16xf32>
        %get3A_2985 = arith.constant 16 : i32
        %get3A_2986 = arith.index_cast %get3A_2985 : i32 to index
        %get3A_2987 = arith.constant 48 : index
        %get3A_2988 = tpu.vector_load %arg7[%get3A_2986, %get3A_2987] {strides = array<i32>} : memref<100x128xf32, #tpu.memory_space<vmem>>, vector<16xf32>,
        %add3A_2989 = arith.addf %add3A_2979, %get3A_2988 : vector<16xf32>
        %get3A_2990 = arith.constant 17 : i32
        %get3A_2991 = arith.index_cast %get3A_2990 : i32 to index
        %get3A_2992 = arith.constant 48 : index
        %get3A_2993 = tpu.vector_load %arg7[%get3A_2991, %get3A_2992] {strides = array<i32>} : memref<100x128xf32, #tpu.memory_space<vmem>>, vector<16xf32>,
        %add3A_2994 = arith.addf %add3A_2984, %get3A_2993 : vector<16xf32>
        %get3A_2995 = arith.constant 18 : i32
        %get3A_2996 = arith.index_cast %get3A_2995 : i32 to index
        %get3A_2997 = arith.constant 48 : index
        %get3A_2998 = tpu.vector_load %arg7[%get3A_2996, %get3A_2997] {strides = array<i32>} : memref<100x128xf32, #tpu.memory_space<vmem>>, vector<16xf32>,
        %add3A_2999 = arith.addf %add3A_2989, %get3A_2998 : vector<16xf32>
        %get3A_3000 = arith.constant 19 : i32
        %get3A_3001 = arith.index_cast %get3A_3000 : i32 to index
        %get3A_3002 = arith.constant 48 : index
        %get3A_3003 = tpu.vector_load %arg7[%get3A_3001, %get3A_3002] {strides = array<i32>} : memref<100x128xf32, #tpu.memory_space<vmem>>, vector<16xf32>,
        %add3A_3004 = arith.addf %add3A_2994, %get3A_3003 : vector<16xf32>
        %get3A_3005 = arith.constant 20 : i32
        %get3A_3006 = arith.index_cast %get3A_3005 : i32 to index
        %get3A_3007 = arith.constant 48 : index
        %get3A_3008 = tpu.vector_load %arg7[%get3A_3006, %get3A_3007] {strides = array<i32>} : memref<100x128xf32, #tpu.memory_space<vmem>>, vector<16xf32>,
        %add3A_3009 = arith.addf %add3A_2999, %get3A_3008 : vector<16xf32>
        %get3A_3010 = arith.constant 21 : i32
        %get3A_3011 = arith.index_cast %get3A_3010 : i32 to index
        %get3A_3012 = arith.constant 48 : index
        %get3A_3013 = tpu.vector_load %arg7[%get3A_3011, %get3A_3012] {strides = array<i32>} : memref<100x128xf32, #tpu.memory_space<vmem>>, vector<16xf32>,
        %add3A_3014 = arith.addf %add3A_3004, %get3A_3013 : vector<16xf32>
        %get3A_3015 = arith.constant 22 : i32
        %get3A_3016 = arith.index_cast %get3A_3015 : i32 to index
        %get3A_3017 = arith.constant 48 : index
        %get3A_3018 = tpu.vector_load %arg7[%get3A_3016, %get3A_3017] {strides = array<i32>} : memref<100x128xf32, #tpu.memory_space<vmem>>, vector<16xf32>,
        %add3A_3019 = arith.addf %add3A_3009, %get3A_3018 : vector<16xf32>
        %get3A_3020 = arith.constant 23 : i32
        %get3A_3021 = arith.index_cast %get3A_3020 : i32 to index
        %get3A_3022 = arith.constant 48 : index
        %get3A_3023 = tpu.vector_load %arg7[%get3A_3021, %get3A_3022] {strides = array<i32>} : memref<100x128xf32, #tpu.memory_space<vmem>>, vector<16xf32>,
        %add3A_3024 = arith.addf %add3A_3014, %get3A_3023 : vector<16xf32>
        %get3A_3025 = arith.constant 24 : i32
        %get3A_3026 = arith.index_cast %get3A_3025 : i32 to index
        %get3A_3027 = arith.constant 48 : index
        %get3A_3028 = tpu.vector_load %arg7[%get3A_3026, %get3A_3027] {strides = array<i32>} : memref<100x128xf32, #tpu.memory_space<vmem>>, vector<16xf32>,
        %add3A_3029 = arith.addf %add3A_3019, %get3A_3028 : vector<16xf32>
        %get3A_3030 = arith.constant 25 : i32
        %get3A_3031 = arith.index_cast %get3A_3030 : i32 to index
        %get3A_3032 = arith.constant 48 : index
        %get3A_3033 = tpu.vector_load %arg7[%get3A_3031, %get3A_3032] {strides = array<i32>} : memref<100x128xf32, #tpu.memory_space<vmem>>, vector<16xf32>,
        %add3A_3034 = arith.addf %add3A_3024, %get3A_3033 : vector<16xf32>
        %get3A_3035 = arith.constant 26 : i32
        %get3A_3036 = arith.index_cast %get3A_3035 : i32 to index
        %get3A_3037 = arith.constant 48 : index
        %get3A_3038 = tpu.vector_load %arg7[%get3A_3036, %get3A_3037] {strides = array<i32>} : memref<100x128xf32, #tpu.memory_space<vmem>>, vector<16xf32>,
        %add3A_3039 = arith.addf %add3A_3029, %get3A_3038 : vector<16xf32>
        %get3A_3040 = arith.constant 27 : i32
        %get3A_3041 = arith.index_cast %get3A_3040 : i32 to index
        %get3A_3042 = arith.constant 48 : index
        %get3A_3043 = tpu.vector_load %arg7[%get3A_3041, %get3A_3042] {strides = array<i32>} : memref<100x128xf32, #tpu.memory_space<vmem>>, vector<16xf32>,
        %add3A_3044 = arith.addf %add3A_3034, %get3A_3043 : vector<16xf32>
        %get3A_3045 = arith.constant 28 : i32
        %get3A_3046 = arith.index_cast %get3A_3045 : i32 to index
        %get3A_3047 = arith.constant 48 : index
        %get3A_3048 = tpu.vector_load %arg7[%get3A_3046, %get3A_3047] {strides = array<i32>} : memref<100x128xf32, #tpu.memory_space<vmem>>, vector<16xf32>,
        %add3A_3049 = arith.addf %add3A_3039, %get3A_3048 : vector<16xf32>
        %get3A_3050 = arith.constant 29 : i32
        %get3A_3051 = arith.index_cast %get3A_3050 : i32 to index
        %get3A_3052 = arith.constant 48 : index
        %get3A_3053 = tpu.vector_load %arg7[%get3A_3051, %get3A_3052] {strides = array<i32>} : memref<100x128xf32, #tpu.memory_space<vmem>>, vector<16xf32>,
        %add3A_3054 = arith.addf %add3A_3044, %get3A_3053 : vector<16xf32>
        %get3A_3055 = arith.constant 30 : i32
        %get3A_3056 = arith.index_cast %get3A_3055 : i32 to index
        %get3A_3057 = arith.constant 48 : index
        %get3A_3058 = tpu.vector_load %arg7[%get3A_3056, %get3A_3057] {strides = array<i32>} : memref<100x128xf32, #tpu.memory_space<vmem>>, vector<16xf32>,
        %add3A_3059 = arith.addf %add3A_3049, %get3A_3058 : vector<16xf32>
        %get3A_3060 = arith.constant 31 : i32
        %get3A_3061 = arith.index_cast %get3A_3060 : i32 to index
        %get3A_3062 = arith.constant 48 : index
        %get3A_3063 = tpu.vector_load %arg7[%get3A_3061, %get3A_3062] {strides = array<i32>} : memref<100x128xf32, #tpu.memory_space<vmem>>, vector<16xf32>,
        %add3A_3064 = arith.addf %add3A_3054, %get3A_3063 : vector<16xf32>
        %get3A_3065 = arith.constant 32 : i32
        %get3A_3066 = arith.index_cast %get3A_3065 : i32 to index
        %get3A_3067 = arith.constant 48 : index
        %get3A_3068 = tpu.vector_load %arg7[%get3A_3066, %get3A_3067] {strides = array<i32>} : memref<100x128xf32, #tpu.memory_space<vmem>>, vector<16xf32>,
        %add3A_3069 = arith.addf %add3A_3059, %get3A_3068 : vector<16xf32>
        %get3A_3070 = arith.constant 33 : i32
        %get3A_3071 = arith.index_cast %get3A_3070 : i32 to index
        %get3A_3072 = arith.constant 48 : index
        %get3A_3073 = tpu.vector_load %arg7[%get3A_3071, %get3A_3072] {strides = array<i32>} : memref<100x128xf32, #tpu.memory_space<vmem>>, vector<16xf32>,
        %add3A_3074 = arith.addf %add3A_3064, %get3A_3073 : vector<16xf32>
        %get3A_3075 = arith.constant 34 : i32
        %get3A_3076 = arith.index_cast %get3A_3075 : i32 to index
        %get3A_3077 = arith.constant 48 : index
        %get3A_3078 = tpu.vector_load %arg7[%get3A_3076, %get3A_3077] {strides = array<i32>} : memref<100x128xf32, #tpu.memory_space<vmem>>, vector<16xf32>,
        %add3A_3079 = arith.addf %add3A_3069, %get3A_3078 : vector<16xf32>
        %get3A_3080 = arith.constant 35 : i32
        %get3A_3081 = arith.index_cast %get3A_3080 : i32 to index
        %get3A_3082 = arith.constant 48 : index
        %get3A_3083 = tpu.vector_load %arg7[%get3A_3081, %get3A_3082] {strides = array<i32>} : memref<100x128xf32, #tpu.memory_space<vmem>>, vector<16xf32>,
        %add3A_3084 = arith.addf %add3A_3074, %get3A_3083 : vector<16xf32>
        %get3A_3085 = arith.constant 36 : i32
        %get3A_3086 = arith.index_cast %get3A_3085 : i32 to index
        %get3A_3087 = arith.constant 48 : index
        %get3A_3088 = tpu.vector_load %arg7[%get3A_3086, %get3A_3087] {strides = array<i32>} : memref<100x128xf32, #tpu.memory_space<vmem>>, vector<16xf32>,
        %add3A_3089 = arith.addf %add3A_3079, %get3A_3088 : vector<16xf32>
        %get3A_3090 = arith.constant 37 : i32
        %get3A_3091 = arith.index_cast %get3A_3090 : i32 to index
        %get3A_3092 = arith.constant 48 : index
        %get3A_3093 = tpu.vector_load %arg7[%get3A_3091, %get3A_3092] {strides = array<i32>} : memref<100x128xf32, #tpu.memory_space<vmem>>, vector<16xf32>,
        %add3A_3094 = arith.addf %add3A_3084, %get3A_3093 : vector<16xf32>
        %get3A_3095 = arith.constant 38 : i32
        %get3A_3096 = arith.index_cast %get3A_3095 : i32 to index
        %get3A_3097 = arith.constant 48 : index
        %get3A_3098 = tpu.vector_load %arg7[%get3A_3096, %get3A_3097] {strides = array<i32>} : memref<100x128xf32, #tpu.memory_space<vmem>>, vector<16xf32>,
        %add3A_3099 = arith.addf %add3A_3089, %get3A_3098 : vector<16xf32>
        %get3A_3100 = arith.constant 39 : i32
        %get3A_3101 = arith.index_cast %get3A_3100 : i32 to index
        %get3A_3102 = arith.constant 48 : index
        %get3A_3103 = tpu.vector_load %arg7[%get3A_3101, %get3A_3102] {strides = array<i32>} : memref<100x128xf32, #tpu.memory_space<vmem>>, vector<16xf32>,
        %add3A_3104 = arith.addf %add3A_3094, %get3A_3103 : vector<16xf32>
        %get3A_3105 = arith.constant 40 : i32
        %get3A_3106 = arith.index_cast %get3A_3105 : i32 to index
        %get3A_3107 = arith.constant 48 : index
        %get3A_3108 = tpu.vector_load %arg7[%get3A_3106, %get3A_3107] {strides = array<i32>} : memref<100x128xf32, #tpu.memory_space<vmem>>, vector<16xf32>,
        %add3A_3109 = arith.addf %add3A_3099, %get3A_3108 : vector<16xf32>
        %get3A_3110 = arith.constant 41 : i32
        %get3A_3111 = arith.index_cast %get3A_3110 : i32 to index
        %get3A_3112 = arith.constant 48 : index
        %get3A_3113 = tpu.vector_load %arg7[%get3A_3111, %get3A_3112] {strides = array<i32>} : memref<100x128xf32, #tpu.memory_space<vmem>>, vector<16xf32>,
        %add3A_3114 = arith.addf %add3A_3104, %get3A_3113 : vector<16xf32>
        %get3A_3115 = arith.constant 42 : i32
        %get3A_3116 = arith.index_cast %get3A_3115 : i32 to index
        %get3A_3117 = arith.constant 48 : index
        %get3A_3118 = tpu.vector_load %arg7[%get3A_3116, %get3A_3117] {strides = array<i32>} : memref<100x128xf32, #tpu.memory_space<vmem>>, vector<16xf32>,
        %add3A_3119 = arith.addf %add3A_3109, %get3A_3118 : vector<16xf32>
        %get3A_3120 = arith.constant 43 : i32
        %get3A_3121 = arith.index_cast %get3A_3120 : i32 to index
        %get3A_3122 = arith.constant 48 : index
        %get3A_3123 = tpu.vector_load %arg7[%get3A_3121, %get3A_3122] {strides = array<i32>} : memref<100x128xf32, #tpu.memory_space<vmem>>, vector<16xf32>,
        %add3A_3124 = arith.addf %add3A_3114, %get3A_3123 : vector<16xf32>
        %get3A_3125 = arith.constant 44 : i32
        %get3A_3126 = arith.index_cast %get3A_3125 : i32 to index
        %get3A_3127 = arith.constant 48 : index
        %get3A_3128 = tpu.vector_load %arg7[%get3A_3126, %get3A_3127] {strides = array<i32>} : memref<100x128xf32, #tpu.memory_space<vmem>>, vector<16xf32>,
        %add3A_3129 = arith.addf %add3A_3119, %get3A_3128 : vector<16xf32>
        %get3A_3130 = arith.constant 45 : i32
        %get3A_3131 = arith.index_cast %get3A_3130 : i32 to index
        %get3A_3132 = arith.constant 48 : index
        %get3A_3133 = tpu.vector_load %arg7[%get3A_3131, %get3A_3132] {strides = array<i32>} : memref<100x128xf32, #tpu.memory_space<vmem>>, vector<16xf32>,
        %add3A_3134 = arith.addf %add3A_3124, %get3A_3133 : vector<16xf32>
        %get3A_3135 = arith.constant 46 : i32
        %get3A_3136 = arith.index_cast %get3A_3135 : i32 to index
        %get3A_3137 = arith.constant 48 : index
        %get3A_3138 = tpu.vector_load %arg7[%get3A_3136, %get3A_3137] {strides = array<i32>} : memref<100x128xf32, #tpu.memory_space<vmem>>, vector<16xf32>,
        %add3A_3139 = arith.addf %add3A_3129, %get3A_3138 : vector<16xf32>
        %get3A_3140 = arith.constant 47 : i32
        %get3A_3141 = arith.index_cast %get3A_3140 : i32 to index
        %get3A_3142 = arith.constant 48 : index
        %get3A_3143 = tpu.vector_load %arg7[%get3A_3141, %get3A_3142] {strides = array<i32>} : memref<100x128xf32, #tpu.memory_space<vmem>>, vector<16xf32>,
        %add3A_3144 = arith.addf %add3A_3134, %get3A_3143 : vector<16xf32>
        %get3A_3145 = arith.constant 48 : i32
        %get3A_3146 = arith.index_cast %get3A_3145 : i32 to index
        %get3A_3147 = arith.constant 48 : index
        %get3A_3148 = tpu.vector_load %arg7[%get3A_3146, %get3A_3147] {strides = array<i32>} : memref<100x128xf32, #tpu.memory_space<vmem>>, vector<16xf32>,
        %add3A_3149 = arith.addf %add3A_3139, %get3A_3148 : vector<16xf32>
        %get3A_3150 = arith.constant 49 : i32
        %get3A_3151 = arith.index_cast %get3A_3150 : i32 to index
        %get3A_3152 = arith.constant 48 : index
        %get3A_3153 = tpu.vector_load %arg7[%get3A_3151, %get3A_3152] {strides = array<i32>} : memref<100x128xf32, #tpu.memory_space<vmem>>, vector<16xf32>,
        %add3A_3154 = arith.addf %add3A_3144, %get3A_3153 : vector<16xf32>
        %add3A_3155 = arith.addf %add3A_3149, %add3A_3154 : vector<16xf32>
        %mul3A_3156 = arith.constant 2.000000e-02 : f32
        %mul3A_3157 = vector.broadcast %mul3A_3156 : f32 to vector<16xf32>
        %mul3A_3158 = arith.mulf %add3A_3155, %mul3A_3157 : vector<16xf32>
        %mul3A_3159 = arith.constant 2 : i32
        %mul3A_3160 = arith.muli %mul3A_3159, %add3A_2129 : i32
        %add3A_3161 = arith.constant 0 : i32
        %add3A_3162 = arith.addi %mul3A_3160, %add3A_3161 : i32
        %swap3A_3163 = arith.index_cast %add3A_3162 : i32 to index
        %swap3A_3164 = arith.constant 48 : index
        %swap3A_3165 = tpu.vector_load %arg8[%swap3A_3163, %swap3A_3164] {strides = array<i32>} : memref<32x64xf32, #tpu.memory_space<vmem>>, vector<16xf32>,
        tpu.vector_store %arg8[%swap3A_3163, %swap3A_3164], %mul3A_3158 {strides = array<i32>} : memref<32x64xf32, #tpu.memory_space<vmem>>, vector<16xf32>,
        %get3A_3166 = arith.constant 50 : i32
        %get3A_3167 = arith.index_cast %get3A_3166 : i32 to index
        %get3A_3168 = arith.constant 0 : index
        %get3A_3169 = tpu.vector_load %arg7[%get3A_3167, %get3A_3168] {strides = array<i32>} : memref<100x128xf32, #tpu.memory_space<vmem>>, vector<16xf32>,
        %get3A_3170 = arith.constant 51 : i32
        %get3A_3171 = arith.index_cast %get3A_3170 : i32 to index
        %get3A_3172 = arith.constant 0 : index
        %get3A_3173 = tpu.vector_load %arg7[%get3A_3171, %get3A_3172] {strides = array<i32>} : memref<100x128xf32, #tpu.memory_space<vmem>>, vector<16xf32>,
        %get3A_3174 = arith.constant 52 : i32
        %get3A_3175 = arith.index_cast %get3A_3174 : i32 to index
        %get3A_3176 = arith.constant 0 : index
        %get3A_3177 = tpu.vector_load %arg7[%get3A_3175, %get3A_3176] {strides = array<i32>} : memref<100x128xf32, #tpu.memory_space<vmem>>, vector<16xf32>,
        %add3A_3178 = arith.addf %get3A_3169, %get3A_3177 : vector<16xf32>
        %get3A_3179 = arith.constant 53 : i32
        %get3A_3180 = arith.index_cast %get3A_3179 : i32 to index
        %get3A_3181 = arith.constant 0 : index
        %get3A_3182 = tpu.vector_load %arg7[%get3A_3180, %get3A_3181] {strides = array<i32>} : memref<100x128xf32, #tpu.memory_space<vmem>>, vector<16xf32>,
        %add3A_3183 = arith.addf %get3A_3173, %get3A_3182 : vector<16xf32>
        %get3A_3184 = arith.constant 54 : i32
        %get3A_3185 = arith.index_cast %get3A_3184 : i32 to index
        %get3A_3186 = arith.constant 0 : index
        %get3A_3187 = tpu.vector_load %arg7[%get3A_3185, %get3A_3186] {strides = array<i32>} : memref<100x128xf32, #tpu.memory_space<vmem>>, vector<16xf32>,
        %add3A_3188 = arith.addf %add3A_3178, %get3A_3187 : vector<16xf32>
        %get3A_3189 = arith.constant 55 : i32
        %get3A_3190 = arith.index_cast %get3A_3189 : i32 to index
        %get3A_3191 = arith.constant 0 : index
        %get3A_3192 = tpu.vector_load %arg7[%get3A_3190, %get3A_3191] {strides = array<i32>} : memref<100x128xf32, #tpu.memory_space<vmem>>, vector<16xf32>,
        %add3A_3193 = arith.addf %add3A_3183, %get3A_3192 : vector<16xf32>
        %get3A_3194 = arith.constant 56 : i32
        %get3A_3195 = arith.index_cast %get3A_3194 : i32 to index
        %get3A_3196 = arith.constant 0 : index
        %get3A_3197 = tpu.vector_load %arg7[%get3A_3195, %get3A_3196] {strides = array<i32>} : memref<100x128xf32, #tpu.memory_space<vmem>>, vector<16xf32>,
        %add3A_3198 = arith.addf %add3A_3188, %get3A_3197 : vector<16xf32>
        %get3A_3199 = arith.constant 57 : i32
        %get3A_3200 = arith.index_cast %get3A_3199 : i32 to index
        %get3A_3201 = arith.constant 0 : index
        %get3A_3202 = tpu.vector_load %arg7[%get3A_3200, %get3A_3201] {strides = array<i32>} : memref<100x128xf32, #tpu.memory_space<vmem>>, vector<16xf32>,
        %add3A_3203 = arith.addf %add3A_3193, %get3A_3202 : vector<16xf32>
        %get3A_3204 = arith.constant 58 : i32
        %get3A_3205 = arith.index_cast %get3A_3204 : i32 to index
        %get3A_3206 = arith.constant 0 : index
        %get3A_3207 = tpu.vector_load %arg7[%get3A_3205, %get3A_3206] {strides = array<i32>} : memref<100x128xf32, #tpu.memory_space<vmem>>, vector<16xf32>,
        %add3A_3208 = arith.addf %add3A_3198, %get3A_3207 : vector<16xf32>
        %get3A_3209 = arith.constant 59 : i32
        %get3A_3210 = arith.index_cast %get3A_3209 : i32 to index
        %get3A_3211 = arith.constant 0 : index
        %get3A_3212 = tpu.vector_load %arg7[%get3A_3210, %get3A_3211] {strides = array<i32>} : memref<100x128xf32, #tpu.memory_space<vmem>>, vector<16xf32>,
        %add3A_3213 = arith.addf %add3A_3203, %get3A_3212 : vector<16xf32>
        %get3A_3214 = arith.constant 60 : i32
        %get3A_3215 = arith.index_cast %get3A_3214 : i32 to index
        %get3A_3216 = arith.constant 0 : index
        %get3A_3217 = tpu.vector_load %arg7[%get3A_3215, %get3A_3216] {strides = array<i32>} : memref<100x128xf32, #tpu.memory_space<vmem>>, vector<16xf32>,
        %add3A_3218 = arith.addf %add3A_3208, %get3A_3217 : vector<16xf32>
        %get3A_3219 = arith.constant 61 : i32
        %get3A_3220 = arith.index_cast %get3A_3219 : i32 to index
        %get3A_3221 = arith.constant 0 : index
        %get3A_3222 = tpu.vector_load %arg7[%get3A_3220, %get3A_3221] {strides = array<i32>} : memref<100x128xf32, #tpu.memory_space<vmem>>, vector<16xf32>,
        %add3A_3223 = arith.addf %add3A_3213, %get3A_3222 : vector<16xf32>
        %get3A_3224 = arith.constant 62 : i32
        %get3A_3225 = arith.index_cast %get3A_3224 : i32 to index
        %get3A_3226 = arith.constant 0 : index
        %get3A_3227 = tpu.vector_load %arg7[%get3A_3225, %get3A_3226] {strides = array<i32>} : memref<100x128xf32, #tpu.memory_space<vmem>>, vector<16xf32>,
        %add3A_3228 = arith.addf %add3A_3218, %get3A_3227 : vector<16xf32>
        %get3A_3229 = arith.constant 63 : i32
        %get3A_3230 = arith.index_cast %get3A_3229 : i32 to index
        %get3A_3231 = arith.constant 0 : index
        %get3A_3232 = tpu.vector_load %arg7[%get3A_3230, %get3A_3231] {strides = array<i32>} : memref<100x128xf32, #tpu.memory_space<vmem>>, vector<16xf32>,
        %add3A_3233 = arith.addf %add3A_3223, %get3A_3232 : vector<16xf32>
        %get3A_3234 = arith.constant 64 : i32
        %get3A_3235 = arith.index_cast %get3A_3234 : i32 to index
        %get3A_3236 = arith.constant 0 : index
        %get3A_3237 = tpu.vector_load %arg7[%get3A_3235, %get3A_3236] {strides = array<i32>} : memref<100x128xf32, #tpu.memory_space<vmem>>, vector<16xf32>,
        %add3A_3238 = arith.addf %add3A_3228, %get3A_3237 : vector<16xf32>
        %get3A_3239 = arith.constant 65 : i32
        %get3A_3240 = arith.index_cast %get3A_3239 : i32 to index
        %get3A_3241 = arith.constant 0 : index
        %get3A_3242 = tpu.vector_load %arg7[%get3A_3240, %get3A_3241] {strides = array<i32>} : memref<100x128xf32, #tpu.memory_space<vmem>>, vector<16xf32>,
        %add3A_3243 = arith.addf %add3A_3233, %get3A_3242 : vector<16xf32>
        %get3A_3244 = arith.constant 66 : i32
        %get3A_3245 = arith.index_cast %get3A_3244 : i32 to index
        %get3A_3246 = arith.constant 0 : index
        %get3A_3247 = tpu.vector_load %arg7[%get3A_3245, %get3A_3246] {strides = array<i32>} : memref<100x128xf32, #tpu.memory_space<vmem>>, vector<16xf32>,
        %add3A_3248 = arith.addf %add3A_3238, %get3A_3247 : vector<16xf32>
        %get3A_3249 = arith.constant 67 : i32
        %get3A_3250 = arith.index_cast %get3A_3249 : i32 to index
        %get3A_3251 = arith.constant 0 : index
        %get3A_3252 = tpu.vector_load %arg7[%get3A_3250, %get3A_3251] {strides = array<i32>} : memref<100x128xf32, #tpu.memory_space<vmem>>, vector<16xf32>,
        %add3A_3253 = arith.addf %add3A_3243, %get3A_3252 : vector<16xf32>
        %get3A_3254 = arith.constant 68 : i32
        %get3A_3255 = arith.index_cast %get3A_3254 : i32 to index
        %get3A_3256 = arith.constant 0 : index
        %get3A_3257 = tpu.vector_load %arg7[%get3A_3255, %get3A_3256] {strides = array<i32>} : memref<100x128xf32, #tpu.memory_space<vmem>>, vector<16xf32>,
        %add3A_3258 = arith.addf %add3A_3248, %get3A_3257 : vector<16xf32>
        %get3A_3259 = arith.constant 69 : i32
        %get3A_3260 = arith.index_cast %get3A_3259 : i32 to index
        %get3A_3261 = arith.constant 0 : index
        %get3A_3262 = tpu.vector_load %arg7[%get3A_3260, %get3A_3261] {strides = array<i32>} : memref<100x128xf32, #tpu.memory_space<vmem>>, vector<16xf32>,
        %add3A_3263 = arith.addf %add3A_3253, %get3A_3262 : vector<16xf32>
        %get3A_3264 = arith.constant 70 : i32
        %get3A_3265 = arith.index_cast %get3A_3264 : i32 to index
        %get3A_3266 = arith.constant 0 : index
        %get3A_3267 = tpu.vector_load %arg7[%get3A_3265, %get3A_3266] {strides = array<i32>} : memref<100x128xf32, #tpu.memory_space<vmem>>, vector<16xf32>,
        %add3A_3268 = arith.addf %add3A_3258, %get3A_3267 : vector<16xf32>
        %get3A_3269 = arith.constant 71 : i32
        %get3A_3270 = arith.index_cast %get3A_3269 : i32 to index
        %get3A_3271 = arith.constant 0 : index
        %get3A_3272 = tpu.vector_load %arg7[%get3A_3270, %get3A_3271] {strides = array<i32>} : memref<100x128xf32, #tpu.memory_space<vmem>>, vector<16xf32>,
        %add3A_3273 = arith.addf %add3A_3263, %get3A_3272 : vector<16xf32>
        %get3A_3274 = arith.constant 72 : i32
        %get3A_3275 = arith.index_cast %get3A_3274 : i32 to index
        %get3A_3276 = arith.constant 0 : index
        %get3A_3277 = tpu.vector_load %arg7[%get3A_3275, %get3A_3276] {strides = array<i32>} : memref<100x128xf32, #tpu.memory_space<vmem>>, vector<16xf32>,
        %add3A_3278 = arith.addf %add3A_3268, %get3A_3277 : vector<16xf32>
        %get3A_3279 = arith.constant 73 : i32
        %get3A_3280 = arith.index_cast %get3A_3279 : i32 to index
        %get3A_3281 = arith.constant 0 : index
        %get3A_3282 = tpu.vector_load %arg7[%get3A_3280, %get3A_3281] {strides = array<i32>} : memref<100x128xf32, #tpu.memory_space<vmem>>, vector<16xf32>,
        %add3A_3283 = arith.addf %add3A_3273, %get3A_3282 : vector<16xf32>
        %get3A_3284 = arith.constant 74 : i32
        %get3A_3285 = arith.index_cast %get3A_3284 : i32 to index
        %get3A_3286 = arith.constant 0 : index
        %get3A_3287 = tpu.vector_load %arg7[%get3A_3285, %get3A_3286] {strides = array<i32>} : memref<100x128xf32, #tpu.memory_space<vmem>>, vector<16xf32>,
        %add3A_3288 = arith.addf %add3A_3278, %get3A_3287 : vector<16xf32>
        %get3A_3289 = arith.constant 75 : i32
        %get3A_3290 = arith.index_cast %get3A_3289 : i32 to index
        %get3A_3291 = arith.constant 0 : index
        %get3A_3292 = tpu.vector_load %arg7[%get3A_3290, %get3A_3291] {strides = array<i32>} : memref<100x128xf32, #tpu.memory_space<vmem>>, vector<16xf32>,
        %add3A_3293 = arith.addf %add3A_3283, %get3A_3292 : vector<16xf32>
        %get3A_3294 = arith.constant 76 : i32
        %get3A_3295 = arith.index_cast %get3A_3294 : i32 to index
        %get3A_3296 = arith.constant 0 : index
        %get3A_3297 = tpu.vector_load %arg7[%get3A_3295, %get3A_3296] {strides = array<i32>} : memref<100x128xf32, #tpu.memory_space<vmem>>, vector<16xf32>,
        %add3A_3298 = arith.addf %add3A_3288, %get3A_3297 : vector<16xf32>
        %get3A_3299 = arith.constant 77 : i32
        %get3A_3300 = arith.index_cast %get3A_3299 : i32 to index
        %get3A_3301 = arith.constant 0 : index
        %get3A_3302 = tpu.vector_load %arg7[%get3A_3300, %get3A_3301] {strides = array<i32>} : memref<100x128xf32, #tpu.memory_space<vmem>>, vector<16xf32>,
        %add3A_3303 = arith.addf %add3A_3293, %get3A_3302 : vector<16xf32>
        %get3A_3304 = arith.constant 78 : i32
        %get3A_3305 = arith.index_cast %get3A_3304 : i32 to index
        %get3A_3306 = arith.constant 0 : index
        %get3A_3307 = tpu.vector_load %arg7[%get3A_3305, %get3A_3306] {strides = array<i32>} : memref<100x128xf32, #tpu.memory_space<vmem>>, vector<16xf32>,
        %add3A_3308 = arith.addf %add3A_3298, %get3A_3307 : vector<16xf32>
        %get3A_3309 = arith.constant 79 : i32
        %get3A_3310 = arith.index_cast %get3A_3309 : i32 to index
        %get3A_3311 = arith.constant 0 : index
        %get3A_3312 = tpu.vector_load %arg7[%get3A_3310, %get3A_3311] {strides = array<i32>} : memref<100x128xf32, #tpu.memory_space<vmem>>, vector<16xf32>,
        %add3A_3313 = arith.addf %add3A_3303, %get3A_3312 : vector<16xf32>
        %get3A_3314 = arith.constant 80 : i32
        %get3A_3315 = arith.index_cast %get3A_3314 : i32 to index
        %get3A_3316 = arith.constant 0 : index
        %get3A_3317 = tpu.vector_load %arg7[%get3A_3315, %get3A_3316] {strides = array<i32>} : memref<100x128xf32, #tpu.memory_space<vmem>>, vector<16xf32>,
        %add3A_3318 = arith.addf %add3A_3308, %get3A_3317 : vector<16xf32>
        %get3A_3319 = arith.constant 81 : i32
        %get3A_3320 = arith.index_cast %get3A_3319 : i32 to index
        %get3A_3321 = arith.constant 0 : index
        %get3A_3322 = tpu.vector_load %arg7[%get3A_3320, %get3A_3321] {strides = array<i32>} : memref<100x128xf32, #tpu.memory_space<vmem>>, vector<16xf32>,
        %add3A_3323 = arith.addf %add3A_3313, %get3A_3322 : vector<16xf32>
        %get3A_3324 = arith.constant 82 : i32
        %get3A_3325 = arith.index_cast %get3A_3324 : i32 to index
        %get3A_3326 = arith.constant 0 : index
        %get3A_3327 = tpu.vector_load %arg7[%get3A_3325, %get3A_3326] {strides = array<i32>} : memref<100x128xf32, #tpu.memory_space<vmem>>, vector<16xf32>,
        %add3A_3328 = arith.addf %add3A_3318, %get3A_3327 : vector<16xf32>
        %get3A_3329 = arith.constant 83 : i32
        %get3A_3330 = arith.index_cast %get3A_3329 : i32 to index
        %get3A_3331 = arith.constant 0 : index
        %get3A_3332 = tpu.vector_load %arg7[%get3A_3330, %get3A_3331] {strides = array<i32>} : memref<100x128xf32, #tpu.memory_space<vmem>>, vector<16xf32>,
        %add3A_3333 = arith.addf %add3A_3323, %get3A_3332 : vector<16xf32>
        %get3A_3334 = arith.constant 84 : i32
        %get3A_3335 = arith.index_cast %get3A_3334 : i32 to index
        %get3A_3336 = arith.constant 0 : index
        %get3A_3337 = tpu.vector_load %arg7[%get3A_3335, %get3A_3336] {strides = array<i32>} : memref<100x128xf32, #tpu.memory_space<vmem>>, vector<16xf32>,
        %add3A_3338 = arith.addf %add3A_3328, %get3A_3337 : vector<16xf32>
        %get3A_3339 = arith.constant 85 : i32
        %get3A_3340 = arith.index_cast %get3A_3339 : i32 to index
        %get3A_3341 = arith.constant 0 : index
        %get3A_3342 = tpu.vector_load %arg7[%get3A_3340, %get3A_3341] {strides = array<i32>} : memref<100x128xf32, #tpu.memory_space<vmem>>, vector<16xf32>,
        %add3A_3343 = arith.addf %add3A_3333, %get3A_3342 : vector<16xf32>
        %get3A_3344 = arith.constant 86 : i32
        %get3A_3345 = arith.index_cast %get3A_3344 : i32 to index
        %get3A_3346 = arith.constant 0 : index
        %get3A_3347 = tpu.vector_load %arg7[%get3A_3345, %get3A_3346] {strides = array<i32>} : memref<100x128xf32, #tpu.memory_space<vmem>>, vector<16xf32>,
        %add3A_3348 = arith.addf %add3A_3338, %get3A_3347 : vector<16xf32>
        %get3A_3349 = arith.constant 87 : i32
        %get3A_3350 = arith.index_cast %get3A_3349 : i32 to index
        %get3A_3351 = arith.constant 0 : index
        %get3A_3352 = tpu.vector_load %arg7[%get3A_3350, %get3A_3351] {strides = array<i32>} : memref<100x128xf32, #tpu.memory_space<vmem>>, vector<16xf32>,
        %add3A_3353 = arith.addf %add3A_3343, %get3A_3352 : vector<16xf32>
        %get3A_3354 = arith.constant 88 : i32
        %get3A_3355 = arith.index_cast %get3A_3354 : i32 to index
        %get3A_3356 = arith.constant 0 : index
        %get3A_3357 = tpu.vector_load %arg7[%get3A_3355, %get3A_3356] {strides = array<i32>} : memref<100x128xf32, #tpu.memory_space<vmem>>, vector<16xf32>,
        %add3A_3358 = arith.addf %add3A_3348, %get3A_3357 : vector<16xf32>
        %get3A_3359 = arith.constant 89 : i32
        %get3A_3360 = arith.index_cast %get3A_3359 : i32 to index
        %get3A_3361 = arith.constant 0 : index
        %get3A_3362 = tpu.vector_load %arg7[%get3A_3360, %get3A_3361] {strides = array<i32>} : memref<100x128xf32, #tpu.memory_space<vmem>>, vector<16xf32>,
        %add3A_3363 = arith.addf %add3A_3353, %get3A_3362 : vector<16xf32>
        %get3A_3364 = arith.constant 90 : i32
        %get3A_3365 = arith.index_cast %get3A_3364 : i32 to index
        %get3A_3366 = arith.constant 0 : index
        %get3A_3367 = tpu.vector_load %arg7[%get3A_3365, %get3A_3366] {strides = array<i32>} : memref<100x128xf32, #tpu.memory_space<vmem>>, vector<16xf32>,
        %add3A_3368 = arith.addf %add3A_3358, %get3A_3367 : vector<16xf32>
        %get3A_3369 = arith.constant 91 : i32
        %get3A_3370 = arith.index_cast %get3A_3369 : i32 to index
        %get3A_3371 = arith.constant 0 : index
        %get3A_3372 = tpu.vector_load %arg7[%get3A_3370, %get3A_3371] {strides = array<i32>} : memref<100x128xf32, #tpu.memory_space<vmem>>, vector<16xf32>,
        %add3A_3373 = arith.addf %add3A_3363, %get3A_3372 : vector<16xf32>
        %get3A_3374 = arith.constant 92 : i32
        %get3A_3375 = arith.index_cast %get3A_3374 : i32 to index
        %get3A_3376 = arith.constant 0 : index
        %get3A_3377 = tpu.vector_load %arg7[%get3A_3375, %get3A_3376] {strides = array<i32>} : memref<100x128xf32, #tpu.memory_space<vmem>>, vector<16xf32>,
        %add3A_3378 = arith.addf %add3A_3368, %get3A_3377 : vector<16xf32>
        %get3A_3379 = arith.constant 93 : i32
        %get3A_3380 = arith.index_cast %get3A_3379 : i32 to index
        %get3A_3381 = arith.constant 0 : index
        %get3A_3382 = tpu.vector_load %arg7[%get3A_3380, %get3A_3381] {strides = array<i32>} : memref<100x128xf32, #tpu.memory_space<vmem>>, vector<16xf32>,
        %add3A_3383 = arith.addf %add3A_3373, %get3A_3382 : vector<16xf32>
        %get3A_3384 = arith.constant 94 : i32
        %get3A_3385 = arith.index_cast %get3A_3384 : i32 to index
        %get3A_3386 = arith.constant 0 : index
        %get3A_3387 = tpu.vector_load %arg7[%get3A_3385, %get3A_3386] {strides = array<i32>} : memref<100x128xf32, #tpu.memory_space<vmem>>, vector<16xf32>,
        %add3A_3388 = arith.addf %add3A_3378, %get3A_3387 : vector<16xf32>
        %get3A_3389 = arith.constant 95 : i32
        %get3A_3390 = arith.index_cast %get3A_3389 : i32 to index
        %get3A_3391 = arith.constant 0 : index
        %get3A_3392 = tpu.vector_load %arg7[%get3A_3390, %get3A_3391] {strides = array<i32>} : memref<100x128xf32, #tpu.memory_space<vmem>>, vector<16xf32>,
        %add3A_3393 = arith.addf %add3A_3383, %get3A_3392 : vector<16xf32>
        %get3A_3394 = arith.constant 96 : i32
        %get3A_3395 = arith.index_cast %get3A_3394 : i32 to index
        %get3A_3396 = arith.constant 0 : index
        %get3A_3397 = tpu.vector_load %arg7[%get3A_3395, %get3A_3396] {strides = array<i32>} : memref<100x128xf32, #tpu.memory_space<vmem>>, vector<16xf32>,
        %add3A_3398 = arith.addf %add3A_3388, %get3A_3397 : vector<16xf32>
        %get3A_3399 = arith.constant 97 : i32
        %get3A_3400 = arith.index_cast %get3A_3399 : i32 to index
        %get3A_3401 = arith.constant 0 : index
        %get3A_3402 = tpu.vector_load %arg7[%get3A_3400, %get3A_3401] {strides = array<i32>} : memref<100x128xf32, #tpu.memory_space<vmem>>, vector<16xf32>,
        %add3A_3403 = arith.addf %add3A_3393, %get3A_3402 : vector<16xf32>
        %get3A_3404 = arith.constant 98 : i32
        %get3A_3405 = arith.index_cast %get3A_3404 : i32 to index
        %get3A_3406 = arith.constant 0 : index
        %get3A_3407 = tpu.vector_load %arg7[%get3A_3405, %get3A_3406] {strides = array<i32>} : memref<100x128xf32, #tpu.memory_space<vmem>>, vector<16xf32>,
        %add3A_3408 = arith.addf %add3A_3398, %get3A_3407 : vector<16xf32>
        %get3A_3409 = arith.constant 99 : i32
        %get3A_3410 = arith.index_cast %get3A_3409 : i32 to index
        %get3A_3411 = arith.constant 0 : index
        %get3A_3412 = tpu.vector_load %arg7[%get3A_3410, %get3A_3411] {strides = array<i32>} : memref<100x128xf32, #tpu.memory_space<vmem>>, vector<16xf32>,
        %add3A_3413 = arith.addf %add3A_3403, %get3A_3412 : vector<16xf32>
        %add3A_3414 = arith.addf %add3A_3408, %add3A_3413 : vector<16xf32>
        %mul3A_3415 = arith.constant 2.000000e-02 : f32
        %mul3A_3416 = vector.broadcast %mul3A_3415 : f32 to vector<16xf32>
        %mul3A_3417 = arith.mulf %add3A_3414, %mul3A_3416 : vector<16xf32>
        %mul3A_3418 = arith.constant 2 : i32
        %mul3A_3419 = arith.muli %mul3A_3418, %add3A_2129 : i32
        %add3A_3420 = arith.constant 1 : i32
        %add3A_3421 = arith.addi %mul3A_3419, %add3A_3420 : i32
        %swap3A_3422 = arith.index_cast %add3A_3421 : i32 to index
        %swap3A_3423 = arith.constant 0 : index
        %swap3A_3424 = tpu.vector_load %arg8[%swap3A_3422, %swap3A_3423] {strides = array<i32>} : memref<32x64xf32, #tpu.memory_space<vmem>>, vector<16xf32>,
        tpu.vector_store %arg8[%swap3A_3422, %swap3A_3423], %mul3A_3417 {strides = array<i32>} : memref<32x64xf32, #tpu.memory_space<vmem>>, vector<16xf32>,
        %get3A_3425 = arith.constant 50 : i32
        %get3A_3426 = arith.index_cast %get3A_3425 : i32 to index
        %get3A_3427 = arith.constant 16 : index
        %get3A_3428 = tpu.vector_load %arg7[%get3A_3426, %get3A_3427] {strides = array<i32>} : memref<100x128xf32, #tpu.memory_space<vmem>>, vector<16xf32>,
        %get3A_3429 = arith.constant 51 : i32
        %get3A_3430 = arith.index_cast %get3A_3429 : i32 to index
        %get3A_3431 = arith.constant 16 : index
        %get3A_3432 = tpu.vector_load %arg7[%get3A_3430, %get3A_3431] {strides = array<i32>} : memref<100x128xf32, #tpu.memory_space<vmem>>, vector<16xf32>,
        %get3A_3433 = arith.constant 52 : i32
        %get3A_3434 = arith.index_cast %get3A_3433 : i32 to index
        %get3A_3435 = arith.constant 16 : index
        %get3A_3436 = tpu.vector_load %arg7[%get3A_3434, %get3A_3435] {strides = array<i32>} : memref<100x128xf32, #tpu.memory_space<vmem>>, vector<16xf32>,
        %add3A_3437 = arith.addf %get3A_3428, %get3A_3436 : vector<16xf32>
        %get3A_3438 = arith.constant 53 : i32
        %get3A_3439 = arith.index_cast %get3A_3438 : i32 to index
        %get3A_3440 = arith.constant 16 : index
        %get3A_3441 = tpu.vector_load %arg7[%get3A_3439, %get3A_3440] {strides = array<i32>} : memref<100x128xf32, #tpu.memory_space<vmem>>, vector<16xf32>,
        %add3A_3442 = arith.addf %get3A_3432, %get3A_3441 : vector<16xf32>
        %get3A_3443 = arith.constant 54 : i32
        %get3A_3444 = arith.index_cast %get3A_3443 : i32 to index
        %get3A_3445 = arith.constant 16 : index
        %get3A_3446 = tpu.vector_load %arg7[%get3A_3444, %get3A_3445] {strides = array<i32>} : memref<100x128xf32, #tpu.memory_space<vmem>>, vector<16xf32>,
        %add3A_3447 = arith.addf %add3A_3437, %get3A_3446 : vector<16xf32>
        %get3A_3448 = arith.constant 55 : i32
        %get3A_3449 = arith.index_cast %get3A_3448 : i32 to index
        %get3A_3450 = arith.constant 16 : index
        %get3A_3451 = tpu.vector_load %arg7[%get3A_3449, %get3A_3450] {strides = array<i32>} : memref<100x128xf32, #tpu.memory_space<vmem>>, vector<16xf32>,
        %add3A_3452 = arith.addf %add3A_3442, %get3A_3451 : vector<16xf32>
        %get3A_3453 = arith.constant 56 : i32
        %get3A_3454 = arith.index_cast %get3A_3453 : i32 to index
        %get3A_3455 = arith.constant 16 : index
        %get3A_3456 = tpu.vector_load %arg7[%get3A_3454, %get3A_3455] {strides = array<i32>} : memref<100x128xf32, #tpu.memory_space<vmem>>, vector<16xf32>,
        %add3A_3457 = arith.addf %add3A_3447, %get3A_3456 : vector<16xf32>
        %get3A_3458 = arith.constant 57 : i32
        %get3A_3459 = arith.index_cast %get3A_3458 : i32 to index
        %get3A_3460 = arith.constant 16 : index
        %get3A_3461 = tpu.vector_load %arg7[%get3A_3459, %get3A_3460] {strides = array<i32>} : memref<100x128xf32, #tpu.memory_space<vmem>>, vector<16xf32>,
        %add3A_3462 = arith.addf %add3A_3452, %get3A_3461 : vector<16xf32>
        %get3A_3463 = arith.constant 58 : i32
        %get3A_3464 = arith.index_cast %get3A_3463 : i32 to index
        %get3A_3465 = arith.constant 16 : index
        %get3A_3466 = tpu.vector_load %arg7[%get3A_3464, %get3A_3465] {strides = array<i32>} : memref<100x128xf32, #tpu.memory_space<vmem>>, vector<16xf32>,
        %add3A_3467 = arith.addf %add3A_3457, %get3A_3466 : vector<16xf32>
        %get3A_3468 = arith.constant 59 : i32
        %get3A_3469 = arith.index_cast %get3A_3468 : i32 to index
        %get3A_3470 = arith.constant 16 : index
        %get3A_3471 = tpu.vector_load %arg7[%get3A_3469, %get3A_3470] {strides = array<i32>} : memref<100x128xf32, #tpu.memory_space<vmem>>, vector<16xf32>,
        %add3A_3472 = arith.addf %add3A_3462, %get3A_3471 : vector<16xf32>
        %get3A_3473 = arith.constant 60 : i32
        %get3A_3474 = arith.index_cast %get3A_3473 : i32 to index
        %get3A_3475 = arith.constant 16 : index
        %get3A_3476 = tpu.vector_load %arg7[%get3A_3474, %get3A_3475] {strides = array<i32>} : memref<100x128xf32, #tpu.memory_space<vmem>>, vector<16xf32>,
        %add3A_3477 = arith.addf %add3A_3467, %get3A_3476 : vector<16xf32>
        %get3A_3478 = arith.constant 61 : i32
        %get3A_3479 = arith.index_cast %get3A_3478 : i32 to index
        %get3A_3480 = arith.constant 16 : index
        %get3A_3481 = tpu.vector_load %arg7[%get3A_3479, %get3A_3480] {strides = array<i32>} : memref<100x128xf32, #tpu.memory_space<vmem>>, vector<16xf32>,
        %add3A_3482 = arith.addf %add3A_3472, %get3A_3481 : vector<16xf32>
        %get3A_3483 = arith.constant 62 : i32
        %get3A_3484 = arith.index_cast %get3A_3483 : i32 to index
        %get3A_3485 = arith.constant 16 : index
        %get3A_3486 = tpu.vector_load %arg7[%get3A_3484, %get3A_3485] {strides = array<i32>} : memref<100x128xf32, #tpu.memory_space<vmem>>, vector<16xf32>,
        %add3A_3487 = arith.addf %add3A_3477, %get3A_3486 : vector<16xf32>
        %get3A_3488 = arith.constant 63 : i32
        %get3A_3489 = arith.index_cast %get3A_3488 : i32 to index
        %get3A_3490 = arith.constant 16 : index
        %get3A_3491 = tpu.vector_load %arg7[%get3A_3489, %get3A_3490] {strides = array<i32>} : memref<100x128xf32, #tpu.memory_space<vmem>>, vector<16xf32>,
        %add3A_3492 = arith.addf %add3A_3482, %get3A_3491 : vector<16xf32>
        %get3A_3493 = arith.constant 64 : i32
        %get3A_3494 = arith.index_cast %get3A_3493 : i32 to index
        %get3A_3495 = arith.constant 16 : index
        %get3A_3496 = tpu.vector_load %arg7[%get3A_3494, %get3A_3495] {strides = array<i32>} : memref<100x128xf32, #tpu.memory_space<vmem>>, vector<16xf32>,
        %add3A_3497 = arith.addf %add3A_3487, %get3A_3496 : vector<16xf32>
        %get3A_3498 = arith.constant 65 : i32
        %get3A_3499 = arith.index_cast %get3A_3498 : i32 to index
        %get3A_3500 = arith.constant 16 : index
        %get3A_3501 = tpu.vector_load %arg7[%get3A_3499, %get3A_3500] {strides = array<i32>} : memref<100x128xf32, #tpu.memory_space<vmem>>, vector<16xf32>,
        %add3A_3502 = arith.addf %add3A_3492, %get3A_3501 : vector<16xf32>
        %get3A_3503 = arith.constant 66 : i32
        %get3A_3504 = arith.index_cast %get3A_3503 : i32 to index
        %get3A_3505 = arith.constant 16 : index
        %get3A_3506 = tpu.vector_load %arg7[%get3A_3504, %get3A_3505] {strides = array<i32>} : memref<100x128xf32, #tpu.memory_space<vmem>>, vector<16xf32>,
        %add3A_3507 = arith.addf %add3A_3497, %get3A_3506 : vector<16xf32>
        %get3A_3508 = arith.constant 67 : i32
        %get3A_3509 = arith.index_cast %get3A_3508 : i32 to index
        %get3A_3510 = arith.constant 16 : index
        %get3A_3511 = tpu.vector_load %arg7[%get3A_3509, %get3A_3510] {strides = array<i32>} : memref<100x128xf32, #tpu.memory_space<vmem>>, vector<16xf32>,
        %add3A_3512 = arith.addf %add3A_3502, %get3A_3511 : vector<16xf32>
        %get3A_3513 = arith.constant 68 : i32
        %get3A_3514 = arith.index_cast %get3A_3513 : i32 to index
        %get3A_3515 = arith.constant 16 : index
        %get3A_3516 = tpu.vector_load %arg7[%get3A_3514, %get3A_3515] {strides = array<i32>} : memref<100x128xf32, #tpu.memory_space<vmem>>, vector<16xf32>,
        %add3A_3517 = arith.addf %add3A_3507, %get3A_3516 : vector<16xf32>
        %get3A_3518 = arith.constant 69 : i32
        %get3A_3519 = arith.index_cast %get3A_3518 : i32 to index
        %get3A_3520 = arith.constant 16 : index
        %get3A_3521 = tpu.vector_load %arg7[%get3A_3519, %get3A_3520] {strides = array<i32>} : memref<100x128xf32, #tpu.memory_space<vmem>>, vector<16xf32>,
        %add3A_3522 = arith.addf %add3A_3512, %get3A_3521 : vector<16xf32>
        %get3A_3523 = arith.constant 70 : i32
        %get3A_3524 = arith.index_cast %get3A_3523 : i32 to index
        %get3A_3525 = arith.constant 16 : index
        %get3A_3526 = tpu.vector_load %arg7[%get3A_3524, %get3A_3525] {strides = array<i32>} : memref<100x128xf32, #tpu.memory_space<vmem>>, vector<16xf32>,
        %add3A_3527 = arith.addf %add3A_3517, %get3A_3526 : vector<16xf32>
        %get3A_3528 = arith.constant 71 : i32
        %get3A_3529 = arith.index_cast %get3A_3528 : i32 to index
        %get3A_3530 = arith.constant 16 : index
        %get3A_3531 = tpu.vector_load %arg7[%get3A_3529, %get3A_3530] {strides = array<i32>} : memref<100x128xf32, #tpu.memory_space<vmem>>, vector<16xf32>,
        %add3A_3532 = arith.addf %add3A_3522, %get3A_3531 : vector<16xf32>
        %get3A_3533 = arith.constant 72 : i32
        %get3A_3534 = arith.index_cast %get3A_3533 : i32 to index
        %get3A_3535 = arith.constant 16 : index
        %get3A_3536 = tpu.vector_load %arg7[%get3A_3534, %get3A_3535] {strides = array<i32>} : memref<100x128xf32, #tpu.memory_space<vmem>>, vector<16xf32>,
        %add3A_3537 = arith.addf %add3A_3527, %get3A_3536 : vector<16xf32>
        %get3A_3538 = arith.constant 73 : i32
        %get3A_3539 = arith.index_cast %get3A_3538 : i32 to index
        %get3A_3540 = arith.constant 16 : index
        %get3A_3541 = tpu.vector_load %arg7[%get3A_3539, %get3A_3540] {strides = array<i32>} : memref<100x128xf32, #tpu.memory_space<vmem>>, vector<16xf32>,
        %add3A_3542 = arith.addf %add3A_3532, %get3A_3541 : vector<16xf32>
        %get3A_3543 = arith.constant 74 : i32
        %get3A_3544 = arith.index_cast %get3A_3543 : i32 to index
        %get3A_3545 = arith.constant 16 : index
        %get3A_3546 = tpu.vector_load %arg7[%get3A_3544, %get3A_3545] {strides = array<i32>} : memref<100x128xf32, #tpu.memory_space<vmem>>, vector<16xf32>,
        %add3A_3547 = arith.addf %add3A_3537, %get3A_3546 : vector<16xf32>
        %get3A_3548 = arith.constant 75 : i32
        %get3A_3549 = arith.index_cast %get3A_3548 : i32 to index
        %get3A_3550 = arith.constant 16 : index
        %get3A_3551 = tpu.vector_load %arg7[%get3A_3549, %get3A_3550] {strides = array<i32>} : memref<100x128xf32, #tpu.memory_space<vmem>>, vector<16xf32>,
        %add3A_3552 = arith.addf %add3A_3542, %get3A_3551 : vector<16xf32>
        %get3A_3553 = arith.constant 76 : i32
        %get3A_3554 = arith.index_cast %get3A_3553 : i32 to index
        %get3A_3555 = arith.constant 16 : index
        %get3A_3556 = tpu.vector_load %arg7[%get3A_3554, %get3A_3555] {strides = array<i32>} : memref<100x128xf32, #tpu.memory_space<vmem>>, vector<16xf32>,
        %add3A_3557 = arith.addf %add3A_3547, %get3A_3556 : vector<16xf32>
        %get3A_3558 = arith.constant 77 : i32
        %get3A_3559 = arith.index_cast %get3A_3558 : i32 to index
        %get3A_3560 = arith.constant 16 : index
        %get3A_3561 = tpu.vector_load %arg7[%get3A_3559, %get3A_3560] {strides = array<i32>} : memref<100x128xf32, #tpu.memory_space<vmem>>, vector<16xf32>,
        %add3A_3562 = arith.addf %add3A_3552, %get3A_3561 : vector<16xf32>
        %get3A_3563 = arith.constant 78 : i32
        %get3A_3564 = arith.index_cast %get3A_3563 : i32 to index
        %get3A_3565 = arith.constant 16 : index
        %get3A_3566 = tpu.vector_load %arg7[%get3A_3564, %get3A_3565] {strides = array<i32>} : memref<100x128xf32, #tpu.memory_space<vmem>>, vector<16xf32>,
        %add3A_3567 = arith.addf %add3A_3557, %get3A_3566 : vector<16xf32>
        %get3A_3568 = arith.constant 79 : i32
        %get3A_3569 = arith.index_cast %get3A_3568 : i32 to index
        %get3A_3570 = arith.constant 16 : index
        %get3A_3571 = tpu.vector_load %arg7[%get3A_3569, %get3A_3570] {strides = array<i32>} : memref<100x128xf32, #tpu.memory_space<vmem>>, vector<16xf32>,
        %add3A_3572 = arith.addf %add3A_3562, %get3A_3571 : vector<16xf32>
        %get3A_3573 = arith.constant 80 : i32
        %get3A_3574 = arith.index_cast %get3A_3573 : i32 to index
        %get3A_3575 = arith.constant 16 : index
        %get3A_3576 = tpu.vector_load %arg7[%get3A_3574, %get3A_3575] {strides = array<i32>} : memref<100x128xf32, #tpu.memory_space<vmem>>, vector<16xf32>,
        %add3A_3577 = arith.addf %add3A_3567, %get3A_3576 : vector<16xf32>
        %get3A_3578 = arith.constant 81 : i32
        %get3A_3579 = arith.index_cast %get3A_3578 : i32 to index
        %get3A_3580 = arith.constant 16 : index
        %get3A_3581 = tpu.vector_load %arg7[%get3A_3579, %get3A_3580] {strides = array<i32>} : memref<100x128xf32, #tpu.memory_space<vmem>>, vector<16xf32>,
        %add3A_3582 = arith.addf %add3A_3572, %get3A_3581 : vector<16xf32>
        %get3A_3583 = arith.constant 82 : i32
        %get3A_3584 = arith.index_cast %get3A_3583 : i32 to index
        %get3A_3585 = arith.constant 16 : index
        %get3A_3586 = tpu.vector_load %arg7[%get3A_3584, %get3A_3585] {strides = array<i32>} : memref<100x128xf32, #tpu.memory_space<vmem>>, vector<16xf32>,
        %add3A_3587 = arith.addf %add3A_3577, %get3A_3586 : vector<16xf32>
        %get3A_3588 = arith.constant 83 : i32
        %get3A_3589 = arith.index_cast %get3A_3588 : i32 to index
        %get3A_3590 = arith.constant 16 : index
        %get3A_3591 = tpu.vector_load %arg7[%get3A_3589, %get3A_3590] {strides = array<i32>} : memref<100x128xf32, #tpu.memory_space<vmem>>, vector<16xf32>,
        %add3A_3592 = arith.addf %add3A_3582, %get3A_3591 : vector<16xf32>
        %get3A_3593 = arith.constant 84 : i32
        %get3A_3594 = arith.index_cast %get3A_3593 : i32 to index
        %get3A_3595 = arith.constant 16 : index
        %get3A_3596 = tpu.vector_load %arg7[%get3A_3594, %get3A_3595] {strides = array<i32>} : memref<100x128xf32, #tpu.memory_space<vmem>>, vector<16xf32>,
        %add3A_3597 = arith.addf %add3A_3587, %get3A_3596 : vector<16xf32>
        %get3A_3598 = arith.constant 85 : i32
        %get3A_3599 = arith.index_cast %get3A_3598 : i32 to index
        %get3A_3600 = arith.constant 16 : index
        %get3A_3601 = tpu.vector_load %arg7[%get3A_3599, %get3A_3600] {strides = array<i32>} : memref<100x128xf32, #tpu.memory_space<vmem>>, vector<16xf32>,
        %add3A_3602 = arith.addf %add3A_3592, %get3A_3601 : vector<16xf32>
        %get3A_3603 = arith.constant 86 : i32
        %get3A_3604 = arith.index_cast %get3A_3603 : i32 to index
        %get3A_3605 = arith.constant 16 : index
        %get3A_3606 = tpu.vector_load %arg7[%get3A_3604, %get3A_3605] {strides = array<i32>} : memref<100x128xf32, #tpu.memory_space<vmem>>, vector<16xf32>,
        %add3A_3607 = arith.addf %add3A_3597, %get3A_3606 : vector<16xf32>
        %get3A_3608 = arith.constant 87 : i32
        %get3A_3609 = arith.index_cast %get3A_3608 : i32 to index
        %get3A_3610 = arith.constant 16 : index
        %get3A_3611 = tpu.vector_load %arg7[%get3A_3609, %get3A_3610] {strides = array<i32>} : memref<100x128xf32, #tpu.memory_space<vmem>>, vector<16xf32>,
        %add3A_3612 = arith.addf %add3A_3602, %get3A_3611 : vector<16xf32>
        %get3A_3613 = arith.constant 88 : i32
        %get3A_3614 = arith.index_cast %get3A_3613 : i32 to index
        %get3A_3615 = arith.constant 16 : index
        %get3A_3616 = tpu.vector_load %arg7[%get3A_3614, %get3A_3615] {strides = array<i32>} : memref<100x128xf32, #tpu.memory_space<vmem>>, vector<16xf32>,
        %add3A_3617 = arith.addf %add3A_3607, %get3A_3616 : vector<16xf32>
        %get3A_3618 = arith.constant 89 : i32
        %get3A_3619 = arith.index_cast %get3A_3618 : i32 to index
        %get3A_3620 = arith.constant 16 : index
        %get3A_3621 = tpu.vector_load %arg7[%get3A_3619, %get3A_3620] {strides = array<i32>} : memref<100x128xf32, #tpu.memory_space<vmem>>, vector<16xf32>,
        %add3A_3622 = arith.addf %add3A_3612, %get3A_3621 : vector<16xf32>
        %get3A_3623 = arith.constant 90 : i32
        %get3A_3624 = arith.index_cast %get3A_3623 : i32 to index
        %get3A_3625 = arith.constant 16 : index
        %get3A_3626 = tpu.vector_load %arg7[%get3A_3624, %get3A_3625] {strides = array<i32>} : memref<100x128xf32, #tpu.memory_space<vmem>>, vector<16xf32>,
        %add3A_3627 = arith.addf %add3A_3617, %get3A_3626 : vector<16xf32>
        %get3A_3628 = arith.constant 91 : i32
        %get3A_3629 = arith.index_cast %get3A_3628 : i32 to index
        %get3A_3630 = arith.constant 16 : index
        %get3A_3631 = tpu.vector_load %arg7[%get3A_3629, %get3A_3630] {strides = array<i32>} : memref<100x128xf32, #tpu.memory_space<vmem>>, vector<16xf32>,
        %add3A_3632 = arith.addf %add3A_3622, %get3A_3631 : vector<16xf32>
        %get3A_3633 = arith.constant 92 : i32
        %get3A_3634 = arith.index_cast %get3A_3633 : i32 to index
        %get3A_3635 = arith.constant 16 : index
        %get3A_3636 = tpu.vector_load %arg7[%get3A_3634, %get3A_3635] {strides = array<i32>} : memref<100x128xf32, #tpu.memory_space<vmem>>, vector<16xf32>,
        %add3A_3637 = arith.addf %add3A_3627, %get3A_3636 : vector<16xf32>
        %get3A_3638 = arith.constant 93 : i32
        %get3A_3639 = arith.index_cast %get3A_3638 : i32 to index
        %get3A_3640 = arith.constant 16 : index
        %get3A_3641 = tpu.vector_load %arg7[%get3A_3639, %get3A_3640] {strides = array<i32>} : memref<100x128xf32, #tpu.memory_space<vmem>>, vector<16xf32>,
        %add3A_3642 = arith.addf %add3A_3632, %get3A_3641 : vector<16xf32>
        %get3A_3643 = arith.constant 94 : i32
        %get3A_3644 = arith.index_cast %get3A_3643 : i32 to index
        %get3A_3645 = arith.constant 16 : index
        %get3A_3646 = tpu.vector_load %arg7[%get3A_3644, %get3A_3645] {strides = array<i32>} : memref<100x128xf32, #tpu.memory_space<vmem>>, vector<16xf32>,
        %add3A_3647 = arith.addf %add3A_3637, %get3A_3646 : vector<16xf32>
        %get3A_3648 = arith.constant 95 : i32
        %get3A_3649 = arith.index_cast %get3A_3648 : i32 to index
        %get3A_3650 = arith.constant 16 : index
        %get3A_3651 = tpu.vector_load %arg7[%get3A_3649, %get3A_3650] {strides = array<i32>} : memref<100x128xf32, #tpu.memory_space<vmem>>, vector<16xf32>,
        %add3A_3652 = arith.addf %add3A_3642, %get3A_3651 : vector<16xf32>
        %get3A_3653 = arith.constant 96 : i32
        %get3A_3654 = arith.index_cast %get3A_3653 : i32 to index
        %get3A_3655 = arith.constant 16 : index
        %get3A_3656 = tpu.vector_load %arg7[%get3A_3654, %get3A_3655] {strides = array<i32>} : memref<100x128xf32, #tpu.memory_space<vmem>>, vector<16xf32>,
        %add3A_3657 = arith.addf %add3A_3647, %get3A_3656 : vector<16xf32>
        %get3A_3658 = arith.constant 97 : i32
        %get3A_3659 = arith.index_cast %get3A_3658 : i32 to index
        %get3A_3660 = arith.constant 16 : index
        %get3A_3661 = tpu.vector_load %arg7[%get3A_3659, %get3A_3660] {strides = array<i32>} : memref<100x128xf32, #tpu.memory_space<vmem>>, vector<16xf32>,
        %add3A_3662 = arith.addf %add3A_3652, %get3A_3661 : vector<16xf32>
        %get3A_3663 = arith.constant 98 : i32
        %get3A_3664 = arith.index_cast %get3A_3663 : i32 to index
        %get3A_3665 = arith.constant 16 : index
        %get3A_3666 = tpu.vector_load %arg7[%get3A_3664, %get3A_3665] {strides = array<i32>} : memref<100x128xf32, #tpu.memory_space<vmem>>, vector<16xf32>,
        %add3A_3667 = arith.addf %add3A_3657, %get3A_3666 : vector<16xf32>
        %get3A_3668 = arith.constant 99 : i32
        %get3A_3669 = arith.index_cast %get3A_3668 : i32 to index
        %get3A_3670 = arith.constant 16 : index
        %get3A_3671 = tpu.vector_load %arg7[%get3A_3669, %get3A_3670] {strides = array<i32>} : memref<100x128xf32, #tpu.memory_space<vmem>>, vector<16xf32>,
        %add3A_3672 = arith.addf %add3A_3662, %get3A_3671 : vector<16xf32>
        %add3A_3673 = arith.addf %add3A_3667, %add3A_3672 : vector<16xf32>
        %mul3A_3674 = arith.constant 2.000000e-02 : f32
        %mul3A_3675 = vector.broadcast %mul3A_3674 : f32 to vector<16xf32>
        %mul3A_3676 = arith.mulf %add3A_3673, %mul3A_3675 : vector<16xf32>
        %mul3A_3677 = arith.constant 2 : i32
        %mul3A_3678 = arith.muli %mul3A_3677, %add3A_2129 : i32
        %add3A_3679 = arith.constant 1 : i32
        %add3A_3680 = arith.addi %mul3A_3678, %add3A_3679 : i32
        %swap3A_3681 = arith.index_cast %add3A_3680 : i32 to index
        %swap3A_3682 = arith.constant 16 : index
        %swap3A_3683 = tpu.vector_load %arg8[%swap3A_3681, %swap3A_3682] {strides = array<i32>} : memref<32x64xf32, #tpu.memory_space<vmem>>, vector<16xf32>,
        tpu.vector_store %arg8[%swap3A_3681, %swap3A_3682], %mul3A_3676 {strides = array<i32>} : memref<32x64xf32, #tpu.memory_space<vmem>>, vector<16xf32>,
        %get3A_3684 = arith.constant 50 : i32
        %get3A_3685 = arith.index_cast %get3A_3684 : i32 to index
        %get3A_3686 = arith.constant 32 : index
        %get3A_3687 = tpu.vector_load %arg7[%get3A_3685, %get3A_3686] {strides = array<i32>} : memref<100x128xf32, #tpu.memory_space<vmem>>, vector<16xf32>,
        %get3A_3688 = arith.constant 51 : i32
        %get3A_3689 = arith.index_cast %get3A_3688 : i32 to index
        %get3A_3690 = arith.constant 32 : index
        %get3A_3691 = tpu.vector_load %arg7[%get3A_3689, %get3A_3690] {strides = array<i32>} : memref<100x128xf32, #tpu.memory_space<vmem>>, vector<16xf32>,
        %get3A_3692 = arith.constant 52 : i32
        %get3A_3693 = arith.index_cast %get3A_3692 : i32 to index
        %get3A_3694 = arith.constant 32 : index
        %get3A_3695 = tpu.vector_load %arg7[%get3A_3693, %get3A_3694] {strides = array<i32>} : memref<100x128xf32, #tpu.memory_space<vmem>>, vector<16xf32>,
        %add3A_3696 = arith.addf %get3A_3687, %get3A_3695 : vector<16xf32>
        %get3A_3697 = arith.constant 53 : i32
        %get3A_3698 = arith.index_cast %get3A_3697 : i32 to index
        %get3A_3699 = arith.constant 32 : index
        %get3A_3700 = tpu.vector_load %arg7[%get3A_3698, %get3A_3699] {strides = array<i32>} : memref<100x128xf32, #tpu.memory_space<vmem>>, vector<16xf32>,
        %add3A_3701 = arith.addf %get3A_3691, %get3A_3700 : vector<16xf32>
        %get3A_3702 = arith.constant 54 : i32
        %get3A_3703 = arith.index_cast %get3A_3702 : i32 to index
        %get3A_3704 = arith.constant 32 : index
        %get3A_3705 = tpu.vector_load %arg7[%get3A_3703, %get3A_3704] {strides = array<i32>} : memref<100x128xf32, #tpu.memory_space<vmem>>, vector<16xf32>,
        %add3A_3706 = arith.addf %add3A_3696, %get3A_3705 : vector<16xf32>
        %get3A_3707 = arith.constant 55 : i32
        %get3A_3708 = arith.index_cast %get3A_3707 : i32 to index
        %get3A_3709 = arith.constant 32 : index
        %get3A_3710 = tpu.vector_load %arg7[%get3A_3708, %get3A_3709] {strides = array<i32>} : memref<100x128xf32, #tpu.memory_space<vmem>>, vector<16xf32>,
        %add3A_3711 = arith.addf %add3A_3701, %get3A_3710 : vector<16xf32>
        %get3A_3712 = arith.constant 56 : i32
        %get3A_3713 = arith.index_cast %get3A_3712 : i32 to index
        %get3A_3714 = arith.constant 32 : index
        %get3A_3715 = tpu.vector_load %arg7[%get3A_3713, %get3A_3714] {strides = array<i32>} : memref<100x128xf32, #tpu.memory_space<vmem>>, vector<16xf32>,
        %add3A_3716 = arith.addf %add3A_3706, %get3A_3715 : vector<16xf32>
        %get3A_3717 = arith.constant 57 : i32
        %get3A_3718 = arith.index_cast %get3A_3717 : i32 to index
        %get3A_3719 = arith.constant 32 : index
        %get3A_3720 = tpu.vector_load %arg7[%get3A_3718, %get3A_3719] {strides = array<i32>} : memref<100x128xf32, #tpu.memory_space<vmem>>, vector<16xf32>,
        %add3A_3721 = arith.addf %add3A_3711, %get3A_3720 : vector<16xf32>
        %get3A_3722 = arith.constant 58 : i32
        %get3A_3723 = arith.index_cast %get3A_3722 : i32 to index
        %get3A_3724 = arith.constant 32 : index
        %get3A_3725 = tpu.vector_load %arg7[%get3A_3723, %get3A_3724] {strides = array<i32>} : memref<100x128xf32, #tpu.memory_space<vmem>>, vector<16xf32>,
        %add3A_3726 = arith.addf %add3A_3716, %get3A_3725 : vector<16xf32>
        %get3A_3727 = arith.constant 59 : i32
        %get3A_3728 = arith.index_cast %get3A_3727 : i32 to index
        %get3A_3729 = arith.constant 32 : index
        %get3A_3730 = tpu.vector_load %arg7[%get3A_3728, %get3A_3729] {strides = array<i32>} : memref<100x128xf32, #tpu.memory_space<vmem>>, vector<16xf32>,
        %add3A_3731 = arith.addf %add3A_3721, %get3A_3730 : vector<16xf32>
        %get3A_3732 = arith.constant 60 : i32
        %get3A_3733 = arith.index_cast %get3A_3732 : i32 to index
        %get3A_3734 = arith.constant 32 : index
        %get3A_3735 = tpu.vector_load %arg7[%get3A_3733, %get3A_3734] {strides = array<i32>} : memref<100x128xf32, #tpu.memory_space<vmem>>, vector<16xf32>,
        %add3A_3736 = arith.addf %add3A_3726, %get3A_3735 : vector<16xf32>
        %get3A_3737 = arith.constant 61 : i32
        %get3A_3738 = arith.index_cast %get3A_3737 : i32 to index
        %get3A_3739 = arith.constant 32 : index
        %get3A_3740 = tpu.vector_load %arg7[%get3A_3738, %get3A_3739] {strides = array<i32>} : memref<100x128xf32, #tpu.memory_space<vmem>>, vector<16xf32>,
        %add3A_3741 = arith.addf %add3A_3731, %get3A_3740 : vector<16xf32>
        %get3A_3742 = arith.constant 62 : i32
        %get3A_3743 = arith.index_cast %get3A_3742 : i32 to index
        %get3A_3744 = arith.constant 32 : index
        %get3A_3745 = tpu.vector_load %arg7[%get3A_3743, %get3A_3744] {strides = array<i32>} : memref<100x128xf32, #tpu.memory_space<vmem>>, vector<16xf32>,
        %add3A_3746 = arith.addf %add3A_3736, %get3A_3745 : vector<16xf32>
        %get3A_3747 = arith.constant 63 : i32
        %get3A_3748 = arith.index_cast %get3A_3747 : i32 to index
        %get3A_3749 = arith.constant 32 : index
        %get3A_3750 = tpu.vector_load %arg7[%get3A_3748, %get3A_3749] {strides = array<i32>} : memref<100x128xf32, #tpu.memory_space<vmem>>, vector<16xf32>,
        %add3A_3751 = arith.addf %add3A_3741, %get3A_3750 : vector<16xf32>
        %get3A_3752 = arith.constant 64 : i32
        %get3A_3753 = arith.index_cast %get3A_3752 : i32 to index
        %get3A_3754 = arith.constant 32 : index
        %get3A_3755 = tpu.vector_load %arg7[%get3A_3753, %get3A_3754] {strides = array<i32>} : memref<100x128xf32, #tpu.memory_space<vmem>>, vector<16xf32>,
        %add3A_3756 = arith.addf %add3A_3746, %get3A_3755 : vector<16xf32>
        %get3A_3757 = arith.constant 65 : i32
        %get3A_3758 = arith.index_cast %get3A_3757 : i32 to index
        %get3A_3759 = arith.constant 32 : index
        %get3A_3760 = tpu.vector_load %arg7[%get3A_3758, %get3A_3759] {strides = array<i32>} : memref<100x128xf32, #tpu.memory_space<vmem>>, vector<16xf32>,
        %add3A_3761 = arith.addf %add3A_3751, %get3A_3760 : vector<16xf32>
        %get3A_3762 = arith.constant 66 : i32
        %get3A_3763 = arith.index_cast %get3A_3762 : i32 to index
        %get3A_3764 = arith.constant 32 : index
        %get3A_3765 = tpu.vector_load %arg7[%get3A_3763, %get3A_3764] {strides = array<i32>} : memref<100x128xf32, #tpu.memory_space<vmem>>, vector<16xf32>,
        %add3A_3766 = arith.addf %add3A_3756, %get3A_3765 : vector<16xf32>
        %get3A_3767 = arith.constant 67 : i32
        %get3A_3768 = arith.index_cast %get3A_3767 : i32 to index
        %get3A_3769 = arith.constant 32 : index
        %get3A_3770 = tpu.vector_load %arg7[%get3A_3768, %get3A_3769] {strides = array<i32>} : memref<100x128xf32, #tpu.memory_space<vmem>>, vector<16xf32>,
        %add3A_3771 = arith.addf %add3A_3761, %get3A_3770 : vector<16xf32>
        %get3A_3772 = arith.constant 68 : i32
        %get3A_3773 = arith.index_cast %get3A_3772 : i32 to index
        %get3A_3774 = arith.constant 32 : index
        %get3A_3775 = tpu.vector_load %arg7[%get3A_3773, %get3A_3774] {strides = array<i32>} : memref<100x128xf32, #tpu.memory_space<vmem>>, vector<16xf32>,
        %add3A_3776 = arith.addf %add3A_3766, %get3A_3775 : vector<16xf32>
        %get3A_3777 = arith.constant 69 : i32
        %get3A_3778 = arith.index_cast %get3A_3777 : i32 to index
        %get3A_3779 = arith.constant 32 : index
        %get3A_3780 = tpu.vector_load %arg7[%get3A_3778, %get3A_3779] {strides = array<i32>} : memref<100x128xf32, #tpu.memory_space<vmem>>, vector<16xf32>,
        %add3A_3781 = arith.addf %add3A_3771, %get3A_3780 : vector<16xf32>
        %get3A_3782 = arith.constant 70 : i32
        %get3A_3783 = arith.index_cast %get3A_3782 : i32 to index
        %get3A_3784 = arith.constant 32 : index
        %get3A_3785 = tpu.vector_load %arg7[%get3A_3783, %get3A_3784] {strides = array<i32>} : memref<100x128xf32, #tpu.memory_space<vmem>>, vector<16xf32>,
        %add3A_3786 = arith.addf %add3A_3776, %get3A_3785 : vector<16xf32>
        %get3A_3787 = arith.constant 71 : i32
        %get3A_3788 = arith.index_cast %get3A_3787 : i32 to index
        %get3A_3789 = arith.constant 32 : index
        %get3A_3790 = tpu.vector_load %arg7[%get3A_3788, %get3A_3789] {strides = array<i32>} : memref<100x128xf32, #tpu.memory_space<vmem>>, vector<16xf32>,
        %add3A_3791 = arith.addf %add3A_3781, %get3A_3790 : vector<16xf32>
        %get3A_3792 = arith.constant 72 : i32
        %get3A_3793 = arith.index_cast %get3A_3792 : i32 to index
        %get3A_3794 = arith.constant 32 : index
        %get3A_3795 = tpu.vector_load %arg7[%get3A_3793, %get3A_3794] {strides = array<i32>} : memref<100x128xf32, #tpu.memory_space<vmem>>, vector<16xf32>,
        %add3A_3796 = arith.addf %add3A_3786, %get3A_3795 : vector<16xf32>
        %get3A_3797 = arith.constant 73 : i32
        %get3A_3798 = arith.index_cast %get3A_3797 : i32 to index
        %get3A_3799 = arith.constant 32 : index
        %get3A_3800 = tpu.vector_load %arg7[%get3A_3798, %get3A_3799] {strides = array<i32>} : memref<100x128xf32, #tpu.memory_space<vmem>>, vector<16xf32>,
        %add3A_3801 = arith.addf %add3A_3791, %get3A_3800 : vector<16xf32>
        %get3A_3802 = arith.constant 74 : i32
        %get3A_3803 = arith.index_cast %get3A_3802 : i32 to index
        %get3A_3804 = arith.constant 32 : index
        %get3A_3805 = tpu.vector_load %arg7[%get3A_3803, %get3A_3804] {strides = array<i32>} : memref<100x128xf32, #tpu.memory_space<vmem>>, vector<16xf32>,
        %add3A_3806 = arith.addf %add3A_3796, %get3A_3805 : vector<16xf32>
        %get3A_3807 = arith.constant 75 : i32
        %get3A_3808 = arith.index_cast %get3A_3807 : i32 to index
        %get3A_3809 = arith.constant 32 : index
        %get3A_3810 = tpu.vector_load %arg7[%get3A_3808, %get3A_3809] {strides = array<i32>} : memref<100x128xf32, #tpu.memory_space<vmem>>, vector<16xf32>,
        %add3A_3811 = arith.addf %add3A_3801, %get3A_3810 : vector<16xf32>
        %get3A_3812 = arith.constant 76 : i32
        %get3A_3813 = arith.index_cast %get3A_3812 : i32 to index
        %get3A_3814 = arith.constant 32 : index
        %get3A_3815 = tpu.vector_load %arg7[%get3A_3813, %get3A_3814] {strides = array<i32>} : memref<100x128xf32, #tpu.memory_space<vmem>>, vector<16xf32>,
        %add3A_3816 = arith.addf %add3A_3806, %get3A_3815 : vector<16xf32>
        %get3A_3817 = arith.constant 77 : i32
        %get3A_3818 = arith.index_cast %get3A_3817 : i32 to index
        %get3A_3819 = arith.constant 32 : index
        %get3A_3820 = tpu.vector_load %arg7[%get3A_3818, %get3A_3819] {strides = array<i32>} : memref<100x128xf32, #tpu.memory_space<vmem>>, vector<16xf32>,
        %add3A_3821 = arith.addf %add3A_3811, %get3A_3820 : vector<16xf32>
        %get3A_3822 = arith.constant 78 : i32
        %get3A_3823 = arith.index_cast %get3A_3822 : i32 to index
        %get3A_3824 = arith.constant 32 : index
        %get3A_3825 = tpu.vector_load %arg7[%get3A_3823, %get3A_3824] {strides = array<i32>} : memref<100x128xf32, #tpu.memory_space<vmem>>, vector<16xf32>,
        %add3A_3826 = arith.addf %add3A_3816, %get3A_3825 : vector<16xf32>
        %get3A_3827 = arith.constant 79 : i32
        %get3A_3828 = arith.index_cast %get3A_3827 : i32 to index
        %get3A_3829 = arith.constant 32 : index
        %get3A_3830 = tpu.vector_load %arg7[%get3A_3828, %get3A_3829] {strides = array<i32>} : memref<100x128xf32, #tpu.memory_space<vmem>>, vector<16xf32>,
        %add3A_3831 = arith.addf %add3A_3821, %get3A_3830 : vector<16xf32>
        %get3A_3832 = arith.constant 80 : i32
        %get3A_3833 = arith.index_cast %get3A_3832 : i32 to index
        %get3A_3834 = arith.constant 32 : index
        %get3A_3835 = tpu.vector_load %arg7[%get3A_3833, %get3A_3834] {strides = array<i32>} : memref<100x128xf32, #tpu.memory_space<vmem>>, vector<16xf32>,
        %add3A_3836 = arith.addf %add3A_3826, %get3A_3835 : vector<16xf32>
        %get3A_3837 = arith.constant 81 : i32
        %get3A_3838 = arith.index_cast %get3A_3837 : i32 to index
        %get3A_3839 = arith.constant 32 : index
        %get3A_3840 = tpu.vector_load %arg7[%get3A_3838, %get3A_3839] {strides = array<i32>} : memref<100x128xf32, #tpu.memory_space<vmem>>, vector<16xf32>,
        %add3A_3841 = arith.addf %add3A_3831, %get3A_3840 : vector<16xf32>
        %get3A_3842 = arith.constant 82 : i32
        %get3A_3843 = arith.index_cast %get3A_3842 : i32 to index
        %get3A_3844 = arith.constant 32 : index
        %get3A_3845 = tpu.vector_load %arg7[%get3A_3843, %get3A_3844] {strides = array<i32>} : memref<100x128xf32, #tpu.memory_space<vmem>>, vector<16xf32>,
        %add3A_3846 = arith.addf %add3A_3836, %get3A_3845 : vector<16xf32>
        %get3A_3847 = arith.constant 83 : i32
        %get3A_3848 = arith.index_cast %get3A_3847 : i32 to index
        %get3A_3849 = arith.constant 32 : index
        %get3A_3850 = tpu.vector_load %arg7[%get3A_3848, %get3A_3849] {strides = array<i32>} : memref<100x128xf32, #tpu.memory_space<vmem>>, vector<16xf32>,
        %add3A_3851 = arith.addf %add3A_3841, %get3A_3850 : vector<16xf32>
        %get3A_3852 = arith.constant 84 : i32
        %get3A_3853 = arith.index_cast %get3A_3852 : i32 to index
        %get3A_3854 = arith.constant 32 : index
        %get3A_3855 = tpu.vector_load %arg7[%get3A_3853, %get3A_3854] {strides = array<i32>} : memref<100x128xf32, #tpu.memory_space<vmem>>, vector<16xf32>,
        %add3A_3856 = arith.addf %add3A_3846, %get3A_3855 : vector<16xf32>
        %get3A_3857 = arith.constant 85 : i32
        %get3A_3858 = arith.index_cast %get3A_3857 : i32 to index
        %get3A_3859 = arith.constant 32 : index
        %get3A_3860 = tpu.vector_load %arg7[%get3A_3858, %get3A_3859] {strides = array<i32>} : memref<100x128xf32, #tpu.memory_space<vmem>>, vector<16xf32>,
        %add3A_3861 = arith.addf %add3A_3851, %get3A_3860 : vector<16xf32>
        %get3A_3862 = arith.constant 86 : i32
        %get3A_3863 = arith.index_cast %get3A_3862 : i32 to index
        %get3A_3864 = arith.constant 32 : index
        %get3A_3865 = tpu.vector_load %arg7[%get3A_3863, %get3A_3864] {strides = array<i32>} : memref<100x128xf32, #tpu.memory_space<vmem>>, vector<16xf32>,
        %add3A_3866 = arith.addf %add3A_3856, %get3A_3865 : vector<16xf32>
        %get3A_3867 = arith.constant 87 : i32
        %get3A_3868 = arith.index_cast %get3A_3867 : i32 to index
        %get3A_3869 = arith.constant 32 : index
        %get3A_3870 = tpu.vector_load %arg7[%get3A_3868, %get3A_3869] {strides = array<i32>} : memref<100x128xf32, #tpu.memory_space<vmem>>, vector<16xf32>,
        %add3A_3871 = arith.addf %add3A_3861, %get3A_3870 : vector<16xf32>
        %get3A_3872 = arith.constant 88 : i32
        %get3A_3873 = arith.index_cast %get3A_3872 : i32 to index
        %get3A_3874 = arith.constant 32 : index
        %get3A_3875 = tpu.vector_load %arg7[%get3A_3873, %get3A_3874] {strides = array<i32>} : memref<100x128xf32, #tpu.memory_space<vmem>>, vector<16xf32>,
        %add3A_3876 = arith.addf %add3A_3866, %get3A_3875 : vector<16xf32>
        %get3A_3877 = arith.constant 89 : i32
        %get3A_3878 = arith.index_cast %get3A_3877 : i32 to index
        %get3A_3879 = arith.constant 32 : index
        %get3A_3880 = tpu.vector_load %arg7[%get3A_3878, %get3A_3879] {strides = array<i32>} : memref<100x128xf32, #tpu.memory_space<vmem>>, vector<16xf32>,
        %add3A_3881 = arith.addf %add3A_3871, %get3A_3880 : vector<16xf32>
        %get3A_3882 = arith.constant 90 : i32
        %get3A_3883 = arith.index_cast %get3A_3882 : i32 to index
        %get3A_3884 = arith.constant 32 : index
        %get3A_3885 = tpu.vector_load %arg7[%get3A_3883, %get3A_3884] {strides = array<i32>} : memref<100x128xf32, #tpu.memory_space<vmem>>, vector<16xf32>,
        %add3A_3886 = arith.addf %add3A_3876, %get3A_3885 : vector<16xf32>
        %get3A_3887 = arith.constant 91 : i32
        %get3A_3888 = arith.index_cast %get3A_3887 : i32 to index
        %get3A_3889 = arith.constant 32 : index
        %get3A_3890 = tpu.vector_load %arg7[%get3A_3888, %get3A_3889] {strides = array<i32>} : memref<100x128xf32, #tpu.memory_space<vmem>>, vector<16xf32>,
        %add3A_3891 = arith.addf %add3A_3881, %get3A_3890 : vector<16xf32>
        %get3A_3892 = arith.constant 92 : i32
        %get3A_3893 = arith.index_cast %get3A_3892 : i32 to index
        %get3A_3894 = arith.constant 32 : index
        %get3A_3895 = tpu.vector_load %arg7[%get3A_3893, %get3A_3894] {strides = array<i32>} : memref<100x128xf32, #tpu.memory_space<vmem>>, vector<16xf32>,
        %add3A_3896 = arith.addf %add3A_3886, %get3A_3895 : vector<16xf32>
        %get3A_3897 = arith.constant 93 : i32
        %get3A_3898 = arith.index_cast %get3A_3897 : i32 to index
        %get3A_3899 = arith.constant 32 : index
        %get3A_3900 = tpu.vector_load %arg7[%get3A_3898, %get3A_3899] {strides = array<i32>} : memref<100x128xf32, #tpu.memory_space<vmem>>, vector<16xf32>,
        %add3A_3901 = arith.addf %add3A_3891, %get3A_3900 : vector<16xf32>
        %get3A_3902 = arith.constant 94 : i32
        %get3A_3903 = arith.index_cast %get3A_3902 : i32 to index
        %get3A_3904 = arith.constant 32 : index
        %get3A_3905 = tpu.vector_load %arg7[%get3A_3903, %get3A_3904] {strides = array<i32>} : memref<100x128xf32, #tpu.memory_space<vmem>>, vector<16xf32>,
        %add3A_3906 = arith.addf %add3A_3896, %get3A_3905 : vector<16xf32>
        %get3A_3907 = arith.constant 95 : i32
        %get3A_3908 = arith.index_cast %get3A_3907 : i32 to index
        %get3A_3909 = arith.constant 32 : index
        %get3A_3910 = tpu.vector_load %arg7[%get3A_3908, %get3A_3909] {strides = array<i32>} : memref<100x128xf32, #tpu.memory_space<vmem>>, vector<16xf32>,
        %add3A_3911 = arith.addf %add3A_3901, %get3A_3910 : vector<16xf32>
        %get3A_3912 = arith.constant 96 : i32
        %get3A_3913 = arith.index_cast %get3A_3912 : i32 to index
        %get3A_3914 = arith.constant 32 : index
        %get3A_3915 = tpu.vector_load %arg7[%get3A_3913, %get3A_3914] {strides = array<i32>} : memref<100x128xf32, #tpu.memory_space<vmem>>, vector<16xf32>,
        %add3A_3916 = arith.addf %add3A_3906, %get3A_3915 : vector<16xf32>
        %get3A_3917 = arith.constant 97 : i32
        %get3A_3918 = arith.index_cast %get3A_3917 : i32 to index
        %get3A_3919 = arith.constant 32 : index
        %get3A_3920 = tpu.vector_load %arg7[%get3A_3918, %get3A_3919] {strides = array<i32>} : memref<100x128xf32, #tpu.memory_space<vmem>>, vector<16xf32>,
        %add3A_3921 = arith.addf %add3A_3911, %get3A_3920 : vector<16xf32>
        %get3A_3922 = arith.constant 98 : i32
        %get3A_3923 = arith.index_cast %get3A_3922 : i32 to index
        %get3A_3924 = arith.constant 32 : index
        %get3A_3925 = tpu.vector_load %arg7[%get3A_3923, %get3A_3924] {strides = array<i32>} : memref<100x128xf32, #tpu.memory_space<vmem>>, vector<16xf32>,
        %add3A_3926 = arith.addf %add3A_3916, %get3A_3925 : vector<16xf32>
        %get3A_3927 = arith.constant 99 : i32
        %get3A_3928 = arith.index_cast %get3A_3927 : i32 to index
        %get3A_3929 = arith.constant 32 : index
        %get3A_3930 = tpu.vector_load %arg7[%get3A_3928, %get3A_3929] {strides = array<i32>} : memref<100x128xf32, #tpu.memory_space<vmem>>, vector<16xf32>,
        %add3A_3931 = arith.addf %add3A_3921, %get3A_3930 : vector<16xf32>
        %add3A_3932 = arith.addf %add3A_3926, %add3A_3931 : vector<16xf32>
        %mul3A_3933 = arith.constant 2.000000e-02 : f32
        %mul3A_3934 = vector.broadcast %mul3A_3933 : f32 to vector<16xf32>
        %mul3A_3935 = arith.mulf %add3A_3932, %mul3A_3934 : vector<16xf32>
        %mul3A_3936 = arith.constant 2 : i32
        %mul3A_3937 = arith.muli %mul3A_3936, %add3A_2129 : i32
        %add3A_3938 = arith.constant 1 : i32
        %add3A_3939 = arith.addi %mul3A_3937, %add3A_3938 : i32
        %swap3A_3940 = arith.index_cast %add3A_3939 : i32 to index
        %swap3A_3941 = arith.constant 32 : index
        %swap3A_3942 = tpu.vector_load %arg8[%swap3A_3940, %swap3A_3941] {strides = array<i32>} : memref<32x64xf32, #tpu.memory_space<vmem>>, vector<16xf32>,
        tpu.vector_store %arg8[%swap3A_3940, %swap3A_3941], %mul3A_3935 {strides = array<i32>} : memref<32x64xf32, #tpu.memory_space<vmem>>, vector<16xf32>,
        %get3A_3943 = arith.constant 50 : i32
        %get3A_3944 = arith.index_cast %get3A_3943 : i32 to index
        %get3A_3945 = arith.constant 48 : index
        %get3A_3946 = tpu.vector_load %arg7[%get3A_3944, %get3A_3945] {strides = array<i32>} : memref<100x128xf32, #tpu.memory_space<vmem>>, vector<16xf32>,
        %get3A_3947 = arith.constant 51 : i32
        %get3A_3948 = arith.index_cast %get3A_3947 : i32 to index
        %get3A_3949 = arith.constant 48 : index
        %get3A_3950 = tpu.vector_load %arg7[%get3A_3948, %get3A_3949] {strides = array<i32>} : memref<100x128xf32, #tpu.memory_space<vmem>>, vector<16xf32>,
        %get3A_3951 = arith.constant 52 : i32
        %get3A_3952 = arith.index_cast %get3A_3951 : i32 to index
        %get3A_3953 = arith.constant 48 : index
        %get3A_3954 = tpu.vector_load %arg7[%get3A_3952, %get3A_3953] {strides = array<i32>} : memref<100x128xf32, #tpu.memory_space<vmem>>, vector<16xf32>,
        %add3A_3955 = arith.addf %get3A_3946, %get3A_3954 : vector<16xf32>
        %get3A_3956 = arith.constant 53 : i32
        %get3A_3957 = arith.index_cast %get3A_3956 : i32 to index
        %get3A_3958 = arith.constant 48 : index
        %get3A_3959 = tpu.vector_load %arg7[%get3A_3957, %get3A_3958] {strides = array<i32>} : memref<100x128xf32, #tpu.memory_space<vmem>>, vector<16xf32>,
        %add3A_3960 = arith.addf %get3A_3950, %get3A_3959 : vector<16xf32>
        %get3A_3961 = arith.constant 54 : i32
        %get3A_3962 = arith.index_cast %get3A_3961 : i32 to index
        %get3A_3963 = arith.constant 48 : index
        %get3A_3964 = tpu.vector_load %arg7[%get3A_3962, %get3A_3963] {strides = array<i32>} : memref<100x128xf32, #tpu.memory_space<vmem>>, vector<16xf32>,
        %add3A_3965 = arith.addf %add3A_3955, %get3A_3964 : vector<16xf32>
        %get3A_3966 = arith.constant 55 : i32
        %get3A_3967 = arith.index_cast %get3A_3966 : i32 to index
        %get3A_3968 = arith.constant 48 : index
        %get3A_3969 = tpu.vector_load %arg7[%get3A_3967, %get3A_3968] {strides = array<i32>} : memref<100x128xf32, #tpu.memory_space<vmem>>, vector<16xf32>,
        %add3A_3970 = arith.addf %add3A_3960, %get3A_3969 : vector<16xf32>
        %get3A_3971 = arith.constant 56 : i32
        %get3A_3972 = arith.index_cast %get3A_3971 : i32 to index
        %get3A_3973 = arith.constant 48 : index
        %get3A_3974 = tpu.vector_load %arg7[%get3A_3972, %get3A_3973] {strides = array<i32>} : memref<100x128xf32, #tpu.memory_space<vmem>>, vector<16xf32>,
        %add3A_3975 = arith.addf %add3A_3965, %get3A_3974 : vector<16xf32>
        %get3A_3976 = arith.constant 57 : i32
        %get3A_3977 = arith.index_cast %get3A_3976 : i32 to index
        %get3A_3978 = arith.constant 48 : index
        %get3A_3979 = tpu.vector_load %arg7[%get3A_3977, %get3A_3978] {strides = array<i32>} : memref<100x128xf32, #tpu.memory_space<vmem>>, vector<16xf32>,
        %add3A_3980 = arith.addf %add3A_3970, %get3A_3979 : vector<16xf32>
        %get3A_3981 = arith.constant 58 : i32
        %get3A_3982 = arith.index_cast %get3A_3981 : i32 to index
        %get3A_3983 = arith.constant 48 : index
        %get3A_3984 = tpu.vector_load %arg7[%get3A_3982, %get3A_3983] {strides = array<i32>} : memref<100x128xf32, #tpu.memory_space<vmem>>, vector<16xf32>,
        %add3A_3985 = arith.addf %add3A_3975, %get3A_3984 : vector<16xf32>
        %get3A_3986 = arith.constant 59 : i32
        %get3A_3987 = arith.index_cast %get3A_3986 : i32 to index
        %get3A_3988 = arith.constant 48 : index
        %get3A_3989 = tpu.vector_load %arg7[%get3A_3987, %get3A_3988] {strides = array<i32>} : memref<100x128xf32, #tpu.memory_space<vmem>>, vector<16xf32>,
        %add3A_3990 = arith.addf %add3A_3980, %get3A_3989 : vector<16xf32>
        %get3A_3991 = arith.constant 60 : i32
        %get3A_3992 = arith.index_cast %get3A_3991 : i32 to index
        %get3A_3993 = arith.constant 48 : index
        %get3A_3994 = tpu.vector_load %arg7[%get3A_3992, %get3A_3993] {strides = array<i32>} : memref<100x128xf32, #tpu.memory_space<vmem>>, vector<16xf32>,
        %add3A_3995 = arith.addf %add3A_3985, %get3A_3994 : vector<16xf32>
        %get3A_3996 = arith.constant 61 : i32
        %get3A_3997 = arith.index_cast %get3A_3996 : i32 to index
        %get3A_3998 = arith.constant 48 : index
        %get3A_3999 = tpu.vector_load %arg7[%get3A_3997, %get3A_3998] {strides = array<i32>} : memref<100x128xf32, #tpu.memory_space<vmem>>, vector<16xf32>,
        %add3A_4000 = arith.addf %add3A_3990, %get3A_3999 : vector<16xf32>
        %get3A_4001 = arith.constant 62 : i32
        %get3A_4002 = arith.index_cast %get3A_4001 : i32 to index
        %get3A_4003 = arith.constant 48 : index
        %get3A_4004 = tpu.vector_load %arg7[%get3A_4002, %get3A_4003] {strides = array<i32>} : memref<100x128xf32, #tpu.memory_space<vmem>>, vector<16xf32>,
        %add3A_4005 = arith.addf %add3A_3995, %get3A_4004 : vector<16xf32>
        %get3A_4006 = arith.constant 63 : i32
        %get3A_4007 = arith.index_cast %get3A_4006 : i32 to index
        %get3A_4008 = arith.constant 48 : index
        %get3A_4009 = tpu.vector_load %arg7[%get3A_4007, %get3A_4008] {strides = array<i32>} : memref<100x128xf32, #tpu.memory_space<vmem>>, vector<16xf32>,
        %add3A_4010 = arith.addf %add3A_4000, %get3A_4009 : vector<16xf32>
        %get3A_4011 = arith.constant 64 : i32
        %get3A_4012 = arith.index_cast %get3A_4011 : i32 to index
        %get3A_4013 = arith.constant 48 : index
        %get3A_4014 = tpu.vector_load %arg7[%get3A_4012, %get3A_4013] {strides = array<i32>} : memref<100x128xf32, #tpu.memory_space<vmem>>, vector<16xf32>,
        %add3A_4015 = arith.addf %add3A_4005, %get3A_4014 : vector<16xf32>
        %get3A_4016 = arith.constant 65 : i32
        %get3A_4017 = arith.index_cast %get3A_4016 : i32 to index
        %get3A_4018 = arith.constant 48 : index
        %get3A_4019 = tpu.vector_load %arg7[%get3A_4017, %get3A_4018] {strides = array<i32>} : memref<100x128xf32, #tpu.memory_space<vmem>>, vector<16xf32>,
        %add3A_4020 = arith.addf %add3A_4010, %get3A_4019 : vector<16xf32>
        %get3A_4021 = arith.constant 66 : i32
        %get3A_4022 = arith.index_cast %get3A_4021 : i32 to index
        %get3A_4023 = arith.constant 48 : index
        %get3A_4024 = tpu.vector_load %arg7[%get3A_4022, %get3A_4023] {strides = array<i32>} : memref<100x128xf32, #tpu.memory_space<vmem>>, vector<16xf32>,
        %add3A_4025 = arith.addf %add3A_4015, %get3A_4024 : vector<16xf32>
        %get3A_4026 = arith.constant 67 : i32
        %get3A_4027 = arith.index_cast %get3A_4026 : i32 to index
        %get3A_4028 = arith.constant 48 : index
        %get3A_4029 = tpu.vector_load %arg7[%get3A_4027, %get3A_4028] {strides = array<i32>} : memref<100x128xf32, #tpu.memory_space<vmem>>, vector<16xf32>,
        %add3A_4030 = arith.addf %add3A_4020, %get3A_4029 : vector<16xf32>
        %get3A_4031 = arith.constant 68 : i32
        %get3A_4032 = arith.index_cast %get3A_4031 : i32 to index
        %get3A_4033 = arith.constant 48 : index
        %get3A_4034 = tpu.vector_load %arg7[%get3A_4032, %get3A_4033] {strides = array<i32>} : memref<100x128xf32, #tpu.memory_space<vmem>>, vector<16xf32>,
        %add3A_4035 = arith.addf %add3A_4025, %get3A_4034 : vector<16xf32>
        %get3A_4036 = arith.constant 69 : i32
        %get3A_4037 = arith.index_cast %get3A_4036 : i32 to index
        %get3A_4038 = arith.constant 48 : index
        %get3A_4039 = tpu.vector_load %arg7[%get3A_4037, %get3A_4038] {strides = array<i32>} : memref<100x128xf32, #tpu.memory_space<vmem>>, vector<16xf32>,
        %add3A_4040 = arith.addf %add3A_4030, %get3A_4039 : vector<16xf32>
        %get3A_4041 = arith.constant 70 : i32
        %get3A_4042 = arith.index_cast %get3A_4041 : i32 to index
        %get3A_4043 = arith.constant 48 : index
        %get3A_4044 = tpu.vector_load %arg7[%get3A_4042, %get3A_4043] {strides = array<i32>} : memref<100x128xf32, #tpu.memory_space<vmem>>, vector<16xf32>,
        %add3A_4045 = arith.addf %add3A_4035, %get3A_4044 : vector<16xf32>
        %get3A_4046 = arith.constant 71 : i32
        %get3A_4047 = arith.index_cast %get3A_4046 : i32 to index
        %get3A_4048 = arith.constant 48 : index
        %get3A_4049 = tpu.vector_load %arg7[%get3A_4047, %get3A_4048] {strides = array<i32>} : memref<100x128xf32, #tpu.memory_space<vmem>>, vector<16xf32>,
        %add3A_4050 = arith.addf %add3A_4040, %get3A_4049 : vector<16xf32>
        %get3A_4051 = arith.constant 72 : i32
        %get3A_4052 = arith.index_cast %get3A_4051 : i32 to index
        %get3A_4053 = arith.constant 48 : index
        %get3A_4054 = tpu.vector_load %arg7[%get3A_4052, %get3A_4053] {strides = array<i32>} : memref<100x128xf32, #tpu.memory_space<vmem>>, vector<16xf32>,
        %add3A_4055 = arith.addf %add3A_4045, %get3A_4054 : vector<16xf32>
        %get3A_4056 = arith.constant 73 : i32
        %get3A_4057 = arith.index_cast %get3A_4056 : i32 to index
        %get3A_4058 = arith.constant 48 : index
        %get3A_4059 = tpu.vector_load %arg7[%get3A_4057, %get3A_4058] {strides = array<i32>} : memref<100x128xf32, #tpu.memory_space<vmem>>, vector<16xf32>,
        %add3A_4060 = arith.addf %add3A_4050, %get3A_4059 : vector<16xf32>
        %get3A_4061 = arith.constant 74 : i32
        %get3A_4062 = arith.index_cast %get3A_4061 : i32 to index
        %get3A_4063 = arith.constant 48 : index
        %get3A_4064 = tpu.vector_load %arg7[%get3A_4062, %get3A_4063] {strides = array<i32>} : memref<100x128xf32, #tpu.memory_space<vmem>>, vector<16xf32>,
        %add3A_4065 = arith.addf %add3A_4055, %get3A_4064 : vector<16xf32>
        %get3A_4066 = arith.constant 75 : i32
        %get3A_4067 = arith.index_cast %get3A_4066 : i32 to index
        %get3A_4068 = arith.constant 48 : index
        %get3A_4069 = tpu.vector_load %arg7[%get3A_4067, %get3A_4068] {strides = array<i32>} : memref<100x128xf32, #tpu.memory_space<vmem>>, vector<16xf32>,
        %add3A_4070 = arith.addf %add3A_4060, %get3A_4069 : vector<16xf32>
        %get3A_4071 = arith.constant 76 : i32
        %get3A_4072 = arith.index_cast %get3A_4071 : i32 to index
        %get3A_4073 = arith.constant 48 : index
        %get3A_4074 = tpu.vector_load %arg7[%get3A_4072, %get3A_4073] {strides = array<i32>} : memref<100x128xf32, #tpu.memory_space<vmem>>, vector<16xf32>,
        %add3A_4075 = arith.addf %add3A_4065, %get3A_4074 : vector<16xf32>
        %get3A_4076 = arith.constant 77 : i32
        %get3A_4077 = arith.index_cast %get3A_4076 : i32 to index
        %get3A_4078 = arith.constant 48 : index
        %get3A_4079 = tpu.vector_load %arg7[%get3A_4077, %get3A_4078] {strides = array<i32>} : memref<100x128xf32, #tpu.memory_space<vmem>>, vector<16xf32>,
        %add3A_4080 = arith.addf %add3A_4070, %get3A_4079 : vector<16xf32>
        %get3A_4081 = arith.constant 78 : i32
        %get3A_4082 = arith.index_cast %get3A_4081 : i32 to index
        %get3A_4083 = arith.constant 48 : index
        %get3A_4084 = tpu.vector_load %arg7[%get3A_4082, %get3A_4083] {strides = array<i32>} : memref<100x128xf32, #tpu.memory_space<vmem>>, vector<16xf32>,
        %add3A_4085 = arith.addf %add3A_4075, %get3A_4084 : vector<16xf32>
        %get3A_4086 = arith.constant 79 : i32
        %get3A_4087 = arith.index_cast %get3A_4086 : i32 to index
        %get3A_4088 = arith.constant 48 : index
        %get3A_4089 = tpu.vector_load %arg7[%get3A_4087, %get3A_4088] {strides = array<i32>} : memref<100x128xf32, #tpu.memory_space<vmem>>, vector<16xf32>,
        %add3A_4090 = arith.addf %add3A_4080, %get3A_4089 : vector<16xf32>
        %get3A_4091 = arith.constant 80 : i32
        %get3A_4092 = arith.index_cast %get3A_4091 : i32 to index
        %get3A_4093 = arith.constant 48 : index
        %get3A_4094 = tpu.vector_load %arg7[%get3A_4092, %get3A_4093] {strides = array<i32>} : memref<100x128xf32, #tpu.memory_space<vmem>>, vector<16xf32>,
        %add3A_4095 = arith.addf %add3A_4085, %get3A_4094 : vector<16xf32>
        %get3A_4096 = arith.constant 81 : i32
        %get3A_4097 = arith.index_cast %get3A_4096 : i32 to index
        %get3A_4098 = arith.constant 48 : index
        %get3A_4099 = tpu.vector_load %arg7[%get3A_4097, %get3A_4098] {strides = array<i32>} : memref<100x128xf32, #tpu.memory_space<vmem>>, vector<16xf32>,
        %add3A_4100 = arith.addf %add3A_4090, %get3A_4099 : vector<16xf32>
        %get3A_4101 = arith.constant 82 : i32
        %get3A_4102 = arith.index_cast %get3A_4101 : i32 to index
        %get3A_4103 = arith.constant 48 : index
        %get3A_4104 = tpu.vector_load %arg7[%get3A_4102, %get3A_4103] {strides = array<i32>} : memref<100x128xf32, #tpu.memory_space<vmem>>, vector<16xf32>,
        %add3A_4105 = arith.addf %add3A_4095, %get3A_4104 : vector<16xf32>
        %get3A_4106 = arith.constant 83 : i32
        %get3A_4107 = arith.index_cast %get3A_4106 : i32 to index
        %get3A_4108 = arith.constant 48 : index
        %get3A_4109 = tpu.vector_load %arg7[%get3A_4107, %get3A_4108] {strides = array<i32>} : memref<100x128xf32, #tpu.memory_space<vmem>>, vector<16xf32>,
        %add3A_4110 = arith.addf %add3A_4100, %get3A_4109 : vector<16xf32>
        %get3A_4111 = arith.constant 84 : i32
        %get3A_4112 = arith.index_cast %get3A_4111 : i32 to index
        %get3A_4113 = arith.constant 48 : index
        %get3A_4114 = tpu.vector_load %arg7[%get3A_4112, %get3A_4113] {strides = array<i32>} : memref<100x128xf32, #tpu.memory_space<vmem>>, vector<16xf32>,
        %add3A_4115 = arith.addf %add3A_4105, %get3A_4114 : vector<16xf32>
        %get3A_4116 = arith.constant 85 : i32
        %get3A_4117 = arith.index_cast %get3A_4116 : i32 to index
        %get3A_4118 = arith.constant 48 : index
        %get3A_4119 = tpu.vector_load %arg7[%get3A_4117, %get3A_4118] {strides = array<i32>} : memref<100x128xf32, #tpu.memory_space<vmem>>, vector<16xf32>,
        %add3A_4120 = arith.addf %add3A_4110, %get3A_4119 : vector<16xf32>
        %get3A_4121 = arith.constant 86 : i32
        %get3A_4122 = arith.index_cast %get3A_4121 : i32 to index
        %get3A_4123 = arith.constant 48 : index
        %get3A_4124 = tpu.vector_load %arg7[%get3A_4122, %get3A_4123] {strides = array<i32>} : memref<100x128xf32, #tpu.memory_space<vmem>>, vector<16xf32>,
        %add3A_4125 = arith.addf %add3A_4115, %get3A_4124 : vector<16xf32>
        %get3A_4126 = arith.constant 87 : i32
        %get3A_4127 = arith.index_cast %get3A_4126 : i32 to index
        %get3A_4128 = arith.constant 48 : index
        %get3A_4129 = tpu.vector_load %arg7[%get3A_4127, %get3A_4128] {strides = array<i32>} : memref<100x128xf32, #tpu.memory_space<vmem>>, vector<16xf32>,
        %add3A_4130 = arith.addf %add3A_4120, %get3A_4129 : vector<16xf32>
        %get3A_4131 = arith.constant 88 : i32
        %get3A_4132 = arith.index_cast %get3A_4131 : i32 to index
        %get3A_4133 = arith.constant 48 : index
        %get3A_4134 = tpu.vector_load %arg7[%get3A_4132, %get3A_4133] {strides = array<i32>} : memref<100x128xf32, #tpu.memory_space<vmem>>, vector<16xf32>,
        %add3A_4135 = arith.addf %add3A_4125, %get3A_4134 : vector<16xf32>
        %get3A_4136 = arith.constant 89 : i32
        %get3A_4137 = arith.index_cast %get3A_4136 : i32 to index
        %get3A_4138 = arith.constant 48 : index
        %get3A_4139 = tpu.vector_load %arg7[%get3A_4137, %get3A_4138] {strides = array<i32>} : memref<100x128xf32, #tpu.memory_space<vmem>>, vector<16xf32>,
        %add3A_4140 = arith.addf %add3A_4130, %get3A_4139 : vector<16xf32>
        %get3A_4141 = arith.constant 90 : i32
        %get3A_4142 = arith.index_cast %get3A_4141 : i32 to index
        %get3A_4143 = arith.constant 48 : index
        %get3A_4144 = tpu.vector_load %arg7[%get3A_4142, %get3A_4143] {strides = array<i32>} : memref<100x128xf32, #tpu.memory_space<vmem>>, vector<16xf32>,
        %add3A_4145 = arith.addf %add3A_4135, %get3A_4144 : vector<16xf32>
        %get3A_4146 = arith.constant 91 : i32
        %get3A_4147 = arith.index_cast %get3A_4146 : i32 to index
        %get3A_4148 = arith.constant 48 : index
        %get3A_4149 = tpu.vector_load %arg7[%get3A_4147, %get3A_4148] {strides = array<i32>} : memref<100x128xf32, #tpu.memory_space<vmem>>, vector<16xf32>,
        %add3A_4150 = arith.addf %add3A_4140, %get3A_4149 : vector<16xf32>
        %get3A_4151 = arith.constant 92 : i32
        %get3A_4152 = arith.index_cast %get3A_4151 : i32 to index
        %get3A_4153 = arith.constant 48 : index
        %get3A_4154 = tpu.vector_load %arg7[%get3A_4152, %get3A_4153] {strides = array<i32>} : memref<100x128xf32, #tpu.memory_space<vmem>>, vector<16xf32>,
        %add3A_4155 = arith.addf %add3A_4145, %get3A_4154 : vector<16xf32>
        %get3A_4156 = arith.constant 93 : i32
        %get3A_4157 = arith.index_cast %get3A_4156 : i32 to index
        %get3A_4158 = arith.constant 48 : index
        %get3A_4159 = tpu.vector_load %arg7[%get3A_4157, %get3A_4158] {strides = array<i32>} : memref<100x128xf32, #tpu.memory_space<vmem>>, vector<16xf32>,
        %add3A_4160 = arith.addf %add3A_4150, %get3A_4159 : vector<16xf32>
        %get3A_4161 = arith.constant 94 : i32
        %get3A_4162 = arith.index_cast %get3A_4161 : i32 to index
        %get3A_4163 = arith.constant 48 : index
        %get3A_4164 = tpu.vector_load %arg7[%get3A_4162, %get3A_4163] {strides = array<i32>} : memref<100x128xf32, #tpu.memory_space<vmem>>, vector<16xf32>,
        %add3A_4165 = arith.addf %add3A_4155, %get3A_4164 : vector<16xf32>
        %get3A_4166 = arith.constant 95 : i32
        %get3A_4167 = arith.index_cast %get3A_4166 : i32 to index
        %get3A_4168 = arith.constant 48 : index
        %get3A_4169 = tpu.vector_load %arg7[%get3A_4167, %get3A_4168] {strides = array<i32>} : memref<100x128xf32, #tpu.memory_space<vmem>>, vector<16xf32>,
        %add3A_4170 = arith.addf %add3A_4160, %get3A_4169 : vector<16xf32>
        %get3A_4171 = arith.constant 96 : i32
        %get3A_4172 = arith.index_cast %get3A_4171 : i32 to index
        %get3A_4173 = arith.constant 48 : index
        %get3A_4174 = tpu.vector_load %arg7[%get3A_4172, %get3A_4173] {strides = array<i32>} : memref<100x128xf32, #tpu.memory_space<vmem>>, vector<16xf32>,
        %add3A_4175 = arith.addf %add3A_4165, %get3A_4174 : vector<16xf32>
        %get3A_4176 = arith.constant 97 : i32
        %get3A_4177 = arith.index_cast %get3A_4176 : i32 to index
        %get3A_4178 = arith.constant 48 : index
        %get3A_4179 = tpu.vector_load %arg7[%get3A_4177, %get3A_4178] {strides = array<i32>} : memref<100x128xf32, #tpu.memory_space<vmem>>, vector<16xf32>,
        %add3A_4180 = arith.addf %add3A_4170, %get3A_4179 : vector<16xf32>
        %get3A_4181 = arith.constant 98 : i32
        %get3A_4182 = arith.index_cast %get3A_4181 : i32 to index
        %get3A_4183 = arith.constant 48 : index
        %get3A_4184 = tpu.vector_load %arg7[%get3A_4182, %get3A_4183] {strides = array<i32>} : memref<100x128xf32, #tpu.memory_space<vmem>>, vector<16xf32>,
        %add3A_4185 = arith.addf %add3A_4175, %get3A_4184 : vector<16xf32>
        %get3A_4186 = arith.constant 99 : i32
        %get3A_4187 = arith.index_cast %get3A_4186 : i32 to index
        %get3A_4188 = arith.constant 48 : index
        %get3A_4189 = tpu.vector_load %arg7[%get3A_4187, %get3A_4188] {strides = array<i32>} : memref<100x128xf32, #tpu.memory_space<vmem>>, vector<16xf32>,
        %add3A_4190 = arith.addf %add3A_4180, %get3A_4189 : vector<16xf32>
        %add3A_4191 = arith.addf %add3A_4185, %add3A_4190 : vector<16xf32>
        %mul3A_4192 = arith.constant 2.000000e-02 : f32
        %mul3A_4193 = vector.broadcast %mul3A_4192 : f32 to vector<16xf32>
        %mul3A_4194 = arith.mulf %add3A_4191, %mul3A_4193 : vector<16xf32>
        %mul3A_4195 = arith.constant 2 : i32
        %mul3A_4196 = arith.muli %mul3A_4195, %add3A_2129 : i32
        %add3A_4197 = arith.constant 1 : i32
        %add3A_4198 = arith.addi %mul3A_4196, %add3A_4197 : i32
        %swap3A_4199 = arith.index_cast %add3A_4198 : i32 to index
        %swap3A_4200 = arith.constant 48 : index
        %swap3A_4201 = tpu.vector_load %arg8[%swap3A_4199, %swap3A_4200] {strides = array<i32>} : memref<32x64xf32, #tpu.memory_space<vmem>>, vector<16xf32>,
        tpu.vector_store %arg8[%swap3A_4199, %swap3A_4200], %mul3A_4194 {strides = array<i32>} : memref<32x64xf32, #tpu.memory_space<vmem>>, vector<16xf32>,
      }
      %scan3A_25 = arith.constant 8 : i32
      %mul3A_26 = arith.constant 2 : i32
      %mul3A_27 = arith.muli %mul3A_26, %add3A_14 : i32
      "tpu.region"() ({
        %run_scoped3A = tpu.sem_alloc : memref<!tpu.dma_semaphore, #tpu.memory_space<semaphore_mem>>
        %dma_start3A_28 = arith.constant 0 : i32
        %dma_start3A_29 = tpu.memref_slice %arg4[%mul3A_27, %dma_start3A_28] : memref<32768x64xf32, #tpu.memory_space<hbm>> -> memref<32x64xf32, #tpu.memory_space<hbm>>
        %dma_start3A_30 = arith.constant 0 : i32
        %dma_start3A_31 = tpu.memref_slice %arg4[%mul3A_27, %dma_start3A_30] : memref<32768x64xf32, #tpu.memory_space<hbm>> -> memref<32x64xf32, #tpu.memory_space<hbm>>
        tpu.enqueue_dma source(%arg8 : memref<32x64xf32, #tpu.memory_space<vmem>>) target(%dma_start3A_31 : memref<32x64xf32, #tpu.memory_space<hbm>>) target_semaphore(%run_scoped3A : memref<!tpu.dma_semaphore, #tpu.memory_space<semaphore_mem>>)
        %dma_wait3A = arith.constant 0 : i32
        %dma_wait3A_32 = tpu.memref_slice %arg4[%mul3A_27, %dma_wait3A] : memref<32768x64xf32, #tpu.memory_space<hbm>> -> memref<32x64xf32, #tpu.memory_space<hbm>>
        %dma_wait3A_33 = arith.constant 0 : i32
        %dma_wait3A_34 = tpu.memref_slice %arg4[%mul3A_27, %dma_wait3A_33] : memref<32768x64xf32, #tpu.memory_space<hbm>> -> memref<32x64xf32, #tpu.memory_space<hbm>>
        tpu.wait_dma2 semaphore(%run_scoped3A : memref<!tpu.dma_semaphore, #tpu.memory_space<semaphore_mem>>) src(%arg8 : memref<32x64xf32, #tpu.memory_space<vmem>>) dst(%dma_wait3A_34 : memref<32x64xf32, #tpu.memory_space<hbm>>)
        tpu.yield
      }) : () -> ()
    }
    %scan3A_6 = arith.constant 32 : i32
    return
  }
}

module attributes {stable_mosaic.version = 14 : i64} {
  func.func @_mlp_body(%arg0: i32, %arg1: memref<2048x64xf32, #tpu.memory_space<vmem>>, %arg2: memref<2048x64xf32, #tpu.memory_space<vmem>>, %arg3: memref<64x256xf32, #tpu.memory_space<vmem>>, %arg4: memref<64x256xf32, #tpu.memory_space<vmem>>, %arg5: memref<1x256xf32, #tpu.memory_space<vmem>>, %arg6: memref<256x256xf32, #tpu.memory_space<vmem>>, %arg7: memref<1x256xf32, #tpu.memory_space<vmem>>, %arg8: memref<256x256xf32, #tpu.memory_space<vmem>>, %arg9: memref<1x256xf32, #tpu.memory_space<vmem>>, %arg10: memref<256x3xf32, #tpu.memory_space<vmem>>, %arg11: memref<1x3xf32, #tpu.memory_space<vmem>>, %arg12: memref<2048x3xf32, #tpu.memory_space<vmem>>) attributes {dimension_semantics = [#tpu.dimension_semantics<arbitrary>], iteration_bounds = array<i64: 8>, scalar_prefetch = 0 : i64, scratch_operands = 0 : i64, tpu.core_type = #tpu.core_type<tc>, window_params = [{transform_indices = @transform_0, window_bounds = array<i64: 2048, 64>}, {transform_indices = @transform_1, window_bounds = array<i64: 2048, 64>}, {pipeline_mode = #tpu.pipeline_mode<synchronous>, transform_indices = @transform_2, window_bounds = array<i64: 64, 256>}, {pipeline_mode = #tpu.pipeline_mode<synchronous>, transform_indices = @transform_3, window_bounds = array<i64: 64, 256>}, {pipeline_mode = #tpu.pipeline_mode<synchronous>, transform_indices = @transform_4, window_bounds = array<i64: 1, 256>}, {pipeline_mode = #tpu.pipeline_mode<synchronous>, transform_indices = @transform_5, window_bounds = array<i64: 256, 256>}, {pipeline_mode = #tpu.pipeline_mode<synchronous>, transform_indices = @transform_6, window_bounds = array<i64: 1, 256>}, {pipeline_mode = #tpu.pipeline_mode<synchronous>, transform_indices = @transform_7, window_bounds = array<i64: 256, 256>}, {pipeline_mode = #tpu.pipeline_mode<synchronous>, transform_indices = @transform_8, window_bounds = array<i64: 1, 256>}, {pipeline_mode = #tpu.pipeline_mode<synchronous>, transform_indices = @transform_9, window_bounds = array<i64: 256, 3>}, {pipeline_mode = #tpu.pipeline_mode<synchronous>, transform_indices = @transform_10, window_bounds = array<i64: 1, 3>}, {transform_indices = @transform_11, window_bounds = array<i64: 2048, 3>}]} {
    %get3A = arith.constant 0 : index
    %get3A_0 = arith.constant 0 : index
    %get3A_1 = vector.load %arg1[%get3A, %get3A_0] : memref<2048x64xf32, #tpu.memory_space<vmem>>, vector<2048x64xf32>
    %get3A_2 = arith.constant 0 : index
    %get3A_3 = arith.constant 0 : index
    %get3A_4 = vector.load %arg3[%get3A_2, %get3A_3] : memref<64x256xf32, #tpu.memory_space<vmem>>, vector<64x256xf32>
    %dot_general3A = arith.constant dense<0.000000e+00> : vector<2048x256xf32>
    %dot_general3A_5 = tpu.matmul %get3A_1, %get3A_4, %dot_general3A {dimension_numbers = #tpu.dot_dimension_numbers<[1], [0], [0], [1], [0, 0, 1, 1], [], []>, precision = #tpu.contract_precision<fp32>, transpose_lhs_hint = false} : vector<2048x64xf32>, vector<64x256xf32>, vector<2048x256xf32> -> vector<2048x256xf32>
    %get3A_6 = arith.constant 0 : index
    %get3A_7 = arith.constant 0 : index
    %get3A_8 = vector.load %arg2[%get3A_6, %get3A_7] : memref<2048x64xf32, #tpu.memory_space<vmem>>, vector<2048x64xf32>
    %get3A_9 = arith.constant 0 : index
    %get3A_10 = arith.constant 0 : index
    %get3A_11 = vector.load %arg4[%get3A_9, %get3A_10] : memref<64x256xf32, #tpu.memory_space<vmem>>, vector<64x256xf32>
    %dot_general3A_12 = arith.constant dense<0.000000e+00> : vector<2048x256xf32>
    %dot_general3A_13 = tpu.matmul %get3A_8, %get3A_11, %dot_general3A_12 {dimension_numbers = #tpu.dot_dimension_numbers<[1], [0], [0], [1], [0, 0, 1, 1], [], []>, precision = #tpu.contract_precision<fp32>, transpose_lhs_hint = false} : vector<2048x64xf32>, vector<64x256xf32>, vector<2048x256xf32> -> vector<2048x256xf32>
    %add3A = arith.addf %dot_general3A_5, %dot_general3A_13 : vector<2048x256xf32>
    %get3A_14 = arith.constant 0 : index
    %get3A_15 = arith.constant 0 : index
    %get3A_16 = vector.load %arg5[%get3A_14, %get3A_15] : memref<1x256xf32, #tpu.memory_space<vmem>>, vector<1x256xf32>
    %add3A_17 = vector.broadcast %get3A_16 : vector<1x256xf32> to vector<2048x256xf32>
    %add3A_18 = arith.addf %add3A, %add3A_17 : vector<2048x256xf32>
    %max3A = arith.constant 0.000000e+00 : f32
    %max3A_19 = vector.broadcast %max3A : f32 to vector<2048x256xf32>
    %max3A_20 = arith.maximumf %add3A_18, %max3A_19 : vector<2048x256xf32>
    %get3A_21 = arith.constant 0 : index
    %get3A_22 = arith.constant 0 : index
    %get3A_23 = vector.load %arg6[%get3A_21, %get3A_22] : memref<256x256xf32, #tpu.memory_space<vmem>>, vector<256x256xf32>
    %dot_general3A_24 = arith.constant dense<0.000000e+00> : vector<2048x256xf32>
    %dot_general3A_25 = tpu.matmul %max3A_20, %get3A_23, %dot_general3A_24 {dimension_numbers = #tpu.dot_dimension_numbers<[1], [0], [0], [1], [0, 0, 1, 1], [], []>, precision = #tpu.contract_precision<fp32>, transpose_lhs_hint = false} : vector<2048x256xf32>, vector<256x256xf32>, vector<2048x256xf32> -> vector<2048x256xf32>
    %get3A_26 = arith.constant 0 : index
    %get3A_27 = arith.constant 0 : index
    %get3A_28 = vector.load %arg7[%get3A_26, %get3A_27] : memref<1x256xf32, #tpu.memory_space<vmem>>, vector<1x256xf32>
    %add3A_29 = vector.broadcast %get3A_28 : vector<1x256xf32> to vector<2048x256xf32>
    %add3A_30 = arith.addf %dot_general3A_25, %add3A_29 : vector<2048x256xf32>
    %max3A_31 = arith.constant 0.000000e+00 : f32
    %max3A_32 = vector.broadcast %max3A_31 : f32 to vector<2048x256xf32>
    %max3A_33 = arith.maximumf %add3A_30, %max3A_32 : vector<2048x256xf32>
    %get3A_34 = arith.constant 0 : index
    %get3A_35 = arith.constant 0 : index
    %get3A_36 = vector.load %arg8[%get3A_34, %get3A_35] : memref<256x256xf32, #tpu.memory_space<vmem>>, vector<256x256xf32>
    %dot_general3A_37 = arith.constant dense<0.000000e+00> : vector<2048x256xf32>
    %dot_general3A_38 = tpu.matmul %max3A_33, %get3A_36, %dot_general3A_37 {dimension_numbers = #tpu.dot_dimension_numbers<[1], [0], [0], [1], [0, 0, 1, 1], [], []>, precision = #tpu.contract_precision<fp32>, transpose_lhs_hint = false} : vector<2048x256xf32>, vector<256x256xf32>, vector<2048x256xf32> -> vector<2048x256xf32>
    %get3A_39 = arith.constant 0 : index
    %get3A_40 = arith.constant 0 : index
    %get3A_41 = vector.load %arg9[%get3A_39, %get3A_40] : memref<1x256xf32, #tpu.memory_space<vmem>>, vector<1x256xf32>
    %add3A_42 = vector.broadcast %get3A_41 : vector<1x256xf32> to vector<2048x256xf32>
    %add3A_43 = arith.addf %dot_general3A_38, %add3A_42 : vector<2048x256xf32>
    %max3A_44 = arith.constant 0.000000e+00 : f32
    %max3A_45 = vector.broadcast %max3A_44 : f32 to vector<2048x256xf32>
    %max3A_46 = arith.maximumf %add3A_43, %max3A_45 : vector<2048x256xf32>
    %get3A_47 = arith.constant 0 : index
    %get3A_48 = arith.constant 0 : index
    %get3A_49 = vector.load %arg10[%get3A_47, %get3A_48] : memref<256x3xf32, #tpu.memory_space<vmem>>, vector<256x3xf32>
    %dot_general3A_50 = arith.constant dense<0.000000e+00> : vector<2048x3xf32>
    %dot_general3A_51 = tpu.matmul %max3A_46, %get3A_49, %dot_general3A_50 {dimension_numbers = #tpu.dot_dimension_numbers<[1], [0], [0], [1], [0, 0, 1, 1], [], []>, precision = #tpu.contract_precision<fp32>, transpose_lhs_hint = false} : vector<2048x256xf32>, vector<256x3xf32>, vector<2048x3xf32> -> vector<2048x3xf32>
    %get3A_52 = arith.constant 0 : index
    %get3A_53 = arith.constant 0 : index
    %get3A_54 = vector.load %arg11[%get3A_52, %get3A_53] : memref<1x3xf32, #tpu.memory_space<vmem>>, vector<1x3xf32>
    %add3A_55 = vector.broadcast %get3A_54 : vector<1x3xf32> to vector<2048x3xf32>
    %add3A_56 = arith.addf %dot_general3A_51, %add3A_55 : vector<2048x3xf32>
    %swap3A = arith.constant 0 : index
    %swap3A_57 = arith.constant 0 : index
    %swap3A_58 = vector.load %arg12[%swap3A, %swap3A_57] : memref<2048x3xf32, #tpu.memory_space<vmem>>, vector<2048x3xf32>
    tpu.vector_store %arg12[%swap3A, %swap3A_57], %add3A_56 {strides = array<i32>} : memref<2048x3xf32, #tpu.memory_space<vmem>>, vector<2048x3xf32>,
    return
  }
  func.func @transform_0(%arg0: i32) -> (i32, i32) {
    %c0_i32 = arith.constant 0 : i32
    %c0_i32_0 = arith.constant 0 : i32
    return %arg0, %c0_i32 : i32, i32
  }
  func.func @transform_1(%arg0: i32) -> (i32, i32) {
    %add3A = arith.constant 8 : i32
    %add3A_0 = arith.addi %arg0, %add3A : i32
    %c0_i32 = arith.constant 0 : i32
    %c0_i32_1 = arith.constant 0 : i32
    return %add3A_0, %c0_i32 : i32, i32
  }
  func.func @transform_2(%arg0: i32) -> (i32, i32) {
    %c0_i32 = arith.constant 0 : i32
    %c0_i32_0 = arith.constant 0 : i32
    %c0_i32_1 = arith.constant 0 : i32
    return %c0_i32, %c0_i32_0 : i32, i32
  }
  func.func @transform_3(%arg0: i32) -> (i32, i32) {
    %c0_i32 = arith.constant 0 : i32
    %c0_i32_0 = arith.constant 0 : i32
    %c0_i32_1 = arith.constant 0 : i32
    return %c0_i32, %c0_i32_0 : i32, i32
  }
  func.func @transform_4(%arg0: i32) -> (i32, i32) {
    %c0_i32 = arith.constant 0 : i32
    %c0_i32_0 = arith.constant 0 : i32
    %c0_i32_1 = arith.constant 0 : i32
    return %c0_i32, %c0_i32_0 : i32, i32
  }
  func.func @transform_5(%arg0: i32) -> (i32, i32) {
    %c0_i32 = arith.constant 0 : i32
    %c0_i32_0 = arith.constant 0 : i32
    %c0_i32_1 = arith.constant 0 : i32
    return %c0_i32, %c0_i32_0 : i32, i32
  }
  func.func @transform_6(%arg0: i32) -> (i32, i32) {
    %c0_i32 = arith.constant 0 : i32
    %c0_i32_0 = arith.constant 0 : i32
    %c0_i32_1 = arith.constant 0 : i32
    return %c0_i32, %c0_i32_0 : i32, i32
  }
  func.func @transform_7(%arg0: i32) -> (i32, i32) {
    %c0_i32 = arith.constant 0 : i32
    %c0_i32_0 = arith.constant 0 : i32
    %c0_i32_1 = arith.constant 0 : i32
    return %c0_i32, %c0_i32_0 : i32, i32
  }
  func.func @transform_8(%arg0: i32) -> (i32, i32) {
    %c0_i32 = arith.constant 0 : i32
    %c0_i32_0 = arith.constant 0 : i32
    %c0_i32_1 = arith.constant 0 : i32
    return %c0_i32, %c0_i32_0 : i32, i32
  }
  func.func @transform_9(%arg0: i32) -> (i32, i32) {
    %c0_i32 = arith.constant 0 : i32
    %c0_i32_0 = arith.constant 0 : i32
    %c0_i32_1 = arith.constant 0 : i32
    return %c0_i32, %c0_i32_0 : i32, i32
  }
  func.func @transform_10(%arg0: i32) -> (i32, i32) {
    %c0_i32 = arith.constant 0 : i32
    %c0_i32_0 = arith.constant 0 : i32
    %c0_i32_1 = arith.constant 0 : i32
    return %c0_i32, %c0_i32_0 : i32, i32
  }
  func.func @transform_11(%arg0: i32) -> (i32, i32) {
    %c0_i32 = arith.constant 0 : i32
    %c0_i32_0 = arith.constant 0 : i32
    return %arg0, %c0_i32 : i32, i32
  }
}

</mosaic_0001>

<sc_bundles>
// kernel: kernel.4.cloned.1.call-start
scs
__scs_entry_jumppad:
0x0: {  	(pc) =	sbr.rel $0x88, $3  }
0x1: {  	(tag) =	ssettag $0x0;
	lr =	simm.s32 $0x1  }
0x2: {  	[smem:$0x3F96] =	sst lr;
	_ =	strace $0xD0000000  }
0x3: {  	_ = 	snop  }
0x4: {  	_ = 	snop  }
0x5: {  	_ = 	snop  }
0x6: {  	_ = 	snop  }
0x7: {  	_ = 	snop  }
__scs_overlays_trampoline_lowered:
0x8: {  	[smem:$0x3FA5] =	sst s0  }
0x9: {  	[smem:$0x3FA6] =	sst s1  }
0xa: {  	[smem:$0x3FA7] =	sst s2  }
0xb: {  	[smem:$0x3FA8] =	sst s3  }
0xc: {  	[smem:$0x3FA9] =	sst s4  }
0xd: {  	[smem:$0x3FAA] =	sst s5  }
0xe: {  	[smem:$0x3FAB] =	sst s6  }
0xf: {  	[smem:$0x3FAC] =	sst s7  }
0x10: {  	[smem:$0x3FAD] =	sst s8  }
0x11: {  	[smem:$0x3FAE] =	sst s9;
	s0 =	simm.s32 @!p0 $0x0  }
0x12: {  	s1 =	sld [smem:$0x3F94];
	s0 =	simm.s32 @p0 $0x1  }
0x13: {  	[smem:$0x3FAF] =	sst s0;
	s0 =	simm.s32 @!p1 $0x0  }
0x14: {  	s2 =	sld [smem:$0x3F93];
	s0 =	simm.s32 @p1 $0x1  }
0x15: {  	[smem:$0x3FB0] =	sst s0;
	s0 =	simm.s32 @!p2 $0x0  }
0x16: {  	s3 =	sld [smem:$0x3FDB];
	s0 =	simm.s32 @p2 $0x1  }
0x17: {  	s4 =	simm.s32 $0x1BF5;
	[smem:$0x3FB2] =	sst s0  }
0x18: {  	s0 =	sld [smem:$0x3F95];
	_ =	swait.ge [sflag:s4], $0x0  }
0x19: {  	s7 =	sld [smem:$0x3F96]  }
0x1a: {  	s8 =	sadd.s32 $0xFFFFE003, lr  }
0x1b: {  	s9 =	sadd.s32 $0xFFFFFEF7, lr;
	s5 =	simm.s32 $0xFFFFFFFF;
	p2 =	slt.u32 s8, $0xFFFFF086  }
0x1c: {  	p1 =	slt.u32 s9, $0xF7A;
	s5 =	simm.s32 @!p2 $0x0  }
0x1d: {  	s5 =	simm.s32 @p1 $0x1;
	p0 =	seq.s32 s7, s2  }
0x1e: {  	s7 =	smul.u32 @!p0 $0xF7A, s2;
	p2 =	seq.s32 @!p0 s5, $0x0  }
0x1f: {  	s9 =	smul.u32 $0xF7A, s1;
	s8 =	simm.s32 @!p0 $0x1BF5;
	p2 =	por !p2, p0  }
0x20: {  	[sflag:s8] =	ssyncset.s32 @!p0 $0xFFFFF086;
	s6 =	sadd.s32 @!p0 s3, s7;
	s7 =	simm.s32 @!p0 $0x108  }
0x21: {  	s3 =	sadd.s32 s3, s9;
	s6 =	sadd.s32 @!p0 $0x88, s6;
	s7 =	simm.s32 @p2 $0x1082  }
0x22: {  	[simem:s7], [sflag:s8] =	dma.local @!p0 [hbm:s6], $0xF7A  }
0x23: {  	s9 =	sor.u32 $0xD0000000, s2;
	s6 =	simm.s32 $0x108;
	_ =	swait.ge @!p0 [sflag:s8], $0x0  }
0x24: {  	s3 =	sadd.s32 $0x88, s3;
	s6 =	simm.s32 @!p1 $0x1082;
	[sflag:s4] =	ssyncset.s32 $0xFFFFF086  }
0x25: {  	[simem:s6], [sflag:s4] =	dma.local [hbm:s3], $0xF7A  }
0x26: {  	[smem:$0x3F96] =	sst s1;
	(tag) =	ssettag s2;
	_ =	strace s9  }
0x27: {  	s1 =	sld [smem:$0x3FA6]  }
0x28: {  	s2 =	sld [smem:$0x3FA7]  }
0x29: {  	s4 =	sld [smem:$0x3FA9]  }
0x2a: {  	p0 =	seq.s32 s5, $0x0;
	s5 =	sld [smem:$0x3FAA]  }
0x2b: {  	s6 =	sld [smem:$0x3FAB]  }
0x2c: {  	s7 =	sld [smem:$0x3FAC]  }
0x2d: {  	s3 =	simm.s32 $0x108;
	s8 =	sld [smem:$0x3FAD]  }
0x2e: {  	s3 =	simm.s32 @!p0 $0x1082;
	s9 =	sld [smem:$0x3FAE]  }
0x2f: {  	lr =	sadd.s32 s0, s3;
	s0 =	sld [smem:$0x3FA5]  }
0x30: {  	s3 =	sld [smem:$0x3FA8]  }
0x31: {  	[smem:$0x3FB1] =	sst s10  }
0x32: {  	s10 =	sld [smem:$0x3FAF];
	_ =	sdelay $0x3  }
0x33: {  	p0 =	seq.s32 s10, $0x1;
	s10 =	sld [smem:$0x3FB1];
	_ =	sdelay $0x3  }
0x34: {  	[smem:$0x3FB1] =	sst s10  }
0x35: {  	s10 =	sld [smem:$0x3FB0];
	_ =	sdelay $0x3  }
0x36: {  	p1 =	seq.s32 s10, $0x1;
	s10 =	sld [smem:$0x3FB1];
	_ =	sdelay $0x3  }
0x37: {  	[smem:$0x3FB1] =	sst s10  }
0x38: {  	s10 =	sld [smem:$0x3FB2]  }
0x39: {  	_ = 	snop;
	(pc) =	sbr.ind lr, $3  }
0x3a: {  	_ = 	snop  }
0x3b: {  	_ = 	snop  }
0x3c: {  	p2 =	seq.s32 s10, $0x1;
	s10 =	sld [smem:$0x3FB1]  }
0x3d: {  	_ =	shalt  }
0x3e: {  	_ =	shalt  }
0x3f: {  	_ =	shalt  }
0x40: {  	_ =	shalt  }
0x41: {  	_ =	shalt  }
0x42: {  	_ =	shalt  }
0x43: {  	_ =	shalt  }
0x44: {  	_ =	shalt  }
0x45: {  	_ =	shalt  }
0x46: {  	_ =	shalt  }
0x47: {  	_ =	shalt  }
0x48: {  	_ =	shalt  }
0x49: {  	_ =	shalt  }
0x4a: {  	_ =	shalt  }
0x4b: {  	_ =	shalt  }
0x4c: {  	_ =	shalt  }
0x4d: {  	_ =	shalt  }
0x4e: {  	_ =	shalt  }
0x4f: {  	_ =	shalt  }
0x50: {  	_ =	shalt  }
0x51: {  	_ =	shalt  }
0x52: {  	_ =	shalt  }
0x53: {  	_ =	shalt  }
0x54: {  	_ =	shalt  }
0x55: {  	_ =	shalt  }
0x56: {  	_ =	shalt  }
0x57: {  	_ =	shalt  }
0x58: {  	_ =	shalt  }
0x59: {  	_ =	shalt  }
0x5a: {  	_ =	shalt  }
0x5b: {  	_ =	shalt  }
0x5c: {  	_ =	shalt  }
0x5d: {  	_ =	shalt  }
0x5e: {  	_ =	shalt  }
0x5f: {  	_ =	shalt  }
0x60: {  	_ =	shalt  }
0x61: {  	_ =	shalt  }
0x62: {  	_ =	shalt  }
0x63: {  	_ =	shalt  }
0x64: {  	_ =	shalt  }
0x65: {  	_ =	shalt  }
0x66: {  	_ =	shalt  }
0x67: {  	_ =	shalt  }
0x68: {  	_ =	shalt  }
0x69: {  	_ =	shalt  }
0x6a: {  	_ =	shalt  }
0x6b: {  	_ =	shalt  }
0x6c: {  	_ =	shalt  }
0x6d: {  	_ =	shalt  }
0x6e: {  	_ =	shalt  }
0x6f: {  	_ =	shalt  }
0x70: {  	_ =	shalt  }
0x71: {  	_ =	shalt  }
0x72: {  	_ =	shalt  }
0x73: {  	_ =	shalt  }
0x74: {  	_ =	shalt  }
0x75: {  	_ =	shalt  }
0x76: {  	_ =	shalt  }
0x77: {  	_ =	shalt  }
0x78: {  	_ =	shalt  }
0x79: {  	_ =	shalt  }
0x7a: {  	_ =	shalt  }
0x7b: {  	_ =	shalt  }
0x7c: {  	_ =	shalt  }
0x7d: {  	_ =	shalt  }
0x7e: {  	_ =	shalt  }
0x7f: {  	_ =	shalt  }
0x80: {  	_ =	shalt  }
0x81: {  	_ =	shalt  }
0x82: {  	_ =	shalt  }
0x83: {  	_ =	shalt  }
0x84: {  	_ =	shalt  }
0x85: {  	_ =	shalt  }
0x86: {  	_ =	shalt  }
0x87: {  	_ =	shalt  }
.Lfunc_end0:
.L_simem_size_0:
called_computation_lowered:
.L_overlay_start_0:
0x88: {  	s2 =	sld [smem:$0x3FD9]  }
0x89: {  	s3 =	sld [smem:$0x3FFE];
	_ =	sdelay $0x1  }
0x8a: {  	s1 =	srdreg.scid  }
0x8b: {  	s0 =	sand.u32 $0x1, s1  }
0x8c: {  	s16 =	sshll.u32 s0, $0xA;
	s2 =	sadd.s32 s3, s2  }
0x8d: {  	s2 =	sadd.s32 s2, s16  }
0x8e: {  	[smem:$0x3FBD] =	sst s2  }
0x8f: {  	_ = 	snop  }
0x90: {  	(tm) =	ssettm $0x1  }
0x91: {  	s17 =	sld [smem:$0x3FFB];
	_ =	sdelay $0x3  }
0x92: {  	_ =	strace s17  }
0x93: {  	s2 =	sld [smem:$0x3FFC];
	_ =	sdelay $0x3  }
0x94: {  	_ =	strace s2  }
0x95: {  	s2 =	sld [smem:$0x3FFD];
	_ =	sdelay $0x3  }
0x96: {  	_ =	strace s2  }
0x97: {  	_ =	strace $0x8FFFFFFF  }
0x98: {  	s18 =	sld [smem:$0x3FDB];
	_ =	sdelay $0x1  }
0x99: {  	s19 =	simm.s32 $_scs_section_size  }
0x9a: {  	s4 =	simm.s32 $_size__tile_overlayer_lowered;
	s5 =	simm.s32 $_tile_overlayer_lowered  }
0x9b: {  	s22 =	simm.s32 $0x1BFF;
	s21 =	sshll.u32 s5, $0x1;
	s2 =	sadd.s32 s19, s18  }
0x9c: {  	s6 =	simm.s32 $0x0;
	s20 =	sshll.u32 s4, $0x1;
	s4 =	sadd.s32 s21, s2  }
0x9d: {  	[timem:s6], [sflag:s22] =	dma.local [hbm:s4], s20  }
0x9e: {  	_ =	swait.ge [sflag:s22], s20  }
0x9f: {  	s3 =	ssub.s32 $0x0, s20;
	[sflag:s22] =	ssyncset.done $0x0  }
0xa0: {  	[sflag:s22] =	ssyncadd.s32 s3;
	_ =	sdelay $0x1  }
0xa1: {  	s23 =	simm.s32 $0x1B8B  }
0xa2: {  	_ =	swait.ge [sflag:s23], $0x1  }
0xa3: {  	[sflag:s23] =	ssyncset.done $0x0  }
0xa4: {  	s25 =	simm.s32 $0x1B8E;
	s24 =	sld [smem:$0x3FFE];
	[sflag:s23] =	ssyncadd.s32 $0xFFFFFFFF  }
0xa5: {  	s26 =	simm.s32 $execute0_lowered;
	[smem:$0x3FD2] =	sst s25  }
0xa6: {  	s4 =	sshll.u32 s26, $0x1;
	_ =	strace $0x80000046;
	[dreg:$0x1] =	wrdreg $0xFFFFFFFF  }
0xa7: {  	s28 =	simm.s32 $_size_execute0_lowered;
	s2 =	sadd.s32 s2, s4;
	[dreg:$0x0] =	wrdreg $0x0  }
0xa8: {  	s4 =	sshll.u32 s28, $0x1;
	[dreg:$0x2] =	wrdreg s2  }
0xa9: {  	[dreg:$0x3] =	wrdreg s4  }
0xaa: {  	[dreg:$0x4] =	wrdreg $0xC0  }
0xab: {  	_ =	task [dreg:s6], $0x5FFFF  }
0xac: {  	[dreg:$0x1] =	wrdreg $0xFFFFFFFF  }
0xad: {  	[dreg:$0x0] =	wrdreg $0x60  }
0xae: {  	[dreg:$0x2] =	wrdreg s24  }
0xaf: {  	[dreg:$0x3] =	wrdreg $0x9  }
0xb0: {  	_ =	task.clear_ibuf [dreg:s6], $0x4FFFF;
	_ =	strace $0x90000046  }
0xb1: {  	s29 =	simm.s32 $0x9;
	_ =	strace $0x80000048  }
0xb2: {  	_ =	swait.ge [sflag:s29], $0x1  }
0xb3: {  	[sflag:s29] =	ssyncadd.s32 $0xFFFFFFFF  }
0xb4: {  	_ =	strace $0x90000048  }
0xb5: {  	_ =	sfence  }
0xb6: {  	s30 =	sld [smem:$0x0];
	_ =	sdelay $0x2  }
0xb7: {  	s31 =	sshll.u32 s1, $0xD;
	s1 =	sshrl.u32 s1, $0x2  }
0xb8: {  	s3 =	sand.u32 $0x4000, s31;
	s1 =	sadd.s32 s1, s30  }
0xb9: {  	s0 =	sor.u32 s3, s0;
	s1 =	sshll.u32 s1, $0x11  }
0xba: {  	s0 =	sor.u32 s1, s0  }
0xbb: {  	s0 =	sadd.s32 $0x8F2B, s0  }
0xbc: {  	[sflag:s0] =	ssyncadd.remote.s32 $0x1  }
0xbd: {  	_ =	sfence.sel $0xFFFF  }
0xbe: {  	[dreg:$0x0] =	wrdreg $0xFFFFFFFF;
	(pc) =	sbr.abs _section_cstart, $3  }
0xbf: {  	[dreg:$0x1] =	wrdreg $0xFFFFFFFF  }
0xc0: {  	_ =	task.clear_ibuf [dreg:s6], $0x2FFFF;
	_ =	strace $0x9FFFFFFF  }
0xc1: {  	(tm) =	ssettm $0x7FFFFFFF  }
tec
execute0_lowered:
.L_overlay_start_1:
0x0: {  	(tag) =	ssettag $0x1  }
0x1: {  	s5 =	rddreg [dreg:$0x0]  }
0x2: {  	s0 =	rddreg [dreg:$0x1]  }
0x3: {  	s1 =	simm.s32 $0x0;
	s2 =	srdreg.scid;
	s10 =	simm.s32 $0x800  }
0x4: {  	s11 =	simm.s32 $0x3C00;
	s12 =	simm.s32 $0x1;
	s13 =	simm.s32 $0x2  }
0x5: {  	s14 =	simm.s32 $0x7000;
	s15 =	simm.s32 $0x0;
	[smem:$0x7FF] =	sst s1  }
0x6: {  	s3 =	sadd.s32 $0xF83E00, s5;
	s6 =	sand.u32 $0x1, s2;
	s4 =	sadd.s32 $0xF43E00, s5  }
0x7: {  	s2 =	stileid.u32;
	s5 =	sadd.s32 $0x1A00, s5;
	s7 =	ssub.s32 $0x2, s6  }
0x8: {  	s9 =	sshll.u32 s2, $0xA;
	s6 =	sshll.u32 s6, $0x9;
	s8 =	sshrl.u32 s7, $0x1  }
0x9: {  	_ =	strace $0x80000047;
	s6 =	sor.u32 s6, s9;
	s7 =	ssub.s32 s7, s8  }
0xa: {  	s9 =	simm.s32 $0x64;
	s8 =	simm.s32 $0x3;
	s7 =	smax.u32 s7, $0x1  }
.LBB2_1:
0xb: {  	s16 =	simm.s32 $0x0  }
.LBB2_2:
0xc: {  	s17 =	sshll.u32 s16, $0x4  }
0xd: {  	s17 =	sadd.s32 s6, s17  }
0xe: {  	s18 =	sshll.u32 s17, $0x4  }
0xf: {  	s19 =	sadd.s32 s4, s18;
	s18 =	simm.s32 $0x0  }
0x10: {  	[tilespmem:s18], [sflag:$0x3] =	stream.linear.gather [hbm4b:s19+s18], $0x800, $0x38;
	[tilespmem:$0x8000] =	vst v63  }
0x11: {  	_ =	swait.ge [sflag:s8], $0x800  }
0x12: {  	[sflag:s8] =	ssyncset.done $0x0  }
0x13: {  	s19 =	simm.s32 $0x7100;
	[sflag:s8] =	ssyncadd.s32 $0xFFFFF800  }
0x14: {  	[tilespmem:s10], [sflag:$0x1] =	stream.indirect.gather [hbm4b:s3+s9], $0x80, s18, s9, $0xb8;
	[tilespmem:$0x8000] =	vst v63  }
.LBB2_3:
0x15: {  	s20 =	sshra.s32 s18, $0x2  }
0x16: {  	s20 =	sadd.s32 $0x80, s20  }
0x17: {  	[tilespmem:s11], [sflag:$0x2] =	stream.indirect.gather [hbm4b:s3+s9], $0x80, s20, s9, $0xb8;
	[tilespmem:$0x8000] =	vst v63  }
0x18: {  	_ =	swait.ge [sflag:s12], $0x3200  }
0x19: {  	[sflag:s12] =	ssyncset.done $0x0  }
0x1a: {  	[sflag:s12] =	ssyncadd.s32 $0xFFFFCE00  }
0x1b: {  	v0 =	vld [tilespmem:$0x800]  }
0x1c: {  	v1 =	vld [tilespmem:$0x880]  }
0x1d: {  	v2 =	vld [tilespmem:$0x900]  }
0x1e: {  	v3 =	vld [tilespmem:$0x980]  }
0x1f: {  	v4 =	vld [tilespmem:$0xA00]  }
0x20: {  	v5 =	vld [tilespmem:$0xA80]  }
0x21: {  	v6 =	vld [tilespmem:$0xB00]  }
0x22: {  	v7 =	vld [tilespmem:$0xB80]  }
0x23: {  	v56 =	vld [tilespmem:$0xC00];
	v0 =	vadd.f32 v2, v0;
	v1 =	vadd.f32 v3, v1  }
0x24: {  	v57 =	vld [tilespmem:$0xC80]  }
0x25: {  	v58 =	vld [tilespmem:$0xD00];
	v0 =	vadd.f32 v4, v0;
	v1 =	vadd.f32 v5, v1  }
0x26: {  	v59 =	vld [tilespmem:$0xD80]  }
0x27: {  	v60 =	vld [tilespmem:$0xE00];
	v0 =	vadd.f32 v6, v0;
	v1 =	vadd.f32 v7, v1  }
0x28: {  	v61 =	vld [tilespmem:$0xE80]  }
0x29: {  	v62 =	vld [tilespmem:$0xF00];
	v0 =	vadd.f32 v56, v0;
	v1 =	vadd.f32 v57, v1  }
0x2a: {  	v63 =	vld [tilespmem:$0xF80]  }
0x2b: {  	v9 =	vld [tilespmem:$0x1000];
	v0 =	vadd.f32 v58, v0;
	v1 =	vadd.f32 v59, v1  }
0x2c: {  	v10 =	vld [tilespmem:$0x1080]  }
0x2d: {  	v11 =	vld [tilespmem:$0x1100];
	v0 =	vadd.f32 v60, v0;
	v1 =	vadd.f32 v61, v1  }
0x2e: {  	v12 =	vld [tilespmem:$0x1180]  }
0x2f: {  	v13 =	vld [tilespmem:$0x1200];
	v0 =	vadd.f32 v62, v0;
	v1 =	vadd.f32 v63, v1  }
0x30: {  	v14 =	vld [tilespmem:$0x1280]  }
0x31: {  	v15 =	vld [tilespmem:$0x1300];
	v0 =	vadd.f32 v9, v0;
	v1 =	vadd.f32 v10, v1  }
0x32: {  	v16 =	vld [tilespmem:$0x1380]  }
0x33: {  	v17 =	vld [tilespmem:$0x1400];
	v0 =	vadd.f32 v11, v0;
	v1 =	vadd.f32 v12, v1  }
0x34: {  	v18 =	vld [tilespmem:$0x1480]  }
0x35: {  	v19 =	vld [tilespmem:$0x1500];
	v0 =	vadd.f32 v13, v0;
	v1 =	vadd.f32 v14, v1  }
0x36: {  	v20 =	vld [tilespmem:$0x1580]  }
0x37: {  	v21 =	vld [tilespmem:$0x1600];
	v0 =	vadd.f32 v15, v0;
	v1 =	vadd.f32 v16, v1  }
0x38: {  	v22 =	vld [tilespmem:$0x1680]  }
0x39: {  	v23 =	vld [tilespmem:$0x1700];
	v0 =	vadd.f32 v17, v0;
	v1 =	vadd.f32 v18, v1  }
0x3a: {  	v24 =	vld [tilespmem:$0x1780]  }
0x3b: {  	v25 =	vld [tilespmem:$0x1800];
	v0 =	vadd.f32 v19, v0;
	v1 =	vadd.f32 v20, v1  }
0x3c: {  	v26 =	vld [tilespmem:$0x1880]  }
0x3d: {  	v27 =	vld [tilespmem:$0x1900];
	v0 =	vadd.f32 v21, v0;
	v1 =	vadd.f32 v22, v1  }
0x3e: {  	v28 =	vld [tilespmem:$0x1980]  }
0x3f: {  	v29 =	vld [tilespmem:$0x1A00];
	v0 =	vadd.f32 v23, v0;
	v1 =	vadd.f32 v24, v1  }
0x40: {  	v30 =	vld [tilespmem:$0x1A80]  }
0x41: {  	v31 =	vld [tilespmem:$0x1B00];
	v0 =	vadd.f32 v25, v0;
	v1 =	vadd.f32 v26, v1  }
0x42: {  	v32 =	vld [tilespmem:$0x1B80]  }
0x43: {  	v33 =	vld [tilespmem:$0x1C00];
	v0 =	vadd.f32 v27, v0;
	v1 =	vadd.f32 v28, v1  }
0x44: {  	v34 =	vld [tilespmem:$0x1C80]  }
0x45: {  	v35 =	vld [tilespmem:$0x1D00];
	v0 =	vadd.f32 v29, v0;
	v1 =	vadd.f32 v30, v1  }
0x46: {  	v36 =	vld [tilespmem:$0x1D80]  }
0x47: {  	v37 =	vld [tilespmem:$0x1E00];
	v0 =	vadd.f32 v31, v0;
	v1 =	vadd.f32 v32, v1  }
0x48: {  	v38 =	vld [tilespmem:$0x1E80]  }
0x49: {  	v39 =	vld [tilespmem:$0x1F00];
	v0 =	vadd.f32 v33, v0;
	v1 =	vadd.f32 v34, v1  }
0x4a: {  	v40 =	vld [tilespmem:$0x1F80]  }
0x4b: {  	v41 =	vld [tilespmem:$0x2000];
	v0 =	vadd.f32 v35, v0;
	v1 =	vadd.f32 v36, v1  }
0x4c: {  	v42 =	vld [tilespmem:$0x2080]  }
0x4d: {  	v0 =	vadd.f32 v37, v0;
	v1 =	vadd.f32 v38, v1;
	_ =	sdelay $0x1  }
0x4e: {  	v0 =	vadd.f32 v39, v0;
	v1 =	vadd.f32 v40, v1;
	_ =	sdelay $0x1  }
0x4f: {  	v0 =	vadd.f32 v41, v0;
	v1 =	vadd.f32 v42, v1;
	_ =	sdelay $0x1  }
0x50: {  	v0 =	vadd.f32 v1, v0;
	_ =	sdelay $0x1  }
0x51: {  	v0 =	vmul.f32 $1.999999960e-02, v0;
	_ =	sdelay $0x1  }
0x52: {  	[tilespmem:s19+$0xFFFFFF00] =	vst v0  }
0x53: {  	v0 =	vld [tilespmem:$0x810]  }
0x54: {  	v43 =	vld [tilespmem:$0x890]  }
0x55: {  	v44 =	vld [tilespmem:$0x910]  }
0x56: {  	v45 =	vld [tilespmem:$0x990]  }
0x57: {  	v46 =	vld [tilespmem:$0xA10]  }
0x58: {  	v47 =	vld [tilespmem:$0xA90]  }
0x59: {  	v48 =	vld [tilespmem:$0xB10]  }
0x5a: {  	v49 =	vld [tilespmem:$0xB90]  }
0x5b: {  	v50 =	vld [tilespmem:$0xC10];
	v0 =	vadd.f32 v44, v0;
	v1 =	vadd.f32 v45, v43  }
0x5c: {  	v51 =	vld [tilespmem:$0xC90]  }
0x5d: {  	v52 =	vld [tilespmem:$0xD10];
	v0 =	vadd.f32 v46, v0;
	v1 =	vadd.f32 v47, v1  }
0x5e: {  	v53 =	vld [tilespmem:$0xD90]  }
0x5f: {  	v54 =	vld [tilespmem:$0xE10];
	v0 =	vadd.f32 v48, v0;
	v1 =	vadd.f32 v49, v1  }
0x60: {  	v55 =	vld [tilespmem:$0xE90]  }
0x61: {  	v56 =	vld [tilespmem:$0xF10];
	v0 =	vadd.f32 v50, v0;
	v1 =	vadd.f32 v51, v1  }
0x62: {  	v57 =	vld [tilespmem:$0xF90]  }
0x63: {  	v58 =	vld [tilespmem:$0x1010];
	v0 =	vadd.f32 v52, v0;
	v1 =	vadd.f32 v53, v1  }
0x64: {  	v59 =	vld [tilespmem:$0x1090]  }
0x65: {  	v60 =	vld [tilespmem:$0x1110];
	v0 =	vadd.f32 v54, v0;
	v1 =	vadd.f32 v55, v1  }
0x66: {  	v61 =	vld [tilespmem:$0x1190]  }
0x67: {  	v62 =	vld [tilespmem:$0x1210];
	v0 =	vadd.f32 v56, v0;
	v1 =	vadd.f32 v57, v1  }
0x68: {  	v63 =	vld [tilespmem:$0x1290]  }
0x69: {  	v9 =	vld [tilespmem:$0x1310];
	v0 =	vadd.f32 v58, v0;
	v1 =	vadd.f32 v59, v1  }
0x6a: {  	v10 =	vld [tilespmem:$0x1390]  }
0x6b: {  	v11 =	vld [tilespmem:$0x1410];
	v0 =	vadd.f32 v60, v0;
	v1 =	vadd.f32 v61, v1  }
0x6c: {  	v12 =	vld [tilespmem:$0x1490]  }
0x6d: {  	v13 =	vld [tilespmem:$0x1510];
	v0 =	vadd.f32 v62, v0;
	v1 =	vadd.f32 v63, v1  }
0x6e: {  	v14 =	vld [tilespmem:$0x1590]  }
0x6f: {  	v15 =	vld [tilespmem:$0x1610];
	v0 =	vadd.f32 v9, v0;
	v1 =	vadd.f32 v10, v1  }
0x70: {  	v16 =	vld [tilespmem:$0x1690]  }
0x71: {  	v17 =	vld [tilespmem:$0x1710];
	v0 =	vadd.f32 v11, v0;
	v1 =	vadd.f32 v12, v1  }
0x72: {  	v18 =	vld [tilespmem:$0x1790]  }
0x73: {  	v19 =	vld [tilespmem:$0x1810];
	v0 =	vadd.f32 v13, v0;
	v1 =	vadd.f32 v14, v1  }
0x74: {  	v20 =	vld [tilespmem:$0x1890]  }
0x75: {  	v21 =	vld [tilespmem:$0x1910];
	v0 =	vadd.f32 v15, v0;
	v1 =	vadd.f32 v16, v1  }
0x76: {  	v22 =	vld [tilespmem:$0x1990]  }
0x77: {  	v23 =	vld [tilespmem:$0x1A10];
	v0 =	vadd.f32 v17, v0;
	v1 =	vadd.f32 v18, v1  }
0x78: {  	v24 =	vld [tilespmem:$0x1A90]  }
0x79: {  	v25 =	vld [tilespmem:$0x1B10];
	v0 =	vadd.f32 v19, v0;
	v1 =	vadd.f32 v20, v1  }
0x7a: {  	v26 =	vld [tilespmem:$0x1B90]  }
0x7b: {  	v27 =	vld [tilespmem:$0x1C10];
	v0 =	vadd.f32 v21, v0;
	v1 =	vadd.f32 v22, v1  }
0x7c: {  	v28 =	vld [tilespmem:$0x1C90]  }
0x7d: {  	v29 =	vld [tilespmem:$0x1D10];
	v0 =	vadd.f32 v23, v0;
	v1 =	vadd.f32 v24, v1  }
0x7e: {  	v30 =	vld [tilespmem:$0x1D90]  }
0x7f: {  	v31 =	vld [tilespmem:$0x1E10];
	v0 =	vadd.f32 v25, v0;
	v1 =	vadd.f32 v26, v1  }
0x80: {  	v32 =	vld [tilespmem:$0x1E90]  }
0x81: {  	v33 =	vld [tilespmem:$0x1F10];
	v0 =	vadd.f32 v27, v0;
	v1 =	vadd.f32 v28, v1  }
0x82: {  	v34 =	vld [tilespmem:$0x1F90]  }
0x83: {  	v35 =	vld [tilespmem:$0x2010];
	v0 =	vadd.f32 v29, v0;
	v1 =	vadd.f32 v30, v1  }
0x84: {  	v36 =	vld [tilespmem:$0x2090]  }
0x85: {  	v0 =	vadd.f32 v31, v0;
	v1 =	vadd.f32 v32, v1;
	_ =	sdelay $0x1  }
0x86: {  	v0 =	vadd.f32 v33, v0;
	v1 =	vadd.f32 v34, v1;
	_ =	sdelay $0x1  }
0x87: {  	v0 =	vadd.f32 v35, v0;
	v1 =	vadd.f32 v36, v1;
	_ =	sdelay $0x1  }
0x88: {  	v0 =	vadd.f32 v1, v0;
	_ =	sdelay $0x1  }
0x89: {  	v0 =	vmul.f32 $1.999999960e-02, v0;
	_ =	sdelay $0x1  }
0x8a: {  	[tilespmem:s19+$0xFFFFFF10] =	vst v0  }
0x8b: {  	v0 =	vld [tilespmem:$0x820]  }
0x8c: {  	v37 =	vld [tilespmem:$0x8A0]  }
0x8d: {  	v38 =	vld [tilespmem:$0x920]  }
0x8e: {  	v39 =	vld [tilespmem:$0x9A0]  }
0x8f: {  	v40 =	vld [tilespmem:$0xA20]  }
0x90: {  	v41 =	vld [tilespmem:$0xAA0]  }
0x91: {  	v42 =	vld [tilespmem:$0xB20]  }
0x92: {  	v43 =	vld [tilespmem:$0xBA0]  }
0x93: {  	v44 =	vld [tilespmem:$0xC20];
	v0 =	vadd.f32 v38, v0;
	v1 =	vadd.f32 v39, v37  }
0x94: {  	v45 =	vld [tilespmem:$0xCA0]  }
0x95: {  	v46 =	vld [tilespmem:$0xD20];
	v0 =	vadd.f32 v40, v0;
	v1 =	vadd.f32 v41, v1  }
0x96: {  	v47 =	vld [tilespmem:$0xDA0]  }
0x97: {  	v48 =	vld [tilespmem:$0xE20];
	v0 =	vadd.f32 v42, v0;
	v1 =	vadd.f32 v43, v1  }
0x98: {  	v49 =	vld [tilespmem:$0xEA0]  }
0x99: {  	v50 =	vld [tilespmem:$0xF20];
	v0 =	vadd.f32 v44, v0;
	v1 =	vadd.f32 v45, v1  }
0x9a: {  	v51 =	vld [tilespmem:$0xFA0]  }
0x9b: {  	v52 =	vld [tilespmem:$0x1020];
	v0 =	vadd.f32 v46, v0;
	v1 =	vadd.f32 v47, v1  }
0x9c: {  	v53 =	vld [tilespmem:$0x10A0]  }
0x9d: {  	v54 =	vld [tilespmem:$0x1120];
	v0 =	vadd.f32 v48, v0;
	v1 =	vadd.f32 v49, v1  }
0x9e: {  	v55 =	vld [tilespmem:$0x11A0]  }
0x9f: {  	v56 =	vld [tilespmem:$0x1220];
	v0 =	vadd.f32 v50, v0;
	v1 =	vadd.f32 v51, v1  }
0xa0: {  	v57 =	vld [tilespmem:$0x12A0]  }
0xa1: {  	v58 =	vld [tilespmem:$0x1320];
	v0 =	vadd.f32 v52, v0;
	v1 =	vadd.f32 v53, v1  }
0xa2: {  	v59 =	vld [tilespmem:$0x13A0]  }
0xa3: {  	v60 =	vld [tilespmem:$0x1420];
	v0 =	vadd.f32 v54, v0;
	v1 =	vadd.f32 v55, v1  }
0xa4: {  	v61 =	vld [tilespmem:$0x14A0]  }
0xa5: {  	v62 =	vld [tilespmem:$0x1520];
	v0 =	vadd.f32 v56, v0;
	v1 =	vadd.f32 v57, v1  }
0xa6: {  	v63 =	vld [tilespmem:$0x15A0]  }
0xa7: {  	v9 =	vld [tilespmem:$0x1620];
	v0 =	vadd.f32 v58, v0;
	v1 =	vadd.f32 v59, v1  }
0xa8: {  	v10 =	vld [tilespmem:$0x16A0]  }
0xa9: {  	v11 =	vld [tilespmem:$0x1720];
	v0 =	vadd.f32 v60, v0;
	v1 =	vadd.f32 v61, v1  }
0xaa: {  	v12 =	vld [tilespmem:$0x17A0]  }
0xab: {  	v13 =	vld [tilespmem:$0x1820];
	v0 =	vadd.f32 v62, v0;
	v1 =	vadd.f32 v63, v1  }
0xac: {  	v14 =	vld [tilespmem:$0x18A0]  }
0xad: {  	v15 =	vld [tilespmem:$0x1920];
	v0 =	vadd.f32 v9, v0;
	v1 =	vadd.f32 v10, v1  }
0xae: {  	v16 =	vld [tilespmem:$0x19A0]  }
0xaf: {  	v17 =	vld [tilespmem:$0x1A20];
	v0 =	vadd.f32 v11, v0;
	v1 =	vadd.f32 v12, v1  }
0xb0: {  	v18 =	vld [tilespmem:$0x1AA0]  }
0xb1: {  	v19 =	vld [tilespmem:$0x1B20];
	v0 =	vadd.f32 v13, v0;
	v1 =	vadd.f32 v14, v1  }
0xb2: {  	v20 =	vld [tilespmem:$0x1BA0]  }
0xb3: {  	v21 =	vld [tilespmem:$0x1C20];
	v0 =	vadd.f32 v15, v0;
	v1 =	vadd.f32 v16, v1  }
0xb4: {  	v22 =	vld [tilespmem:$0x1CA0]  }
0xb5: {  	v23 =	vld [tilespmem:$0x1D20];
	v0 =	vadd.f32 v17, v0;
	v1 =	vadd.f32 v18, v1  }
0xb6: {  	v24 =	vld [tilespmem:$0x1DA0]  }
0xb7: {  	v25 =	vld [tilespmem:$0x1E20];
	v0 =	vadd.f32 v19, v0;
	v1 =	vadd.f32 v20, v1  }
0xb8: {  	v26 =	vld [tilespmem:$0x1EA0]  }
0xb9: {  	v27 =	vld [tilespmem:$0x1F20];
	v0 =	vadd.f32 v21, v0;
	v1 =	vadd.f32 v22, v1  }
0xba: {  	v28 =	vld [tilespmem:$0x1FA0]  }
0xbb: {  	v29 =	vld [tilespmem:$0x2020];
	v0 =	vadd.f32 v23, v0;
	v1 =	vadd.f32 v24, v1  }
0xbc: {  	v30 =	vld [tilespmem:$0x20A0]  }
0xbd: {  	v0 =	vadd.f32 v25, v0;
	v1 =	vadd.f32 v26, v1;
	_ =	sdelay $0x1  }
0xbe: {  	v0 =	vadd.f32 v27, v0;
	v1 =	vadd.f32 v28, v1;
	_ =	sdelay $0x1  }
0xbf: {  	v0 =	vadd.f32 v29, v0;
	v1 =	vadd.f32 v30, v1;
	_ =	sdelay $0x1  }
0xc0: {  	v0 =	vadd.f32 v1, v0;
	_ =	sdelay $0x1  }
0xc1: {  	v0 =	vmul.f32 $1.999999960e-02, v0;
	_ =	sdelay $0x1  }
0xc2: {  	[tilespmem:s19+$0xFFFFFF20] =	vst v0  }
0xc3: {  	v0 =	vld [tilespmem:$0x830]  }
0xc4: {  	v31 =	vld [tilespmem:$0x8B0]  }
0xc5: {  	v32 =	vld [tilespmem:$0x930]  }
0xc6: {  	v33 =	vld [tilespmem:$0x9B0]  }
0xc7: {  	v34 =	vld [tilespmem:$0xA30]  }
0xc8: {  	v35 =	vld [tilespmem:$0xAB0]  }
0xc9: {  	v36 =	vld [tilespmem:$0xB30]  }
0xca: {  	v37 =	vld [tilespmem:$0xBB0]  }
0xcb: {  	v38 =	vld [tilespmem:$0xC30];
	v0 =	vadd.f32 v32, v0;
	v1 =	vadd.f32 v33, v31  }
0xcc: {  	v39 =	vld [tilespmem:$0xCB0]  }
0xcd: {  	v40 =	vld [tilespmem:$0xD30];
	v0 =	vadd.f32 v34, v0;
	v1 =	vadd.f32 v35, v1  }
0xce: {  	v41 =	vld [tilespmem:$0xDB0]  }
0xcf: {  	v42 =	vld [tilespmem:$0xE30];
	v0 =	vadd.f32 v36, v0;
	v1 =	vadd.f32 v37, v1  }
0xd0: {  	v43 =	vld [tilespmem:$0xEB0]  }
0xd1: {  	v44 =	vld [tilespmem:$0xF30];
	v0 =	vadd.f32 v38, v0;
	v1 =	vadd.f32 v39, v1  }
0xd2: {  	v45 =	vld [tilespmem:$0xFB0]  }
0xd3: {  	v46 =	vld [tilespmem:$0x1030];
	v0 =	vadd.f32 v40, v0;
	v1 =	vadd.f32 v41, v1  }
0xd4: {  	v47 =	vld [tilespmem:$0x10B0]  }
0xd5: {  	v48 =	vld [tilespmem:$0x1130];
	v0 =	vadd.f32 v42, v0;
	v1 =	vadd.f32 v43, v1  }
0xd6: {  	v49 =	vld [tilespmem:$0x11B0]  }
0xd7: {  	v50 =	vld [tilespmem:$0x1230];
	v0 =	vadd.f32 v44, v0;
	v1 =	vadd.f32 v45, v1  }
0xd8: {  	v51 =	vld [tilespmem:$0x12B0]  }
0xd9: {  	v52 =	vld [tilespmem:$0x1330];
	v0 =	vadd.f32 v46, v0;
	v1 =	vadd.f32 v47, v1  }
0xda: {  	v53 =	vld [tilespmem:$0x13B0]  }
0xdb: {  	v54 =	vld [tilespmem:$0x1430];
	v0 =	vadd.f32 v48, v0;
	v1 =	vadd.f32 v49, v1  }
0xdc: {  	v55 =	vld [tilespmem:$0x14B0]  }
0xdd: {  	v56 =	vld [tilespmem:$0x1530];
	v0 =	vadd.f32 v50, v0;
	v1 =	vadd.f32 v51, v1  }
0xde: {  	v57 =	vld [tilespmem:$0x15B0]  }
0xdf: {  	v58 =	vld [tilespmem:$0x1630];
	v0 =	vadd.f32 v52, v0;
	v1 =	vadd.f32 v53, v1  }
0xe0: {  	v59 =	vld [tilespmem:$0x16B0]  }
0xe1: {  	v60 =	vld [tilespmem:$0x1730];
	v0 =	vadd.f32 v54, v0;
	v1 =	vadd.f32 v55, v1  }
0xe2: {  	v61 =	vld [tilespmem:$0x17B0]  }
0xe3: {  	v62 =	vld [tilespmem:$0x1830];
	v0 =	vadd.f32 v56, v0;
	v1 =	vadd.f32 v57, v1  }
0xe4: {  	v63 =	vld [tilespmem:$0x18B0]  }
0xe5: {  	v9 =	vld [tilespmem:$0x1930];
	v0 =	vadd.f32 v58, v0;
	v1 =	vadd.f32 v59, v1  }
0xe6: {  	v10 =	vld [tilespmem:$0x19B0]  }
0xe7: {  	v11 =	vld [tilespmem:$0x1A30];
	v0 =	vadd.f32 v60, v0;
	v1 =	vadd.f32 v61, v1  }
0xe8: {  	v12 =	vld [tilespmem:$0x1AB0]  }
0xe9: {  	v13 =	vld [tilespmem:$0x1B30];
	v0 =	vadd.f32 v62, v0;
	v1 =	vadd.f32 v63, v1  }
0xea: {  	v14 =	vld [tilespmem:$0x1BB0]  }
0xeb: {  	v15 =	vld [tilespmem:$0x1C30];
	v0 =	vadd.f32 v9, v0;
	v1 =	vadd.f32 v10, v1  }
0xec: {  	v16 =	vld [tilespmem:$0x1CB0]  }
0xed: {  	v17 =	vld [tilespmem:$0x1D30];
	v0 =	vadd.f32 v11, v0;
	v1 =	vadd.f32 v12, v1  }
0xee: {  	v18 =	vld [tilespmem:$0x1DB0]  }
0xef: {  	v19 =	vld [tilespmem:$0x1E30];
	v0 =	vadd.f32 v13, v0;
	v1 =	vadd.f32 v14, v1  }
0xf0: {  	v20 =	vld [tilespmem:$0x1EB0]  }
0xf1: {  	v21 =	vld [tilespmem:$0x1F30];
	v0 =	vadd.f32 v15, v0;
	v1 =	vadd.f32 v16, v1  }
0xf2: {  	v22 =	vld [tilespmem:$0x1FB0]  }
0xf3: {  	v23 =	vld [tilespmem:$0x2030];
	v0 =	vadd.f32 v17, v0;
	v1 =	vadd.f32 v18, v1  }
0xf4: {  	v24 =	vld [tilespmem:$0x20B0]  }
0xf5: {  	v0 =	vadd.f32 v19, v0;
	v1 =	vadd.f32 v20, v1;
	_ =	sdelay $0x1  }
0xf6: {  	v0 =	vadd.f32 v21, v0;
	v1 =	vadd.f32 v22, v1;
	_ =	sdelay $0x1  }
0xf7: {  	v0 =	vadd.f32 v23, v0;
	v1 =	vadd.f32 v24, v1;
	_ =	sdelay $0x1  }
0xf8: {  	v0 =	vadd.f32 v1, v0;
	_ =	sdelay $0x1  }
0xf9: {  	v0 =	vmul.f32 $1.999999960e-02, v0;
	_ =	sdelay $0x1  }
0xfa: {  	[tilespmem:s19+$0xFFFFFF30] =	vst v0  }
0xfb: {  	v0 =	vld [tilespmem:$0x2100]  }
0xfc: {  	v25 =	vld [tilespmem:$0x2180]  }
0xfd: {  	v26 =	vld [tilespmem:$0x2200]  }
0xfe: {  	v27 =	vld [tilespmem:$0x2280]  }
0xff: {  	v28 =	vld [tilespmem:$0x2300]  }
0x100: {  	v29 =	vld [tilespmem:$0x2380]  }
0x101: {  	v30 =	vld [tilespmem:$0x2400]  }
0x102: {  	v31 =	vld [tilespmem:$0x2480]  }
0x103: {  	v32 =	vld [tilespmem:$0x2500];
	v0 =	vadd.f32 v26, v0;
	v1 =	vadd.f32 v27, v25  }
0x104: {  	v33 =	vld [tilespmem:$0x2580]  }
0x105: {  	v34 =	vld [tilespmem:$0x2600];
	v0 =	vadd.f32 v28, v0;
	v1 =	vadd.f32 v29, v1  }
0x106: {  	v35 =	vld [tilespmem:$0x2680]  }
0x107: {  	v36 =	vld [tilespmem:$0x2700];
	v0 =	vadd.f32 v30, v0;
	v1 =	vadd.f32 v31, v1  }
0x108: {  	v37 =	vld [tilespmem:$0x2780]  }
0x109: {  	v38 =	vld [tilespmem:$0x2800];
	v0 =	vadd.f32 v32, v0;
	v1 =	vadd.f32 v33, v1  }
0x10a: {  	v39 =	vld [tilespmem:$0x2880]  }
0x10b: {  	v40 =	vld [tilespmem:$0x2900];
	v0 =	vadd.f32 v34, v0;
	v1 =	vadd.f32 v35, v1  }
0x10c: {  	v41 =	vld [tilespmem:$0x2980]  }
0x10d: {  	v42 =	vld [tilespmem:$0x2A00];
	v0 =	vadd.f32 v36, v0;
	v1 =	vadd.f32 v37, v1  }
0x10e: {  	v43 =	vld [tilespmem:$0x2A80]  }
0x10f: {  	v44 =	vld [tilespmem:$0x2B00];
	v0 =	vadd.f32 v38, v0;
	v1 =	vadd.f32 v39, v1  }
0x110: {  	v45 =	vld [tilespmem:$0x2B80]  }
0x111: {  	v46 =	vld [tilespmem:$0x2C00];
	v0 =	vadd.f32 v40, v0;
	v1 =	vadd.f32 v41, v1  }
0x112: {  	v47 =	vld [tilespmem:$0x2C80]  }
0x113: {  	v48 =	vld [tilespmem:$0x2D00];
	v0 =	vadd.f32 v42, v0;
	v1 =	vadd.f32 v43, v1  }
0x114: {  	v49 =	vld [tilespmem:$0x2D80]  }
0x115: {  	v50 =	vld [tilespmem:$0x2E00];
	v0 =	vadd.f32 v44, v0;
	v1 =	vadd.f32 v45, v1  }
0x116: {  	v51 =	vld [tilespmem:$0x2E80]  }
0x117: {  	v52 =	vld [tilespmem:$0x2F00];
	v0 =	vadd.f32 v46, v0;
	v1 =	vadd.f32 v47, v1  }
0x118: {  	v53 =	vld [tilespmem:$0x2F80]  }
0x119: {  	v54 =	vld [tilespmem:$0x3000];
	v0 =	vadd.f32 v48, v0;
	v1 =	vadd.f32 v49, v1  }
0x11a: {  	v55 =	vld [tilespmem:$0x3080]  }
0x11b: {  	v56 =	vld [tilespmem:$0x3100];
	v0 =	vadd.f32 v50, v0;
	v1 =	vadd.f32 v51, v1  }
0x11c: {  	v57 =	vld [tilespmem:$0x3180]  }
0x11d: {  	v58 =	vld [tilespmem:$0x3200];
	v0 =	vadd.f32 v52, v0;
	v1 =	vadd.f32 v53, v1  }
0x11e: {  	v59 =	vld [tilespmem:$0x3280]  }
0x11f: {  	v60 =	vld [tilespmem:$0x3300];
	v0 =	vadd.f32 v54, v0;
	v1 =	vadd.f32 v55, v1  }
0x120: {  	v61 =	vld [tilespmem:$0x3380]  }
0x121: {  	v62 =	vld [tilespmem:$0x3400];
	v0 =	vadd.f32 v56, v0;
	v1 =	vadd.f32 v57, v1  }
0x122: {  	v63 =	vld [tilespmem:$0x3480]  }
0x123: {  	v9 =	vld [tilespmem:$0x3500];
	v0 =	vadd.f32 v58, v0;
	v1 =	vadd.f32 v59, v1  }
0x124: {  	v10 =	vld [tilespmem:$0x3580]  }
0x125: {  	v11 =	vld [tilespmem:$0x3600];
	v0 =	vadd.f32 v60, v0;
	v1 =	vadd.f32 v61, v1  }
0x126: {  	v12 =	vld [tilespmem:$0x3680]  }
0x127: {  	v13 =	vld [tilespmem:$0x3700];
	v0 =	vadd.f32 v62, v0;
	v1 =	vadd.f32 v63, v1  }
0x128: {  	v14 =	vld [tilespmem:$0x3780]  }
0x129: {  	v15 =	vld [tilespmem:$0x3800];
	v0 =	vadd.f32 v9, v0;
	v1 =	vadd.f32 v10, v1  }
0x12a: {  	v16 =	vld [tilespmem:$0x3880]  }
0x12b: {  	v17 =	vld [tilespmem:$0x3900];
	v0 =	vadd.f32 v11, v0;
	v1 =	vadd.f32 v12, v1  }
0x12c: {  	v18 =	vld [tilespmem:$0x3980]  }
0x12d: {  	v0 =	vadd.f32 v13, v0;
	v1 =	vadd.f32 v14, v1;
	_ =	sdelay $0x1  }
0x12e: {  	v0 =	vadd.f32 v15, v0;
	v1 =	vadd.f32 v16, v1;
	_ =	sdelay $0x1  }
0x12f: {  	v0 =	vadd.f32 v17, v0;
	v1 =	vadd.f32 v18, v1;
	_ =	sdelay $0x1  }
0x130: {  	v0 =	vadd.f32 v1, v0;
	_ =	sdelay $0x1  }
0x131: {  	v0 =	vmul.f32 $1.999999960e-02, v0;
	_ =	sdelay $0x1  }
0x132: {  	[tilespmem:s19+$0xFFFFFF80] =	vst v0  }
0x133: {  	v0 =	vld [tilespmem:$0x2110]  }
0x134: {  	v19 =	vld [tilespmem:$0x2190]  }
0x135: {  	v20 =	vld [tilespmem:$0x2210]  }
0x136: {  	v21 =	vld [tilespmem:$0x2290]  }
0x137: {  	v22 =	vld [tilespmem:$0x2310]  }
0x138: {  	v23 =	vld [tilespmem:$0x2390]  }
0x139: {  	v24 =	vld [tilespmem:$0x2410]  }
0x13a: {  	v25 =	vld [tilespmem:$0x2490]  }
0x13b: {  	v26 =	vld [tilespmem:$0x2510];
	v0 =	vadd.f32 v20, v0;
	v1 =	vadd.f32 v21, v19  }
0x13c: {  	v27 =	vld [tilespmem:$0x2590]  }
0x13d: {  	v28 =	vld [tilespmem:$0x2610];
	v0 =	vadd.f32 v22, v0;
	v1 =	vadd.f32 v23, v1  }
0x13e: {  	v29 =	vld [tilespmem:$0x2690]  }
0x13f: {  	v30 =	vld [tilespmem:$0x2710];
	v0 =	vadd.f32 v24, v0;
	v1 =	vadd.f32 v25, v1  }
0x140: {  	v31 =	vld [tilespmem:$0x2790]  }
0x141: {  	v32 =	vld [tilespmem:$0x2810];
	v0 =	vadd.f32 v26, v0;
	v1 =	vadd.f32 v27, v1  }
0x142: {  	v33 =	vld [tilespmem:$0x2890]  }
0x143: {  	v34 =	vld [tilespmem:$0x2910];
	v0 =	vadd.f32 v28, v0;
	v1 =	vadd.f32 v29, v1  }
0x144: {  	v35 =	vld [tilespmem:$0x2990]  }
0x145: {  	v36 =	vld [tilespmem:$0x2A10];
	v0 =	vadd.f32 v30, v0;
	v1 =	vadd.f32 v31, v1  }
0x146: {  	v37 =	vld [tilespmem:$0x2A90]  }
0x147: {  	v38 =	vld [tilespmem:$0x2B10];
	v0 =	vadd.f32 v32, v0;
	v1 =	vadd.f32 v33, v1  }
0x148: {  	v39 =	vld [tilespmem:$0x2B90]  }
0x149: {  	v40 =	vld [tilespmem:$0x2C10];
	v0 =	vadd.f32 v34, v0;
	v1 =	vadd.f32 v35, v1  }
0x14a: {  	v41 =	vld [tilespmem:$0x2C90]  }
0x14b: {  	v42 =	vld [tilespmem:$0x2D10];
	v0 =	vadd.f32 v36, v0;
	v1 =	vadd.f32 v37, v1  }
0x14c: {  	v43 =	vld [tilespmem:$0x2D90]  }
0x14d: {  	v44 =	vld [tilespmem:$0x2E10];
	v0 =	vadd.f32 v38, v0;
	v1 =	vadd.f32 v39, v1  }
0x14e: {  	v45 =	vld [tilespmem:$0x2E90]  }
0x14f: {  	v46 =	vld [tilespmem:$0x2F10];
	v0 =	vadd.f32 v40, v0;
	v1 =	vadd.f32 v41, v1  }
0x150: {  	v47 =	vld [tilespmem:$0x2F90]  }
0x151: {  	v48 =	vld [tilespmem:$0x3010];
	v0 =	vadd.f32 v42, v0;
	v1 =	vadd.f32 v43, v1  }
0x152: {  	v49 =	vld [tilespmem:$0x3090]  }
0x153: {  	v50 =	vld [tilespmem:$0x3110];
	v0 =	vadd.f32 v44, v0;
	v1 =	vadd.f32 v45, v1  }
0x154: {  	v51 =	vld [tilespmem:$0x3190]  }
0x155: {  	v52 =	vld [tilespmem:$0x3210];
	v0 =	vadd.f32 v46, v0;
	v1 =	vadd.f32 v47, v1  }
0x156: {  	v53 =	vld [tilespmem:$0x3290]  }
0x157: {  	v54 =	vld [tilespmem:$0x3310];
	v0 =	vadd.f32 v48, v0;
	v1 =	vadd.f32 v49, v1  }
0x158: {  	v55 =	vld [tilespmem:$0x3390]  }
0x159: {  	v56 =	vld [tilespmem:$0x3410];
	v0 =	vadd.f32 v50, v0;
	v1 =	vadd.f32 v51, v1  }
0x15a: {  	v57 =	vld [tilespmem:$0x3490]  }
0x15b: {  	v58 =	vld [tilespmem:$0x3510];
	v0 =	vadd.f32 v52, v0;
	v1 =	vadd.f32 v53, v1  }
0x15c: {  	v59 =	vld [tilespmem:$0x3590]  }
0x15d: {  	v60 =	vld [tilespmem:$0x3610];
	v0 =	vadd.f32 v54, v0;
	v1 =	vadd.f32 v55, v1  }
0x15e: {  	v61 =	vld [tilespmem:$0x3690]  }
0x15f: {  	v62 =	vld [tilespmem:$0x3710];
	v0 =	vadd.f32 v56, v0;
	v1 =	vadd.f32 v57, v1  }
0x160: {  	v63 =	vld [tilespmem:$0x3790]  }
0x161: {  	v9 =	vld [tilespmem:$0x3810];
	v0 =	vadd.f32 v58, v0;
	v1 =	vadd.f32 v59, v1  }
0x162: {  	v10 =	vld [tilespmem:$0x3890]  }
0x163: {  	v11 =	vld [tilespmem:$0x3910];
	v0 =	vadd.f32 v60, v0;
	v1 =	vadd.f32 v61, v1  }
0x164: {  	v12 =	vld [tilespmem:$0x3990]  }
0x165: {  	v0 =	vadd.f32 v62, v0;
	v1 =	vadd.f32 v63, v1;
	_ =	sdelay $0x1  }
0x166: {  	v0 =	vadd.f32 v9, v0;
	v1 =	vadd.f32 v10, v1;
	_ =	sdelay $0x1  }
0x167: {  	v0 =	vadd.f32 v11, v0;
	v1 =	vadd.f32 v12, v1;
	_ =	sdelay $0x1  }
0x168: {  	v0 =	vadd.f32 v1, v0;
	_ =	sdelay $0x1  }
0x169: {  	v0 =	vmul.f32 $1.999999960e-02, v0;
	_ =	sdelay $0x1  }
0x16a: {  	[tilespmem:s19+$0xFFFFFF90] =	vst v0  }
0x16b: {  	v0 =	vld [tilespmem:$0x2120]  }
0x16c: {  	v13 =	vld [tilespmem:$0x21A0]  }
0x16d: {  	v14 =	vld [tilespmem:$0x2220]  }
0x16e: {  	v15 =	vld [tilespmem:$0x22A0]  }
0x16f: {  	v16 =	vld [tilespmem:$0x2320]  }
0x170: {  	v17 =	vld [tilespmem:$0x23A0]  }
0x171: {  	v18 =	vld [tilespmem:$0x2420]  }
0x172: {  	v19 =	vld [tilespmem:$0x24A0]  }
0x173: {  	v20 =	vld [tilespmem:$0x2520];
	v0 =	vadd.f32 v14, v0;
	v1 =	vadd.f32 v15, v13  }
0x174: {  	v21 =	vld [tilespmem:$0x25A0]  }
0x175: {  	v22 =	vld [tilespmem:$0x2620];
	v0 =	vadd.f32 v16, v0;
	v1 =	vadd.f32 v17, v1  }
0x176: {  	v23 =	vld [tilespmem:$0x26A0]  }
0x177: {  	v24 =	vld [tilespmem:$0x2720];
	v0 =	vadd.f32 v18, v0;
	v1 =	vadd.f32 v19, v1  }
0x178: {  	v25 =	vld [tilespmem:$0x27A0]  }
0x179: {  	v26 =	vld [tilespmem:$0x2820];
	v0 =	vadd.f32 v20, v0;
	v1 =	vadd.f32 v21, v1  }
0x17a: {  	v27 =	vld [tilespmem:$0x28A0]  }
0x17b: {  	v28 =	vld [tilespmem:$0x2920];
	v0 =	vadd.f32 v22, v0;
	v1 =	vadd.f32 v23, v1  }
0x17c: {  	v29 =	vld [tilespmem:$0x29A0]  }
0x17d: {  	v30 =	vld [tilespmem:$0x2A20];
	v0 =	vadd.f32 v24, v0;
	v1 =	vadd.f32 v25, v1  }
0x17e: {  	v31 =	vld [tilespmem:$0x2AA0]  }
0x17f: {  	v32 =	vld [tilespmem:$0x2B20];
	v0 =	vadd.f32 v26, v0;
	v1 =	vadd.f32 v27, v1  }
0x180: {  	v33 =	vld [tilespmem:$0x2BA0]  }
0x181: {  	v34 =	vld [tilespmem:$0x2C20];
	v0 =	vadd.f32 v28, v0;
	v1 =	vadd.f32 v29, v1  }
0x182: {  	v35 =	vld [tilespmem:$0x2CA0]  }
0x183: {  	v36 =	vld [tilespmem:$0x2D20];
	v0 =	vadd.f32 v30, v0;
	v1 =	vadd.f32 v31, v1  }
0x184: {  	v37 =	vld [tilespmem:$0x2DA0]  }
0x185: {  	v38 =	vld [tilespmem:$0x2E20];
	v0 =	vadd.f32 v32, v0;
	v1 =	vadd.f32 v33, v1  }
0x186: {  	v39 =	vld [tilespmem:$0x2EA0]  }
0x187: {  	v40 =	vld [tilespmem:$0x2F20];
	v0 =	vadd.f32 v34, v0;
	v1 =	vadd.f32 v35, v1  }
0x188: {  	v41 =	vld [tilespmem:$0x2FA0]  }
0x189: {  	v42 =	vld [tilespmem:$0x3020];
	v0 =	vadd.f32 v36, v0;
	v1 =	vadd.f32 v37, v1  }
0x18a: {  	v43 =	vld [tilespmem:$0x30A0]  }
0x18b: {  	v44 =	vld [tilespmem:$0x3120];
	v0 =	vadd.f32 v38, v0;
	v1 =	vadd.f32 v39, v1  }
0x18c: {  	v45 =	vld [tilespmem:$0x31A0]  }
0x18d: {  	v46 =	vld [tilespmem:$0x3220];
	v0 =	vadd.f32 v40, v0;
	v1 =	vadd.f32 v41, v1  }
0x18e: {  	v47 =	vld [tilespmem:$0x32A0]  }
0x18f: {  	v48 =	vld [tilespmem:$0x3320];
	v0 =	vadd.f32 v42, v0;
	v1 =	vadd.f32 v43, v1  }
0x190: {  	v49 =	vld [tilespmem:$0x33A0]  }
0x191: {  	v50 =	vld [tilespmem:$0x3420];
	v0 =	vadd.f32 v44, v0;
	v1 =	vadd.f32 v45, v1  }
0x192: {  	v51 =	vld [tilespmem:$0x34A0]  }
0x193: {  	v52 =	vld [tilespmem:$0x3520];
	v0 =	vadd.f32 v46, v0;
	v1 =	vadd.f32 v47, v1  }
0x194: {  	v53 =	vld [tilespmem:$0x35A0]  }
0x195: {  	v54 =	vld [tilespmem:$0x3620];
	v0 =	vadd.f32 v48, v0;
	v1 =	vadd.f32 v49, v1  }
0x196: {  	v55 =	vld [tilespmem:$0x36A0]  }
0x197: {  	v56 =	vld [tilespmem:$0x3720];
	v0 =	vadd.f32 v50, v0;
	v1 =	vadd.f32 v51, v1  }
0x198: {  	v57 =	vld [tilespmem:$0x37A0]  }
0x199: {  	v58 =	vld [tilespmem:$0x3820];
	v0 =	vadd.f32 v52, v0;
	v1 =	vadd.f32 v53, v1  }
0x19a: {  	v59 =	vld [tilespmem:$0x38A0]  }
0x19b: {  	v60 =	vld [tilespmem:$0x3920];
	v0 =	vadd.f32 v54, v0;
	v1 =	vadd.f32 v55, v1  }
0x19c: {  	v61 =	vld [tilespmem:$0x39A0]  }
0x19d: {  	v0 =	vadd.f32 v56, v0;
	v1 =	vadd.f32 v57, v1;
	_ =	sdelay $0x1  }
0x19e: {  	v0 =	vadd.f32 v58, v0;
	v1 =	vadd.f32 v59, v1;
	_ =	sdelay $0x1  }
0x19f: {  	v0 =	vadd.f32 v60, v0;
	v1 =	vadd.f32 v61, v1;
	_ =	sdelay $0x1  }
0x1a0: {  	v0 =	vadd.f32 v1, v0;
	_ =	sdelay $0x1  }
0x1a1: {  	v0 =	vmul.f32 $1.999999960e-02, v0;
	_ =	sdelay $0x1  }
0x1a2: {  	[tilespmem:s19+$0xFFFFFFA0] =	vst v0  }
0x1a3: {  	v0 =	vld [tilespmem:$0x2130]  }
0x1a4: {  	v62 =	vld [tilespmem:$0x21B0]  }
0x1a5: {  	v63 =	vld [tilespmem:$0x2230]  }
0x1a6: {  	v9 =	vld [tilespmem:$0x22B0]  }
0x1a7: {  	v10 =	vld [tilespmem:$0x2330]  }
0x1a8: {  	v11 =	vld [tilespmem:$0x23B0]  }
0x1a9: {  	v12 =	vld [tilespmem:$0x2430]  }
0x1aa: {  	v13 =	vld [tilespmem:$0x24B0]  }
0x1ab: {  	v14 =	vld [tilespmem:$0x2530];
	v0 =	vadd.f32 v63, v0;
	v1 =	vadd.f32 v9, v62  }
0x1ac: {  	v15 =	vld [tilespmem:$0x25B0]  }
0x1ad: {  	v16 =	vld [tilespmem:$0x2630];
	v0 =	vadd.f32 v10, v0;
	v1 =	vadd.f32 v11, v1  }
0x1ae: {  	v17 =	vld [tilespmem:$0x26B0]  }
0x1af: {  	v18 =	vld [tilespmem:$0x2730];
	v0 =	vadd.f32 v12, v0;
	v1 =	vadd.f32 v13, v1  }
0x1b0: {  	v19 =	vld [tilespmem:$0x27B0]  }
0x1b1: {  	v20 =	vld [tilespmem:$0x2830];
	v0 =	vadd.f32 v14, v0;
	v1 =	vadd.f32 v15, v1  }
0x1b2: {  	v21 =	vld [tilespmem:$0x28B0]  }
0x1b3: {  	v22 =	vld [tilespmem:$0x2930];
	v0 =	vadd.f32 v16, v0;
	v1 =	vadd.f32 v17, v1  }
0x1b4: {  	v23 =	vld [tilespmem:$0x29B0]  }
0x1b5: {  	v24 =	vld [tilespmem:$0x2A30];
	v0 =	vadd.f32 v18, v0;
	v1 =	vadd.f32 v19, v1  }
0x1b6: {  	v25 =	vld [tilespmem:$0x2AB0]  }
0x1b7: {  	v26 =	vld [tilespmem:$0x2B30];
	v0 =	vadd.f32 v20, v0;
	v1 =	vadd.f32 v21, v1  }
0x1b8: {  	v27 =	vld [tilespmem:$0x2BB0]  }
0x1b9: {  	v28 =	vld [tilespmem:$0x2C30];
	v0 =	vadd.f32 v22, v0;
	v1 =	vadd.f32 v23, v1  }
0x1ba: {  	v29 =	vld [tilespmem:$0x2CB0]  }
0x1bb: {  	v30 =	vld [tilespmem:$0x2D30];
	v0 =	vadd.f32 v24, v0;
	v1 =	vadd.f32 v25, v1  }
0x1bc: {  	v31 =	vld [tilespmem:$0x2DB0]  }
0x1bd: {  	v32 =	vld [tilespmem:$0x2E30];
	v0 =	vadd.f32 v26, v0;
	v1 =	vadd.f32 v27, v1  }
0x1be: {  	v33 =	vld [tilespmem:$0x2EB0]  }
0x1bf: {  	v34 =	vld [tilespmem:$0x2F30];
	v0 =	vadd.f32 v28, v0;
	v1 =	vadd.f32 v29, v1  }
0x1c0: {  	v35 =	vld [tilespmem:$0x2FB0]  }
0x1c1: {  	v36 =	vld [tilespmem:$0x3030];
	v0 =	vadd.f32 v30, v0;
	v1 =	vadd.f32 v31, v1  }
0x1c2: {  	v37 =	vld [tilespmem:$0x30B0]  }
0x1c3: {  	v38 =	vld [tilespmem:$0x3130];
	v0 =	vadd.f32 v32, v0;
	v1 =	vadd.f32 v33, v1  }
0x1c4: {  	v39 =	vld [tilespmem:$0x31B0]  }
0x1c5: {  	v40 =	vld [tilespmem:$0x3230];
	v0 =	vadd.f32 v34, v0;
	v1 =	vadd.f32 v35, v1  }
0x1c6: {  	v41 =	vld [tilespmem:$0x32B0]  }
0x1c7: {  	v42 =	vld [tilespmem:$0x3330];
	v0 =	vadd.f32 v36, v0;
	v1 =	vadd.f32 v37, v1  }
0x1c8: {  	v43 =	vld [tilespmem:$0x33B0]  }
0x1c9: {  	v44 =	vld [tilespmem:$0x3430];
	v0 =	vadd.f32 v38, v0;
	v1 =	vadd.f32 v39, v1  }
0x1ca: {  	v45 =	vld [tilespmem:$0x34B0]  }
0x1cb: {  	v46 =	vld [tilespmem:$0x3530];
	v0 =	vadd.f32 v40, v0;
	v1 =	vadd.f32 v41, v1  }
0x1cc: {  	v47 =	vld [tilespmem:$0x35B0]  }
0x1cd: {  	v48 =	vld [tilespmem:$0x3630];
	v0 =	vadd.f32 v42, v0;
	v1 =	vadd.f32 v43, v1  }
0x1ce: {  	v49 =	vld [tilespmem:$0x36B0]  }
0x1cf: {  	v50 =	vld [tilespmem:$0x3730];
	v0 =	vadd.f32 v44, v0;
	v1 =	vadd.f32 v45, v1  }
0x1d0: {  	v51 =	vld [tilespmem:$0x37B0]  }
0x1d1: {  	v52 =	vld [tilespmem:$0x3830];
	v0 =	vadd.f32 v46, v0;
	v1 =	vadd.f32 v47, v1  }
0x1d2: {  	v53 =	vld [tilespmem:$0x38B0]  }
0x1d3: {  	v54 =	vld [tilespmem:$0x3930];
	v0 =	vadd.f32 v48, v0;
	v1 =	vadd.f32 v49, v1  }
0x1d4: {  	v55 =	vld [tilespmem:$0x39B0]  }
0x1d5: {  	v0 =	vadd.f32 v50, v0;
	v1 =	vadd.f32 v51, v1;
	_ =	sdelay $0x1  }
0x1d6: {  	v0 =	vadd.f32 v52, v0;
	v1 =	vadd.f32 v53, v1;
	_ =	sdelay $0x1  }
0x1d7: {  	v0 =	vadd.f32 v54, v0;
	v1 =	vadd.f32 v55, v1;
	_ =	sdelay $0x1  }
0x1d8: {  	v0 =	vadd.f32 v1, v0;
	_ =	sdelay $0x1  }
0x1d9: {  	p0 =	seq.s32 s18, $0x1C00;
	v0 =	vmul.f32 $1.999999960e-02, v0  }
0x1da: {  	s20 =	sshra.s32 @!p0 s18, $0x2  }
0x1db: {  	s21 =	simm.s32 @!p0 $0x64;
	s22 =	simm.s32 @!p0 $0x800;
	s20 =	sadd.s32 @!p0 $0x100, s20;
	[tilespmem:s19+$0xFFFFFFB0] =	vst v0  }
0x1dc: {  	[tilespmem:s22], [sflag:$0x1] =	stream.indirect.gather @!p0 [hbm4b:s3+s21], $0x80, s20, s21, $0xb8;
	[tilespmem:$0x8000] =	vst v63  }
0x1dd: {  	_ =	swait.ge [sflag:s13], $0x3200  }
0x1de: {  	[sflag:s13] =	ssyncset.done $0x0  }
0x1df: {  	[sflag:s13] =	ssyncadd.s32 $0xFFFFCE00  }
0x1e0: {  	v56 =	vld [tilespmem:$0x3C00]  }
0x1e1: {  	v57 =	vld [tilespmem:$0x3C80]  }
0x1e2: {  	v58 =	vld [tilespmem:$0x3D00]  }
0x1e3: {  	v59 =	vld [tilespmem:$0x3D80]  }
0x1e4: {  	v60 =	vld [tilespmem:$0x3E00]  }
0x1e5: {  	v61 =	vld [tilespmem:$0x3E80]  }
0x1e6: {  	v62 =	vld [tilespmem:$0x3F00]  }
0x1e7: {  	v63 =	vld [tilespmem:$0x3F80]  }
0x1e8: {  	v9 =	vld [tilespmem:$0x4000];
	v0 =	vadd.f32 v58, v56;
	v1 =	vadd.f32 v59, v57  }
0x1e9: {  	v10 =	vld [tilespmem:$0x4080]  }
0x1ea: {  	v11 =	vld [tilespmem:$0x4100];
	v0 =	vadd.f32 v60, v0;
	v1 =	vadd.f32 v61, v1  }
0x1eb: {  	v12 =	vld [tilespmem:$0x4180]  }
0x1ec: {  	v13 =	vld [tilespmem:$0x4200];
	v0 =	vadd.f32 v62, v0;
	v1 =	vadd.f32 v63, v1  }
0x1ed: {  	v14 =	vld [tilespmem:$0x4280]  }
0x1ee: {  	v15 =	vld [tilespmem:$0x4300];
	v0 =	vadd.f32 v9, v0;
	v1 =	vadd.f32 v10, v1  }
0x1ef: {  	v16 =	vld [tilespmem:$0x4380]  }
0x1f0: {  	v17 =	vld [tilespmem:$0x4400];
	v0 =	vadd.f32 v11, v0;
	v1 =	vadd.f32 v12, v1  }
0x1f1: {  	v18 =	vld [tilespmem:$0x4480]  }
0x1f2: {  	v19 =	vld [tilespmem:$0x4500];
	v0 =	vadd.f32 v13, v0;
	v1 =	vadd.f32 v14, v1  }
0x1f3: {  	v20 =	vld [tilespmem:$0x4580]  }
0x1f4: {  	v21 =	vld [tilespmem:$0x4600];
	v0 =	vadd.f32 v15, v0;
	v1 =	vadd.f32 v16, v1  }
0x1f5: {  	v22 =	vld [tilespmem:$0x4680]  }
0x1f6: {  	v23 =	vld [tilespmem:$0x4700];
	v0 =	vadd.f32 v17, v0;
	v1 =	vadd.f32 v18, v1  }
0x1f7: {  	v24 =	vld [tilespmem:$0x4780]  }
0x1f8: {  	v25 =	vld [tilespmem:$0x4800];
	v0 =	vadd.f32 v19, v0;
	v1 =	vadd.f32 v20, v1  }
0x1f9: {  	v26 =	vld [tilespmem:$0x4880]  }
0x1fa: {  	v27 =	vld [tilespmem:$0x4900];
	v0 =	vadd.f32 v21, v0;
	v1 =	vadd.f32 v22, v1  }
0x1fb: {  	v28 =	vld [tilespmem:$0x4980]  }
0x1fc: {  	v29 =	vld [tilespmem:$0x4A00];
	v0 =	vadd.f32 v23, v0;
	v1 =	vadd.f32 v24, v1  }
0x1fd: {  	v30 =	vld [tilespmem:$0x4A80]  }
0x1fe: {  	v31 =	vld [tilespmem:$0x4B00];
	v0 =	vadd.f32 v25, v0;
	v1 =	vadd.f32 v26, v1  }
0x1ff: {  	v32 =	vld [tilespmem:$0x4B80]  }
0x200: {  	v33 =	vld [tilespmem:$0x4C00];
	v0 =	vadd.f32 v27, v0;
	v1 =	vadd.f32 v28, v1  }
0x201: {  	v34 =	vld [tilespmem:$0x4C80]  }
0x202: {  	v35 =	vld [tilespmem:$0x4D00];
	v0 =	vadd.f32 v29, v0;
	v1 =	vadd.f32 v30, v1  }
0x203: {  	v36 =	vld [tilespmem:$0x4D80]  }
0x204: {  	v37 =	vld [tilespmem:$0x4E00];
	v0 =	vadd.f32 v31, v0;
	v1 =	vadd.f32 v32, v1  }
0x205: {  	v38 =	vld [tilespmem:$0x4E80]  }
0x206: {  	v39 =	vld [tilespmem:$0x4F00];
	v0 =	vadd.f32 v33, v0;
	v1 =	vadd.f32 v34, v1  }
0x207: {  	v40 =	vld [tilespmem:$0x4F80]  }
0x208: {  	v41 =	vld [tilespmem:$0x5000];
	v0 =	vadd.f32 v35, v0;
	v1 =	vadd.f32 v36, v1  }
0x209: {  	v42 =	vld [tilespmem:$0x5080]  }
0x20a: {  	v43 =	vld [tilespmem:$0x5100];
	v0 =	vadd.f32 v37, v0;
	v1 =	vadd.f32 v38, v1  }
0x20b: {  	v44 =	vld [tilespmem:$0x5180]  }
0x20c: {  	v45 =	vld [tilespmem:$0x5200];
	v0 =	vadd.f32 v39, v0;
	v1 =	vadd.f32 v40, v1  }
0x20d: {  	v46 =	vld [tilespmem:$0x5280]  }
0x20e: {  	v47 =	vld [tilespmem:$0x5300];
	v0 =	vadd.f32 v41, v0;
	v1 =	vadd.f32 v42, v1  }
0x20f: {  	v48 =	vld [tilespmem:$0x5380]  }
0x210: {  	v49 =	vld [tilespmem:$0x5400];
	v0 =	vadd.f32 v43, v0;
	v1 =	vadd.f32 v44, v1  }
0x211: {  	v50 =	vld [tilespmem:$0x5480]  }
0x212: {  	v0 =	vadd.f32 v45, v0;
	v1 =	vadd.f32 v46, v1;
	_ =	sdelay $0x1  }
0x213: {  	v0 =	vadd.f32 v47, v0;
	v1 =	vadd.f32 v48, v1;
	_ =	sdelay $0x1  }
0x214: {  	v0 =	vadd.f32 v49, v0;
	v1 =	vadd.f32 v50, v1;
	_ =	sdelay $0x1  }
0x215: {  	v0 =	vadd.f32 v1, v0;
	_ =	sdelay $0x1  }
0x216: {  	v0 =	vmul.f32 $1.999999960e-02, v0;
	_ =	sdelay $0x1  }
0x217: {  	[tilespmem:s19+$0x0] =	vst v0  }
0x218: {  	v0 =	vld [tilespmem:$0x3C10]  }
0x219: {  	v51 =	vld [tilespmem:$0x3C90]  }
0x21a: {  	v52 =	vld [tilespmem:$0x3D10]  }
0x21b: {  	v53 =	vld [tilespmem:$0x3D90]  }
0x21c: {  	v54 =	vld [tilespmem:$0x3E10]  }
0x21d: {  	v55 =	vld [tilespmem:$0x3E90]  }
0x21e: {  	v56 =	vld [tilespmem:$0x3F10]  }
0x21f: {  	v57 =	vld [tilespmem:$0x3F90]  }
0x220: {  	v58 =	vld [tilespmem:$0x4010];
	v0 =	vadd.f32 v52, v0;
	v1 =	vadd.f32 v53, v51  }
0x221: {  	v59 =	vld [tilespmem:$0x4090]  }
0x222: {  	v60 =	vld [tilespmem:$0x4110];
	v0 =	vadd.f32 v54, v0;
	v1 =	vadd.f32 v55, v1  }
0x223: {  	v61 =	vld [tilespmem:$0x4190]  }
0x224: {  	v62 =	vld [tilespmem:$0x4210];
	v0 =	vadd.f32 v56, v0;
	v1 =	vadd.f32 v57, v1  }
0x225: {  	v63 =	vld [tilespmem:$0x4290]  }
0x226: {  	v9 =	vld [tilespmem:$0x4310];
	v0 =	vadd.f32 v58, v0;
	v1 =	vadd.f32 v59, v1  }
0x227: {  	v10 =	vld [tilespmem:$0x4390]  }
0x228: {  	v11 =	vld [tilespmem:$0x4410];
	v0 =	vadd.f32 v60, v0;
	v1 =	vadd.f32 v61, v1  }
0x229: {  	v12 =	vld [tilespmem:$0x4490]  }
0x22a: {  	v13 =	vld [tilespmem:$0x4510];
	v0 =	vadd.f32 v62, v0;
	v1 =	vadd.f32 v63, v1  }
0x22b: {  	v14 =	vld [tilespmem:$0x4590]  }
0x22c: {  	v15 =	vld [tilespmem:$0x4610];
	v0 =	vadd.f32 v9, v0;
	v1 =	vadd.f32 v10, v1  }
0x22d: {  	v16 =	vld [tilespmem:$0x4690]  }
0x22e: {  	v17 =	vld [tilespmem:$0x4710];
	v0 =	vadd.f32 v11, v0;
	v1 =	vadd.f32 v12, v1  }
0x22f: {  	v18 =	vld [tilespmem:$0x4790]  }
0x230: {  	v19 =	vld [tilespmem:$0x4810];
	v0 =	vadd.f32 v13, v0;
	v1 =	vadd.f32 v14, v1  }
0x231: {  	v20 =	vld [tilespmem:$0x4890]  }
0x232: {  	v21 =	vld [tilespmem:$0x4910];
	v0 =	vadd.f32 v15, v0;
	v1 =	vadd.f32 v16, v1  }
0x233: {  	v22 =	vld [tilespmem:$0x4990]  }
0x234: {  	v23 =	vld [tilespmem:$0x4A10];
	v0 =	vadd.f32 v17, v0;
	v1 =	vadd.f32 v18, v1  }
0x235: {  	v24 =	vld [tilespmem:$0x4A90]  }
0x236: {  	v25 =	vld [tilespmem:$0x4B10];
	v0 =	vadd.f32 v19, v0;
	v1 =	vadd.f32 v20, v1  }
0x237: {  	v26 =	vld [tilespmem:$0x4B90]  }
0x238: {  	v27 =	vld [tilespmem:$0x4C10];
	v0 =	vadd.f32 v21, v0;
	v1 =	vadd.f32 v22, v1  }
0x239: {  	v28 =	vld [tilespmem:$0x4C90]  }
0x23a: {  	v29 =	vld [tilespmem:$0x4D10];
	v0 =	vadd.f32 v23, v0;
	v1 =	vadd.f32 v24, v1  }
0x23b: {  	v30 =	vld [tilespmem:$0x4D90]  }
0x23c: {  	v31 =	vld [tilespmem:$0x4E10];
	v0 =	vadd.f32 v25, v0;
	v1 =	vadd.f32 v26, v1  }
0x23d: {  	v32 =	vld [tilespmem:$0x4E90]  }
0x23e: {  	v33 =	vld [tilespmem:$0x4F10];
	v0 =	vadd.f32 v27, v0;
	v1 =	vadd.f32 v28, v1  }
0x23f: {  	v34 =	vld [tilespmem:$0x4F90]  }
0x240: {  	v35 =	vld [tilespmem:$0x5010];
	v0 =	vadd.f32 v29, v0;
	v1 =	vadd.f32 v30, v1  }
0x241: {  	v36 =	vld [tilespmem:$0x5090]  }
0x242: {  	v37 =	vld [tilespmem:$0x5110];
	v0 =	vadd.f32 v31, v0;
	v1 =	vadd.f32 v32, v1  }
0x243: {  	v38 =	vld [tilespmem:$0x5190]  }
0x244: {  	v39 =	vld [tilespmem:$0x5210];
	v0 =	vadd.f32 v33, v0;
	v1 =	vadd.f32 v34, v1  }
0x245: {  	v40 =	vld [tilespmem:$0x5290]  }
0x246: {  	v41 =	vld [tilespmem:$0x5310];
	v0 =	vadd.f32 v35, v0;
	v1 =	vadd.f32 v36, v1  }
0x247: {  	v42 =	vld [tilespmem:$0x5390]  }
0x248: {  	v43 =	vld [tilespmem:$0x5410];
	v0 =	vadd.f32 v37, v0;
	v1 =	vadd.f32 v38, v1  }
0x249: {  	v44 =	vld [tilespmem:$0x5490]  }
0x24a: {  	v0 =	vadd.f32 v39, v0;
	v1 =	vadd.f32 v40, v1;
	_ =	sdelay $0x1  }
0x24b: {  	v0 =	vadd.f32 v41, v0;
	v1 =	vadd.f32 v42, v1;
	_ =	sdelay $0x1  }
0x24c: {  	v0 =	vadd.f32 v43, v0;
	v1 =	vadd.f32 v44, v1;
	_ =	sdelay $0x1  }
0x24d: {  	v0 =	vadd.f32 v1, v0;
	_ =	sdelay $0x1  }
0x24e: {  	v0 =	vmul.f32 $1.999999960e-02, v0;
	_ =	sdelay $0x1  }
0x24f: {  	[tilespmem:s19+$0x10] =	vst v0  }
0x250: {  	v0 =	vld [tilespmem:$0x3C20]  }
0x251: {  	v45 =	vld [tilespmem:$0x3CA0]  }
0x252: {  	v46 =	vld [tilespmem:$0x3D20]  }
0x253: {  	v47 =	vld [tilespmem:$0x3DA0]  }
0x254: {  	v48 =	vld [tilespmem:$0x3E20]  }
0x255: {  	v49 =	vld [tilespmem:$0x3EA0]  }
0x256: {  	v50 =	vld [tilespmem:$0x3F20]  }
0x257: {  	v51 =	vld [tilespmem:$0x3FA0]  }
0x258: {  	v52 =	vld [tilespmem:$0x4020];
	v0 =	vadd.f32 v46, v0;
	v1 =	vadd.f32 v47, v45  }
0x259: {  	v53 =	vld [tilespmem:$0x40A0]  }
0x25a: {  	v54 =	vld [tilespmem:$0x4120];
	v0 =	vadd.f32 v48, v0;
	v1 =	vadd.f32 v49, v1  }
0x25b: {  	v55 =	vld [tilespmem:$0x41A0]  }
0x25c: {  	v56 =	vld [tilespmem:$0x4220];
	v0 =	vadd.f32 v50, v0;
	v1 =	vadd.f32 v51, v1  }
0x25d: {  	v57 =	vld [tilespmem:$0x42A0]  }
0x25e: {  	v58 =	vld [tilespmem:$0x4320];
	v0 =	vadd.f32 v52, v0;
	v1 =	vadd.f32 v53, v1  }
0x25f: {  	v59 =	vld [tilespmem:$0x43A0]  }
0x260: {  	v60 =	vld [tilespmem:$0x4420];
	v0 =	vadd.f32 v54, v0;
	v1 =	vadd.f32 v55, v1  }
0x261: {  	v61 =	vld [tilespmem:$0x44A0]  }
0x262: {  	v62 =	vld [tilespmem:$0x4520];
	v0 =	vadd.f32 v56, v0;
	v1 =	vadd.f32 v57, v1  }
0x263: {  	v63 =	vld [tilespmem:$0x45A0]  }
0x264: {  	v9 =	vld [tilespmem:$0x4620];
	v0 =	vadd.f32 v58, v0;
	v1 =	vadd.f32 v59, v1  }
0x265: {  	v10 =	vld [tilespmem:$0x46A0]  }
0x266: {  	v11 =	vld [tilespmem:$0x4720];
	v0 =	vadd.f32 v60, v0;
	v1 =	vadd.f32 v61, v1  }
0x267: {  	v12 =	vld [tilespmem:$0x47A0]  }
0x268: {  	v13 =	vld [tilespmem:$0x4820];
	v0 =	vadd.f32 v62, v0;
	v1 =	vadd.f32 v63, v1  }
0x269: {  	v14 =	vld [tilespmem:$0x48A0]  }
0x26a: {  	v15 =	vld [tilespmem:$0x4920];
	v0 =	vadd.f32 v9, v0;
	v1 =	vadd.f32 v10, v1  }
0x26b: {  	v16 =	vld [tilespmem:$0x49A0]  }
0x26c: {  	v17 =	vld [tilespmem:$0x4A20];
	v0 =	vadd.f32 v11, v0;
	v1 =	vadd.f32 v12, v1  }
0x26d: {  	v18 =	vld [tilespmem:$0x4AA0]  }
0x26e: {  	v19 =	vld [tilespmem:$0x4B20];
	v0 =	vadd.f32 v13, v0;
	v1 =	vadd.f32 v14, v1  }
0x26f: {  	v20 =	vld [tilespmem:$0x4BA0]  }
0x270: {  	v21 =	vld [tilespmem:$0x4C20];
	v0 =	vadd.f32 v15, v0;
	v1 =	vadd.f32 v16, v1  }
0x271: {  	v22 =	vld [tilespmem:$0x4CA0]  }
0x272: {  	v23 =	vld [tilespmem:$0x4D20];
	v0 =	vadd.f32 v17, v0;
	v1 =	vadd.f32 v18, v1  }
0x273: {  	v24 =	vld [tilespmem:$0x4DA0]  }
0x274: {  	v25 =	vld [tilespmem:$0x4E20];
	v0 =	vadd.f32 v19, v0;
	v1 =	vadd.f32 v20, v1  }
0x275: {  	v26 =	vld [tilespmem:$0x4EA0]  }
0x276: {  	v27 =	vld [tilespmem:$0x4F20];
	v0 =	vadd.f32 v21, v0;
	v1 =	vadd.f32 v22, v1  }
0x277: {  	v28 =	vld [tilespmem:$0x4FA0]  }
0x278: {  	v29 =	vld [tilespmem:$0x5020];
	v0 =	vadd.f32 v23, v0;
	v1 =	vadd.f32 v24, v1  }
0x279: {  	v30 =	vld [tilespmem:$0x50A0]  }
0x27a: {  	v31 =	vld [tilespmem:$0x5120];
	v0 =	vadd.f32 v25, v0;
	v1 =	vadd.f32 v26, v1  }
0x27b: {  	v32 =	vld [tilespmem:$0x51A0]  }
0x27c: {  	v33 =	vld [tilespmem:$0x5220];
	v0 =	vadd.f32 v27, v0;
	v1 =	vadd.f32 v28, v1  }
0x27d: {  	v34 =	vld [tilespmem:$0x52A0]  }
0x27e: {  	v35 =	vld [tilespmem:$0x5320];
	v0 =	vadd.f32 v29, v0;
	v1 =	vadd.f32 v30, v1  }
0x27f: {  	v36 =	vld [tilespmem:$0x53A0]  }
0x280: {  	v37 =	vld [tilespmem:$0x5420];
	v0 =	vadd.f32 v31, v0;
	v1 =	vadd.f32 v32, v1  }
0x281: {  	v38 =	vld [tilespmem:$0x54A0]  }
0x282: {  	v0 =	vadd.f32 v33, v0;
	v1 =	vadd.f32 v34, v1;
	_ =	sdelay $0x1  }
0x283: {  	v0 =	vadd.f32 v35, v0;
	v1 =	vadd.f32 v36, v1;
	_ =	sdelay $0x1  }
0x284: {  	v0 =	vadd.f32 v37, v0;
	v1 =	vadd.f32 v38, v1;
	_ =	sdelay $0x1  }
0x285: {  	v0 =	vadd.f32 v1, v0;
	_ =	sdelay $0x1  }
0x286: {  	v0 =	vmul.f32 $1.999999960e-02, v0;
	_ =	sdelay $0x1  }
0x287: {  	[tilespmem:s19+$0x20] =	vst v0  }
0x288: {  	v0 =	vld [tilespmem:$0x3C30]  }
0x289: {  	v39 =	vld [tilespmem:$0x3CB0]  }
0x28a: {  	v40 =	vld [tilespmem:$0x3D30]  }
0x28b: {  	v41 =	vld [tilespmem:$0x3DB0]  }
0x28c: {  	v42 =	vld [tilespmem:$0x3E30]  }
0x28d: {  	v43 =	vld [tilespmem:$0x3EB0]  }
0x28e: {  	v44 =	vld [tilespmem:$0x3F30]  }
0x28f: {  	v45 =	vld [tilespmem:$0x3FB0]  }
0x290: {  	v46 =	vld [tilespmem:$0x4030];
	v0 =	vadd.f32 v40, v0;
	v1 =	vadd.f32 v41, v39  }
0x291: {  	v47 =	vld [tilespmem:$0x40B0]  }
0x292: {  	v48 =	vld [tilespmem:$0x4130];
	v0 =	vadd.f32 v42, v0;
	v1 =	vadd.f32 v43, v1  }
0x293: {  	v49 =	vld [tilespmem:$0x41B0]  }
0x294: {  	v50 =	vld [tilespmem:$0x4230];
	v0 =	vadd.f32 v44, v0;
	v1 =	vadd.f32 v45, v1  }
0x295: {  	v51 =	vld [tilespmem:$0x42B0]  }
0x296: {  	v52 =	vld [tilespmem:$0x4330];
	v0 =	vadd.f32 v46, v0;
	v1 =	vadd.f32 v47, v1  }
0x297: {  	v53 =	vld [tilespmem:$0x43B0]  }
0x298: {  	v54 =	vld [tilespmem:$0x4430];
	v0 =	vadd.f32 v48, v0;
	v1 =	vadd.f32 v49, v1  }
0x299: {  	v55 =	vld [tilespmem:$0x44B0]  }
0x29a: {  	v56 =	vld [tilespmem:$0x4530];
	v0 =	vadd.f32 v50, v0;
	v1 =	vadd.f32 v51, v1  }
0x29b: {  	v57 =	vld [tilespmem:$0x45B0]  }
0x29c: {  	v58 =	vld [tilespmem:$0x4630];
	v0 =	vadd.f32 v52, v0;
	v1 =	vadd.f32 v53, v1  }
0x29d: {  	v59 =	vld [tilespmem:$0x46B0]  }
0x29e: {  	v60 =	vld [tilespmem:$0x4730];
	v0 =	vadd.f32 v54, v0;
	v1 =	vadd.f32 v55, v1  }
0x29f: {  	v61 =	vld [tilespmem:$0x47B0]  }
0x2a0: {  	v62 =	vld [tilespmem:$0x4830];
	v0 =	vadd.f32 v56, v0;
	v1 =	vadd.f32 v57, v1  }
0x2a1: {  	v63 =	vld [tilespmem:$0x48B0]  }
0x2a2: {  	v9 =	vld [tilespmem:$0x4930];
	v0 =	vadd.f32 v58, v0;
	v1 =	vadd.f32 v59, v1  }
0x2a3: {  	v10 =	vld [tilespmem:$0x49B0]  }
0x2a4: {  	v11 =	vld [tilespmem:$0x4A30];
	v0 =	vadd.f32 v60, v0;
	v1 =	vadd.f32 v61, v1  }
0x2a5: {  	v12 =	vld [tilespmem:$0x4AB0]  }
0x2a6: {  	v13 =	vld [tilespmem:$0x4B30];
	v0 =	vadd.f32 v62, v0;
	v1 =	vadd.f32 v63, v1  }
0x2a7: {  	v14 =	vld [tilespmem:$0x4BB0]  }
0x2a8: {  	v15 =	vld [tilespmem:$0x4C30];
	v0 =	vadd.f32 v9, v0;
	v1 =	vadd.f32 v10, v1  }
0x2a9: {  	v16 =	vld [tilespmem:$0x4CB0]  }
0x2aa: {  	v17 =	vld [tilespmem:$0x4D30];
	v0 =	vadd.f32 v11, v0;
	v1 =	vadd.f32 v12, v1  }
0x2ab: {  	v18 =	vld [tilespmem:$0x4DB0]  }
0x2ac: {  	v19 =	vld [tilespmem:$0x4E30];
	v0 =	vadd.f32 v13, v0;
	v1 =	vadd.f32 v14, v1  }
0x2ad: {  	v20 =	vld [tilespmem:$0x4EB0]  }
0x2ae: {  	v21 =	vld [tilespmem:$0x4F30];
	v0 =	vadd.f32 v15, v0;
	v1 =	vadd.f32 v16, v1  }
0x2af: {  	v22 =	vld [tilespmem:$0x4FB0]  }
0x2b0: {  	v23 =	vld [tilespmem:$0x5030];
	v0 =	vadd.f32 v17, v0;
	v1 =	vadd.f32 v18, v1  }
0x2b1: {  	v24 =	vld [tilespmem:$0x50B0]  }
0x2b2: {  	v25 =	vld [tilespmem:$0x5130];
	v0 =	vadd.f32 v19, v0;
	v1 =	vadd.f32 v20, v1  }
0x2b3: {  	v26 =	vld [tilespmem:$0x51B0]  }
0x2b4: {  	v27 =	vld [tilespmem:$0x5230];
	v0 =	vadd.f32 v21, v0;
	v1 =	vadd.f32 v22, v1  }
0x2b5: {  	v28 =	vld [tilespmem:$0x52B0]  }
0x2b6: {  	v29 =	vld [tilespmem:$0x5330];
	v0 =	vadd.f32 v23, v0;
	v1 =	vadd.f32 v24, v1  }
0x2b7: {  	v30 =	vld [tilespmem:$0x53B0]  }
0x2b8: {  	v31 =	vld [tilespmem:$0x5430];
	v0 =	vadd.f32 v25, v0;
	v1 =	vadd.f32 v26, v1  }
0x2b9: {  	v32 =	vld [tilespmem:$0x54B0]  }
0x2ba: {  	v0 =	vadd.f32 v27, v0;
	v1 =	vadd.f32 v28, v1;
	_ =	sdelay $0x1  }
0x2bb: {  	v0 =	vadd.f32 v29, v0;
	v1 =	vadd.f32 v30, v1;
	_ =	sdelay $0x1  }
0x2bc: {  	v0 =	vadd.f32 v31, v0;
	v1 =	vadd.f32 v32, v1;
	_ =	sdelay $0x1  }
0x2bd: {  	v0 =	vadd.f32 v1, v0;
	_ =	sdelay $0x1  }
0x2be: {  	v0 =	vmul.f32 $1.999999960e-02, v0;
	_ =	sdelay $0x1  }
0x2bf: {  	[tilespmem:s19+$0x30] =	vst v0  }
0x2c0: {  	v0 =	vld [tilespmem:$0x5500]  }
0x2c1: {  	v33 =	vld [tilespmem:$0x5580]  }
0x2c2: {  	v34 =	vld [tilespmem:$0x5600]  }
0x2c3: {  	v35 =	vld [tilespmem:$0x5680]  }
0x2c4: {  	v36 =	vld [tilespmem:$0x5700]  }
0x2c5: {  	v37 =	vld [tilespmem:$0x5780]  }
0x2c6: {  	v38 =	vld [tilespmem:$0x5800]  }
0x2c7: {  	v39 =	vld [tilespmem:$0x5880]  }
0x2c8: {  	v40 =	vld [tilespmem:$0x5900];
	v0 =	vadd.f32 v34, v0;
	v1 =	vadd.f32 v35, v33  }
0x2c9: {  	v41 =	vld [tilespmem:$0x5980]  }
0x2ca: {  	v42 =	vld [tilespmem:$0x5A00];
	v0 =	vadd.f32 v36, v0;
	v1 =	vadd.f32 v37, v1  }
0x2cb: {  	v43 =	vld [tilespmem:$0x5A80]  }
0x2cc: {  	v44 =	vld [tilespmem:$0x5B00];
	v0 =	vadd.f32 v38, v0;
	v1 =	vadd.f32 v39, v1  }
0x2cd: {  	v45 =	vld [tilespmem:$0x5B80]  }
0x2ce: {  	v46 =	vld [tilespmem:$0x5C00];
	v0 =	vadd.f32 v40, v0;
	v1 =	vadd.f32 v41, v1  }
0x2cf: {  	v47 =	vld [tilespmem:$0x5C80]  }
0x2d0: {  	v48 =	vld [tilespmem:$0x5D00];
	v0 =	vadd.f32 v42, v0;
	v1 =	vadd.f32 v43, v1  }
0x2d1: {  	v49 =	vld [tilespmem:$0x5D80]  }
0x2d2: {  	v50 =	vld [tilespmem:$0x5E00];
	v0 =	vadd.f32 v44, v0;
	v1 =	vadd.f32 v45, v1  }
0x2d3: {  	v51 =	vld [tilespmem:$0x5E80]  }
0x2d4: {  	v52 =	vld [tilespmem:$0x5F00];
	v0 =	vadd.f32 v46, v0;
	v1 =	vadd.f32 v47, v1  }
0x2d5: {  	v53 =	vld [tilespmem:$0x5F80]  }
0x2d6: {  	v54 =	vld [tilespmem:$0x6000];
	v0 =	vadd.f32 v48, v0;
	v1 =	vadd.f32 v49, v1  }
0x2d7: {  	v55 =	vld [tilespmem:$0x6080]  }
0x2d8: {  	v56 =	vld [tilespmem:$0x6100];
	v0 =	vadd.f32 v50, v0;
	v1 =	vadd.f32 v51, v1  }
0x2d9: {  	v57 =	vld [tilespmem:$0x6180]  }
0x2da: {  	v58 =	vld [tilespmem:$0x6200];
	v0 =	vadd.f32 v52, v0;
	v1 =	vadd.f32 v53, v1  }
0x2db: {  	v59 =	vld [tilespmem:$0x6280]  }
0x2dc: {  	v60 =	vld [tilespmem:$0x6300];
	v0 =	vadd.f32 v54, v0;
	v1 =	vadd.f32 v55, v1  }
0x2dd: {  	v61 =	vld [tilespmem:$0x6380]  }
0x2de: {  	v62 =	vld [tilespmem:$0x6400];
	v0 =	vadd.f32 v56, v0;
	v1 =	vadd.f32 v57, v1  }
0x2df: {  	v63 =	vld [tilespmem:$0x6480]  }
0x2e0: {  	v9 =	vld [tilespmem:$0x6500];
	v0 =	vadd.f32 v58, v0;
	v1 =	vadd.f32 v59, v1  }
0x2e1: {  	v10 =	vld [tilespmem:$0x6580]  }
0x2e2: {  	v11 =	vld [tilespmem:$0x6600];
	v0 =	vadd.f32 v60, v0;
	v1 =	vadd.f32 v61, v1  }
0x2e3: {  	v12 =	vld [tilespmem:$0x6680]  }
0x2e4: {  	v13 =	vld [tilespmem:$0x6700];
	v0 =	vadd.f32 v62, v0;
	v1 =	vadd.f32 v63, v1  }
0x2e5: {  	v14 =	vld [tilespmem:$0x6780]  }
0x2e6: {  	v15 =	vld [tilespmem:$0x6800];
	v0 =	vadd.f32 v9, v0;
	v1 =	vadd.f32 v10, v1  }
0x2e7: {  	v16 =	vld [tilespmem:$0x6880]  }
0x2e8: {  	v17 =	vld [tilespmem:$0x6900];
	v0 =	vadd.f32 v11, v0;
	v1 =	vadd.f32 v12, v1  }
0x2e9: {  	v18 =	vld [tilespmem:$0x6980]  }
0x2ea: {  	v19 =	vld [tilespmem:$0x6A00];
	v0 =	vadd.f32 v13, v0;
	v1 =	vadd.f32 v14, v1  }
0x2eb: {  	v20 =	vld [tilespmem:$0x6A80]  }
0x2ec: {  	v21 =	vld [tilespmem:$0x6B00];
	v0 =	vadd.f32 v15, v0;
	v1 =	vadd.f32 v16, v1  }
0x2ed: {  	v22 =	vld [tilespmem:$0x6B80]  }
0x2ee: {  	v23 =	vld [tilespmem:$0x6C00];
	v0 =	vadd.f32 v17, v0;
	v1 =	vadd.f32 v18, v1  }
0x2ef: {  	v24 =	vld [tilespmem:$0x6C80]  }
0x2f0: {  	v25 =	vld [tilespmem:$0x6D00];
	v0 =	vadd.f32 v19, v0;
	v1 =	vadd.f32 v20, v1  }
0x2f1: {  	v26 =	vld [tilespmem:$0x6D80]  }
0x2f2: {  	v0 =	vadd.f32 v21, v0;
	v1 =	vadd.f32 v22, v1;
	_ =	sdelay $0x1  }
0x2f3: {  	v0 =	vadd.f32 v23, v0;
	v1 =	vadd.f32 v24, v1;
	_ =	sdelay $0x1  }
0x2f4: {  	v0 =	vadd.f32 v25, v0;
	v1 =	vadd.f32 v26, v1;
	_ =	sdelay $0x1  }
0x2f5: {  	v0 =	vadd.f32 v1, v0;
	_ =	sdelay $0x1  }
0x2f6: {  	v0 =	vmul.f32 $1.999999960e-02, v0;
	_ =	sdelay $0x1  }
0x2f7: {  	[tilespmem:s19+$0x80] =	vst v0  }
0x2f8: {  	v0 =	vld [tilespmem:$0x5510]  }
0x2f9: {  	v27 =	vld [tilespmem:$0x5590]  }
0x2fa: {  	v28 =	vld [tilespmem:$0x5610]  }
0x2fb: {  	v29 =	vld [tilespmem:$0x5690]  }
0x2fc: {  	v30 =	vld [tilespmem:$0x5710]  }
0x2fd: {  	v31 =	vld [tilespmem:$0x5790]  }
0x2fe: {  	v32 =	vld [tilespmem:$0x5810]  }
0x2ff: {  	v33 =	vld [tilespmem:$0x5890]  }
0x300: {  	v34 =	vld [tilespmem:$0x5910];
	v0 =	vadd.f32 v28, v0;
	v1 =	vadd.f32 v29, v27  }
0x301: {  	v35 =	vld [tilespmem:$0x5990]  }
0x302: {  	v36 =	vld [tilespmem:$0x5A10];
	v0 =	vadd.f32 v30, v0;
	v1 =	vadd.f32 v31, v1  }
0x303: {  	v37 =	vld [tilespmem:$0x5A90]  }
0x304: {  	v38 =	vld [tilespmem:$0x5B10];
	v0 =	vadd.f32 v32, v0;
	v1 =	vadd.f32 v33, v1  }
0x305: {  	v39 =	vld [tilespmem:$0x5B90]  }
0x306: {  	v40 =	vld [tilespmem:$0x5C10];
	v0 =	vadd.f32 v34, v0;
	v1 =	vadd.f32 v35, v1  }
0x307: {  	v41 =	vld [tilespmem:$0x5C90]  }
0x308: {  	v42 =	vld [tilespmem:$0x5D10];
	v0 =	vadd.f32 v36, v0;
	v1 =	vadd.f32 v37, v1  }
0x309: {  	v43 =	vld [tilespmem:$0x5D90]  }
0x30a: {  	v44 =	vld [tilespmem:$0x5E10];
	v0 =	vadd.f32 v38, v0;
	v1 =	vadd.f32 v39, v1  }
0x30b: {  	v45 =	vld [tilespmem:$0x5E90]  }
0x30c: {  	v46 =	vld [tilespmem:$0x5F10];
	v0 =	vadd.f32 v40, v0;
	v1 =	vadd.f32 v41, v1  }
0x30d: {  	v47 =	vld [tilespmem:$0x5F90]  }
0x30e: {  	v48 =	vld [tilespmem:$0x6010];
	v0 =	vadd.f32 v42, v0;
	v1 =	vadd.f32 v43, v1  }
0x30f: {  	v49 =	vld [tilespmem:$0x6090]  }
0x310: {  	v50 =	vld [tilespmem:$0x6110];
	v0 =	vadd.f32 v44, v0;
	v1 =	vadd.f32 v45, v1  }
0x311: {  	v51 =	vld [tilespmem:$0x6190]  }
0x312: {  	v52 =	vld [tilespmem:$0x6210];
	v0 =	vadd.f32 v46, v0;
	v1 =	vadd.f32 v47, v1  }
0x313: {  	v53 =	vld [tilespmem:$0x6290]  }
0x314: {  	v54 =	vld [tilespmem:$0x6310];
	v0 =	vadd.f32 v48, v0;
	v1 =	vadd.f32 v49, v1  }
0x315: {  	v55 =	vld [tilespmem:$0x6390]  }
0x316: {  	v56 =	vld [tilespmem:$0x6410];
	v0 =	vadd.f32 v50, v0;
	v1 =	vadd.f32 v51, v1  }
0x317: {  	v57 =	vld [tilespmem:$0x6490]  }
0x318: {  	v58 =	vld [tilespmem:$0x6510];
	v0 =	vadd.f32 v52, v0;
	v1 =	vadd.f32 v53, v1  }
0x319: {  	v59 =	vld [tilespmem:$0x6590]  }
0x31a: {  	v60 =	vld [tilespmem:$0x6610];
	v0 =	vadd.f32 v54, v0;
	v1 =	vadd.f32 v55, v1  }
0x31b: {  	v61 =	vld [tilespmem:$0x6690]  }
0x31c: {  	v62 =	vld [tilespmem:$0x6710];
	v0 =	vadd.f32 v56, v0;
	v1 =	vadd.f32 v57, v1  }
0x31d: {  	v63 =	vld [tilespmem:$0x6790]  }
0x31e: {  	v9 =	vld [tilespmem:$0x6810];
	v0 =	vadd.f32 v58, v0;
	v1 =	vadd.f32 v59, v1  }
0x31f: {  	v10 =	vld [tilespmem:$0x6890]  }
0x320: {  	v11 =	vld [tilespmem:$0x6910];
	v0 =	vadd.f32 v60, v0;
	v1 =	vadd.f32 v61, v1  }
0x321: {  	v12 =	vld [tilespmem:$0x6990]  }
0x322: {  	v13 =	vld [tilespmem:$0x6A10];
	v0 =	vadd.f32 v62, v0;
	v1 =	vadd.f32 v63, v1  }
0x323: {  	v14 =	vld [tilespmem:$0x6A90]  }
0x324: {  	v15 =	vld [tilespmem:$0x6B10];
	v0 =	vadd.f32 v9, v0;
	v1 =	vadd.f32 v10, v1  }
0x325: {  	v16 =	vld [tilespmem:$0x6B90]  }
0x326: {  	v17 =	vld [tilespmem:$0x6C10];
	v0 =	vadd.f32 v11, v0;
	v1 =	vadd.f32 v12, v1  }
0x327: {  	v18 =	vld [tilespmem:$0x6C90]  }
0x328: {  	v19 =	vld [tilespmem:$0x6D10];
	v0 =	vadd.f32 v13, v0;
	v1 =	vadd.f32 v14, v1  }
0x329: {  	v20 =	vld [tilespmem:$0x6D90]  }
0x32a: {  	v0 =	vadd.f32 v15, v0;
	v1 =	vadd.f32 v16, v1;
	_ =	sdelay $0x1  }
0x32b: {  	v0 =	vadd.f32 v17, v0;
	v1 =	vadd.f32 v18, v1;
	_ =	sdelay $0x1  }
0x32c: {  	v0 =	vadd.f32 v19, v0;
	v1 =	vadd.f32 v20, v1;
	_ =	sdelay $0x1  }
0x32d: {  	v0 =	vadd.f32 v1, v0;
	_ =	sdelay $0x1  }
0x32e: {  	v0 =	vmul.f32 $1.999999960e-02, v0;
	_ =	sdelay $0x1  }
0x32f: {  	[tilespmem:s19+$0x90] =	vst v0  }
0x330: {  	v0 =	vld [tilespmem:$0x5520]  }
0x331: {  	v21 =	vld [tilespmem:$0x55A0]  }
0x332: {  	v22 =	vld [tilespmem:$0x5620]  }
0x333: {  	v23 =	vld [tilespmem:$0x56A0]  }
0x334: {  	v24 =	vld [tilespmem:$0x5720]  }
0x335: {  	v25 =	vld [tilespmem:$0x57A0]  }
0x336: {  	v26 =	vld [tilespmem:$0x5820]  }
0x337: {  	v27 =	vld [tilespmem:$0x58A0]  }
0x338: {  	v28 =	vld [tilespmem:$0x5920];
	v0 =	vadd.f32 v22, v0;
	v1 =	vadd.f32 v23, v21  }
0x339: {  	v29 =	vld [tilespmem:$0x59A0]  }
0x33a: {  	v30 =	vld [tilespmem:$0x5A20];
	v0 =	vadd.f32 v24, v0;
	v1 =	vadd.f32 v25, v1  }
0x33b: {  	v31 =	vld [tilespmem:$0x5AA0]  }
0x33c: {  	v32 =	vld [tilespmem:$0x5B20];
	v0 =	vadd.f32 v26, v0;
	v1 =	vadd.f32 v27, v1  }
0x33d: {  	v33 =	vld [tilespmem:$0x5BA0]  }
0x33e: {  	v34 =	vld [tilespmem:$0x5C20];
	v0 =	vadd.f32 v28, v0;
	v1 =	vadd.f32 v29, v1  }
0x33f: {  	v35 =	vld [tilespmem:$0x5CA0]  }
0x340: {  	v36 =	vld [tilespmem:$0x5D20];
	v0 =	vadd.f32 v30, v0;
	v1 =	vadd.f32 v31, v1  }
0x341: {  	v37 =	vld [tilespmem:$0x5DA0]  }
0x342: {  	v38 =	vld [tilespmem:$0x5E20];
	v0 =	vadd.f32 v32, v0;
	v1 =	vadd.f32 v33, v1  }
0x343: {  	v39 =	vld [tilespmem:$0x5EA0]  }
0x344: {  	v40 =	vld [tilespmem:$0x5F20];
	v0 =	vadd.f32 v34, v0;
	v1 =	vadd.f32 v35, v1  }
0x345: {  	v41 =	vld [tilespmem:$0x5FA0]  }
0x346: {  	v42 =	vld [tilespmem:$0x6020];
	v0 =	vadd.f32 v36, v0;
	v1 =	vadd.f32 v37, v1  }
0x347: {  	v43 =	vld [tilespmem:$0x60A0]  }
0x348: {  	v44 =	vld [tilespmem:$0x6120];
	v0 =	vadd.f32 v38, v0;
	v1 =	vadd.f32 v39, v1  }
0x349: {  	v45 =	vld [tilespmem:$0x61A0]  }
0x34a: {  	v46 =	vld [tilespmem:$0x6220];
	v0 =	vadd.f32 v40, v0;
	v1 =	vadd.f32 v41, v1  }
0x34b: {  	v47 =	vld [tilespmem:$0x62A0]  }
0x34c: {  	v48 =	vld [tilespmem:$0x6320];
	v0 =	vadd.f32 v42, v0;
	v1 =	vadd.f32 v43, v1  }
0x34d: {  	v49 =	vld [tilespmem:$0x63A0]  }
0x34e: {  	v50 =	vld [tilespmem:$0x6420];
	v0 =	vadd.f32 v44, v0;
	v1 =	vadd.f32 v45, v1  }
0x34f: {  	v51 =	vld [tilespmem:$0x64A0]  }
0x350: {  	v52 =	vld [tilespmem:$0x6520];
	v0 =	vadd.f32 v46, v0;
	v1 =	vadd.f32 v47, v1  }
0x351: {  	v53 =	vld [tilespmem:$0x65A0]  }
0x352: {  	v54 =	vld [tilespmem:$0x6620];
	v0 =	vadd.f32 v48, v0;
	v1 =	vadd.f32 v49, v1  }
0x353: {  	v55 =	vld [tilespmem:$0x66A0]  }
0x354: {  	v56 =	vld [tilespmem:$0x6720];
	v0 =	vadd.f32 v50, v0;
	v1 =	vadd.f32 v51, v1  }
0x355: {  	v57 =	vld [tilespmem:$0x67A0]  }
0x356: {  	v58 =	vld [tilespmem:$0x6820];
	v0 =	vadd.f32 v52, v0;
	v1 =	vadd.f32 v53, v1  }
0x357: {  	v59 =	vld [tilespmem:$0x68A0]  }
0x358: {  	v60 =	vld [tilespmem:$0x6920];
	v0 =	vadd.f32 v54, v0;
	v1 =	vadd.f32 v55, v1  }
0x359: {  	v61 =	vld [tilespmem:$0x69A0]  }
0x35a: {  	v62 =	vld [tilespmem:$0x6A20];
	v0 =	vadd.f32 v56, v0;
	v1 =	vadd.f32 v57, v1  }
0x35b: {  	v63 =	vld [tilespmem:$0x6AA0]  }
0x35c: {  	v9 =	vld [tilespmem:$0x6B20];
	v0 =	vadd.f32 v58, v0;
	v1 =	vadd.f32 v59, v1  }
0x35d: {  	v10 =	vld [tilespmem:$0x6BA0]  }
0x35e: {  	v11 =	vld [tilespmem:$0x6C20];
	v0 =	vadd.f32 v60, v0;
	v1 =	vadd.f32 v61, v1  }
0x35f: {  	v12 =	vld [tilespmem:$0x6CA0]  }
0x360: {  	v13 =	vld [tilespmem:$0x6D20];
	v0 =	vadd.f32 v62, v0;
	v1 =	vadd.f32 v63, v1  }
0x361: {  	v14 =	vld [tilespmem:$0x6DA0]  }
0x362: {  	v0 =	vadd.f32 v9, v0;
	v1 =	vadd.f32 v10, v1;
	_ =	sdelay $0x1  }
0x363: {  	v0 =	vadd.f32 v11, v0;
	v1 =	vadd.f32 v12, v1;
	_ =	sdelay $0x1  }
0x364: {  	v0 =	vadd.f32 v13, v0;
	v1 =	vadd.f32 v14, v1;
	_ =	sdelay $0x1  }
0x365: {  	v0 =	vadd.f32 v1, v0;
	_ =	sdelay $0x1  }
0x366: {  	v0 =	vmul.f32 $1.999999960e-02, v0;
	_ =	sdelay $0x1  }
0x367: {  	[tilespmem:s19+$0xA0] =	vst v0  }
0x368: {  	v0 =	vld [tilespmem:$0x5530]  }
0x369: {  	v15 =	vld [tilespmem:$0x55B0]  }
0x36a: {  	v16 =	vld [tilespmem:$0x5630]  }
0x36b: {  	v17 =	vld [tilespmem:$0x56B0]  }
0x36c: {  	v18 =	vld [tilespmem:$0x5730]  }
0x36d: {  	v19 =	vld [tilespmem:$0x57B0]  }
0x36e: {  	v20 =	vld [tilespmem:$0x5830]  }
0x36f: {  	v21 =	vld [tilespmem:$0x58B0]  }
0x370: {  	v22 =	vld [tilespmem:$0x5930];
	v0 =	vadd.f32 v16, v0;
	v1 =	vadd.f32 v17, v15  }
0x371: {  	v23 =	vld [tilespmem:$0x59B0]  }
0x372: {  	v24 =	vld [tilespmem:$0x5A30];
	v0 =	vadd.f32 v18, v0;
	v1 =	vadd.f32 v19, v1  }
0x373: {  	v25 =	vld [tilespmem:$0x5AB0]  }
0x374: {  	v26 =	vld [tilespmem:$0x5B30];
	v0 =	vadd.f32 v20, v0;
	v1 =	vadd.f32 v21, v1  }
0x375: {  	v27 =	vld [tilespmem:$0x5BB0]  }
0x376: {  	v28 =	vld [tilespmem:$0x5C30];
	v0 =	vadd.f32 v22, v0;
	v1 =	vadd.f32 v23, v1  }
0x377: {  	v29 =	vld [tilespmem:$0x5CB0]  }
0x378: {  	v30 =	vld [tilespmem:$0x5D30];
	v0 =	vadd.f32 v24, v0;
	v1 =	vadd.f32 v25, v1  }
0x379: {  	v31 =	vld [tilespmem:$0x5DB0]  }
0x37a: {  	v32 =	vld [tilespmem:$0x5E30];
	v0 =	vadd.f32 v26, v0;
	v1 =	vadd.f32 v27, v1  }
0x37b: {  	v33 =	vld [tilespmem:$0x5EB0]  }
0x37c: {  	v34 =	vld [tilespmem:$0x5F30];
	v0 =	vadd.f32 v28, v0;
	v1 =	vadd.f32 v29, v1  }
0x37d: {  	v35 =	vld [tilespmem:$0x5FB0]  }
0x37e: {  	v36 =	vld [tilespmem:$0x6030];
	v0 =	vadd.f32 v30, v0;
	v1 =	vadd.f32 v31, v1  }
0x37f: {  	v37 =	vld [tilespmem:$0x60B0]  }
0x380: {  	v38 =	vld [tilespmem:$0x6130];
	v0 =	vadd.f32 v32, v0;
	v1 =	vadd.f32 v33, v1  }
0x381: {  	v39 =	vld [tilespmem:$0x61B0]  }
0x382: {  	v40 =	vld [tilespmem:$0x6230];
	v0 =	vadd.f32 v34, v0;
	v1 =	vadd.f32 v35, v1  }
0x383: {  	v41 =	vld [tilespmem:$0x62B0]  }
0x384: {  	v42 =	vld [tilespmem:$0x6330];
	v0 =	vadd.f32 v36, v0;
	v1 =	vadd.f32 v37, v1  }
0x385: {  	v43 =	vld [tilespmem:$0x63B0]  }
0x386: {  	v44 =	vld [tilespmem:$0x6430];
	v0 =	vadd.f32 v38, v0;
	v1 =	vadd.f32 v39, v1  }
0x387: {  	v45 =	vld [tilespmem:$0x64B0]  }
0x388: {  	v46 =	vld [tilespmem:$0x6530];
	v0 =	vadd.f32 v40, v0;
	v1 =	vadd.f32 v41, v1  }
0x389: {  	v47 =	vld [tilespmem:$0x65B0]  }
0x38a: {  	v48 =	vld [tilespmem:$0x6630];
	v0 =	vadd.f32 v42, v0;
	v1 =	vadd.f32 v43, v1  }
0x38b: {  	v49 =	vld [tilespmem:$0x66B0]  }
0x38c: {  	v50 =	vld [tilespmem:$0x6730];
	v0 =	vadd.f32 v44, v0;
	v1 =	vadd.f32 v45, v1  }
0x38d: {  	v51 =	vld [tilespmem:$0x67B0]  }
0x38e: {  	v52 =	vld [tilespmem:$0x6830];
	v0 =	vadd.f32 v46, v0;
	v1 =	vadd.f32 v47, v1  }
0x38f: {  	v53 =	vld [tilespmem:$0x68B0]  }
0x390: {  	v54 =	vld [tilespmem:$0x6930];
	v0 =	vadd.f32 v48, v0;
	v1 =	vadd.f32 v49, v1  }
0x391: {  	v55 =	vld [tilespmem:$0x69B0]  }
0x392: {  	v56 =	vld [tilespmem:$0x6A30];
	v0 =	vadd.f32 v50, v0;
	v1 =	vadd.f32 v51, v1  }
0x393: {  	v57 =	vld [tilespmem:$0x6AB0]  }
0x394: {  	v58 =	vld [tilespmem:$0x6B30];
	v0 =	vadd.f32 v52, v0;
	v1 =	vadd.f32 v53, v1  }
0x395: {  	v59 =	vld [tilespmem:$0x6BB0]  }
0x396: {  	v60 =	vld [tilespmem:$0x6C30];
	v0 =	vadd.f32 v54, v0;
	v1 =	vadd.f32 v55, v1  }
0x397: {  	v61 =	vld [tilespmem:$0x6CB0]  }
0x398: {  	v62 =	vld [tilespmem:$0x6D30];
	v0 =	vadd.f32 v56, v0;
	v1 =	vadd.f32 v57, v1  }
0x399: {  	v63 =	vld [tilespmem:$0x6DB0]  }
0x39a: {  	v0 =	vadd.f32 v58, v0;
	v1 =	vadd.f32 v59, v1;
	_ =	sdelay $0x1  }
0x39b: {  	v0 =	vadd.f32 v60, v0;
	v1 =	vadd.f32 v61, v1;
	_ =	sdelay $0x1  }
0x39c: {  	s18 =	sadd.s32 $0x400, s18;
	v0 =	vadd.f32 v62, v0;
	v1 =	vadd.f32 v63, v1  }
0x39d: {  	p0 =	sne.s32 s18, $0x2000  }
.Ltmp0:
0x39e: {  	v0 =	vadd.f32 v1, v0;
	(pc) =	sbr.rel @p0 .LBB2_3-.Ltmp0, $3  }
0x39f: {  	_ = 	snop  }
0x3a0: {  	v0 =	vmul.f32 $1.999999960e-02, v0;
	_ =	sdelay $0x1  }
0x3a1: {  	[tilespmem:s19+$0xB0] =	vst v0;
	s19 =	sadd.s32 $0x200, s19  }
0x3a2: {  	s16 =	sadd.s32 $0x1, s16  }
0x3a3: {  	s17 =	sshll.u32 s17, $0x5;
	p0 =	sne.s32 s16, $0x20  }
.Ltmp1:
0x3a4: {  	s17 =	sadd.s32 s5, s17;
	(pc) =	sbr.rel @p0 .LBB2_2-.Ltmp1, $4  }
0x3a5: {  	[hbm4b:s17+s1] =	stream.linear.scatter [tilespmem:s14], [sflag:$0x3], $0x1000, $0x38;
	[tilespmem:$0x8000] =	vst v63  }
0x3a6: {  	_ =	swait.ge [sflag:s8], $0x1000  }
0x3a7: {  	[sflag:s8] =	ssyncset.done $0x0  }
0x3a8: {  	[sflag:s8] =	ssyncadd.s32 $0xFFFFF000  }
0x3a9: {  	s15 =	sadd.s32 $0x1, s15  }
0x3aa: {  	p0 =	sne.s32 s15, s7  }
.Ltmp2:
0x3ab: {  	_ = 	snop;
	(pc) =	sbr.rel @p0 .LBB2_1-.Ltmp2, $1  }
0x3ac: {  	_ =	sdelay $0x3  }
0x3ad: {  	_ =	sfence.sel $0x180000  }
0x3ae: {  	[bflag:$0x0] =	sbarrier.arrive $0xFFFF  }
0x3af: {  	p0 =	sne.s32 s2, $0x0;
	_ =	strace $0x90000047  }
0x3b0: {  	s0 =	sadd.s32 @!p0 $0x100000, s0;
	[bflag:$0x2] =	sbarrier.arrive $0xFFFF  }
0x3b1: {  	[sflag:s0] =	ssyncadd.tile.s32 @!p0 $0x1;
	_ =	shalt  }
.Lfunc_end2:
_tile_overlayer_lowered:
.L_overlay_start_2:
0x3b2: {  	(tag) =	ssettag $0x2  }
0x3b3: {  	s0 =	rddreg [dreg:$0x0];
	s2 =	stileid.u32  }
0x3b4: {  	s1 =	rddreg [dreg:$0x1];
	p0 =	sne.s32 s2, $0x0  }
0x3b5: {  	s3 =	rddreg [dreg:$0x2];
	[bflag:$0x3] =	sbarrier.arrive $0xFFFF;
	s2 =	simm.s32 @!p0 $0x1C03  }
0x3b6: {  	[timem:s3], [sflag:s2] =	dma.local @!p0 [hbm:s0], s1  }
0x3b7: {  	s0 =	simm.s32 @!p0 $0x3  }
0x3b8: {  	_ =	swait.ge @!p0 [sflag:s0], s1  }
0x3b9: {  	s1 =	ssub.s32 @!p0 $0x0, s1;
	[sflag:s0] =	ssyncset.done @!p0 $0x0  }
0x3ba: {  	[sflag:s0] =	ssyncadd.s32 @!p0 s1  }
0x3bb: {  	[bflag:$0x3] =	sbarrier.arrive $0xFFFF  }
0x3bc: {  	_ =	shalt  }

</sc_bundles>
